<compile_context>
chip_gen: v7x
topology: tpu7x:2x2x1
jax: 0.10.2.dev20260603
libtpu: 0.0.44.dev20260713+nightly
codegen_flags: <defaults>
</compile_context>

<pallas_src>
import functools

import jax
import jax.numpy as jnp
from jax import lax
from jax.experimental import pallas as pl
from jax.experimental.pallas import tpu as pltpu
from jax.experimental.pallas import tpu_sc as plsc

D = 128
NC = 2
NS = 16
NW = NC * NS
CH = 128
RING = 2
ROWB = 1024


def _pads(n, e):
    rpt = (-(-n // NS) + 7) // 8 * 8
    npad = rpt * NS
    nch = -(-e // (NW * CH))
    nch = -(-nch // (2 * RING)) * (2 * RING)
    return rpt, npad, nch


def _make_seg_sum(n, e, with_cnt):
    rpt, npad, nch = _pads(n, e)
    nz = rpt // 16

    mesh = plsc.VectorSubcoreMesh(
        core_axis_name="c", subcore_axis_name="s",
        num_cores=NC, num_subcores=NS)

    IR = 2 * RING
    out_type = [jax.ShapeDtypeStruct((NC, npad, D), jnp.float32)]
    scratch = (
        [pltpu.VMEM((CH,), jnp.int32)] * (2 * IR)
        + [pltpu.VMEM((CH, D), jnp.float32)] * RING
        + [
            pltpu.VMEM((16, D), jnp.float32),
            pltpu.VMEM_SHARED((npad, D), jnp.float32),
        ]
        + [pltpu.SemaphoreType.DMA] * RING
        + [pltpu.SemaphoreType.DMA] * IR
        + [pltpu.SemaphoreType.DMA]
    )
    if with_cnt:
        out_type.append(jax.ShapeDtypeStruct((NW, npad), jnp.float32))
        scratch.append(pltpu.VMEM((npad,), jnp.float32))

    @functools.partial(
        pl.kernel, out_type=tuple(out_type), mesh=mesh,
        scratch_types=tuple(scratch),
        compiler_params=pltpu.CompilerParams(needs_layout_passes=False))
    def seg_sum(t_hbm, src_hbm, dst_hbm, out_hbm, *rest):
        if with_cnt:
            cnt_hbm, rest = rest[0], rest[1:]
            cnt_v = rest[-1]
            rest = rest[:-1]
        sbufs = rest[0:2 * IR:2]
        dbufs = rest[1:2 * IR:2]
        rbufs = rest[2 * IR:2 * IR + RING]
        zbuf, acc = rest[2 * IR + RING], rest[2 * IR + RING + 1]
        sems = rest[2 * IR + RING + 2:2 * IR + 2 * RING + 2]
        semi = rest[2 * IR + 2 * RING + 2:2 * IR + 2 * RING + 2 + IR]
        semz = rest[2 * IR + 2 * RING + 2 + IR]
        cid = lax.axis_index("c")
        sid = lax.axis_index("s")
        wid = cid * NS + sid

        zero16 = jnp.zeros((16,), jnp.float32)
        for r in range(16):
            for cc in range(D // 16):
                zbuf[r, pl.ds(cc * 16, 16)] = zero16

        ebase = wid * (nch * CH)

        zbase = sid * rpt
        zd = [pltpu.async_copy(zbuf, acc.at[pl.ds(zbase + k * 16, 16)], semz)
              for k in range(nz)]
        zrem = rpt - nz * 16
        if zrem:
            zd.append(pltpu.async_copy(
                zbuf.at[pl.ds(0, zrem)],
                acc.at[pl.ds(zbase + nz * 16, zrem)], semz))

        def idx_load(j, q):
            off = ebase + j * CH
            pltpu.async_copy(src_hbm.at[pl.ds(off, CH)], sbufs[q], semi[q])
            pltpu.async_copy(dst_hbm.at[pl.ds(off, CH)], dbufs[q], semi[q])

        def idx_wait(q):
            pltpu.make_async_copy(
                src_hbm.at[pl.ds(0, CH)], sbufs[q], semi[q]).wait()
            pltpu.make_async_copy(
                dst_hbm.at[pl.ds(0, CH)], dbufs[q], semi[q]).wait()

        def gather(q, b):
            idx_wait(q)
            pltpu.async_copy(t_hbm.at[sbufs[q]], rbufs[b], sems[b])

        def drain(b):
            pltpu.make_async_copy(
                t_hbm.at[pl.ds(0, CH)], rbufs[b], sems[b]).wait()

        for q in range(IR):
            idx_load(q, q)
        for b in range(RING):
            gather(b, b)

        if with_cnt:
            def czloop(j, carry):
                cnt_v[pl.ds(j * 16, 16)] = zero16
                return carry
            lax.fori_loop(0, npad // 16, czloop, 0)
            ones16 = jnp.ones((16,), jnp.float32)

        def consume(b, q):
            pltpu.sync_copy(rbufs[b], acc.at[dbufs[q]], add=True)
            if with_cnt:
                for k in range(CH // 16):
                    idx16 = dbufs[q][pl.ds(k * 16, 16)]
                    plsc.addupdate_scatter(cnt_v, [idx16], ones16)

        for d in zd:
            d.wait()
        plsc.subcore_barrier()

        def body(i, carry):
            for s in range(IR):
                b = s % RING
                drain(b)
                consume(b, s)
                idx_load(IR * i + s + IR, s)
                gather((s + RING) % IR, b)
            return carry

        lax.fori_loop(0, nch // IR - 1, body, 0)
        for s in range(IR):
            b = s % RING
            drain(b)
            consume(b, s)
            if s < IR - RING:
                gather((s + RING) % IR, b)

        plsc.subcore_barrier()
        pltpu.sync_copy(acc.at[pl.ds(zbase, rpt)],
                        out_hbm.at[cid, pl.ds(zbase, rpt)])
        if with_cnt:
            pltpu.sync_copy(cnt_v, cnt_hbm.at[wid])

    return seg_sum, npad


def _row_spec(w):
    return pl.BlockSpec((ROWB, w), lambda i: (i, 0))


def _full_spec(shape):
    return pl.BlockSpec(shape, lambda i: tuple(0 for _ in shape))


def _lin0_body(x_ref, w_ref, o_ref):
    o_ref[...] = jnp.dot(x_ref[...], w_ref[...],
                         preferred_element_type=jnp.float32)


def _sage_body(a0_ref, a1_ref, cnt_ref, t_ref, wl_ref, wr_ref, b_ref, o_ref):
    s = a0_ref[...] + a1_ref[...]
    cnt = jnp.maximum(jnp.sum(cnt_ref[...], axis=0), 1.0)[:, None]
    mean = s / cnt
    o_ref[...] = (jnp.dot(mean, wl_ref[...], preferred_element_type=jnp.float32)
                  + jnp.dot(t_ref[...], wr_ref[...],
                            preferred_element_type=jnp.float32)
                  + b_ref[...])


def _final_body(a0_ref, a1_ref, cnt_ref, t_ref, c_ref, i_ref, f_ref,
                wl_ref, wr_ref, b_ref, o_ref):
    s = a0_ref[...] + a1_ref[...]
    cnt = jnp.maximum(jnp.sum(cnt_ref[...], axis=0), 1.0)[:, None]
    mean = s / cnt
    t2 = (jnp.dot(mean, wl_ref[...], preferred_element_type=jnp.float32)
          + jnp.dot(t_ref[...], wr_ref[...],
                    preferred_element_type=jnp.float32)
          + b_ref[...])
    o_ref[...] = f_ref[...] * c_ref[...] + i_ref[...] * jnp.tanh(t2)


def kernel(x, edge_index, h, c, i, f, W_lin, b_node, Wl1, Wr1, b1, Wl2, Wr2, b2):
    n = x.shape[0]
    e = edge_index.shape[1]
    grid = (-(-n // ROWB),)

    rpt, npad, nch = _pads(n, e)
    e_pad = NW * nch * CH
    ar = jnp.arange(e_pad - e, dtype=jnp.int32)
    src3 = jnp.concatenate([edge_index[0], ar % jnp.int32(n)])
    dst3 = jnp.concatenate(
        [edge_index[1], jnp.int32(n) + ar % jnp.int32(npad - n)])

    seg_sum1, _ = _make_seg_sum(n, e, with_cnt=True)
    seg_sum2, _ = _make_seg_sum(n, e, with_cnt=False)

    t0 = pl.pallas_call(
        _lin0_body,
        grid=grid,
        in_specs=[_row_spec(D), _full_spec((D, D))],
        out_specs=_row_spec(D),
        out_shape=jax.ShapeDtypeStruct((n, D), jnp.float32),
    )(x, W_lin.T)

    agg1, cnt = seg_sum1(t0, src3, dst3)

    cnt_spec = pl.BlockSpec((NW, ROWB), lambda i: (0, i))

    t1 = pl.pallas_call(
        _sage_body,
        grid=grid,
        in_specs=[_row_spec(D), _row_spec(D), cnt_spec, _row_spec(D),
                  _full_spec((D, D)), _full_spec((D, D)), _full_spec((1, D))],
        out_specs=_row_spec(D),
        out_shape=jax.ShapeDtypeStruct((n, D), jnp.float32),
    )(agg1[0], agg1[1], cnt, t0, Wl1.T, Wr1.T, b1.reshape(1, D))

    (agg2,) = seg_sum2(t1, src3, dst3)

    out = pl.pallas_call(
        _final_body,
        grid=grid,
        in_specs=[_row_spec(D), _row_spec(D), cnt_spec, _row_spec(D),
                  _row_spec(D), _row_spec(D), _row_spec(D),
                  _full_spec((D, D)), _full_spec((D, D)), _full_spec((1, D))],
        out_specs=_row_spec(D),
        out_shape=jax.ShapeDtypeStruct((n, D), jnp.float32),
    )(agg2[0], agg2[1], cnt, t1, c, i, f,
      Wl2.T, Wr2.T, (b2 + b_node).reshape(1, D))

    return out

# --- scband reference (transcript-rebuilt; emitter-appended) ---
"""Pipeline reference for scband-cell-gate-77567109366012 (READ-ONLY COPY).

The authoritative reference and input builder live on the scoring server;
editing this copy changes nothing except your own understanding.
"""

import jax, jax.numpy as jnp
import numpy as np

N = 10000
E = 320000
D = 128


def setup_inputs(seed: int = 0) -> dict:
    key = jax.random.key(seed)
    ks = jax.random.split(key, 16)
    inp = {}
    inp["x"] = jax.random.normal(ks[0], (N, D), jnp.float32)
    inp["edge_index"] = jax.random.randint(ks[1], (2, E), 0, N, jnp.int32)
    inp["h"] = jax.random.normal(ks[2], (N, D), jnp.float32)
    inp["c"] = jax.random.normal(ks[3], (N, D), jnp.float32)
    inp["i"] = jax.random.uniform(ks[4], (N, D), jnp.float32)
    inp["f"] = jax.random.uniform(ks[5], (N, D), jnp.float32)
    # Learned parameters (single node type / single edge type)
    s = 1.0 / np.sqrt(D)
    inp["W_lin"] = jax.random.uniform(ks[6], (D, D), jnp.float32, -s, s)   # linears['node'], no bias
    inp["b_node"] = jax.random.uniform(ks[7], (D,), jnp.float32, 0.0, 1.0)  # biases['node']
    inp["Wl1"] = jax.random.uniform(ks[8], (D, D), jnp.float32, -s, s)   # SAGEConv layer 1 lin_l
    inp["Wr1"] = jax.random.uniform(ks[9], (D, D), jnp.float32, -s, s)   # SAGEConv layer 1 lin_r
    inp["b1"] = jnp.zeros((D,), jnp.float32)
    inp["Wl2"] = jax.random.uniform(ks[10], (D, D), jnp.float32, -s, s)  # SAGEConv layer 2 lin_l
    inp["Wr2"] = jax.random.uniform(ks[11], (D, D), jnp.float32, -s, s)  # SAGEConv layer 2 lin_r
    inp["b2"] = jnp.zeros((D,), jnp.float32)
    return inp


def _sage_conv(t, src, dst, Wl, Wr, b):
    # PyG SAGEConv with mean aggregation:
    # out = lin_l(mean_{j in N(i)} x_j) + lin_r(x_i) + bias
    msgs = t[src]  # gather source node features per edge
    agg = jax.ops.segment_sum(msgs, dst, num_segments=N)
    cnt = jax.ops.segment_sum(jnp.ones((src.shape[0],), t.dtype), dst, num_segments=N)
    mean = agg / jnp.maximum(cnt, 1.0)[:, None]
    return mean @ Wl.T + t @ Wr.T + b


def reference(x, edge_index, h, c, i, f, W_lin, b_node, Wl1, Wr1, b1, Wl2, Wr2, b2):
    src = edge_index[0]
    dst = edge_index[1]
    # t_dict = linears[node_type](x)
    t = x @ W_lin.T
    # two HeteroConv(SAGEConv) layers
    t = _sage_conv(t, src, dst, Wl1, Wr1, b1)
    t = _sage_conv(t, src, dst, Wl2, Wr2, b2)
    # t_dict = tanh(bias + t)
    t = jnp.tanh(b_node + t)
    # out = f * c + i * t   (h is an input but unused in the original forward)
    out = f * c + i * t
    return out

if __name__ == "__main__":
    import jax
    _d = setup_inputs()
    print(jax.jit(kernel)(*tuple(_d.values())))

</pallas_src>

<mosaic_0001>
#map = affine_map<(d0, d1) -> (0, 0)>
#map1 = affine_map<(d0, d1) -> (0)>
#map2 = affine_map<(d0, d1) -> (0, 0, 0)>
module attributes {stable_mosaic.version = 14 : i64} {
  func.func @seg_sum(%arg0: i32, %arg1: i32, %arg2: memref<10000x128xf32, #tpu.memory_space<hbm>>, %arg3: memref<327680xi32, #tpu.memory_space<hbm>>, %arg4: memref<327680xi32, #tpu.memory_space<hbm>>, %arg5: memref<2x10112x128xf32, #tpu.memory_space<hbm>>, %arg6: memref<32x10112xf32, #tpu.memory_space<hbm>>, %arg7: memref<128xi32, #tpu.memory_space<vmem>>, %arg8: memref<128xi32, #tpu.memory_space<vmem>>, %arg9: memref<128xi32, #tpu.memory_space<vmem>>, %arg10: memref<128xi32, #tpu.memory_space<vmem>>, %arg11: memref<128xi32, #tpu.memory_space<vmem>>, %arg12: memref<128xi32, #tpu.memory_space<vmem>>, %arg13: memref<128xi32, #tpu.memory_space<vmem>>, %arg14: memref<128xi32, #tpu.memory_space<vmem>>, %arg15: memref<128x128xf32, #tpu.memory_space<vmem>>, %arg16: memref<128x128xf32, #tpu.memory_space<vmem>>, %arg17: memref<16x128xf32, #tpu.memory_space<vmem>>, %arg18: memref<10112x128xf32, #tpu.memory_space<vmem_shared>>, %arg19: memref<!tpu.dma_semaphore, #tpu.memory_space<semaphore_mem>>, %arg20: memref<!tpu.dma_semaphore, #tpu.memory_space<semaphore_mem>>, %arg21: memref<!tpu.dma_semaphore, #tpu.memory_space<semaphore_mem>>, %arg22: memref<!tpu.dma_semaphore, #tpu.memory_space<semaphore_mem>>, %arg23: memref<!tpu.dma_semaphore, #tpu.memory_space<semaphore_mem>>, %arg24: memref<!tpu.dma_semaphore, #tpu.memory_space<semaphore_mem>>, %arg25: memref<!tpu.dma_semaphore, #tpu.memory_space<semaphore_mem>>, %arg26: memref<10112xf32, #tpu.memory_space<vmem>>) attributes {dimension_semantics = [#tpu.dimension_semantics<core_parallel>, #tpu.dimension_semantics<subcore_parallel>], iteration_bounds = array<i64: 2, 16>, scalar_prefetch = 0 : i64, scratch_operands = 20 : i64, tpu.core_type = #tpu.core_type<sc_vector_subcore>, window_params = [{transform_indices = #map}, {transform_indices = #map1}, {transform_indices = #map1}, {transform_indices = #map2}, {transform_indices = #map}]} {
    %mul3A = arith.constant 16 : i32
    %mul3A_0 = arith.muli %arg0, %mul3A : i32
    %add3A = arith.addi %mul3A_0, %arg1 : i32
    %broadcast_in_dim3A = arith.constant 0.000000e+00 : f32
    %broadcast_in_dim3A_1 = vector.broadcast %broadcast_in_dim3A : f32 to vector<16xf32>
    %swap3A = arith.constant 0 : i32
    %swap3A_2 = arith.index_cast %swap3A : i32 to index
    %swap3A_3 = arith.constant 0 : index
    %swap3A_4 = tpu.vector_load %arg17[%swap3A_2, %swap3A_3] {strides = array<i32>} : memref<16x128xf32, #tpu.memory_space<vmem>>, vector<16xf32>,
    tpu.vector_store %arg17[%swap3A_2, %swap3A_3], %broadcast_in_dim3A_1 {strides = array<i32>} : memref<16x128xf32, #tpu.memory_space<vmem>>, vector<16xf32>,
    %swap3A_5 = arith.constant 0 : i32
    %swap3A_6 = arith.index_cast %swap3A_5 : i32 to index
    %swap3A_7 = arith.constant 16 : index
    %swap3A_8 = tpu.vector_load %arg17[%swap3A_6, %swap3A_7] {strides = array<i32>} : memref<16x128xf32, #tpu.memory_space<vmem>>, vector<16xf32>,
    tpu.vector_store %arg17[%swap3A_6, %swap3A_7], %broadcast_in_dim3A_1 {strides = array<i32>} : memref<16x128xf32, #tpu.memory_space<vmem>>, vector<16xf32>,
    %swap3A_9 = arith.constant 0 : i32
    %swap3A_10 = arith.index_cast %swap3A_9 : i32 to index
    %swap3A_11 = arith.constant 32 : index
    %swap3A_12 = tpu.vector_load %arg17[%swap3A_10, %swap3A_11] {strides = array<i32>} : memref<16x128xf32, #tpu.memory_space<vmem>>, vector<16xf32>,
    tpu.vector_store %arg17[%swap3A_10, %swap3A_11], %broadcast_in_dim3A_1 {strides = array<i32>} : memref<16x128xf32, #tpu.memory_space<vmem>>, vector<16xf32>,
    %swap3A_13 = arith.constant 0 : i32
    %swap3A_14 = arith.index_cast %swap3A_13 : i32 to index
    %swap3A_15 = arith.constant 48 : index
    %swap3A_16 = tpu.vector_load %arg17[%swap3A_14, %swap3A_15] {strides = array<i32>} : memref<16x128xf32, #tpu.memory_space<vmem>>, vector<16xf32>,
    tpu.vector_store %arg17[%swap3A_14, %swap3A_15], %broadcast_in_dim3A_1 {strides = array<i32>} : memref<16x128xf32, #tpu.memory_space<vmem>>, vector<16xf32>,
    %swap3A_17 = arith.constant 0 : i32
    %swap3A_18 = arith.index_cast %swap3A_17 : i32 to index
    %swap3A_19 = arith.constant 64 : index
    %swap3A_20 = tpu.vector_load %arg17[%swap3A_18, %swap3A_19] {strides = array<i32>} : memref<16x128xf32, #tpu.memory_space<vmem>>, vector<16xf32>,
    tpu.vector_store %arg17[%swap3A_18, %swap3A_19], %broadcast_in_dim3A_1 {strides = array<i32>} : memref<16x128xf32, #tpu.memory_space<vmem>>, vector<16xf32>,
    %swap3A_21 = arith.constant 0 : i32
    %swap3A_22 = arith.index_cast %swap3A_21 : i32 to index
    %swap3A_23 = arith.constant 80 : index
    %swap3A_24 = tpu.vector_load %arg17[%swap3A_22, %swap3A_23] {strides = array<i32>} : memref<16x128xf32, #tpu.memory_space<vmem>>, vector<16xf32>,
    tpu.vector_store %arg17[%swap3A_22, %swap3A_23], %broadcast_in_dim3A_1 {strides = array<i32>} : memref<16x128xf32, #tpu.memory_space<vmem>>, vector<16xf32>,
    %swap3A_25 = arith.constant 0 : i32
    %swap3A_26 = arith.index_cast %swap3A_25 : i32 to index
    %swap3A_27 = arith.constant 96 : index
    %swap3A_28 = tpu.vector_load %arg17[%swap3A_26, %swap3A_27] {strides = array<i32>} : memref<16x128xf32, #tpu.memory_space<vmem>>, vector<16xf32>,
    tpu.vector_store %arg17[%swap3A_26, %swap3A_27], %broadcast_in_dim3A_1 {strides = array<i32>} : memref<16x128xf32, #tpu.memory_space<vmem>>, vector<16xf32>,
    %swap3A_29 = arith.constant 0 : i32
    %swap3A_30 = arith.index_cast %swap3A_29 : i32 to index
    %swap3A_31 = arith.constant 112 : index
    %swap3A_32 = tpu.vector_load %arg17[%swap3A_30, %swap3A_31] {strides = array<i32>} : memref<16x128xf32, #tpu.memory_space<vmem>>, vector<16xf32>,
    tpu.vector_store %arg17[%swap3A_30, %swap3A_31], %broadcast_in_dim3A_1 {strides = array<i32>} : memref<16x128xf32, #tpu.memory_space<vmem>>, vector<16xf32>,
    %swap3A_33 = arith.constant 1 : i32
    %swap3A_34 = arith.index_cast %swap3A_33 : i32 to index
    %swap3A_35 = arith.constant 0 : index
    %swap3A_36 = tpu.vector_load %arg17[%swap3A_34, %swap3A_35] {strides = array<i32>} : memref<16x128xf32, #tpu.memory_space<vmem>>, vector<16xf32>,
    tpu.vector_store %arg17[%swap3A_34, %swap3A_35], %broadcast_in_dim3A_1 {strides = array<i32>} : memref<16x128xf32, #tpu.memory_space<vmem>>, vector<16xf32>,
    %swap3A_37 = arith.constant 1 : i32
    %swap3A_38 = arith.index_cast %swap3A_37 : i32 to index
    %swap3A_39 = arith.constant 16 : index
    %swap3A_40 = tpu.vector_load %arg17[%swap3A_38, %swap3A_39] {strides = array<i32>} : memref<16x128xf32, #tpu.memory_space<vmem>>, vector<16xf32>,
    tpu.vector_store %arg17[%swap3A_38, %swap3A_39], %broadcast_in_dim3A_1 {strides = array<i32>} : memref<16x128xf32, #tpu.memory_space<vmem>>, vector<16xf32>,
    %swap3A_41 = arith.constant 1 : i32
    %swap3A_42 = arith.index_cast %swap3A_41 : i32 to index
    %swap3A_43 = arith.constant 32 : index
    %swap3A_44 = tpu.vector_load %arg17[%swap3A_42, %swap3A_43] {strides = array<i32>} : memref<16x128xf32, #tpu.memory_space<vmem>>, vector<16xf32>,
    tpu.vector_store %arg17[%swap3A_42, %swap3A_43], %broadcast_in_dim3A_1 {strides = array<i32>} : memref<16x128xf32, #tpu.memory_space<vmem>>, vector<16xf32>,
    %swap3A_45 = arith.constant 1 : i32
    %swap3A_46 = arith.index_cast %swap3A_45 : i32 to index
    %swap3A_47 = arith.constant 48 : index
    %swap3A_48 = tpu.vector_load %arg17[%swap3A_46, %swap3A_47] {strides = array<i32>} : memref<16x128xf32, #tpu.memory_space<vmem>>, vector<16xf32>,
    tpu.vector_store %arg17[%swap3A_46, %swap3A_47], %broadcast_in_dim3A_1 {strides = array<i32>} : memref<16x128xf32, #tpu.memory_space<vmem>>, vector<16xf32>,
    %swap3A_49 = arith.constant 1 : i32
    %swap3A_50 = arith.index_cast %swap3A_49 : i32 to index
    %swap3A_51 = arith.constant 64 : index
    %swap3A_52 = tpu.vector_load %arg17[%swap3A_50, %swap3A_51] {strides = array<i32>} : memref<16x128xf32, #tpu.memory_space<vmem>>, vector<16xf32>,
    tpu.vector_store %arg17[%swap3A_50, %swap3A_51], %broadcast_in_dim3A_1 {strides = array<i32>} : memref<16x128xf32, #tpu.memory_space<vmem>>, vector<16xf32>,
    %swap3A_53 = arith.constant 1 : i32
    %swap3A_54 = arith.index_cast %swap3A_53 : i32 to index
    %swap3A_55 = arith.constant 80 : index
    %swap3A_56 = tpu.vector_load %arg17[%swap3A_54, %swap3A_55] {strides = array<i32>} : memref<16x128xf32, #tpu.memory_space<vmem>>, vector<16xf32>,
    tpu.vector_store %arg17[%swap3A_54, %swap3A_55], %broadcast_in_dim3A_1 {strides = array<i32>} : memref<16x128xf32, #tpu.memory_space<vmem>>, vector<16xf32>,
    %swap3A_57 = arith.constant 1 : i32
    %swap3A_58 = arith.index_cast %swap3A_57 : i32 to index
    %swap3A_59 = arith.constant 96 : index
    %swap3A_60 = tpu.vector_load %arg17[%swap3A_58, %swap3A_59] {strides = array<i32>} : memref<16x128xf32, #tpu.memory_space<vmem>>, vector<16xf32>,
    tpu.vector_store %arg17[%swap3A_58, %swap3A_59], %broadcast_in_dim3A_1 {strides = array<i32>} : memref<16x128xf32, #tpu.memory_space<vmem>>, vector<16xf32>,
    %swap3A_61 = arith.constant 1 : i32
    %swap3A_62 = arith.index_cast %swap3A_61 : i32 to index
    %swap3A_63 = arith.constant 112 : index
    %swap3A_64 = tpu.vector_load %arg17[%swap3A_62, %swap3A_63] {strides = array<i32>} : memref<16x128xf32, #tpu.memory_space<vmem>>, vector<16xf32>,
    tpu.vector_store %arg17[%swap3A_62, %swap3A_63], %broadcast_in_dim3A_1 {strides = array<i32>} : memref<16x128xf32, #tpu.memory_space<vmem>>, vector<16xf32>,
    %swap3A_65 = arith.constant 2 : i32
    %swap3A_66 = arith.index_cast %swap3A_65 : i32 to index
    %swap3A_67 = arith.constant 0 : index
    %swap3A_68 = tpu.vector_load %arg17[%swap3A_66, %swap3A_67] {strides = array<i32>} : memref<16x128xf32, #tpu.memory_space<vmem>>, vector<16xf32>,
    tpu.vector_store %arg17[%swap3A_66, %swap3A_67], %broadcast_in_dim3A_1 {strides = array<i32>} : memref<16x128xf32, #tpu.memory_space<vmem>>, vector<16xf32>,
    %swap3A_69 = arith.constant 2 : i32
    %swap3A_70 = arith.index_cast %swap3A_69 : i32 to index
    %swap3A_71 = arith.constant 16 : index
    %swap3A_72 = tpu.vector_load %arg17[%swap3A_70, %swap3A_71] {strides = array<i32>} : memref<16x128xf32, #tpu.memory_space<vmem>>, vector<16xf32>,
    tpu.vector_store %arg17[%swap3A_70, %swap3A_71], %broadcast_in_dim3A_1 {strides = array<i32>} : memref<16x128xf32, #tpu.memory_space<vmem>>, vector<16xf32>,
    %swap3A_73 = arith.constant 2 : i32
    %swap3A_74 = arith.index_cast %swap3A_73 : i32 to index
    %swap3A_75 = arith.constant 32 : index
    %swap3A_76 = tpu.vector_load %arg17[%swap3A_74, %swap3A_75] {strides = array<i32>} : memref<16x128xf32, #tpu.memory_space<vmem>>, vector<16xf32>,
    tpu.vector_store %arg17[%swap3A_74, %swap3A_75], %broadcast_in_dim3A_1 {strides = array<i32>} : memref<16x128xf32, #tpu.memory_space<vmem>>, vector<16xf32>,
    %swap3A_77 = arith.constant 2 : i32
    %swap3A_78 = arith.index_cast %swap3A_77 : i32 to index
    %swap3A_79 = arith.constant 48 : index
    %swap3A_80 = tpu.vector_load %arg17[%swap3A_78, %swap3A_79] {strides = array<i32>} : memref<16x128xf32, #tpu.memory_space<vmem>>, vector<16xf32>,
    tpu.vector_store %arg17[%swap3A_78, %swap3A_79], %broadcast_in_dim3A_1 {strides = array<i32>} : memref<16x128xf32, #tpu.memory_space<vmem>>, vector<16xf32>,
    %swap3A_81 = arith.constant 2 : i32
    %swap3A_82 = arith.index_cast %swap3A_81 : i32 to index
    %swap3A_83 = arith.constant 64 : index
    %swap3A_84 = tpu.vector_load %arg17[%swap3A_82, %swap3A_83] {strides = array<i32>} : memref<16x128xf32, #tpu.memory_space<vmem>>, vector<16xf32>,
    tpu.vector_store %arg17[%swap3A_82, %swap3A_83], %broadcast_in_dim3A_1 {strides = array<i32>} : memref<16x128xf32, #tpu.memory_space<vmem>>, vector<16xf32>,
    %swap3A_85 = arith.constant 2 : i32
    %swap3A_86 = arith.index_cast %swap3A_85 : i32 to index
    %swap3A_87 = arith.constant 80 : index
    %swap3A_88 = tpu.vector_load %arg17[%swap3A_86, %swap3A_87] {strides = array<i32>} : memref<16x128xf32, #tpu.memory_space<vmem>>, vector<16xf32>,
    tpu.vector_store %arg17[%swap3A_86, %swap3A_87], %broadcast_in_dim3A_1 {strides = array<i32>} : memref<16x128xf32, #tpu.memory_space<vmem>>, vector<16xf32>,
    %swap3A_89 = arith.constant 2 : i32
    %swap3A_90 = arith.index_cast %swap3A_89 : i32 to index
    %swap3A_91 = arith.constant 96 : index
    %swap3A_92 = tpu.vector_load %arg17[%swap3A_90, %swap3A_91] {strides = array<i32>} : memref<16x128xf32, #tpu.memory_space<vmem>>, vector<16xf32>,
    tpu.vector_store %arg17[%swap3A_90, %swap3A_91], %broadcast_in_dim3A_1 {strides = array<i32>} : memref<16x128xf32, #tpu.memory_space<vmem>>, vector<16xf32>,
    %swap3A_93 = arith.constant 2 : i32
    %swap3A_94 = arith.index_cast %swap3A_93 : i32 to index
    %swap3A_95 = arith.constant 112 : index
    %swap3A_96 = tpu.vector_load %arg17[%swap3A_94, %swap3A_95] {strides = array<i32>} : memref<16x128xf32, #tpu.memory_space<vmem>>, vector<16xf32>,
    tpu.vector_store %arg17[%swap3A_94, %swap3A_95], %broadcast_in_dim3A_1 {strides = array<i32>} : memref<16x128xf32, #tpu.memory_space<vmem>>, vector<16xf32>,
    %swap3A_97 = arith.constant 3 : i32
    %swap3A_98 = arith.index_cast %swap3A_97 : i32 to index
    %swap3A_99 = arith.constant 0 : index
    %swap3A_100 = tpu.vector_load %arg17[%swap3A_98, %swap3A_99] {strides = array<i32>} : memref<16x128xf32, #tpu.memory_space<vmem>>, vector<16xf32>,
    tpu.vector_store %arg17[%swap3A_98, %swap3A_99], %broadcast_in_dim3A_1 {strides = array<i32>} : memref<16x128xf32, #tpu.memory_space<vmem>>, vector<16xf32>,
    %swap3A_101 = arith.constant 3 : i32
    %swap3A_102 = arith.index_cast %swap3A_101 : i32 to index
    %swap3A_103 = arith.constant 16 : index
    %swap3A_104 = tpu.vector_load %arg17[%swap3A_102, %swap3A_103] {strides = array<i32>} : memref<16x128xf32, #tpu.memory_space<vmem>>, vector<16xf32>,
    tpu.vector_store %arg17[%swap3A_102, %swap3A_103], %broadcast_in_dim3A_1 {strides = array<i32>} : memref<16x128xf32, #tpu.memory_space<vmem>>, vector<16xf32>,
    %swap3A_105 = arith.constant 3 : i32
    %swap3A_106 = arith.index_cast %swap3A_105 : i32 to index
    %swap3A_107 = arith.constant 32 : index
    %swap3A_108 = tpu.vector_load %arg17[%swap3A_106, %swap3A_107] {strides = array<i32>} : memref<16x128xf32, #tpu.memory_space<vmem>>, vector<16xf32>,
    tpu.vector_store %arg17[%swap3A_106, %swap3A_107], %broadcast_in_dim3A_1 {strides = array<i32>} : memref<16x128xf32, #tpu.memory_space<vmem>>, vector<16xf32>,
    %swap3A_109 = arith.constant 3 : i32
    %swap3A_110 = arith.index_cast %swap3A_109 : i32 to index
    %swap3A_111 = arith.constant 48 : index
    %swap3A_112 = tpu.vector_load %arg17[%swap3A_110, %swap3A_111] {strides = array<i32>} : memref<16x128xf32, #tpu.memory_space<vmem>>, vector<16xf32>,
    tpu.vector_store %arg17[%swap3A_110, %swap3A_111], %broadcast_in_dim3A_1 {strides = array<i32>} : memref<16x128xf32, #tpu.memory_space<vmem>>, vector<16xf32>,
    %swap3A_113 = arith.constant 3 : i32
    %swap3A_114 = arith.index_cast %swap3A_113 : i32 to index
    %swap3A_115 = arith.constant 64 : index
    %swap3A_116 = tpu.vector_load %arg17[%swap3A_114, %swap3A_115] {strides = array<i32>} : memref<16x128xf32, #tpu.memory_space<vmem>>, vector<16xf32>,
    tpu.vector_store %arg17[%swap3A_114, %swap3A_115], %broadcast_in_dim3A_1 {strides = array<i32>} : memref<16x128xf32, #tpu.memory_space<vmem>>, vector<16xf32>,
    %swap3A_117 = arith.constant 3 : i32
    %swap3A_118 = arith.index_cast %swap3A_117 : i32 to index
    %swap3A_119 = arith.constant 80 : index
    %swap3A_120 = tpu.vector_load %arg17[%swap3A_118, %swap3A_119] {strides = array<i32>} : memref<16x128xf32, #tpu.memory_space<vmem>>, vector<16xf32>,
    tpu.vector_store %arg17[%swap3A_118, %swap3A_119], %broadcast_in_dim3A_1 {strides = array<i32>} : memref<16x128xf32, #tpu.memory_space<vmem>>, vector<16xf32>,
    %swap3A_121 = arith.constant 3 : i32
    %swap3A_122 = arith.index_cast %swap3A_121 : i32 to index
    %swap3A_123 = arith.constant 96 : index
    %swap3A_124 = tpu.vector_load %arg17[%swap3A_122, %swap3A_123] {strides = array<i32>} : memref<16x128xf32, #tpu.memory_space<vmem>>, vector<16xf32>,
    tpu.vector_store %arg17[%swap3A_122, %swap3A_123], %broadcast_in_dim3A_1 {strides = array<i32>} : memref<16x128xf32, #tpu.memory_space<vmem>>, vector<16xf32>,
    %swap3A_125 = arith.constant 3 : i32
    %swap3A_126 = arith.index_cast %swap3A_125 : i32 to index
    %swap3A_127 = arith.constant 112 : index
    %swap3A_128 = tpu.vector_load %arg17[%swap3A_126, %swap3A_127] {strides = array<i32>} : memref<16x128xf32, #tpu.memory_space<vmem>>, vector<16xf32>,
    tpu.vector_store %arg17[%swap3A_126, %swap3A_127], %broadcast_in_dim3A_1 {strides = array<i32>} : memref<16x128xf32, #tpu.memory_space<vmem>>, vector<16xf32>,
    %swap3A_129 = arith.constant 4 : i32
    %swap3A_130 = arith.index_cast %swap3A_129 : i32 to index
    %swap3A_131 = arith.constant 0 : index
    %swap3A_132 = tpu.vector_load %arg17[%swap3A_130, %swap3A_131] {strides = array<i32>} : memref<16x128xf32, #tpu.memory_space<vmem>>, vector<16xf32>,
    tpu.vector_store %arg17[%swap3A_130, %swap3A_131], %broadcast_in_dim3A_1 {strides = array<i32>} : memref<16x128xf32, #tpu.memory_space<vmem>>, vector<16xf32>,
    %swap3A_133 = arith.constant 4 : i32
    %swap3A_134 = arith.index_cast %swap3A_133 : i32 to index
    %swap3A_135 = arith.constant 16 : index
    %swap3A_136 = tpu.vector_load %arg17[%swap3A_134, %swap3A_135] {strides = array<i32>} : memref<16x128xf32, #tpu.memory_space<vmem>>, vector<16xf32>,
    tpu.vector_store %arg17[%swap3A_134, %swap3A_135], %broadcast_in_dim3A_1 {strides = array<i32>} : memref<16x128xf32, #tpu.memory_space<vmem>>, vector<16xf32>,
    %swap3A_137 = arith.constant 4 : i32
    %swap3A_138 = arith.index_cast %swap3A_137 : i32 to index
    %swap3A_139 = arith.constant 32 : index
    %swap3A_140 = tpu.vector_load %arg17[%swap3A_138, %swap3A_139] {strides = array<i32>} : memref<16x128xf32, #tpu.memory_space<vmem>>, vector<16xf32>,
    tpu.vector_store %arg17[%swap3A_138, %swap3A_139], %broadcast_in_dim3A_1 {strides = array<i32>} : memref<16x128xf32, #tpu.memory_space<vmem>>, vector<16xf32>,
    %swap3A_141 = arith.constant 4 : i32
    %swap3A_142 = arith.index_cast %swap3A_141 : i32 to index
    %swap3A_143 = arith.constant 48 : index
    %swap3A_144 = tpu.vector_load %arg17[%swap3A_142, %swap3A_143] {strides = array<i32>} : memref<16x128xf32, #tpu.memory_space<vmem>>, vector<16xf32>,
    tpu.vector_store %arg17[%swap3A_142, %swap3A_143], %broadcast_in_dim3A_1 {strides = array<i32>} : memref<16x128xf32, #tpu.memory_space<vmem>>, vector<16xf32>,
    %swap3A_145 = arith.constant 4 : i32
    %swap3A_146 = arith.index_cast %swap3A_145 : i32 to index
    %swap3A_147 = arith.constant 64 : index
    %swap3A_148 = tpu.vector_load %arg17[%swap3A_146, %swap3A_147] {strides = array<i32>} : memref<16x128xf32, #tpu.memory_space<vmem>>, vector<16xf32>,
    tpu.vector_store %arg17[%swap3A_146, %swap3A_147], %broadcast_in_dim3A_1 {strides = array<i32>} : memref<16x128xf32, #tpu.memory_space<vmem>>, vector<16xf32>,
    %swap3A_149 = arith.constant 4 : i32
    %swap3A_150 = arith.index_cast %swap3A_149 : i32 to index
    %swap3A_151 = arith.constant 80 : index
    %swap3A_152 = tpu.vector_load %arg17[%swap3A_150, %swap3A_151] {strides = array<i32>} : memref<16x128xf32, #tpu.memory_space<vmem>>, vector<16xf32>,
    tpu.vector_store %arg17[%swap3A_150, %swap3A_151], %broadcast_in_dim3A_1 {strides = array<i32>} : memref<16x128xf32, #tpu.memory_space<vmem>>, vector<16xf32>,
    %swap3A_153 = arith.constant 4 : i32
    %swap3A_154 = arith.index_cast %swap3A_153 : i32 to index
    %swap3A_155 = arith.constant 96 : index
    %swap3A_156 = tpu.vector_load %arg17[%swap3A_154, %swap3A_155] {strides = array<i32>} : memref<16x128xf32, #tpu.memory_space<vmem>>, vector<16xf32>,
    tpu.vector_store %arg17[%swap3A_154, %swap3A_155], %broadcast_in_dim3A_1 {strides = array<i32>} : memref<16x128xf32, #tpu.memory_space<vmem>>, vector<16xf32>,
    %swap3A_157 = arith.constant 4 : i32
    %swap3A_158 = arith.index_cast %swap3A_157 : i32 to index
    %swap3A_159 = arith.constant 112 : index
    %swap3A_160 = tpu.vector_load %arg17[%swap3A_158, %swap3A_159] {strides = array<i32>} : memref<16x128xf32, #tpu.memory_space<vmem>>, vector<16xf32>,
    tpu.vector_store %arg17[%swap3A_158, %swap3A_159], %broadcast_in_dim3A_1 {strides = array<i32>} : memref<16x128xf32, #tpu.memory_space<vmem>>, vector<16xf32>,
    %swap3A_161 = arith.constant 5 : i32
    %swap3A_162 = arith.index_cast %swap3A_161 : i32 to index
    %swap3A_163 = arith.constant 0 : index
    %swap3A_164 = tpu.vector_load %arg17[%swap3A_162, %swap3A_163] {strides = array<i32>} : memref<16x128xf32, #tpu.memory_space<vmem>>, vector<16xf32>,
    tpu.vector_store %arg17[%swap3A_162, %swap3A_163], %broadcast_in_dim3A_1 {strides = array<i32>} : memref<16x128xf32, #tpu.memory_space<vmem>>, vector<16xf32>,
    %swap3A_165 = arith.constant 5 : i32
    %swap3A_166 = arith.index_cast %swap3A_165 : i32 to index
    %swap3A_167 = arith.constant 16 : index
    %swap3A_168 = tpu.vector_load %arg17[%swap3A_166, %swap3A_167] {strides = array<i32>} : memref<16x128xf32, #tpu.memory_space<vmem>>, vector<16xf32>,
    tpu.vector_store %arg17[%swap3A_166, %swap3A_167], %broadcast_in_dim3A_1 {strides = array<i32>} : memref<16x128xf32, #tpu.memory_space<vmem>>, vector<16xf32>,
    %swap3A_169 = arith.constant 5 : i32
    %swap3A_170 = arith.index_cast %swap3A_169 : i32 to index
    %swap3A_171 = arith.constant 32 : index
    %swap3A_172 = tpu.vector_load %arg17[%swap3A_170, %swap3A_171] {strides = array<i32>} : memref<16x128xf32, #tpu.memory_space<vmem>>, vector<16xf32>,
    tpu.vector_store %arg17[%swap3A_170, %swap3A_171], %broadcast_in_dim3A_1 {strides = array<i32>} : memref<16x128xf32, #tpu.memory_space<vmem>>, vector<16xf32>,
    %swap3A_173 = arith.constant 5 : i32
    %swap3A_174 = arith.index_cast %swap3A_173 : i32 to index
    %swap3A_175 = arith.constant 48 : index
    %swap3A_176 = tpu.vector_load %arg17[%swap3A_174, %swap3A_175] {strides = array<i32>} : memref<16x128xf32, #tpu.memory_space<vmem>>, vector<16xf32>,
    tpu.vector_store %arg17[%swap3A_174, %swap3A_175], %broadcast_in_dim3A_1 {strides = array<i32>} : memref<16x128xf32, #tpu.memory_space<vmem>>, vector<16xf32>,
    %swap3A_177 = arith.constant 5 : i32
    %swap3A_178 = arith.index_cast %swap3A_177 : i32 to index
    %swap3A_179 = arith.constant 64 : index
    %swap3A_180 = tpu.vector_load %arg17[%swap3A_178, %swap3A_179] {strides = array<i32>} : memref<16x128xf32, #tpu.memory_space<vmem>>, vector<16xf32>,
    tpu.vector_store %arg17[%swap3A_178, %swap3A_179], %broadcast_in_dim3A_1 {strides = array<i32>} : memref<16x128xf32, #tpu.memory_space<vmem>>, vector<16xf32>,
    %swap3A_181 = arith.constant 5 : i32
    %swap3A_182 = arith.index_cast %swap3A_181 : i32 to index
    %swap3A_183 = arith.constant 80 : index
    %swap3A_184 = tpu.vector_load %arg17[%swap3A_182, %swap3A_183] {strides = array<i32>} : memref<16x128xf32, #tpu.memory_space<vmem>>, vector<16xf32>,
    tpu.vector_store %arg17[%swap3A_182, %swap3A_183], %broadcast_in_dim3A_1 {strides = array<i32>} : memref<16x128xf32, #tpu.memory_space<vmem>>, vector<16xf32>,
    %swap3A_185 = arith.constant 5 : i32
    %swap3A_186 = arith.index_cast %swap3A_185 : i32 to index
    %swap3A_187 = arith.constant 96 : index
    %swap3A_188 = tpu.vector_load %arg17[%swap3A_186, %swap3A_187] {strides = array<i32>} : memref<16x128xf32, #tpu.memory_space<vmem>>, vector<16xf32>,
    tpu.vector_store %arg17[%swap3A_186, %swap3A_187], %broadcast_in_dim3A_1 {strides = array<i32>} : memref<16x128xf32, #tpu.memory_space<vmem>>, vector<16xf32>,
    %swap3A_189 = arith.constant 5 : i32
    %swap3A_190 = arith.index_cast %swap3A_189 : i32 to index
    %swap3A_191 = arith.constant 112 : index
    %swap3A_192 = tpu.vector_load %arg17[%swap3A_190, %swap3A_191] {strides = array<i32>} : memref<16x128xf32, #tpu.memory_space<vmem>>, vector<16xf32>,
    tpu.vector_store %arg17[%swap3A_190, %swap3A_191], %broadcast_in_dim3A_1 {strides = array<i32>} : memref<16x128xf32, #tpu.memory_space<vmem>>, vector<16xf32>,
    %swap3A_193 = arith.constant 6 : i32
    %swap3A_194 = arith.index_cast %swap3A_193 : i32 to index
    %swap3A_195 = arith.constant 0 : index
    %swap3A_196 = tpu.vector_load %arg17[%swap3A_194, %swap3A_195] {strides = array<i32>} : memref<16x128xf32, #tpu.memory_space<vmem>>, vector<16xf32>,
    tpu.vector_store %arg17[%swap3A_194, %swap3A_195], %broadcast_in_dim3A_1 {strides = array<i32>} : memref<16x128xf32, #tpu.memory_space<vmem>>, vector<16xf32>,
    %swap3A_197 = arith.constant 6 : i32
    %swap3A_198 = arith.index_cast %swap3A_197 : i32 to index
    %swap3A_199 = arith.constant 16 : index
    %swap3A_200 = tpu.vector_load %arg17[%swap3A_198, %swap3A_199] {strides = array<i32>} : memref<16x128xf32, #tpu.memory_space<vmem>>, vector<16xf32>,
    tpu.vector_store %arg17[%swap3A_198, %swap3A_199], %broadcast_in_dim3A_1 {strides = array<i32>} : memref<16x128xf32, #tpu.memory_space<vmem>>, vector<16xf32>,
    %swap3A_201 = arith.constant 6 : i32
    %swap3A_202 = arith.index_cast %swap3A_201 : i32 to index
    %swap3A_203 = arith.constant 32 : index
    %swap3A_204 = tpu.vector_load %arg17[%swap3A_202, %swap3A_203] {strides = array<i32>} : memref<16x128xf32, #tpu.memory_space<vmem>>, vector<16xf32>,
    tpu.vector_store %arg17[%swap3A_202, %swap3A_203], %broadcast_in_dim3A_1 {strides = array<i32>} : memref<16x128xf32, #tpu.memory_space<vmem>>, vector<16xf32>,
    %swap3A_205 = arith.constant 6 : i32
    %swap3A_206 = arith.index_cast %swap3A_205 : i32 to index
    %swap3A_207 = arith.constant 48 : index
    %swap3A_208 = tpu.vector_load %arg17[%swap3A_206, %swap3A_207] {strides = array<i32>} : memref<16x128xf32, #tpu.memory_space<vmem>>, vector<16xf32>,
    tpu.vector_store %arg17[%swap3A_206, %swap3A_207], %broadcast_in_dim3A_1 {strides = array<i32>} : memref<16x128xf32, #tpu.memory_space<vmem>>, vector<16xf32>,
    %swap3A_209 = arith.constant 6 : i32
    %swap3A_210 = arith.index_cast %swap3A_209 : i32 to index
    %swap3A_211 = arith.constant 64 : index
    %swap3A_212 = tpu.vector_load %arg17[%swap3A_210, %swap3A_211] {strides = array<i32>} : memref<16x128xf32, #tpu.memory_space<vmem>>, vector<16xf32>,
    tpu.vector_store %arg17[%swap3A_210, %swap3A_211], %broadcast_in_dim3A_1 {strides = array<i32>} : memref<16x128xf32, #tpu.memory_space<vmem>>, vector<16xf32>,
    %swap3A_213 = arith.constant 6 : i32
    %swap3A_214 = arith.index_cast %swap3A_213 : i32 to index
    %swap3A_215 = arith.constant 80 : index
    %swap3A_216 = tpu.vector_load %arg17[%swap3A_214, %swap3A_215] {strides = array<i32>} : memref<16x128xf32, #tpu.memory_space<vmem>>, vector<16xf32>,
    tpu.vector_store %arg17[%swap3A_214, %swap3A_215], %broadcast_in_dim3A_1 {strides = array<i32>} : memref<16x128xf32, #tpu.memory_space<vmem>>, vector<16xf32>,
    %swap3A_217 = arith.constant 6 : i32
    %swap3A_218 = arith.index_cast %swap3A_217 : i32 to index
    %swap3A_219 = arith.constant 96 : index
    %swap3A_220 = tpu.vector_load %arg17[%swap3A_218, %swap3A_219] {strides = array<i32>} : memref<16x128xf32, #tpu.memory_space<vmem>>, vector<16xf32>,
    tpu.vector_store %arg17[%swap3A_218, %swap3A_219], %broadcast_in_dim3A_1 {strides = array<i32>} : memref<16x128xf32, #tpu.memory_space<vmem>>, vector<16xf32>,
    %swap3A_221 = arith.constant 6 : i32
    %swap3A_222 = arith.index_cast %swap3A_221 : i32 to index
    %swap3A_223 = arith.constant 112 : index
    %swap3A_224 = tpu.vector_load %arg17[%swap3A_222, %swap3A_223] {strides = array<i32>} : memref<16x128xf32, #tpu.memory_space<vmem>>, vector<16xf32>,
    tpu.vector_store %arg17[%swap3A_222, %swap3A_223], %broadcast_in_dim3A_1 {strides = array<i32>} : memref<16x128xf32, #tpu.memory_space<vmem>>, vector<16xf32>,
    %swap3A_225 = arith.constant 7 : i32
    %swap3A_226 = arith.index_cast %swap3A_225 : i32 to index
    %swap3A_227 = arith.constant 0 : index
    %swap3A_228 = tpu.vector_load %arg17[%swap3A_226, %swap3A_227] {strides = array<i32>} : memref<16x128xf32, #tpu.memory_space<vmem>>, vector<16xf32>,
    tpu.vector_store %arg17[%swap3A_226, %swap3A_227], %broadcast_in_dim3A_1 {strides = array<i32>} : memref<16x128xf32, #tpu.memory_space<vmem>>, vector<16xf32>,
    %swap3A_229 = arith.constant 7 : i32
    %swap3A_230 = arith.index_cast %swap3A_229 : i32 to index
    %swap3A_231 = arith.constant 16 : index
    %swap3A_232 = tpu.vector_load %arg17[%swap3A_230, %swap3A_231] {strides = array<i32>} : memref<16x128xf32, #tpu.memory_space<vmem>>, vector<16xf32>,
    tpu.vector_store %arg17[%swap3A_230, %swap3A_231], %broadcast_in_dim3A_1 {strides = array<i32>} : memref<16x128xf32, #tpu.memory_space<vmem>>, vector<16xf32>,
    %swap3A_233 = arith.constant 7 : i32
    %swap3A_234 = arith.index_cast %swap3A_233 : i32 to index
    %swap3A_235 = arith.constant 32 : index
    %swap3A_236 = tpu.vector_load %arg17[%swap3A_234, %swap3A_235] {strides = array<i32>} : memref<16x128xf32, #tpu.memory_space<vmem>>, vector<16xf32>,
    tpu.vector_store %arg17[%swap3A_234, %swap3A_235], %broadcast_in_dim3A_1 {strides = array<i32>} : memref<16x128xf32, #tpu.memory_space<vmem>>, vector<16xf32>,
    %swap3A_237 = arith.constant 7 : i32
    %swap3A_238 = arith.index_cast %swap3A_237 : i32 to index
    %swap3A_239 = arith.constant 48 : index
    %swap3A_240 = tpu.vector_load %arg17[%swap3A_238, %swap3A_239] {strides = array<i32>} : memref<16x128xf32, #tpu.memory_space<vmem>>, vector<16xf32>,
    tpu.vector_store %arg17[%swap3A_238, %swap3A_239], %broadcast_in_dim3A_1 {strides = array<i32>} : memref<16x128xf32, #tpu.memory_space<vmem>>, vector<16xf32>,
    %swap3A_241 = arith.constant 7 : i32
    %swap3A_242 = arith.index_cast %swap3A_241 : i32 to index
    %swap3A_243 = arith.constant 64 : index
    %swap3A_244 = tpu.vector_load %arg17[%swap3A_242, %swap3A_243] {strides = array<i32>} : memref<16x128xf32, #tpu.memory_space<vmem>>, vector<16xf32>,
    tpu.vector_store %arg17[%swap3A_242, %swap3A_243], %broadcast_in_dim3A_1 {strides = array<i32>} : memref<16x128xf32, #tpu.memory_space<vmem>>, vector<16xf32>,
    %swap3A_245 = arith.constant 7 : i32
    %swap3A_246 = arith.index_cast %swap3A_245 : i32 to index
    %swap3A_247 = arith.constant 80 : index
    %swap3A_248 = tpu.vector_load %arg17[%swap3A_246, %swap3A_247] {strides = array<i32>} : memref<16x128xf32, #tpu.memory_space<vmem>>, vector<16xf32>,
    tpu.vector_store %arg17[%swap3A_246, %swap3A_247], %broadcast_in_dim3A_1 {strides = array<i32>} : memref<16x128xf32, #tpu.memory_space<vmem>>, vector<16xf32>,
    %swap3A_249 = arith.constant 7 : i32
    %swap3A_250 = arith.index_cast %swap3A_249 : i32 to index
    %swap3A_251 = arith.constant 96 : index
    %swap3A_252 = tpu.vector_load %arg17[%swap3A_250, %swap3A_251] {strides = array<i32>} : memref<16x128xf32, #tpu.memory_space<vmem>>, vector<16xf32>,
    tpu.vector_store %arg17[%swap3A_250, %swap3A_251], %broadcast_in_dim3A_1 {strides = array<i32>} : memref<16x128xf32, #tpu.memory_space<vmem>>, vector<16xf32>,
    %swap3A_253 = arith.constant 7 : i32
    %swap3A_254 = arith.index_cast %swap3A_253 : i32 to index
    %swap3A_255 = arith.constant 112 : index
    %swap3A_256 = tpu.vector_load %arg17[%swap3A_254, %swap3A_255] {strides = array<i32>} : memref<16x128xf32, #tpu.memory_space<vmem>>, vector<16xf32>,
    tpu.vector_store %arg17[%swap3A_254, %swap3A_255], %broadcast_in_dim3A_1 {strides = array<i32>} : memref<16x128xf32, #tpu.memory_space<vmem>>, vector<16xf32>,
    %swap3A_257 = arith.constant 8 : i32
    %swap3A_258 = arith.index_cast %swap3A_257 : i32 to index
    %swap3A_259 = arith.constant 0 : index
    %swap3A_260 = tpu.vector_load %arg17[%swap3A_258, %swap3A_259] {strides = array<i32>} : memref<16x128xf32, #tpu.memory_space<vmem>>, vector<16xf32>,
    tpu.vector_store %arg17[%swap3A_258, %swap3A_259], %broadcast_in_dim3A_1 {strides = array<i32>} : memref<16x128xf32, #tpu.memory_space<vmem>>, vector<16xf32>,
    %swap3A_261 = arith.constant 8 : i32
    %swap3A_262 = arith.index_cast %swap3A_261 : i32 to index
    %swap3A_263 = arith.constant 16 : index
    %swap3A_264 = tpu.vector_load %arg17[%swap3A_262, %swap3A_263] {strides = array<i32>} : memref<16x128xf32, #tpu.memory_space<vmem>>, vector<16xf32>,
    tpu.vector_store %arg17[%swap3A_262, %swap3A_263], %broadcast_in_dim3A_1 {strides = array<i32>} : memref<16x128xf32, #tpu.memory_space<vmem>>, vector<16xf32>,
    %swap3A_265 = arith.constant 8 : i32
    %swap3A_266 = arith.index_cast %swap3A_265 : i32 to index
    %swap3A_267 = arith.constant 32 : index
    %swap3A_268 = tpu.vector_load %arg17[%swap3A_266, %swap3A_267] {strides = array<i32>} : memref<16x128xf32, #tpu.memory_space<vmem>>, vector<16xf32>,
    tpu.vector_store %arg17[%swap3A_266, %swap3A_267], %broadcast_in_dim3A_1 {strides = array<i32>} : memref<16x128xf32, #tpu.memory_space<vmem>>, vector<16xf32>,
    %swap3A_269 = arith.constant 8 : i32
    %swap3A_270 = arith.index_cast %swap3A_269 : i32 to index
    %swap3A_271 = arith.constant 48 : index
    %swap3A_272 = tpu.vector_load %arg17[%swap3A_270, %swap3A_271] {strides = array<i32>} : memref<16x128xf32, #tpu.memory_space<vmem>>, vector<16xf32>,
    tpu.vector_store %arg17[%swap3A_270, %swap3A_271], %broadcast_in_dim3A_1 {strides = array<i32>} : memref<16x128xf32, #tpu.memory_space<vmem>>, vector<16xf32>,
    %swap3A_273 = arith.constant 8 : i32
    %swap3A_274 = arith.index_cast %swap3A_273 : i32 to index
    %swap3A_275 = arith.constant 64 : index
    %swap3A_276 = tpu.vector_load %arg17[%swap3A_274, %swap3A_275] {strides = array<i32>} : memref<16x128xf32, #tpu.memory_space<vmem>>, vector<16xf32>,
    tpu.vector_store %arg17[%swap3A_274, %swap3A_275], %broadcast_in_dim3A_1 {strides = array<i32>} : memref<16x128xf32, #tpu.memory_space<vmem>>, vector<16xf32>,
    %swap3A_277 = arith.constant 8 : i32
    %swap3A_278 = arith.index_cast %swap3A_277 : i32 to index
    %swap3A_279 = arith.constant 80 : index
    %swap3A_280 = tpu.vector_load %arg17[%swap3A_278, %swap3A_279] {strides = array<i32>} : memref<16x128xf32, #tpu.memory_space<vmem>>, vector<16xf32>,
    tpu.vector_store %arg17[%swap3A_278, %swap3A_279], %broadcast_in_dim3A_1 {strides = array<i32>} : memref<16x128xf32, #tpu.memory_space<vmem>>, vector<16xf32>,
    %swap3A_281 = arith.constant 8 : i32
    %swap3A_282 = arith.index_cast %swap3A_281 : i32 to index
    %swap3A_283 = arith.constant 96 : index
    %swap3A_284 = tpu.vector_load %arg17[%swap3A_282, %swap3A_283] {strides = array<i32>} : memref<16x128xf32, #tpu.memory_space<vmem>>, vector<16xf32>,
    tpu.vector_store %arg17[%swap3A_282, %swap3A_283], %broadcast_in_dim3A_1 {strides = array<i32>} : memref<16x128xf32, #tpu.memory_space<vmem>>, vector<16xf32>,
    %swap3A_285 = arith.constant 8 : i32
    %swap3A_286 = arith.index_cast %swap3A_285 : i32 to index
    %swap3A_287 = arith.constant 112 : index
    %swap3A_288 = tpu.vector_load %arg17[%swap3A_286, %swap3A_287] {strides = array<i32>} : memref<16x128xf32, #tpu.memory_space<vmem>>, vector<16xf32>,
    tpu.vector_store %arg17[%swap3A_286, %swap3A_287], %broadcast_in_dim3A_1 {strides = array<i32>} : memref<16x128xf32, #tpu.memory_space<vmem>>, vector<16xf32>,
    %swap3A_289 = arith.constant 9 : i32
    %swap3A_290 = arith.index_cast %swap3A_289 : i32 to index
    %swap3A_291 = arith.constant 0 : index
    %swap3A_292 = tpu.vector_load %arg17[%swap3A_290, %swap3A_291] {strides = array<i32>} : memref<16x128xf32, #tpu.memory_space<vmem>>, vector<16xf32>,
    tpu.vector_store %arg17[%swap3A_290, %swap3A_291], %broadcast_in_dim3A_1 {strides = array<i32>} : memref<16x128xf32, #tpu.memory_space<vmem>>, vector<16xf32>,
    %swap3A_293 = arith.constant 9 : i32
    %swap3A_294 = arith.index_cast %swap3A_293 : i32 to index
    %swap3A_295 = arith.constant 16 : index
    %swap3A_296 = tpu.vector_load %arg17[%swap3A_294, %swap3A_295] {strides = array<i32>} : memref<16x128xf32, #tpu.memory_space<vmem>>, vector<16xf32>,
    tpu.vector_store %arg17[%swap3A_294, %swap3A_295], %broadcast_in_dim3A_1 {strides = array<i32>} : memref<16x128xf32, #tpu.memory_space<vmem>>, vector<16xf32>,
    %swap3A_297 = arith.constant 9 : i32
    %swap3A_298 = arith.index_cast %swap3A_297 : i32 to index
    %swap3A_299 = arith.constant 32 : index
    %swap3A_300 = tpu.vector_load %arg17[%swap3A_298, %swap3A_299] {strides = array<i32>} : memref<16x128xf32, #tpu.memory_space<vmem>>, vector<16xf32>,
    tpu.vector_store %arg17[%swap3A_298, %swap3A_299], %broadcast_in_dim3A_1 {strides = array<i32>} : memref<16x128xf32, #tpu.memory_space<vmem>>, vector<16xf32>,
    %swap3A_301 = arith.constant 9 : i32
    %swap3A_302 = arith.index_cast %swap3A_301 : i32 to index
    %swap3A_303 = arith.constant 48 : index
    %swap3A_304 = tpu.vector_load %arg17[%swap3A_302, %swap3A_303] {strides = array<i32>} : memref<16x128xf32, #tpu.memory_space<vmem>>, vector<16xf32>,
    tpu.vector_store %arg17[%swap3A_302, %swap3A_303], %broadcast_in_dim3A_1 {strides = array<i32>} : memref<16x128xf32, #tpu.memory_space<vmem>>, vector<16xf32>,
    %swap3A_305 = arith.constant 9 : i32
    %swap3A_306 = arith.index_cast %swap3A_305 : i32 to index
    %swap3A_307 = arith.constant 64 : index
    %swap3A_308 = tpu.vector_load %arg17[%swap3A_306, %swap3A_307] {strides = array<i32>} : memref<16x128xf32, #tpu.memory_space<vmem>>, vector<16xf32>,
    tpu.vector_store %arg17[%swap3A_306, %swap3A_307], %broadcast_in_dim3A_1 {strides = array<i32>} : memref<16x128xf32, #tpu.memory_space<vmem>>, vector<16xf32>,
    %swap3A_309 = arith.constant 9 : i32
    %swap3A_310 = arith.index_cast %swap3A_309 : i32 to index
    %swap3A_311 = arith.constant 80 : index
    %swap3A_312 = tpu.vector_load %arg17[%swap3A_310, %swap3A_311] {strides = array<i32>} : memref<16x128xf32, #tpu.memory_space<vmem>>, vector<16xf32>,
    tpu.vector_store %arg17[%swap3A_310, %swap3A_311], %broadcast_in_dim3A_1 {strides = array<i32>} : memref<16x128xf32, #tpu.memory_space<vmem>>, vector<16xf32>,
    %swap3A_313 = arith.constant 9 : i32
    %swap3A_314 = arith.index_cast %swap3A_313 : i32 to index
    %swap3A_315 = arith.constant 96 : index
    %swap3A_316 = tpu.vector_load %arg17[%swap3A_314, %swap3A_315] {strides = array<i32>} : memref<16x128xf32, #tpu.memory_space<vmem>>, vector<16xf32>,
    tpu.vector_store %arg17[%swap3A_314, %swap3A_315], %broadcast_in_dim3A_1 {strides = array<i32>} : memref<16x128xf32, #tpu.memory_space<vmem>>, vector<16xf32>,
    %swap3A_317 = arith.constant 9 : i32
    %swap3A_318 = arith.index_cast %swap3A_317 : i32 to index
    %swap3A_319 = arith.constant 112 : index
    %swap3A_320 = tpu.vector_load %arg17[%swap3A_318, %swap3A_319] {strides = array<i32>} : memref<16x128xf32, #tpu.memory_space<vmem>>, vector<16xf32>,
    tpu.vector_store %arg17[%swap3A_318, %swap3A_319], %broadcast_in_dim3A_1 {strides = array<i32>} : memref<16x128xf32, #tpu.memory_space<vmem>>, vector<16xf32>,
    %swap3A_321 = arith.constant 10 : i32
    %swap3A_322 = arith.index_cast %swap3A_321 : i32 to index
    %swap3A_323 = arith.constant 0 : index
    %swap3A_324 = tpu.vector_load %arg17[%swap3A_322, %swap3A_323] {strides = array<i32>} : memref<16x128xf32, #tpu.memory_space<vmem>>, vector<16xf32>,
    tpu.vector_store %arg17[%swap3A_322, %swap3A_323], %broadcast_in_dim3A_1 {strides = array<i32>} : memref<16x128xf32, #tpu.memory_space<vmem>>, vector<16xf32>,
    %swap3A_325 = arith.constant 10 : i32
    %swap3A_326 = arith.index_cast %swap3A_325 : i32 to index
    %swap3A_327 = arith.constant 16 : index
    %swap3A_328 = tpu.vector_load %arg17[%swap3A_326, %swap3A_327] {strides = array<i32>} : memref<16x128xf32, #tpu.memory_space<vmem>>, vector<16xf32>,
    tpu.vector_store %arg17[%swap3A_326, %swap3A_327], %broadcast_in_dim3A_1 {strides = array<i32>} : memref<16x128xf32, #tpu.memory_space<vmem>>, vector<16xf32>,
    %swap3A_329 = arith.constant 10 : i32
    %swap3A_330 = arith.index_cast %swap3A_329 : i32 to index
    %swap3A_331 = arith.constant 32 : index
    %swap3A_332 = tpu.vector_load %arg17[%swap3A_330, %swap3A_331] {strides = array<i32>} : memref<16x128xf32, #tpu.memory_space<vmem>>, vector<16xf32>,
    tpu.vector_store %arg17[%swap3A_330, %swap3A_331], %broadcast_in_dim3A_1 {strides = array<i32>} : memref<16x128xf32, #tpu.memory_space<vmem>>, vector<16xf32>,
    %swap3A_333 = arith.constant 10 : i32
    %swap3A_334 = arith.index_cast %swap3A_333 : i32 to index
    %swap3A_335 = arith.constant 48 : index
    %swap3A_336 = tpu.vector_load %arg17[%swap3A_334, %swap3A_335] {strides = array<i32>} : memref<16x128xf32, #tpu.memory_space<vmem>>, vector<16xf32>,
    tpu.vector_store %arg17[%swap3A_334, %swap3A_335], %broadcast_in_dim3A_1 {strides = array<i32>} : memref<16x128xf32, #tpu.memory_space<vmem>>, vector<16xf32>,
    %swap3A_337 = arith.constant 10 : i32
    %swap3A_338 = arith.index_cast %swap3A_337 : i32 to index
    %swap3A_339 = arith.constant 64 : index
    %swap3A_340 = tpu.vector_load %arg17[%swap3A_338, %swap3A_339] {strides = array<i32>} : memref<16x128xf32, #tpu.memory_space<vmem>>, vector<16xf32>,
    tpu.vector_store %arg17[%swap3A_338, %swap3A_339], %broadcast_in_dim3A_1 {strides = array<i32>} : memref<16x128xf32, #tpu.memory_space<vmem>>, vector<16xf32>,
    %swap3A_341 = arith.constant 10 : i32
    %swap3A_342 = arith.index_cast %swap3A_341 : i32 to index
    %swap3A_343 = arith.constant 80 : index
    %swap3A_344 = tpu.vector_load %arg17[%swap3A_342, %swap3A_343] {strides = array<i32>} : memref<16x128xf32, #tpu.memory_space<vmem>>, vector<16xf32>,
    tpu.vector_store %arg17[%swap3A_342, %swap3A_343], %broadcast_in_dim3A_1 {strides = array<i32>} : memref<16x128xf32, #tpu.memory_space<vmem>>, vector<16xf32>,
    %swap3A_345 = arith.constant 10 : i32
    %swap3A_346 = arith.index_cast %swap3A_345 : i32 to index
    %swap3A_347 = arith.constant 96 : index
    %swap3A_348 = tpu.vector_load %arg17[%swap3A_346, %swap3A_347] {strides = array<i32>} : memref<16x128xf32, #tpu.memory_space<vmem>>, vector<16xf32>,
    tpu.vector_store %arg17[%swap3A_346, %swap3A_347], %broadcast_in_dim3A_1 {strides = array<i32>} : memref<16x128xf32, #tpu.memory_space<vmem>>, vector<16xf32>,
    %swap3A_349 = arith.constant 10 : i32
    %swap3A_350 = arith.index_cast %swap3A_349 : i32 to index
    %swap3A_351 = arith.constant 112 : index
    %swap3A_352 = tpu.vector_load %arg17[%swap3A_350, %swap3A_351] {strides = array<i32>} : memref<16x128xf32, #tpu.memory_space<vmem>>, vector<16xf32>,
    tpu.vector_store %arg17[%swap3A_350, %swap3A_351], %broadcast_in_dim3A_1 {strides = array<i32>} : memref<16x128xf32, #tpu.memory_space<vmem>>, vector<16xf32>,
    %swap3A_353 = arith.constant 11 : i32
    %swap3A_354 = arith.index_cast %swap3A_353 : i32 to index
    %swap3A_355 = arith.constant 0 : index
    %swap3A_356 = tpu.vector_load %arg17[%swap3A_354, %swap3A_355] {strides = array<i32>} : memref<16x128xf32, #tpu.memory_space<vmem>>, vector<16xf32>,
    tpu.vector_store %arg17[%swap3A_354, %swap3A_355], %broadcast_in_dim3A_1 {strides = array<i32>} : memref<16x128xf32, #tpu.memory_space<vmem>>, vector<16xf32>,
    %swap3A_357 = arith.constant 11 : i32
    %swap3A_358 = arith.index_cast %swap3A_357 : i32 to index
    %swap3A_359 = arith.constant 16 : index
    %swap3A_360 = tpu.vector_load %arg17[%swap3A_358, %swap3A_359] {strides = array<i32>} : memref<16x128xf32, #tpu.memory_space<vmem>>, vector<16xf32>,
    tpu.vector_store %arg17[%swap3A_358, %swap3A_359], %broadcast_in_dim3A_1 {strides = array<i32>} : memref<16x128xf32, #tpu.memory_space<vmem>>, vector<16xf32>,
    %swap3A_361 = arith.constant 11 : i32
    %swap3A_362 = arith.index_cast %swap3A_361 : i32 to index
    %swap3A_363 = arith.constant 32 : index
    %swap3A_364 = tpu.vector_load %arg17[%swap3A_362, %swap3A_363] {strides = array<i32>} : memref<16x128xf32, #tpu.memory_space<vmem>>, vector<16xf32>,
    tpu.vector_store %arg17[%swap3A_362, %swap3A_363], %broadcast_in_dim3A_1 {strides = array<i32>} : memref<16x128xf32, #tpu.memory_space<vmem>>, vector<16xf32>,
    %swap3A_365 = arith.constant 11 : i32
    %swap3A_366 = arith.index_cast %swap3A_365 : i32 to index
    %swap3A_367 = arith.constant 48 : index
    %swap3A_368 = tpu.vector_load %arg17[%swap3A_366, %swap3A_367] {strides = array<i32>} : memref<16x128xf32, #tpu.memory_space<vmem>>, vector<16xf32>,
    tpu.vector_store %arg17[%swap3A_366, %swap3A_367], %broadcast_in_dim3A_1 {strides = array<i32>} : memref<16x128xf32, #tpu.memory_space<vmem>>, vector<16xf32>,
    %swap3A_369 = arith.constant 11 : i32
    %swap3A_370 = arith.index_cast %swap3A_369 : i32 to index
    %swap3A_371 = arith.constant 64 : index
    %swap3A_372 = tpu.vector_load %arg17[%swap3A_370, %swap3A_371] {strides = array<i32>} : memref<16x128xf32, #tpu.memory_space<vmem>>, vector<16xf32>,
    tpu.vector_store %arg17[%swap3A_370, %swap3A_371], %broadcast_in_dim3A_1 {strides = array<i32>} : memref<16x128xf32, #tpu.memory_space<vmem>>, vector<16xf32>,
    %swap3A_373 = arith.constant 11 : i32
    %swap3A_374 = arith.index_cast %swap3A_373 : i32 to index
    %swap3A_375 = arith.constant 80 : index
    %swap3A_376 = tpu.vector_load %arg17[%swap3A_374, %swap3A_375] {strides = array<i32>} : memref<16x128xf32, #tpu.memory_space<vmem>>, vector<16xf32>,
    tpu.vector_store %arg17[%swap3A_374, %swap3A_375], %broadcast_in_dim3A_1 {strides = array<i32>} : memref<16x128xf32, #tpu.memory_space<vmem>>, vector<16xf32>,
    %swap3A_377 = arith.constant 11 : i32
    %swap3A_378 = arith.index_cast %swap3A_377 : i32 to index
    %swap3A_379 = arith.constant 96 : index
    %swap3A_380 = tpu.vector_load %arg17[%swap3A_378, %swap3A_379] {strides = array<i32>} : memref<16x128xf32, #tpu.memory_space<vmem>>, vector<16xf32>,
    tpu.vector_store %arg17[%swap3A_378, %swap3A_379], %broadcast_in_dim3A_1 {strides = array<i32>} : memref<16x128xf32, #tpu.memory_space<vmem>>, vector<16xf32>,
    %swap3A_381 = arith.constant 11 : i32
    %swap3A_382 = arith.index_cast %swap3A_381 : i32 to index
    %swap3A_383 = arith.constant 112 : index
    %swap3A_384 = tpu.vector_load %arg17[%swap3A_382, %swap3A_383] {strides = array<i32>} : memref<16x128xf32, #tpu.memory_space<vmem>>, vector<16xf32>,
    tpu.vector_store %arg17[%swap3A_382, %swap3A_383], %broadcast_in_dim3A_1 {strides = array<i32>} : memref<16x128xf32, #tpu.memory_space<vmem>>, vector<16xf32>,
    %swap3A_385 = arith.constant 12 : i32
    %swap3A_386 = arith.index_cast %swap3A_385 : i32 to index
    %swap3A_387 = arith.constant 0 : index
    %swap3A_388 = tpu.vector_load %arg17[%swap3A_386, %swap3A_387] {strides = array<i32>} : memref<16x128xf32, #tpu.memory_space<vmem>>, vector<16xf32>,
    tpu.vector_store %arg17[%swap3A_386, %swap3A_387], %broadcast_in_dim3A_1 {strides = array<i32>} : memref<16x128xf32, #tpu.memory_space<vmem>>, vector<16xf32>,
    %swap3A_389 = arith.constant 12 : i32
    %swap3A_390 = arith.index_cast %swap3A_389 : i32 to index
    %swap3A_391 = arith.constant 16 : index
    %swap3A_392 = tpu.vector_load %arg17[%swap3A_390, %swap3A_391] {strides = array<i32>} : memref<16x128xf32, #tpu.memory_space<vmem>>, vector<16xf32>,
    tpu.vector_store %arg17[%swap3A_390, %swap3A_391], %broadcast_in_dim3A_1 {strides = array<i32>} : memref<16x128xf32, #tpu.memory_space<vmem>>, vector<16xf32>,
    %swap3A_393 = arith.constant 12 : i32
    %swap3A_394 = arith.index_cast %swap3A_393 : i32 to index
    %swap3A_395 = arith.constant 32 : index
    %swap3A_396 = tpu.vector_load %arg17[%swap3A_394, %swap3A_395] {strides = array<i32>} : memref<16x128xf32, #tpu.memory_space<vmem>>, vector<16xf32>,
    tpu.vector_store %arg17[%swap3A_394, %swap3A_395], %broadcast_in_dim3A_1 {strides = array<i32>} : memref<16x128xf32, #tpu.memory_space<vmem>>, vector<16xf32>,
    %swap3A_397 = arith.constant 12 : i32
    %swap3A_398 = arith.index_cast %swap3A_397 : i32 to index
    %swap3A_399 = arith.constant 48 : index
    %swap3A_400 = tpu.vector_load %arg17[%swap3A_398, %swap3A_399] {strides = array<i32>} : memref<16x128xf32, #tpu.memory_space<vmem>>, vector<16xf32>,
    tpu.vector_store %arg17[%swap3A_398, %swap3A_399], %broadcast_in_dim3A_1 {strides = array<i32>} : memref<16x128xf32, #tpu.memory_space<vmem>>, vector<16xf32>,
    %swap3A_401 = arith.constant 12 : i32
    %swap3A_402 = arith.index_cast %swap3A_401 : i32 to index
    %swap3A_403 = arith.constant 64 : index
    %swap3A_404 = tpu.vector_load %arg17[%swap3A_402, %swap3A_403] {strides = array<i32>} : memref<16x128xf32, #tpu.memory_space<vmem>>, vector<16xf32>,
    tpu.vector_store %arg17[%swap3A_402, %swap3A_403], %broadcast_in_dim3A_1 {strides = array<i32>} : memref<16x128xf32, #tpu.memory_space<vmem>>, vector<16xf32>,
    %swap3A_405 = arith.constant 12 : i32
    %swap3A_406 = arith.index_cast %swap3A_405 : i32 to index
    %swap3A_407 = arith.constant 80 : index
    %swap3A_408 = tpu.vector_load %arg17[%swap3A_406, %swap3A_407] {strides = array<i32>} : memref<16x128xf32, #tpu.memory_space<vmem>>, vector<16xf32>,
    tpu.vector_store %arg17[%swap3A_406, %swap3A_407], %broadcast_in_dim3A_1 {strides = array<i32>} : memref<16x128xf32, #tpu.memory_space<vmem>>, vector<16xf32>,
    %swap3A_409 = arith.constant 12 : i32
    %swap3A_410 = arith.index_cast %swap3A_409 : i32 to index
    %swap3A_411 = arith.constant 96 : index
    %swap3A_412 = tpu.vector_load %arg17[%swap3A_410, %swap3A_411] {strides = array<i32>} : memref<16x128xf32, #tpu.memory_space<vmem>>, vector<16xf32>,
    tpu.vector_store %arg17[%swap3A_410, %swap3A_411], %broadcast_in_dim3A_1 {strides = array<i32>} : memref<16x128xf32, #tpu.memory_space<vmem>>, vector<16xf32>,
    %swap3A_413 = arith.constant 12 : i32
    %swap3A_414 = arith.index_cast %swap3A_413 : i32 to index
    %swap3A_415 = arith.constant 112 : index
    %swap3A_416 = tpu.vector_load %arg17[%swap3A_414, %swap3A_415] {strides = array<i32>} : memref<16x128xf32, #tpu.memory_space<vmem>>, vector<16xf32>,
    tpu.vector_store %arg17[%swap3A_414, %swap3A_415], %broadcast_in_dim3A_1 {strides = array<i32>} : memref<16x128xf32, #tpu.memory_space<vmem>>, vector<16xf32>,
    %swap3A_417 = arith.constant 13 : i32
    %swap3A_418 = arith.index_cast %swap3A_417 : i32 to index
    %swap3A_419 = arith.constant 0 : index
    %swap3A_420 = tpu.vector_load %arg17[%swap3A_418, %swap3A_419] {strides = array<i32>} : memref<16x128xf32, #tpu.memory_space<vmem>>, vector<16xf32>,
    tpu.vector_store %arg17[%swap3A_418, %swap3A_419], %broadcast_in_dim3A_1 {strides = array<i32>} : memref<16x128xf32, #tpu.memory_space<vmem>>, vector<16xf32>,
    %swap3A_421 = arith.constant 13 : i32
    %swap3A_422 = arith.index_cast %swap3A_421 : i32 to index
    %swap3A_423 = arith.constant 16 : index
    %swap3A_424 = tpu.vector_load %arg17[%swap3A_422, %swap3A_423] {strides = array<i32>} : memref<16x128xf32, #tpu.memory_space<vmem>>, vector<16xf32>,
    tpu.vector_store %arg17[%swap3A_422, %swap3A_423], %broadcast_in_dim3A_1 {strides = array<i32>} : memref<16x128xf32, #tpu.memory_space<vmem>>, vector<16xf32>,
    %swap3A_425 = arith.constant 13 : i32
    %swap3A_426 = arith.index_cast %swap3A_425 : i32 to index
    %swap3A_427 = arith.constant 32 : index
    %swap3A_428 = tpu.vector_load %arg17[%swap3A_426, %swap3A_427] {strides = array<i32>} : memref<16x128xf32, #tpu.memory_space<vmem>>, vector<16xf32>,
    tpu.vector_store %arg17[%swap3A_426, %swap3A_427], %broadcast_in_dim3A_1 {strides = array<i32>} : memref<16x128xf32, #tpu.memory_space<vmem>>, vector<16xf32>,
    %swap3A_429 = arith.constant 13 : i32
    %swap3A_430 = arith.index_cast %swap3A_429 : i32 to index
    %swap3A_431 = arith.constant 48 : index
    %swap3A_432 = tpu.vector_load %arg17[%swap3A_430, %swap3A_431] {strides = array<i32>} : memref<16x128xf32, #tpu.memory_space<vmem>>, vector<16xf32>,
    tpu.vector_store %arg17[%swap3A_430, %swap3A_431], %broadcast_in_dim3A_1 {strides = array<i32>} : memref<16x128xf32, #tpu.memory_space<vmem>>, vector<16xf32>,
    %swap3A_433 = arith.constant 13 : i32
    %swap3A_434 = arith.index_cast %swap3A_433 : i32 to index
    %swap3A_435 = arith.constant 64 : index
    %swap3A_436 = tpu.vector_load %arg17[%swap3A_434, %swap3A_435] {strides = array<i32>} : memref<16x128xf32, #tpu.memory_space<vmem>>, vector<16xf32>,
    tpu.vector_store %arg17[%swap3A_434, %swap3A_435], %broadcast_in_dim3A_1 {strides = array<i32>} : memref<16x128xf32, #tpu.memory_space<vmem>>, vector<16xf32>,
    %swap3A_437 = arith.constant 13 : i32
    %swap3A_438 = arith.index_cast %swap3A_437 : i32 to index
    %swap3A_439 = arith.constant 80 : index
    %swap3A_440 = tpu.vector_load %arg17[%swap3A_438, %swap3A_439] {strides = array<i32>} : memref<16x128xf32, #tpu.memory_space<vmem>>, vector<16xf32>,
    tpu.vector_store %arg17[%swap3A_438, %swap3A_439], %broadcast_in_dim3A_1 {strides = array<i32>} : memref<16x128xf32, #tpu.memory_space<vmem>>, vector<16xf32>,
    %swap3A_441 = arith.constant 13 : i32
    %swap3A_442 = arith.index_cast %swap3A_441 : i32 to index
    %swap3A_443 = arith.constant 96 : index
    %swap3A_444 = tpu.vector_load %arg17[%swap3A_442, %swap3A_443] {strides = array<i32>} : memref<16x128xf32, #tpu.memory_space<vmem>>, vector<16xf32>,
    tpu.vector_store %arg17[%swap3A_442, %swap3A_443], %broadcast_in_dim3A_1 {strides = array<i32>} : memref<16x128xf32, #tpu.memory_space<vmem>>, vector<16xf32>,
    %swap3A_445 = arith.constant 13 : i32
    %swap3A_446 = arith.index_cast %swap3A_445 : i32 to index
    %swap3A_447 = arith.constant 112 : index
    %swap3A_448 = tpu.vector_load %arg17[%swap3A_446, %swap3A_447] {strides = array<i32>} : memref<16x128xf32, #tpu.memory_space<vmem>>, vector<16xf32>,
    tpu.vector_store %arg17[%swap3A_446, %swap3A_447], %broadcast_in_dim3A_1 {strides = array<i32>} : memref<16x128xf32, #tpu.memory_space<vmem>>, vector<16xf32>,
    %swap3A_449 = arith.constant 14 : i32
    %swap3A_450 = arith.index_cast %swap3A_449 : i32 to index
    %swap3A_451 = arith.constant 0 : index
    %swap3A_452 = tpu.vector_load %arg17[%swap3A_450, %swap3A_451] {strides = array<i32>} : memref<16x128xf32, #tpu.memory_space<vmem>>, vector<16xf32>,
    tpu.vector_store %arg17[%swap3A_450, %swap3A_451], %broadcast_in_dim3A_1 {strides = array<i32>} : memref<16x128xf32, #tpu.memory_space<vmem>>, vector<16xf32>,
    %swap3A_453 = arith.constant 14 : i32
    %swap3A_454 = arith.index_cast %swap3A_453 : i32 to index
    %swap3A_455 = arith.constant 16 : index
    %swap3A_456 = tpu.vector_load %arg17[%swap3A_454, %swap3A_455] {strides = array<i32>} : memref<16x128xf32, #tpu.memory_space<vmem>>, vector<16xf32>,
    tpu.vector_store %arg17[%swap3A_454, %swap3A_455], %broadcast_in_dim3A_1 {strides = array<i32>} : memref<16x128xf32, #tpu.memory_space<vmem>>, vector<16xf32>,
    %swap3A_457 = arith.constant 14 : i32
    %swap3A_458 = arith.index_cast %swap3A_457 : i32 to index
    %swap3A_459 = arith.constant 32 : index
    %swap3A_460 = tpu.vector_load %arg17[%swap3A_458, %swap3A_459] {strides = array<i32>} : memref<16x128xf32, #tpu.memory_space<vmem>>, vector<16xf32>,
    tpu.vector_store %arg17[%swap3A_458, %swap3A_459], %broadcast_in_dim3A_1 {strides = array<i32>} : memref<16x128xf32, #tpu.memory_space<vmem>>, vector<16xf32>,
    %swap3A_461 = arith.constant 14 : i32
    %swap3A_462 = arith.index_cast %swap3A_461 : i32 to index
    %swap3A_463 = arith.constant 48 : index
    %swap3A_464 = tpu.vector_load %arg17[%swap3A_462, %swap3A_463] {strides = array<i32>} : memref<16x128xf32, #tpu.memory_space<vmem>>, vector<16xf32>,
    tpu.vector_store %arg17[%swap3A_462, %swap3A_463], %broadcast_in_dim3A_1 {strides = array<i32>} : memref<16x128xf32, #tpu.memory_space<vmem>>, vector<16xf32>,
    %swap3A_465 = arith.constant 14 : i32
    %swap3A_466 = arith.index_cast %swap3A_465 : i32 to index
    %swap3A_467 = arith.constant 64 : index
    %swap3A_468 = tpu.vector_load %arg17[%swap3A_466, %swap3A_467] {strides = array<i32>} : memref<16x128xf32, #tpu.memory_space<vmem>>, vector<16xf32>,
    tpu.vector_store %arg17[%swap3A_466, %swap3A_467], %broadcast_in_dim3A_1 {strides = array<i32>} : memref<16x128xf32, #tpu.memory_space<vmem>>, vector<16xf32>,
    %swap3A_469 = arith.constant 14 : i32
    %swap3A_470 = arith.index_cast %swap3A_469 : i32 to index
    %swap3A_471 = arith.constant 80 : index
    %swap3A_472 = tpu.vector_load %arg17[%swap3A_470, %swap3A_471] {strides = array<i32>} : memref<16x128xf32, #tpu.memory_space<vmem>>, vector<16xf32>,
    tpu.vector_store %arg17[%swap3A_470, %swap3A_471], %broadcast_in_dim3A_1 {strides = array<i32>} : memref<16x128xf32, #tpu.memory_space<vmem>>, vector<16xf32>,
    %swap3A_473 = arith.constant 14 : i32
    %swap3A_474 = arith.index_cast %swap3A_473 : i32 to index
    %swap3A_475 = arith.constant 96 : index
    %swap3A_476 = tpu.vector_load %arg17[%swap3A_474, %swap3A_475] {strides = array<i32>} : memref<16x128xf32, #tpu.memory_space<vmem>>, vector<16xf32>,
    tpu.vector_store %arg17[%swap3A_474, %swap3A_475], %broadcast_in_dim3A_1 {strides = array<i32>} : memref<16x128xf32, #tpu.memory_space<vmem>>, vector<16xf32>,
    %swap3A_477 = arith.constant 14 : i32
    %swap3A_478 = arith.index_cast %swap3A_477 : i32 to index
    %swap3A_479 = arith.constant 112 : index
    %swap3A_480 = tpu.vector_load %arg17[%swap3A_478, %swap3A_479] {strides = array<i32>} : memref<16x128xf32, #tpu.memory_space<vmem>>, vector<16xf32>,
    tpu.vector_store %arg17[%swap3A_478, %swap3A_479], %broadcast_in_dim3A_1 {strides = array<i32>} : memref<16x128xf32, #tpu.memory_space<vmem>>, vector<16xf32>,
    %swap3A_481 = arith.constant 15 : i32
    %swap3A_482 = arith.index_cast %swap3A_481 : i32 to index
    %swap3A_483 = arith.constant 0 : index
    %swap3A_484 = tpu.vector_load %arg17[%swap3A_482, %swap3A_483] {strides = array<i32>} : memref<16x128xf32, #tpu.memory_space<vmem>>, vector<16xf32>,
    tpu.vector_store %arg17[%swap3A_482, %swap3A_483], %broadcast_in_dim3A_1 {strides = array<i32>} : memref<16x128xf32, #tpu.memory_space<vmem>>, vector<16xf32>,
    %swap3A_485 = arith.constant 15 : i32
    %swap3A_486 = arith.index_cast %swap3A_485 : i32 to index
    %swap3A_487 = arith.constant 16 : index
    %swap3A_488 = tpu.vector_load %arg17[%swap3A_486, %swap3A_487] {strides = array<i32>} : memref<16x128xf32, #tpu.memory_space<vmem>>, vector<16xf32>,
    tpu.vector_store %arg17[%swap3A_486, %swap3A_487], %broadcast_in_dim3A_1 {strides = array<i32>} : memref<16x128xf32, #tpu.memory_space<vmem>>, vector<16xf32>,
    %swap3A_489 = arith.constant 15 : i32
    %swap3A_490 = arith.index_cast %swap3A_489 : i32 to index
    %swap3A_491 = arith.constant 32 : index
    %swap3A_492 = tpu.vector_load %arg17[%swap3A_490, %swap3A_491] {strides = array<i32>} : memref<16x128xf32, #tpu.memory_space<vmem>>, vector<16xf32>,
    tpu.vector_store %arg17[%swap3A_490, %swap3A_491], %broadcast_in_dim3A_1 {strides = array<i32>} : memref<16x128xf32, #tpu.memory_space<vmem>>, vector<16xf32>,
    %swap3A_493 = arith.constant 15 : i32
    %swap3A_494 = arith.index_cast %swap3A_493 : i32 to index
    %swap3A_495 = arith.constant 48 : index
    %swap3A_496 = tpu.vector_load %arg17[%swap3A_494, %swap3A_495] {strides = array<i32>} : memref<16x128xf32, #tpu.memory_space<vmem>>, vector<16xf32>,
    tpu.vector_store %arg17[%swap3A_494, %swap3A_495], %broadcast_in_dim3A_1 {strides = array<i32>} : memref<16x128xf32, #tpu.memory_space<vmem>>, vector<16xf32>,
    %swap3A_497 = arith.constant 15 : i32
    %swap3A_498 = arith.index_cast %swap3A_497 : i32 to index
    %swap3A_499 = arith.constant 64 : index
    %swap3A_500 = tpu.vector_load %arg17[%swap3A_498, %swap3A_499] {strides = array<i32>} : memref<16x128xf32, #tpu.memory_space<vmem>>, vector<16xf32>,
    tpu.vector_store %arg17[%swap3A_498, %swap3A_499], %broadcast_in_dim3A_1 {strides = array<i32>} : memref<16x128xf32, #tpu.memory_space<vmem>>, vector<16xf32>,
    %swap3A_501 = arith.constant 15 : i32
    %swap3A_502 = arith.index_cast %swap3A_501 : i32 to index
    %swap3A_503 = arith.constant 80 : index
    %swap3A_504 = tpu.vector_load %arg17[%swap3A_502, %swap3A_503] {strides = array<i32>} : memref<16x128xf32, #tpu.memory_space<vmem>>, vector<16xf32>,
    tpu.vector_store %arg17[%swap3A_502, %swap3A_503], %broadcast_in_dim3A_1 {strides = array<i32>} : memref<16x128xf32, #tpu.memory_space<vmem>>, vector<16xf32>,
    %swap3A_505 = arith.constant 15 : i32
    %swap3A_506 = arith.index_cast %swap3A_505 : i32 to index
    %swap3A_507 = arith.constant 96 : index
    %swap3A_508 = tpu.vector_load %arg17[%swap3A_506, %swap3A_507] {strides = array<i32>} : memref<16x128xf32, #tpu.memory_space<vmem>>, vector<16xf32>,
    tpu.vector_store %arg17[%swap3A_506, %swap3A_507], %broadcast_in_dim3A_1 {strides = array<i32>} : memref<16x128xf32, #tpu.memory_space<vmem>>, vector<16xf32>,
    %swap3A_509 = arith.constant 15 : i32
    %swap3A_510 = arith.index_cast %swap3A_509 : i32 to index
    %swap3A_511 = arith.constant 112 : index
    %swap3A_512 = tpu.vector_load %arg17[%swap3A_510, %swap3A_511] {strides = array<i32>} : memref<16x128xf32, #tpu.memory_space<vmem>>, vector<16xf32>,
    tpu.vector_store %arg17[%swap3A_510, %swap3A_511], %broadcast_in_dim3A_1 {strides = array<i32>} : memref<16x128xf32, #tpu.memory_space<vmem>>, vector<16xf32>,
    %mul3A_513 = arith.constant 10240 : i32
    %mul3A_514 = arith.muli %add3A, %mul3A_513 : i32
    %mul3A_515 = arith.constant 632 : i32
    %mul3A_516 = arith.muli %arg1, %mul3A_515 : i32
    %add3A_517 = arith.constant 0 : i32
    %add3A_518 = arith.addi %mul3A_516, %add3A_517 : i32
    %dma_start3A = arith.constant 0 : i32
    %dma_start3A_519 = tpu.memref_slice %arg18[%add3A_518, %dma_start3A] : memref<10112x128xf32, #tpu.memory_space<vmem_shared>> -> memref<16x128xf32, #tpu.memory_space<vmem_shared>>
    %dma_start3A_520 = arith.constant 0 : i32
    %dma_start3A_521 = tpu.memref_slice %arg18[%add3A_518, %dma_start3A_520] : memref<10112x128xf32, #tpu.memory_space<vmem_shared>> -> memref<16x128xf32, #tpu.memory_space<vmem_shared>>
    tpu.enqueue_dma source(%arg17 : memref<16x128xf32, #tpu.memory_space<vmem>>) target(%dma_start3A_521 : memref<16x128xf32, #tpu.memory_space<vmem_shared>>) target_semaphore(%arg25 : memref<!tpu.dma_semaphore, #tpu.memory_space<semaphore_mem>>)
    %add3A_522 = arith.constant 16 : i32
    %add3A_523 = arith.addi %mul3A_516, %add3A_522 : i32
    %dma_start3A_524 = arith.constant 0 : i32
    %dma_start3A_525 = tpu.memref_slice %arg18[%add3A_523, %dma_start3A_524] : memref<10112x128xf32, #tpu.memory_space<vmem_shared>> -> memref<16x128xf32, #tpu.memory_space<vmem_shared>>
    %dma_start3A_526 = arith.constant 0 : i32
    %dma_start3A_527 = tpu.memref_slice %arg18[%add3A_523, %dma_start3A_526] : memref<10112x128xf32, #tpu.memory_space<vmem_shared>> -> memref<16x128xf32, #tpu.memory_space<vmem_shared>>
    tpu.enqueue_dma source(%arg17 : memref<16x128xf32, #tpu.memory_space<vmem>>) target(%dma_start3A_527 : memref<16x128xf32, #tpu.memory_space<vmem_shared>>) target_semaphore(%arg25 : memref<!tpu.dma_semaphore, #tpu.memory_space<semaphore_mem>>)
    %add3A_528 = arith.constant 32 : i32
    %add3A_529 = arith.addi %mul3A_516, %add3A_528 : i32
    %dma_start3A_530 = arith.constant 0 : i32
    %dma_start3A_531 = tpu.memref_slice %arg18[%add3A_529, %dma_start3A_530] : memref<10112x128xf32, #tpu.memory_space<vmem_shared>> -> memref<16x128xf32, #tpu.memory_space<vmem_shared>>
    %dma_start3A_532 = arith.constant 0 : i32
    %dma_start3A_533 = tpu.memref_slice %arg18[%add3A_529, %dma_start3A_532] : memref<10112x128xf32, #tpu.memory_space<vmem_shared>> -> memref<16x128xf32, #tpu.memory_space<vmem_shared>>
    tpu.enqueue_dma source(%arg17 : memref<16x128xf32, #tpu.memory_space<vmem>>) target(%dma_start3A_533 : memref<16x128xf32, #tpu.memory_space<vmem_shared>>) target_semaphore(%arg25 : memref<!tpu.dma_semaphore, #tpu.memory_space<semaphore_mem>>)
    %add3A_534 = arith.constant 48 : i32
    %add3A_535 = arith.addi %mul3A_516, %add3A_534 : i32
    %dma_start3A_536 = arith.constant 0 : i32
    %dma_start3A_537 = tpu.memref_slice %arg18[%add3A_535, %dma_start3A_536] : memref<10112x128xf32, #tpu.memory_space<vmem_shared>> -> memref<16x128xf32, #tpu.memory_space<vmem_shared>>
    %dma_start3A_538 = arith.constant 0 : i32
    %dma_start3A_539 = tpu.memref_slice %arg18[%add3A_535, %dma_start3A_538] : memref<10112x128xf32, #tpu.memory_space<vmem_shared>> -> memref<16x128xf32, #tpu.memory_space<vmem_shared>>
    tpu.enqueue_dma source(%arg17 : memref<16x128xf32, #tpu.memory_space<vmem>>) target(%dma_start3A_539 : memref<16x128xf32, #tpu.memory_space<vmem_shared>>) target_semaphore(%arg25 : memref<!tpu.dma_semaphore, #tpu.memory_space<semaphore_mem>>)
    %add3A_540 = arith.constant 64 : i32
    %add3A_541 = arith.addi %mul3A_516, %add3A_540 : i32
    %dma_start3A_542 = arith.constant 0 : i32
    %dma_start3A_543 = tpu.memref_slice %arg18[%add3A_541, %dma_start3A_542] : memref<10112x128xf32, #tpu.memory_space<vmem_shared>> -> memref<16x128xf32, #tpu.memory_space<vmem_shared>>
    %dma_start3A_544 = arith.constant 0 : i32
    %dma_start3A_545 = tpu.memref_slice %arg18[%add3A_541, %dma_start3A_544] : memref<10112x128xf32, #tpu.memory_space<vmem_shared>> -> memref<16x128xf32, #tpu.memory_space<vmem_shared>>
    tpu.enqueue_dma source(%arg17 : memref<16x128xf32, #tpu.memory_space<vmem>>) target(%dma_start3A_545 : memref<16x128xf32, #tpu.memory_space<vmem_shared>>) target_semaphore(%arg25 : memref<!tpu.dma_semaphore, #tpu.memory_space<semaphore_mem>>)
    %add3A_546 = arith.constant 80 : i32
    %add3A_547 = arith.addi %mul3A_516, %add3A_546 : i32
    %dma_start3A_548 = arith.constant 0 : i32
    %dma_start3A_549 = tpu.memref_slice %arg18[%add3A_547, %dma_start3A_548] : memref<10112x128xf32, #tpu.memory_space<vmem_shared>> -> memref<16x128xf32, #tpu.memory_space<vmem_shared>>
    %dma_start3A_550 = arith.constant 0 : i32
    %dma_start3A_551 = tpu.memref_slice %arg18[%add3A_547, %dma_start3A_550] : memref<10112x128xf32, #tpu.memory_space<vmem_shared>> -> memref<16x128xf32, #tpu.memory_space<vmem_shared>>
    tpu.enqueue_dma source(%arg17 : memref<16x128xf32, #tpu.memory_space<vmem>>) target(%dma_start3A_551 : memref<16x128xf32, #tpu.memory_space<vmem_shared>>) target_semaphore(%arg25 : memref<!tpu.dma_semaphore, #tpu.memory_space<semaphore_mem>>)
    %add3A_552 = arith.constant 96 : i32
    %add3A_553 = arith.addi %mul3A_516, %add3A_552 : i32
    %dma_start3A_554 = arith.constant 0 : i32
    %dma_start3A_555 = tpu.memref_slice %arg18[%add3A_553, %dma_start3A_554] : memref<10112x128xf32, #tpu.memory_space<vmem_shared>> -> memref<16x128xf32, #tpu.memory_space<vmem_shared>>
    %dma_start3A_556 = arith.constant 0 : i32
    %dma_start3A_557 = tpu.memref_slice %arg18[%add3A_553, %dma_start3A_556] : memref<10112x128xf32, #tpu.memory_space<vmem_shared>> -> memref<16x128xf32, #tpu.memory_space<vmem_shared>>
    tpu.enqueue_dma source(%arg17 : memref<16x128xf32, #tpu.memory_space<vmem>>) target(%dma_start3A_557 : memref<16x128xf32, #tpu.memory_space<vmem_shared>>) target_semaphore(%arg25 : memref<!tpu.dma_semaphore, #tpu.memory_space<semaphore_mem>>)
    %add3A_558 = arith.constant 112 : i32
    %add3A_559 = arith.addi %mul3A_516, %add3A_558 : i32
    %dma_start3A_560 = arith.constant 0 : i32
    %dma_start3A_561 = tpu.memref_slice %arg18[%add3A_559, %dma_start3A_560] : memref<10112x128xf32, #tpu.memory_space<vmem_shared>> -> memref<16x128xf32, #tpu.memory_space<vmem_shared>>
    %dma_start3A_562 = arith.constant 0 : i32
    %dma_start3A_563 = tpu.memref_slice %arg18[%add3A_559, %dma_start3A_562] : memref<10112x128xf32, #tpu.memory_space<vmem_shared>> -> memref<16x128xf32, #tpu.memory_space<vmem_shared>>
    tpu.enqueue_dma source(%arg17 : memref<16x128xf32, #tpu.memory_space<vmem>>) target(%dma_start3A_563 : memref<16x128xf32, #tpu.memory_space<vmem_shared>>) target_semaphore(%arg25 : memref<!tpu.dma_semaphore, #tpu.memory_space<semaphore_mem>>)
    %add3A_564 = arith.constant 128 : i32
    %add3A_565 = arith.addi %mul3A_516, %add3A_564 : i32
    %dma_start3A_566 = arith.constant 0 : i32
    %dma_start3A_567 = tpu.memref_slice %arg18[%add3A_565, %dma_start3A_566] : memref<10112x128xf32, #tpu.memory_space<vmem_shared>> -> memref<16x128xf32, #tpu.memory_space<vmem_shared>>
    %dma_start3A_568 = arith.constant 0 : i32
    %dma_start3A_569 = tpu.memref_slice %arg18[%add3A_565, %dma_start3A_568] : memref<10112x128xf32, #tpu.memory_space<vmem_shared>> -> memref<16x128xf32, #tpu.memory_space<vmem_shared>>
    tpu.enqueue_dma source(%arg17 : memref<16x128xf32, #tpu.memory_space<vmem>>) target(%dma_start3A_569 : memref<16x128xf32, #tpu.memory_space<vmem_shared>>) target_semaphore(%arg25 : memref<!tpu.dma_semaphore, #tpu.memory_space<semaphore_mem>>)
    %add3A_570 = arith.constant 144 : i32
    %add3A_571 = arith.addi %mul3A_516, %add3A_570 : i32
    %dma_start3A_572 = arith.constant 0 : i32
    %dma_start3A_573 = tpu.memref_slice %arg18[%add3A_571, %dma_start3A_572] : memref<10112x128xf32, #tpu.memory_space<vmem_shared>> -> memref<16x128xf32, #tpu.memory_space<vmem_shared>>
    %dma_start3A_574 = arith.constant 0 : i32
    %dma_start3A_575 = tpu.memref_slice %arg18[%add3A_571, %dma_start3A_574] : memref<10112x128xf32, #tpu.memory_space<vmem_shared>> -> memref<16x128xf32, #tpu.memory_space<vmem_shared>>
    tpu.enqueue_dma source(%arg17 : memref<16x128xf32, #tpu.memory_space<vmem>>) target(%dma_start3A_575 : memref<16x128xf32, #tpu.memory_space<vmem_shared>>) target_semaphore(%arg25 : memref<!tpu.dma_semaphore, #tpu.memory_space<semaphore_mem>>)
    %add3A_576 = arith.constant 160 : i32
    %add3A_577 = arith.addi %mul3A_516, %add3A_576 : i32
    %dma_start3A_578 = arith.constant 0 : i32
    %dma_start3A_579 = tpu.memref_slice %arg18[%add3A_577, %dma_start3A_578] : memref<10112x128xf32, #tpu.memory_space<vmem_shared>> -> memref<16x128xf32, #tpu.memory_space<vmem_shared>>
    %dma_start3A_580 = arith.constant 0 : i32
    %dma_start3A_581 = tpu.memref_slice %arg18[%add3A_577, %dma_start3A_580] : memref<10112x128xf32, #tpu.memory_space<vmem_shared>> -> memref<16x128xf32, #tpu.memory_space<vmem_shared>>
    tpu.enqueue_dma source(%arg17 : memref<16x128xf32, #tpu.memory_space<vmem>>) target(%dma_start3A_581 : memref<16x128xf32, #tpu.memory_space<vmem_shared>>) target_semaphore(%arg25 : memref<!tpu.dma_semaphore, #tpu.memory_space<semaphore_mem>>)
    %add3A_582 = arith.constant 176 : i32
    %add3A_583 = arith.addi %mul3A_516, %add3A_582 : i32
    %dma_start3A_584 = arith.constant 0 : i32
    %dma_start3A_585 = tpu.memref_slice %arg18[%add3A_583, %dma_start3A_584] : memref<10112x128xf32, #tpu.memory_space<vmem_shared>> -> memref<16x128xf32, #tpu.memory_space<vmem_shared>>
    %dma_start3A_586 = arith.constant 0 : i32
    %dma_start3A_587 = tpu.memref_slice %arg18[%add3A_583, %dma_start3A_586] : memref<10112x128xf32, #tpu.memory_space<vmem_shared>> -> memref<16x128xf32, #tpu.memory_space<vmem_shared>>
    tpu.enqueue_dma source(%arg17 : memref<16x128xf32, #tpu.memory_space<vmem>>) target(%dma_start3A_587 : memref<16x128xf32, #tpu.memory_space<vmem_shared>>) target_semaphore(%arg25 : memref<!tpu.dma_semaphore, #tpu.memory_space<semaphore_mem>>)
    %add3A_588 = arith.constant 192 : i32
    %add3A_589 = arith.addi %mul3A_516, %add3A_588 : i32
    %dma_start3A_590 = arith.constant 0 : i32
    %dma_start3A_591 = tpu.memref_slice %arg18[%add3A_589, %dma_start3A_590] : memref<10112x128xf32, #tpu.memory_space<vmem_shared>> -> memref<16x128xf32, #tpu.memory_space<vmem_shared>>
    %dma_start3A_592 = arith.constant 0 : i32
    %dma_start3A_593 = tpu.memref_slice %arg18[%add3A_589, %dma_start3A_592] : memref<10112x128xf32, #tpu.memory_space<vmem_shared>> -> memref<16x128xf32, #tpu.memory_space<vmem_shared>>
    tpu.enqueue_dma source(%arg17 : memref<16x128xf32, #tpu.memory_space<vmem>>) target(%dma_start3A_593 : memref<16x128xf32, #tpu.memory_space<vmem_shared>>) target_semaphore(%arg25 : memref<!tpu.dma_semaphore, #tpu.memory_space<semaphore_mem>>)
    %add3A_594 = arith.constant 208 : i32
    %add3A_595 = arith.addi %mul3A_516, %add3A_594 : i32
    %dma_start3A_596 = arith.constant 0 : i32
    %dma_start3A_597 = tpu.memref_slice %arg18[%add3A_595, %dma_start3A_596] : memref<10112x128xf32, #tpu.memory_space<vmem_shared>> -> memref<16x128xf32, #tpu.memory_space<vmem_shared>>
    %dma_start3A_598 = arith.constant 0 : i32
    %dma_start3A_599 = tpu.memref_slice %arg18[%add3A_595, %dma_start3A_598] : memref<10112x128xf32, #tpu.memory_space<vmem_shared>> -> memref<16x128xf32, #tpu.memory_space<vmem_shared>>
    tpu.enqueue_dma source(%arg17 : memref<16x128xf32, #tpu.memory_space<vmem>>) target(%dma_start3A_599 : memref<16x128xf32, #tpu.memory_space<vmem_shared>>) target_semaphore(%arg25 : memref<!tpu.dma_semaphore, #tpu.memory_space<semaphore_mem>>)
    %add3A_600 = arith.constant 224 : i32
    %add3A_601 = arith.addi %mul3A_516, %add3A_600 : i32
    %dma_start3A_602 = arith.constant 0 : i32
    %dma_start3A_603 = tpu.memref_slice %arg18[%add3A_601, %dma_start3A_602] : memref<10112x128xf32, #tpu.memory_space<vmem_shared>> -> memref<16x128xf32, #tpu.memory_space<vmem_shared>>
    %dma_start3A_604 = arith.constant 0 : i32
    %dma_start3A_605 = tpu.memref_slice %arg18[%add3A_601, %dma_start3A_604] : memref<10112x128xf32, #tpu.memory_space<vmem_shared>> -> memref<16x128xf32, #tpu.memory_space<vmem_shared>>
    tpu.enqueue_dma source(%arg17 : memref<16x128xf32, #tpu.memory_space<vmem>>) target(%dma_start3A_605 : memref<16x128xf32, #tpu.memory_space<vmem_shared>>) target_semaphore(%arg25 : memref<!tpu.dma_semaphore, #tpu.memory_space<semaphore_mem>>)
    %add3A_606 = arith.constant 240 : i32
    %add3A_607 = arith.addi %mul3A_516, %add3A_606 : i32
    %dma_start3A_608 = arith.constant 0 : i32
    %dma_start3A_609 = tpu.memref_slice %arg18[%add3A_607, %dma_start3A_608] : memref<10112x128xf32, #tpu.memory_space<vmem_shared>> -> memref<16x128xf32, #tpu.memory_space<vmem_shared>>
    %dma_start3A_610 = arith.constant 0 : i32
    %dma_start3A_611 = tpu.memref_slice %arg18[%add3A_607, %dma_start3A_610] : memref<10112x128xf32, #tpu.memory_space<vmem_shared>> -> memref<16x128xf32, #tpu.memory_space<vmem_shared>>
    tpu.enqueue_dma source(%arg17 : memref<16x128xf32, #tpu.memory_space<vmem>>) target(%dma_start3A_611 : memref<16x128xf32, #tpu.memory_space<vmem_shared>>) target_semaphore(%arg25 : memref<!tpu.dma_semaphore, #tpu.memory_space<semaphore_mem>>)
    %add3A_612 = arith.constant 256 : i32
    %add3A_613 = arith.addi %mul3A_516, %add3A_612 : i32
    %dma_start3A_614 = arith.constant 0 : i32
    %dma_start3A_615 = tpu.memref_slice %arg18[%add3A_613, %dma_start3A_614] : memref<10112x128xf32, #tpu.memory_space<vmem_shared>> -> memref<16x128xf32, #tpu.memory_space<vmem_shared>>
    %dma_start3A_616 = arith.constant 0 : i32
    %dma_start3A_617 = tpu.memref_slice %arg18[%add3A_613, %dma_start3A_616] : memref<10112x128xf32, #tpu.memory_space<vmem_shared>> -> memref<16x128xf32, #tpu.memory_space<vmem_shared>>
    tpu.enqueue_dma source(%arg17 : memref<16x128xf32, #tpu.memory_space<vmem>>) target(%dma_start3A_617 : memref<16x128xf32, #tpu.memory_space<vmem_shared>>) target_semaphore(%arg25 : memref<!tpu.dma_semaphore, #tpu.memory_space<semaphore_mem>>)
    %add3A_618 = arith.constant 272 : i32
    %add3A_619 = arith.addi %mul3A_516, %add3A_618 : i32
    %dma_start3A_620 = arith.constant 0 : i32
    %dma_start3A_621 = tpu.memref_slice %arg18[%add3A_619, %dma_start3A_620] : memref<10112x128xf32, #tpu.memory_space<vmem_shared>> -> memref<16x128xf32, #tpu.memory_space<vmem_shared>>
    %dma_start3A_622 = arith.constant 0 : i32
    %dma_start3A_623 = tpu.memref_slice %arg18[%add3A_619, %dma_start3A_622] : memref<10112x128xf32, #tpu.memory_space<vmem_shared>> -> memref<16x128xf32, #tpu.memory_space<vmem_shared>>
    tpu.enqueue_dma source(%arg17 : memref<16x128xf32, #tpu.memory_space<vmem>>) target(%dma_start3A_623 : memref<16x128xf32, #tpu.memory_space<vmem_shared>>) target_semaphore(%arg25 : memref<!tpu.dma_semaphore, #tpu.memory_space<semaphore_mem>>)
    %add3A_624 = arith.constant 288 : i32
    %add3A_625 = arith.addi %mul3A_516, %add3A_624 : i32
    %dma_start3A_626 = arith.constant 0 : i32
    %dma_start3A_627 = tpu.memref_slice %arg18[%add3A_625, %dma_start3A_626] : memref<10112x128xf32, #tpu.memory_space<vmem_shared>> -> memref<16x128xf32, #tpu.memory_space<vmem_shared>>
    %dma_start3A_628 = arith.constant 0 : i32
    %dma_start3A_629 = tpu.memref_slice %arg18[%add3A_625, %dma_start3A_628] : memref<10112x128xf32, #tpu.memory_space<vmem_shared>> -> memref<16x128xf32, #tpu.memory_space<vmem_shared>>
    tpu.enqueue_dma source(%arg17 : memref<16x128xf32, #tpu.memory_space<vmem>>) target(%dma_start3A_629 : memref<16x128xf32, #tpu.memory_space<vmem_shared>>) target_semaphore(%arg25 : memref<!tpu.dma_semaphore, #tpu.memory_space<semaphore_mem>>)
    %add3A_630 = arith.constant 304 : i32
    %add3A_631 = arith.addi %mul3A_516, %add3A_630 : i32
    %dma_start3A_632 = arith.constant 0 : i32
    %dma_start3A_633 = tpu.memref_slice %arg18[%add3A_631, %dma_start3A_632] : memref<10112x128xf32, #tpu.memory_space<vmem_shared>> -> memref<16x128xf32, #tpu.memory_space<vmem_shared>>
    %dma_start3A_634 = arith.constant 0 : i32
    %dma_start3A_635 = tpu.memref_slice %arg18[%add3A_631, %dma_start3A_634] : memref<10112x128xf32, #tpu.memory_space<vmem_shared>> -> memref<16x128xf32, #tpu.memory_space<vmem_shared>>
    tpu.enqueue_dma source(%arg17 : memref<16x128xf32, #tpu.memory_space<vmem>>) target(%dma_start3A_635 : memref<16x128xf32, #tpu.memory_space<vmem_shared>>) target_semaphore(%arg25 : memref<!tpu.dma_semaphore, #tpu.memory_space<semaphore_mem>>)
    %add3A_636 = arith.constant 320 : i32
    %add3A_637 = arith.addi %mul3A_516, %add3A_636 : i32
    %dma_start3A_638 = arith.constant 0 : i32
    %dma_start3A_639 = tpu.memref_slice %arg18[%add3A_637, %dma_start3A_638] : memref<10112x128xf32, #tpu.memory_space<vmem_shared>> -> memref<16x128xf32, #tpu.memory_space<vmem_shared>>
    %dma_start3A_640 = arith.constant 0 : i32
    %dma_start3A_641 = tpu.memref_slice %arg18[%add3A_637, %dma_start3A_640] : memref<10112x128xf32, #tpu.memory_space<vmem_shared>> -> memref<16x128xf32, #tpu.memory_space<vmem_shared>>
    tpu.enqueue_dma source(%arg17 : memref<16x128xf32, #tpu.memory_space<vmem>>) target(%dma_start3A_641 : memref<16x128xf32, #tpu.memory_space<vmem_shared>>) target_semaphore(%arg25 : memref<!tpu.dma_semaphore, #tpu.memory_space<semaphore_mem>>)
    %add3A_642 = arith.constant 336 : i32
    %add3A_643 = arith.addi %mul3A_516, %add3A_642 : i32
    %dma_start3A_644 = arith.constant 0 : i32
    %dma_start3A_645 = tpu.memref_slice %arg18[%add3A_643, %dma_start3A_644] : memref<10112x128xf32, #tpu.memory_space<vmem_shared>> -> memref<16x128xf32, #tpu.memory_space<vmem_shared>>
    %dma_start3A_646 = arith.constant 0 : i32
    %dma_start3A_647 = tpu.memref_slice %arg18[%add3A_643, %dma_start3A_646] : memref<10112x128xf32, #tpu.memory_space<vmem_shared>> -> memref<16x128xf32, #tpu.memory_space<vmem_shared>>
    tpu.enqueue_dma source(%arg17 : memref<16x128xf32, #tpu.memory_space<vmem>>) target(%dma_start3A_647 : memref<16x128xf32, #tpu.memory_space<vmem_shared>>) target_semaphore(%arg25 : memref<!tpu.dma_semaphore, #tpu.memory_space<semaphore_mem>>)
    %add3A_648 = arith.constant 352 : i32
    %add3A_649 = arith.addi %mul3A_516, %add3A_648 : i32
    %dma_start3A_650 = arith.constant 0 : i32
    %dma_start3A_651 = tpu.memref_slice %arg18[%add3A_649, %dma_start3A_650] : memref<10112x128xf32, #tpu.memory_space<vmem_shared>> -> memref<16x128xf32, #tpu.memory_space<vmem_shared>>
    %dma_start3A_652 = arith.constant 0 : i32
    %dma_start3A_653 = tpu.memref_slice %arg18[%add3A_649, %dma_start3A_652] : memref<10112x128xf32, #tpu.memory_space<vmem_shared>> -> memref<16x128xf32, #tpu.memory_space<vmem_shared>>
    tpu.enqueue_dma source(%arg17 : memref<16x128xf32, #tpu.memory_space<vmem>>) target(%dma_start3A_653 : memref<16x128xf32, #tpu.memory_space<vmem_shared>>) target_semaphore(%arg25 : memref<!tpu.dma_semaphore, #tpu.memory_space<semaphore_mem>>)
    %add3A_654 = arith.constant 368 : i32
    %add3A_655 = arith.addi %mul3A_516, %add3A_654 : i32
    %dma_start3A_656 = arith.constant 0 : i32
    %dma_start3A_657 = tpu.memref_slice %arg18[%add3A_655, %dma_start3A_656] : memref<10112x128xf32, #tpu.memory_space<vmem_shared>> -> memref<16x128xf32, #tpu.memory_space<vmem_shared>>
    %dma_start3A_658 = arith.constant 0 : i32
    %dma_start3A_659 = tpu.memref_slice %arg18[%add3A_655, %dma_start3A_658] : memref<10112x128xf32, #tpu.memory_space<vmem_shared>> -> memref<16x128xf32, #tpu.memory_space<vmem_shared>>
    tpu.enqueue_dma source(%arg17 : memref<16x128xf32, #tpu.memory_space<vmem>>) target(%dma_start3A_659 : memref<16x128xf32, #tpu.memory_space<vmem_shared>>) target_semaphore(%arg25 : memref<!tpu.dma_semaphore, #tpu.memory_space<semaphore_mem>>)
    %add3A_660 = arith.constant 384 : i32
    %add3A_661 = arith.addi %mul3A_516, %add3A_660 : i32
    %dma_start3A_662 = arith.constant 0 : i32
    %dma_start3A_663 = tpu.memref_slice %arg18[%add3A_661, %dma_start3A_662] : memref<10112x128xf32, #tpu.memory_space<vmem_shared>> -> memref<16x128xf32, #tpu.memory_space<vmem_shared>>
    %dma_start3A_664 = arith.constant 0 : i32
    %dma_start3A_665 = tpu.memref_slice %arg18[%add3A_661, %dma_start3A_664] : memref<10112x128xf32, #tpu.memory_space<vmem_shared>> -> memref<16x128xf32, #tpu.memory_space<vmem_shared>>
    tpu.enqueue_dma source(%arg17 : memref<16x128xf32, #tpu.memory_space<vmem>>) target(%dma_start3A_665 : memref<16x128xf32, #tpu.memory_space<vmem_shared>>) target_semaphore(%arg25 : memref<!tpu.dma_semaphore, #tpu.memory_space<semaphore_mem>>)
    %add3A_666 = arith.constant 400 : i32
    %add3A_667 = arith.addi %mul3A_516, %add3A_666 : i32
    %dma_start3A_668 = arith.constant 0 : i32
    %dma_start3A_669 = tpu.memref_slice %arg18[%add3A_667, %dma_start3A_668] : memref<10112x128xf32, #tpu.memory_space<vmem_shared>> -> memref<16x128xf32, #tpu.memory_space<vmem_shared>>
    %dma_start3A_670 = arith.constant 0 : i32
    %dma_start3A_671 = tpu.memref_slice %arg18[%add3A_667, %dma_start3A_670] : memref<10112x128xf32, #tpu.memory_space<vmem_shared>> -> memref<16x128xf32, #tpu.memory_space<vmem_shared>>
    tpu.enqueue_dma source(%arg17 : memref<16x128xf32, #tpu.memory_space<vmem>>) target(%dma_start3A_671 : memref<16x128xf32, #tpu.memory_space<vmem_shared>>) target_semaphore(%arg25 : memref<!tpu.dma_semaphore, #tpu.memory_space<semaphore_mem>>)
    %add3A_672 = arith.constant 416 : i32
    %add3A_673 = arith.addi %mul3A_516, %add3A_672 : i32
    %dma_start3A_674 = arith.constant 0 : i32
    %dma_start3A_675 = tpu.memref_slice %arg18[%add3A_673, %dma_start3A_674] : memref<10112x128xf32, #tpu.memory_space<vmem_shared>> -> memref<16x128xf32, #tpu.memory_space<vmem_shared>>
    %dma_start3A_676 = arith.constant 0 : i32
    %dma_start3A_677 = tpu.memref_slice %arg18[%add3A_673, %dma_start3A_676] : memref<10112x128xf32, #tpu.memory_space<vmem_shared>> -> memref<16x128xf32, #tpu.memory_space<vmem_shared>>
    tpu.enqueue_dma source(%arg17 : memref<16x128xf32, #tpu.memory_space<vmem>>) target(%dma_start3A_677 : memref<16x128xf32, #tpu.memory_space<vmem_shared>>) target_semaphore(%arg25 : memref<!tpu.dma_semaphore, #tpu.memory_space<semaphore_mem>>)
    %add3A_678 = arith.constant 432 : i32
    %add3A_679 = arith.addi %mul3A_516, %add3A_678 : i32
    %dma_start3A_680 = arith.constant 0 : i32
    %dma_start3A_681 = tpu.memref_slice %arg18[%add3A_679, %dma_start3A_680] : memref<10112x128xf32, #tpu.memory_space<vmem_shared>> -> memref<16x128xf32, #tpu.memory_space<vmem_shared>>
    %dma_start3A_682 = arith.constant 0 : i32
    %dma_start3A_683 = tpu.memref_slice %arg18[%add3A_679, %dma_start3A_682] : memref<10112x128xf32, #tpu.memory_space<vmem_shared>> -> memref<16x128xf32, #tpu.memory_space<vmem_shared>>
    tpu.enqueue_dma source(%arg17 : memref<16x128xf32, #tpu.memory_space<vmem>>) target(%dma_start3A_683 : memref<16x128xf32, #tpu.memory_space<vmem_shared>>) target_semaphore(%arg25 : memref<!tpu.dma_semaphore, #tpu.memory_space<semaphore_mem>>)
    %add3A_684 = arith.constant 448 : i32
    %add3A_685 = arith.addi %mul3A_516, %add3A_684 : i32
    %dma_start3A_686 = arith.constant 0 : i32
    %dma_start3A_687 = tpu.memref_slice %arg18[%add3A_685, %dma_start3A_686] : memref<10112x128xf32, #tpu.memory_space<vmem_shared>> -> memref<16x128xf32, #tpu.memory_space<vmem_shared>>
    %dma_start3A_688 = arith.constant 0 : i32
    %dma_start3A_689 = tpu.memref_slice %arg18[%add3A_685, %dma_start3A_688] : memref<10112x128xf32, #tpu.memory_space<vmem_shared>> -> memref<16x128xf32, #tpu.memory_space<vmem_shared>>
    tpu.enqueue_dma source(%arg17 : memref<16x128xf32, #tpu.memory_space<vmem>>) target(%dma_start3A_689 : memref<16x128xf32, #tpu.memory_space<vmem_shared>>) target_semaphore(%arg25 : memref<!tpu.dma_semaphore, #tpu.memory_space<semaphore_mem>>)
    %add3A_690 = arith.constant 464 : i32
    %add3A_691 = arith.addi %mul3A_516, %add3A_690 : i32
    %dma_start3A_692 = arith.constant 0 : i32
    %dma_start3A_693 = tpu.memref_slice %arg18[%add3A_691, %dma_start3A_692] : memref<10112x128xf32, #tpu.memory_space<vmem_shared>> -> memref<16x128xf32, #tpu.memory_space<vmem_shared>>
    %dma_start3A_694 = arith.constant 0 : i32
    %dma_start3A_695 = tpu.memref_slice %arg18[%add3A_691, %dma_start3A_694] : memref<10112x128xf32, #tpu.memory_space<vmem_shared>> -> memref<16x128xf32, #tpu.memory_space<vmem_shared>>
    tpu.enqueue_dma source(%arg17 : memref<16x128xf32, #tpu.memory_space<vmem>>) target(%dma_start3A_695 : memref<16x128xf32, #tpu.memory_space<vmem_shared>>) target_semaphore(%arg25 : memref<!tpu.dma_semaphore, #tpu.memory_space<semaphore_mem>>)
    %add3A_696 = arith.constant 480 : i32
    %add3A_697 = arith.addi %mul3A_516, %add3A_696 : i32
    %dma_start3A_698 = arith.constant 0 : i32
    %dma_start3A_699 = tpu.memref_slice %arg18[%add3A_697, %dma_start3A_698] : memref<10112x128xf32, #tpu.memory_space<vmem_shared>> -> memref<16x128xf32, #tpu.memory_space<vmem_shared>>
    %dma_start3A_700 = arith.constant 0 : i32
    %dma_start3A_701 = tpu.memref_slice %arg18[%add3A_697, %dma_start3A_700] : memref<10112x128xf32, #tpu.memory_space<vmem_shared>> -> memref<16x128xf32, #tpu.memory_space<vmem_shared>>
    tpu.enqueue_dma source(%arg17 : memref<16x128xf32, #tpu.memory_space<vmem>>) target(%dma_start3A_701 : memref<16x128xf32, #tpu.memory_space<vmem_shared>>) target_semaphore(%arg25 : memref<!tpu.dma_semaphore, #tpu.memory_space<semaphore_mem>>)
    %add3A_702 = arith.constant 496 : i32
    %add3A_703 = arith.addi %mul3A_516, %add3A_702 : i32
    %dma_start3A_704 = arith.constant 0 : i32
    %dma_start3A_705 = tpu.memref_slice %arg18[%add3A_703, %dma_start3A_704] : memref<10112x128xf32, #tpu.memory_space<vmem_shared>> -> memref<16x128xf32, #tpu.memory_space<vmem_shared>>
    %dma_start3A_706 = arith.constant 0 : i32
    %dma_start3A_707 = tpu.memref_slice %arg18[%add3A_703, %dma_start3A_706] : memref<10112x128xf32, #tpu.memory_space<vmem_shared>> -> memref<16x128xf32, #tpu.memory_space<vmem_shared>>
    tpu.enqueue_dma source(%arg17 : memref<16x128xf32, #tpu.memory_space<vmem>>) target(%dma_start3A_707 : memref<16x128xf32, #tpu.memory_space<vmem_shared>>) target_semaphore(%arg25 : memref<!tpu.dma_semaphore, #tpu.memory_space<semaphore_mem>>)
    %add3A_708 = arith.constant 512 : i32
    %add3A_709 = arith.addi %mul3A_516, %add3A_708 : i32
    %dma_start3A_710 = arith.constant 0 : i32
    %dma_start3A_711 = tpu.memref_slice %arg18[%add3A_709, %dma_start3A_710] : memref<10112x128xf32, #tpu.memory_space<vmem_shared>> -> memref<16x128xf32, #tpu.memory_space<vmem_shared>>
    %dma_start3A_712 = arith.constant 0 : i32
    %dma_start3A_713 = tpu.memref_slice %arg18[%add3A_709, %dma_start3A_712] : memref<10112x128xf32, #tpu.memory_space<vmem_shared>> -> memref<16x128xf32, #tpu.memory_space<vmem_shared>>
    tpu.enqueue_dma source(%arg17 : memref<16x128xf32, #tpu.memory_space<vmem>>) target(%dma_start3A_713 : memref<16x128xf32, #tpu.memory_space<vmem_shared>>) target_semaphore(%arg25 : memref<!tpu.dma_semaphore, #tpu.memory_space<semaphore_mem>>)
    %add3A_714 = arith.constant 528 : i32
    %add3A_715 = arith.addi %mul3A_516, %add3A_714 : i32
    %dma_start3A_716 = arith.constant 0 : i32
    %dma_start3A_717 = tpu.memref_slice %arg18[%add3A_715, %dma_start3A_716] : memref<10112x128xf32, #tpu.memory_space<vmem_shared>> -> memref<16x128xf32, #tpu.memory_space<vmem_shared>>
    %dma_start3A_718 = arith.constant 0 : i32
    %dma_start3A_719 = tpu.memref_slice %arg18[%add3A_715, %dma_start3A_718] : memref<10112x128xf32, #tpu.memory_space<vmem_shared>> -> memref<16x128xf32, #tpu.memory_space<vmem_shared>>
    tpu.enqueue_dma source(%arg17 : memref<16x128xf32, #tpu.memory_space<vmem>>) target(%dma_start3A_719 : memref<16x128xf32, #tpu.memory_space<vmem_shared>>) target_semaphore(%arg25 : memref<!tpu.dma_semaphore, #tpu.memory_space<semaphore_mem>>)
    %add3A_720 = arith.constant 544 : i32
    %add3A_721 = arith.addi %mul3A_516, %add3A_720 : i32
    %dma_start3A_722 = arith.constant 0 : i32
    %dma_start3A_723 = tpu.memref_slice %arg18[%add3A_721, %dma_start3A_722] : memref<10112x128xf32, #tpu.memory_space<vmem_shared>> -> memref<16x128xf32, #tpu.memory_space<vmem_shared>>
    %dma_start3A_724 = arith.constant 0 : i32
    %dma_start3A_725 = tpu.memref_slice %arg18[%add3A_721, %dma_start3A_724] : memref<10112x128xf32, #tpu.memory_space<vmem_shared>> -> memref<16x128xf32, #tpu.memory_space<vmem_shared>>
    tpu.enqueue_dma source(%arg17 : memref<16x128xf32, #tpu.memory_space<vmem>>) target(%dma_start3A_725 : memref<16x128xf32, #tpu.memory_space<vmem_shared>>) target_semaphore(%arg25 : memref<!tpu.dma_semaphore, #tpu.memory_space<semaphore_mem>>)
    %add3A_726 = arith.constant 560 : i32
    %add3A_727 = arith.addi %mul3A_516, %add3A_726 : i32
    %dma_start3A_728 = arith.constant 0 : i32
    %dma_start3A_729 = tpu.memref_slice %arg18[%add3A_727, %dma_start3A_728] : memref<10112x128xf32, #tpu.memory_space<vmem_shared>> -> memref<16x128xf32, #tpu.memory_space<vmem_shared>>
    %dma_start3A_730 = arith.constant 0 : i32
    %dma_start3A_731 = tpu.memref_slice %arg18[%add3A_727, %dma_start3A_730] : memref<10112x128xf32, #tpu.memory_space<vmem_shared>> -> memref<16x128xf32, #tpu.memory_space<vmem_shared>>
    tpu.enqueue_dma source(%arg17 : memref<16x128xf32, #tpu.memory_space<vmem>>) target(%dma_start3A_731 : memref<16x128xf32, #tpu.memory_space<vmem_shared>>) target_semaphore(%arg25 : memref<!tpu.dma_semaphore, #tpu.memory_space<semaphore_mem>>)
    %add3A_732 = arith.constant 576 : i32
    %add3A_733 = arith.addi %mul3A_516, %add3A_732 : i32
    %dma_start3A_734 = arith.constant 0 : i32
    %dma_start3A_735 = tpu.memref_slice %arg18[%add3A_733, %dma_start3A_734] : memref<10112x128xf32, #tpu.memory_space<vmem_shared>> -> memref<16x128xf32, #tpu.memory_space<vmem_shared>>
    %dma_start3A_736 = arith.constant 0 : i32
    %dma_start3A_737 = tpu.memref_slice %arg18[%add3A_733, %dma_start3A_736] : memref<10112x128xf32, #tpu.memory_space<vmem_shared>> -> memref<16x128xf32, #tpu.memory_space<vmem_shared>>
    tpu.enqueue_dma source(%arg17 : memref<16x128xf32, #tpu.memory_space<vmem>>) target(%dma_start3A_737 : memref<16x128xf32, #tpu.memory_space<vmem_shared>>) target_semaphore(%arg25 : memref<!tpu.dma_semaphore, #tpu.memory_space<semaphore_mem>>)
    %add3A_738 = arith.constant 592 : i32
    %add3A_739 = arith.addi %mul3A_516, %add3A_738 : i32
    %dma_start3A_740 = arith.constant 0 : i32
    %dma_start3A_741 = tpu.memref_slice %arg18[%add3A_739, %dma_start3A_740] : memref<10112x128xf32, #tpu.memory_space<vmem_shared>> -> memref<16x128xf32, #tpu.memory_space<vmem_shared>>
    %dma_start3A_742 = arith.constant 0 : i32
    %dma_start3A_743 = tpu.memref_slice %arg18[%add3A_739, %dma_start3A_742] : memref<10112x128xf32, #tpu.memory_space<vmem_shared>> -> memref<16x128xf32, #tpu.memory_space<vmem_shared>>
    tpu.enqueue_dma source(%arg17 : memref<16x128xf32, #tpu.memory_space<vmem>>) target(%dma_start3A_743 : memref<16x128xf32, #tpu.memory_space<vmem_shared>>) target_semaphore(%arg25 : memref<!tpu.dma_semaphore, #tpu.memory_space<semaphore_mem>>)
    %add3A_744 = arith.constant 608 : i32
    %add3A_745 = arith.addi %mul3A_516, %add3A_744 : i32
    %dma_start3A_746 = arith.constant 0 : i32
    %dma_start3A_747 = tpu.memref_slice %arg18[%add3A_745, %dma_start3A_746] : memref<10112x128xf32, #tpu.memory_space<vmem_shared>> -> memref<16x128xf32, #tpu.memory_space<vmem_shared>>
    %dma_start3A_748 = arith.constant 0 : i32
    %dma_start3A_749 = tpu.memref_slice %arg18[%add3A_745, %dma_start3A_748] : memref<10112x128xf32, #tpu.memory_space<vmem_shared>> -> memref<16x128xf32, #tpu.memory_space<vmem_shared>>
    tpu.enqueue_dma source(%arg17 : memref<16x128xf32, #tpu.memory_space<vmem>>) target(%dma_start3A_749 : memref<16x128xf32, #tpu.memory_space<vmem_shared>>) target_semaphore(%arg25 : memref<!tpu.dma_semaphore, #tpu.memory_space<semaphore_mem>>)
    %add3A_750 = arith.constant 624 : i32
    %add3A_751 = arith.addi %mul3A_516, %add3A_750 : i32
    %dma_start3A_752 = arith.constant 0 : i32
    %dma_start3A_753 = arith.constant 0 : i32
    %dma_start3A_754 = tpu.memref_slice %arg17[%dma_start3A_752, %dma_start3A_753] : memref<16x128xf32, #tpu.memory_space<vmem>> -> memref<8x128xf32, #tpu.memory_space<vmem>>
    %dma_start3A_755 = arith.constant 0 : i32
    %dma_start3A_756 = tpu.memref_slice %arg18[%add3A_751, %dma_start3A_755] : memref<10112x128xf32, #tpu.memory_space<vmem_shared>> -> memref<8x128xf32, #tpu.memory_space<vmem_shared>>
    %dma_start3A_757 = arith.constant 0 : i32
    %dma_start3A_758 = tpu.memref_slice %arg18[%add3A_751, %dma_start3A_757] : memref<10112x128xf32, #tpu.memory_space<vmem_shared>> -> memref<8x128xf32, #tpu.memory_space<vmem_shared>>
    %dma_start3A_759 = arith.constant 0 : i32
    %dma_start3A_760 = arith.constant 0 : i32
    %dma_start3A_761 = tpu.memref_slice %arg17[%dma_start3A_759, %dma_start3A_760] : memref<16x128xf32, #tpu.memory_space<vmem>> -> memref<8x128xf32, #tpu.memory_space<vmem>>
    tpu.enqueue_dma source(%dma_start3A_761 : memref<8x128xf32, #tpu.memory_space<vmem>>) target(%dma_start3A_758 : memref<8x128xf32, #tpu.memory_space<vmem_shared>>) target_semaphore(%arg25 : memref<!tpu.dma_semaphore, #tpu.memory_space<semaphore_mem>>)
    %add3A_762 = arith.constant 0 : i32
    %add3A_763 = arith.addi %mul3A_514, %add3A_762 : i32
    %dma_start3A_764 = tpu.memref_slice %arg3[%add3A_763] : memref<327680xi32, #tpu.memory_space<hbm>> -> memref<128xi32, #tpu.memory_space<hbm>>
    %dma_start3A_765 = tpu.memref_slice %arg3[%add3A_763] : memref<327680xi32, #tpu.memory_space<hbm>> -> memref<128xi32, #tpu.memory_space<hbm>>
    tpu.enqueue_dma source(%dma_start3A_765 : memref<128xi32, #tpu.memory_space<hbm>>) target(%arg7 : memref<128xi32, #tpu.memory_space<vmem>>) target_semaphore(%arg21 : memref<!tpu.dma_semaphore, #tpu.memory_space<semaphore_mem>>)
    %dma_start3A_766 = tpu.memref_slice %arg4[%add3A_763] : memref<327680xi32, #tpu.memory_space<hbm>> -> memref<128xi32, #tpu.memory_space<hbm>>
    %dma_start3A_767 = tpu.memref_slice %arg4[%add3A_763] : memref<327680xi32, #tpu.memory_space<hbm>> -> memref<128xi32, #tpu.memory_space<hbm>>
    tpu.enqueue_dma source(%dma_start3A_767 : memref<128xi32, #tpu.memory_space<hbm>>) target(%arg8 : memref<128xi32, #tpu.memory_space<vmem>>) target_semaphore(%arg21 : memref<!tpu.dma_semaphore, #tpu.memory_space<semaphore_mem>>)
    %add3A_768 = arith.constant 128 : i32
    %add3A_769 = arith.addi %mul3A_514, %add3A_768 : i32
    %dma_start3A_770 = tpu.memref_slice %arg3[%add3A_769] : memref<327680xi32, #tpu.memory_space<hbm>> -> memref<128xi32, #tpu.memory_space<hbm>>
    %dma_start3A_771 = tpu.memref_slice %arg3[%add3A_769] : memref<327680xi32, #tpu.memory_space<hbm>> -> memref<128xi32, #tpu.memory_space<hbm>>
    tpu.enqueue_dma source(%dma_start3A_771 : memref<128xi32, #tpu.memory_space<hbm>>) target(%arg9 : memref<128xi32, #tpu.memory_space<vmem>>) target_semaphore(%arg22 : memref<!tpu.dma_semaphore, #tpu.memory_space<semaphore_mem>>)
    %dma_start3A_772 = tpu.memref_slice %arg4[%add3A_769] : memref<327680xi32, #tpu.memory_space<hbm>> -> memref<128xi32, #tpu.memory_space<hbm>>
    %dma_start3A_773 = tpu.memref_slice %arg4[%add3A_769] : memref<327680xi32, #tpu.memory_space<hbm>> -> memref<128xi32, #tpu.memory_space<hbm>>
    tpu.enqueue_dma source(%dma_start3A_773 : memref<128xi32, #tpu.memory_space<hbm>>) target(%arg10 : memref<128xi32, #tpu.memory_space<vmem>>) target_semaphore(%arg22 : memref<!tpu.dma_semaphore, #tpu.memory_space<semaphore_mem>>)
    %add3A_774 = arith.constant 256 : i32
    %add3A_775 = arith.addi %mul3A_514, %add3A_774 : i32
    %dma_start3A_776 = tpu.memref_slice %arg3[%add3A_775] : memref<327680xi32, #tpu.memory_space<hbm>> -> memref<128xi32, #tpu.memory_space<hbm>>
    %dma_start3A_777 = tpu.memref_slice %arg3[%add3A_775] : memref<327680xi32, #tpu.memory_space<hbm>> -> memref<128xi32, #tpu.memory_space<hbm>>
    tpu.enqueue_dma source(%dma_start3A_777 : memref<128xi32, #tpu.memory_space<hbm>>) target(%arg11 : memref<128xi32, #tpu.memory_space<vmem>>) target_semaphore(%arg23 : memref<!tpu.dma_semaphore, #tpu.memory_space<semaphore_mem>>)
    %dma_start3A_778 = tpu.memref_slice %arg4[%add3A_775] : memref<327680xi32, #tpu.memory_space<hbm>> -> memref<128xi32, #tpu.memory_space<hbm>>
    %dma_start3A_779 = tpu.memref_slice %arg4[%add3A_775] : memref<327680xi32, #tpu.memory_space<hbm>> -> memref<128xi32, #tpu.memory_space<hbm>>
    tpu.enqueue_dma source(%dma_start3A_779 : memref<128xi32, #tpu.memory_space<hbm>>) target(%arg12 : memref<128xi32, #tpu.memory_space<vmem>>) target_semaphore(%arg23 : memref<!tpu.dma_semaphore, #tpu.memory_space<semaphore_mem>>)
    %add3A_780 = arith.constant 384 : i32
    %add3A_781 = arith.addi %mul3A_514, %add3A_780 : i32
    %dma_start3A_782 = tpu.memref_slice %arg3[%add3A_781] : memref<327680xi32, #tpu.memory_space<hbm>> -> memref<128xi32, #tpu.memory_space<hbm>>
    %dma_start3A_783 = tpu.memref_slice %arg3[%add3A_781] : memref<327680xi32, #tpu.memory_space<hbm>> -> memref<128xi32, #tpu.memory_space<hbm>>
    tpu.enqueue_dma source(%dma_start3A_783 : memref<128xi32, #tpu.memory_space<hbm>>) target(%arg13 : memref<128xi32, #tpu.memory_space<vmem>>) target_semaphore(%arg24 : memref<!tpu.dma_semaphore, #tpu.memory_space<semaphore_mem>>)
    %dma_start3A_784 = tpu.memref_slice %arg4[%add3A_781] : memref<327680xi32, #tpu.memory_space<hbm>> -> memref<128xi32, #tpu.memory_space<hbm>>
    %dma_start3A_785 = tpu.memref_slice %arg4[%add3A_781] : memref<327680xi32, #tpu.memory_space<hbm>> -> memref<128xi32, #tpu.memory_space<hbm>>
    tpu.enqueue_dma source(%dma_start3A_785 : memref<128xi32, #tpu.memory_space<hbm>>) target(%arg14 : memref<128xi32, #tpu.memory_space<vmem>>) target_semaphore(%arg24 : memref<!tpu.dma_semaphore, #tpu.memory_space<semaphore_mem>>)
    %dma_wait3A = arith.constant 0 : i32
    %dma_wait3A_786 = tpu.memref_slice %arg3[%dma_wait3A] : memref<327680xi32, #tpu.memory_space<hbm>> -> memref<128xi32, #tpu.memory_space<hbm>>
    %dma_wait3A_787 = arith.constant 0 : i32
    %dma_wait3A_788 = tpu.memref_slice %arg3[%dma_wait3A_787] : memref<327680xi32, #tpu.memory_space<hbm>> -> memref<128xi32, #tpu.memory_space<hbm>>
    tpu.wait_dma2 semaphore(%arg21 : memref<!tpu.dma_semaphore, #tpu.memory_space<semaphore_mem>>) src(%dma_wait3A_788 : memref<128xi32, #tpu.memory_space<hbm>>) dst(%arg7 : memref<128xi32, #tpu.memory_space<vmem>>)
    %dma_wait3A_789 = arith.constant 0 : i32
    %dma_wait3A_790 = tpu.memref_slice %arg4[%dma_wait3A_789] : memref<327680xi32, #tpu.memory_space<hbm>> -> memref<128xi32, #tpu.memory_space<hbm>>
    %dma_wait3A_791 = arith.constant 0 : i32
    %dma_wait3A_792 = tpu.memref_slice %arg4[%dma_wait3A_791] : memref<327680xi32, #tpu.memory_space<hbm>> -> memref<128xi32, #tpu.memory_space<hbm>>
    tpu.wait_dma2 semaphore(%arg21 : memref<!tpu.dma_semaphore, #tpu.memory_space<semaphore_mem>>) src(%dma_wait3A_792 : memref<128xi32, #tpu.memory_space<hbm>>) dst(%arg8 : memref<128xi32, #tpu.memory_space<vmem>>)
    %dma_start3A_793 = arith.constant 0 : i32
    %dma_start3A_794 = arith.constant 0 : i32
    %dma_start3A_795 = tpu.memref_slice %arg2[%dma_start3A_793, %dma_start3A_794] : memref<10000x128xf32, #tpu.memory_space<hbm>> -> memref<10000x128xf32, #tpu.memory_space<hbm>>
    tpu.enqueue_indirect_dma source(%dma_start3A_795 : memref<10000x128xf32, #tpu.memory_space<hbm>>) target(%arg15 : memref<128x128xf32, #tpu.memory_space<vmem>>) offsets(%arg7 : memref<128xi32, #tpu.memory_space<vmem>>) semaphore(%arg19 : memref<!tpu.dma_semaphore, #tpu.memory_space<semaphore_mem>>)
    %dma_wait3A_796 = arith.constant 0 : i32
    %dma_wait3A_797 = tpu.memref_slice %arg3[%dma_wait3A_796] : memref<327680xi32, #tpu.memory_space<hbm>> -> memref<128xi32, #tpu.memory_space<hbm>>
    %dma_wait3A_798 = arith.constant 0 : i32
    %dma_wait3A_799 = tpu.memref_slice %arg3[%dma_wait3A_798] : memref<327680xi32, #tpu.memory_space<hbm>> -> memref<128xi32, #tpu.memory_space<hbm>>
    tpu.wait_dma2 semaphore(%arg22 : memref<!tpu.dma_semaphore, #tpu.memory_space<semaphore_mem>>) src(%dma_wait3A_799 : memref<128xi32, #tpu.memory_space<hbm>>) dst(%arg9 : memref<128xi32, #tpu.memory_space<vmem>>)
    %dma_wait3A_800 = arith.constant 0 : i32
    %dma_wait3A_801 = tpu.memref_slice %arg4[%dma_wait3A_800] : memref<327680xi32, #tpu.memory_space<hbm>> -> memref<128xi32, #tpu.memory_space<hbm>>
    %dma_wait3A_802 = arith.constant 0 : i32
    %dma_wait3A_803 = tpu.memref_slice %arg4[%dma_wait3A_802] : memref<327680xi32, #tpu.memory_space<hbm>> -> memref<128xi32, #tpu.memory_space<hbm>>
    tpu.wait_dma2 semaphore(%arg22 : memref<!tpu.dma_semaphore, #tpu.memory_space<semaphore_mem>>) src(%dma_wait3A_803 : memref<128xi32, #tpu.memory_space<hbm>>) dst(%arg10 : memref<128xi32, #tpu.memory_space<vmem>>)
    %dma_start3A_804 = arith.constant 0 : i32
    %dma_start3A_805 = arith.constant 0 : i32
    %dma_start3A_806 = tpu.memref_slice %arg2[%dma_start3A_804, %dma_start3A_805] : memref<10000x128xf32, #tpu.memory_space<hbm>> -> memref<10000x128xf32, #tpu.memory_space<hbm>>
    tpu.enqueue_indirect_dma source(%dma_start3A_806 : memref<10000x128xf32, #tpu.memory_space<hbm>>) target(%arg16 : memref<128x128xf32, #tpu.memory_space<vmem>>) offsets(%arg9 : memref<128xi32, #tpu.memory_space<vmem>>) semaphore(%arg20 : memref<!tpu.dma_semaphore, #tpu.memory_space<semaphore_mem>>)
    %scan3A = arith.constant 0 : i32
    %scan3A_807 = arith.constant 0 : i32
    %scan3A_808 = arith.constant 632 : i32
    %scan3A_809 = arith.addi %scan3A_807, %scan3A_808 : i32
    %scan3A_810 = arith.constant 1 : i32
    scf.for %scan3A_1096 = %scan3A_807 to %scan3A_809 step %scan3A_810  : i32 {
      %mul3A_1097 = arith.constant 16 : i32
      %mul3A_1098 = arith.muli %scan3A_1096, %mul3A_1097 : i32
      %swap3A_1099 = arith.index_cast %mul3A_1098 : i32 to index
      %swap3A_1100 = tpu.vector_load %arg26[%swap3A_1099] {strides = array<i32>} : memref<10112xf32, #tpu.memory_space<vmem>>, vector<16xf32>,
      tpu.vector_store %arg26[%swap3A_1099], %broadcast_in_dim3A_1 {strides = array<i32>} : memref<10112xf32, #tpu.memory_space<vmem>>, vector<16xf32>,
    }
    %scan3A_811 = arith.constant 632 : i32
    %broadcast_in_dim3A_812 = arith.constant 1.000000e+00 : f32
    %broadcast_in_dim3A_813 = vector.broadcast %broadcast_in_dim3A_812 : f32 to vector<16xf32>
    %dma_wait3A_814 = arith.constant 0 : i32
    %dma_wait3A_815 = tpu.memref_slice %arg18[%add3A_518, %dma_wait3A_814] : memref<10112x128xf32, #tpu.memory_space<vmem_shared>> -> memref<16x128xf32, #tpu.memory_space<vmem_shared>>
    %dma_wait3A_816 = arith.constant 0 : i32
    %dma_wait3A_817 = tpu.memref_slice %arg18[%add3A_518, %dma_wait3A_816] : memref<10112x128xf32, #tpu.memory_space<vmem_shared>> -> memref<16x128xf32, #tpu.memory_space<vmem_shared>>
    tpu.wait_dma2 semaphore(%arg25 : memref<!tpu.dma_semaphore, #tpu.memory_space<semaphore_mem>>) src(%arg17 : memref<16x128xf32, #tpu.memory_space<vmem>>) dst(%dma_wait3A_817 : memref<16x128xf32, #tpu.memory_space<vmem_shared>>)
    %dma_wait3A_818 = arith.constant 0 : i32
    %dma_wait3A_819 = tpu.memref_slice %arg18[%add3A_523, %dma_wait3A_818] : memref<10112x128xf32, #tpu.memory_space<vmem_shared>> -> memref<16x128xf32, #tpu.memory_space<vmem_shared>>
    %dma_wait3A_820 = arith.constant 0 : i32
    %dma_wait3A_821 = tpu.memref_slice %arg18[%add3A_523, %dma_wait3A_820] : memref<10112x128xf32, #tpu.memory_space<vmem_shared>> -> memref<16x128xf32, #tpu.memory_space<vmem_shared>>
    tpu.wait_dma2 semaphore(%arg25 : memref<!tpu.dma_semaphore, #tpu.memory_space<semaphore_mem>>) src(%arg17 : memref<16x128xf32, #tpu.memory_space<vmem>>) dst(%dma_wait3A_821 : memref<16x128xf32, #tpu.memory_space<vmem_shared>>)
    %dma_wait3A_822 = arith.constant 0 : i32
    %dma_wait3A_823 = tpu.memref_slice %arg18[%add3A_529, %dma_wait3A_822] : memref<10112x128xf32, #tpu.memory_space<vmem_shared>> -> memref<16x128xf32, #tpu.memory_space<vmem_shared>>
    %dma_wait3A_824 = arith.constant 0 : i32
    %dma_wait3A_825 = tpu.memref_slice %arg18[%add3A_529, %dma_wait3A_824] : memref<10112x128xf32, #tpu.memory_space<vmem_shared>> -> memref<16x128xf32, #tpu.memory_space<vmem_shared>>
    tpu.wait_dma2 semaphore(%arg25 : memref<!tpu.dma_semaphore, #tpu.memory_space<semaphore_mem>>) src(%arg17 : memref<16x128xf32, #tpu.memory_space<vmem>>) dst(%dma_wait3A_825 : memref<16x128xf32, #tpu.memory_space<vmem_shared>>)
    %dma_wait3A_826 = arith.constant 0 : i32
    %dma_wait3A_827 = tpu.memref_slice %arg18[%add3A_535, %dma_wait3A_826] : memref<10112x128xf32, #tpu.memory_space<vmem_shared>> -> memref<16x128xf32, #tpu.memory_space<vmem_shared>>
    %dma_wait3A_828 = arith.constant 0 : i32
    %dma_wait3A_829 = tpu.memref_slice %arg18[%add3A_535, %dma_wait3A_828] : memref<10112x128xf32, #tpu.memory_space<vmem_shared>> -> memref<16x128xf32, #tpu.memory_space<vmem_shared>>
    tpu.wait_dma2 semaphore(%arg25 : memref<!tpu.dma_semaphore, #tpu.memory_space<semaphore_mem>>) src(%arg17 : memref<16x128xf32, #tpu.memory_space<vmem>>) dst(%dma_wait3A_829 : memref<16x128xf32, #tpu.memory_space<vmem_shared>>)
    %dma_wait3A_830 = arith.constant 0 : i32
    %dma_wait3A_831 = tpu.memref_slice %arg18[%add3A_541, %dma_wait3A_830] : memref<10112x128xf32, #tpu.memory_space<vmem_shared>> -> memref<16x128xf32, #tpu.memory_space<vmem_shared>>
    %dma_wait3A_832 = arith.constant 0 : i32
    %dma_wait3A_833 = tpu.memref_slice %arg18[%add3A_541, %dma_wait3A_832] : memref<10112x128xf32, #tpu.memory_space<vmem_shared>> -> memref<16x128xf32, #tpu.memory_space<vmem_shared>>
    tpu.wait_dma2 semaphore(%arg25 : memref<!tpu.dma_semaphore, #tpu.memory_space<semaphore_mem>>) src(%arg17 : memref<16x128xf32, #tpu.memory_space<vmem>>) dst(%dma_wait3A_833 : memref<16x128xf32, #tpu.memory_space<vmem_shared>>)
    %dma_wait3A_834 = arith.constant 0 : i32
    %dma_wait3A_835 = tpu.memref_slice %arg18[%add3A_547, %dma_wait3A_834] : memref<10112x128xf32, #tpu.memory_space<vmem_shared>> -> memref<16x128xf32, #tpu.memory_space<vmem_shared>>
    %dma_wait3A_836 = arith.constant 0 : i32
    %dma_wait3A_837 = tpu.memref_slice %arg18[%add3A_547, %dma_wait3A_836] : memref<10112x128xf32, #tpu.memory_space<vmem_shared>> -> memref<16x128xf32, #tpu.memory_space<vmem_shared>>
    tpu.wait_dma2 semaphore(%arg25 : memref<!tpu.dma_semaphore, #tpu.memory_space<semaphore_mem>>) src(%arg17 : memref<16x128xf32, #tpu.memory_space<vmem>>) dst(%dma_wait3A_837 : memref<16x128xf32, #tpu.memory_space<vmem_shared>>)
    %dma_wait3A_838 = arith.constant 0 : i32
    %dma_wait3A_839 = tpu.memref_slice %arg18[%add3A_553, %dma_wait3A_838] : memref<10112x128xf32, #tpu.memory_space<vmem_shared>> -> memref<16x128xf32, #tpu.memory_space<vmem_shared>>
    %dma_wait3A_840 = arith.constant 0 : i32
    %dma_wait3A_841 = tpu.memref_slice %arg18[%add3A_553, %dma_wait3A_840] : memref<10112x128xf32, #tpu.memory_space<vmem_shared>> -> memref<16x128xf32, #tpu.memory_space<vmem_shared>>
    tpu.wait_dma2 semaphore(%arg25 : memref<!tpu.dma_semaphore, #tpu.memory_space<semaphore_mem>>) src(%arg17 : memref<16x128xf32, #tpu.memory_space<vmem>>) dst(%dma_wait3A_841 : memref<16x128xf32, #tpu.memory_space<vmem_shared>>)
    %dma_wait3A_842 = arith.constant 0 : i32
    %dma_wait3A_843 = tpu.memref_slice %arg18[%add3A_559, %dma_wait3A_842] : memref<10112x128xf32, #tpu.memory_space<vmem_shared>> -> memref<16x128xf32, #tpu.memory_space<vmem_shared>>
    %dma_wait3A_844 = arith.constant 0 : i32
    %dma_wait3A_845 = tpu.memref_slice %arg18[%add3A_559, %dma_wait3A_844] : memref<10112x128xf32, #tpu.memory_space<vmem_shared>> -> memref<16x128xf32, #tpu.memory_space<vmem_shared>>
    tpu.wait_dma2 semaphore(%arg25 : memref<!tpu.dma_semaphore, #tpu.memory_space<semaphore_mem>>) src(%arg17 : memref<16x128xf32, #tpu.memory_space<vmem>>) dst(%dma_wait3A_845 : memref<16x128xf32, #tpu.memory_space<vmem_shared>>)
    %dma_wait3A_846 = arith.constant 0 : i32
    %dma_wait3A_847 = tpu.memref_slice %arg18[%add3A_565, %dma_wait3A_846] : memref<10112x128xf32, #tpu.memory_space<vmem_shared>> -> memref<16x128xf32, #tpu.memory_space<vmem_shared>>
    %dma_wait3A_848 = arith.constant 0 : i32
    %dma_wait3A_849 = tpu.memref_slice %arg18[%add3A_565, %dma_wait3A_848] : memref<10112x128xf32, #tpu.memory_space<vmem_shared>> -> memref<16x128xf32, #tpu.memory_space<vmem_shared>>
    tpu.wait_dma2 semaphore(%arg25 : memref<!tpu.dma_semaphore, #tpu.memory_space<semaphore_mem>>) src(%arg17 : memref<16x128xf32, #tpu.memory_space<vmem>>) dst(%dma_wait3A_849 : memref<16x128xf32, #tpu.memory_space<vmem_shared>>)
    %dma_wait3A_850 = arith.constant 0 : i32
    %dma_wait3A_851 = tpu.memref_slice %arg18[%add3A_571, %dma_wait3A_850] : memref<10112x128xf32, #tpu.memory_space<vmem_shared>> -> memref<16x128xf32, #tpu.memory_space<vmem_shared>>
    %dma_wait3A_852 = arith.constant 0 : i32
    %dma_wait3A_853 = tpu.memref_slice %arg18[%add3A_571, %dma_wait3A_852] : memref<10112x128xf32, #tpu.memory_space<vmem_shared>> -> memref<16x128xf32, #tpu.memory_space<vmem_shared>>
    tpu.wait_dma2 semaphore(%arg25 : memref<!tpu.dma_semaphore, #tpu.memory_space<semaphore_mem>>) src(%arg17 : memref<16x128xf32, #tpu.memory_space<vmem>>) dst(%dma_wait3A_853 : memref<16x128xf32, #tpu.memory_space<vmem_shared>>)
    %dma_wait3A_854 = arith.constant 0 : i32
    %dma_wait3A_855 = tpu.memref_slice %arg18[%add3A_577, %dma_wait3A_854] : memref<10112x128xf32, #tpu.memory_space<vmem_shared>> -> memref<16x128xf32, #tpu.memory_space<vmem_shared>>
    %dma_wait3A_856 = arith.constant 0 : i32
    %dma_wait3A_857 = tpu.memref_slice %arg18[%add3A_577, %dma_wait3A_856] : memref<10112x128xf32, #tpu.memory_space<vmem_shared>> -> memref<16x128xf32, #tpu.memory_space<vmem_shared>>
    tpu.wait_dma2 semaphore(%arg25 : memref<!tpu.dma_semaphore, #tpu.memory_space<semaphore_mem>>) src(%arg17 : memref<16x128xf32, #tpu.memory_space<vmem>>) dst(%dma_wait3A_857 : memref<16x128xf32, #tpu.memory_space<vmem_shared>>)
    %dma_wait3A_858 = arith.constant 0 : i32
    %dma_wait3A_859 = tpu.memref_slice %arg18[%add3A_583, %dma_wait3A_858] : memref<10112x128xf32, #tpu.memory_space<vmem_shared>> -> memref<16x128xf32, #tpu.memory_space<vmem_shared>>
    %dma_wait3A_860 = arith.constant 0 : i32
    %dma_wait3A_861 = tpu.memref_slice %arg18[%add3A_583, %dma_wait3A_860] : memref<10112x128xf32, #tpu.memory_space<vmem_shared>> -> memref<16x128xf32, #tpu.memory_space<vmem_shared>>
    tpu.wait_dma2 semaphore(%arg25 : memref<!tpu.dma_semaphore, #tpu.memory_space<semaphore_mem>>) src(%arg17 : memref<16x128xf32, #tpu.memory_space<vmem>>) dst(%dma_wait3A_861 : memref<16x128xf32, #tpu.memory_space<vmem_shared>>)
    %dma_wait3A_862 = arith.constant 0 : i32
    %dma_wait3A_863 = tpu.memref_slice %arg18[%add3A_589, %dma_wait3A_862] : memref<10112x128xf32, #tpu.memory_space<vmem_shared>> -> memref<16x128xf32, #tpu.memory_space<vmem_shared>>
    %dma_wait3A_864 = arith.constant 0 : i32
    %dma_wait3A_865 = tpu.memref_slice %arg18[%add3A_589, %dma_wait3A_864] : memref<10112x128xf32, #tpu.memory_space<vmem_shared>> -> memref<16x128xf32, #tpu.memory_space<vmem_shared>>
    tpu.wait_dma2 semaphore(%arg25 : memref<!tpu.dma_semaphore, #tpu.memory_space<semaphore_mem>>) src(%arg17 : memref<16x128xf32, #tpu.memory_space<vmem>>) dst(%dma_wait3A_865 : memref<16x128xf32, #tpu.memory_space<vmem_shared>>)
    %dma_wait3A_866 = arith.constant 0 : i32
    %dma_wait3A_867 = tpu.memref_slice %arg18[%add3A_595, %dma_wait3A_866] : memref<10112x128xf32, #tpu.memory_space<vmem_shared>> -> memref<16x128xf32, #tpu.memory_space<vmem_shared>>
    %dma_wait3A_868 = arith.constant 0 : i32
    %dma_wait3A_869 = tpu.memref_slice %arg18[%add3A_595, %dma_wait3A_868] : memref<10112x128xf32, #tpu.memory_space<vmem_shared>> -> memref<16x128xf32, #tpu.memory_space<vmem_shared>>
    tpu.wait_dma2 semaphore(%arg25 : memref<!tpu.dma_semaphore, #tpu.memory_space<semaphore_mem>>) src(%arg17 : memref<16x128xf32, #tpu.memory_space<vmem>>) dst(%dma_wait3A_869 : memref<16x128xf32, #tpu.memory_space<vmem_shared>>)
    %dma_wait3A_870 = arith.constant 0 : i32
    %dma_wait3A_871 = tpu.memref_slice %arg18[%add3A_601, %dma_wait3A_870] : memref<10112x128xf32, #tpu.memory_space<vmem_shared>> -> memref<16x128xf32, #tpu.memory_space<vmem_shared>>
    %dma_wait3A_872 = arith.constant 0 : i32
    %dma_wait3A_873 = tpu.memref_slice %arg18[%add3A_601, %dma_wait3A_872] : memref<10112x128xf32, #tpu.memory_space<vmem_shared>> -> memref<16x128xf32, #tpu.memory_space<vmem_shared>>
    tpu.wait_dma2 semaphore(%arg25 : memref<!tpu.dma_semaphore, #tpu.memory_space<semaphore_mem>>) src(%arg17 : memref<16x128xf32, #tpu.memory_space<vmem>>) dst(%dma_wait3A_873 : memref<16x128xf32, #tpu.memory_space<vmem_shared>>)
    %dma_wait3A_874 = arith.constant 0 : i32
    %dma_wait3A_875 = tpu.memref_slice %arg18[%add3A_607, %dma_wait3A_874] : memref<10112x128xf32, #tpu.memory_space<vmem_shared>> -> memref<16x128xf32, #tpu.memory_space<vmem_shared>>
    %dma_wait3A_876 = arith.constant 0 : i32
    %dma_wait3A_877 = tpu.memref_slice %arg18[%add3A_607, %dma_wait3A_876] : memref<10112x128xf32, #tpu.memory_space<vmem_shared>> -> memref<16x128xf32, #tpu.memory_space<vmem_shared>>
    tpu.wait_dma2 semaphore(%arg25 : memref<!tpu.dma_semaphore, #tpu.memory_space<semaphore_mem>>) src(%arg17 : memref<16x128xf32, #tpu.memory_space<vmem>>) dst(%dma_wait3A_877 : memref<16x128xf32, #tpu.memory_space<vmem_shared>>)
    %dma_wait3A_878 = arith.constant 0 : i32
    %dma_wait3A_879 = tpu.memref_slice %arg18[%add3A_613, %dma_wait3A_878] : memref<10112x128xf32, #tpu.memory_space<vmem_shared>> -> memref<16x128xf32, #tpu.memory_space<vmem_shared>>
    %dma_wait3A_880 = arith.constant 0 : i32
    %dma_wait3A_881 = tpu.memref_slice %arg18[%add3A_613, %dma_wait3A_880] : memref<10112x128xf32, #tpu.memory_space<vmem_shared>> -> memref<16x128xf32, #tpu.memory_space<vmem_shared>>
    tpu.wait_dma2 semaphore(%arg25 : memref<!tpu.dma_semaphore, #tpu.memory_space<semaphore_mem>>) src(%arg17 : memref<16x128xf32, #tpu.memory_space<vmem>>) dst(%dma_wait3A_881 : memref<16x128xf32, #tpu.memory_space<vmem_shared>>)
    %dma_wait3A_882 = arith.constant 0 : i32
    %dma_wait3A_883 = tpu.memref_slice %arg18[%add3A_619, %dma_wait3A_882] : memref<10112x128xf32, #tpu.memory_space<vmem_shared>> -> memref<16x128xf32, #tpu.memory_space<vmem_shared>>
    %dma_wait3A_884 = arith.constant 0 : i32
    %dma_wait3A_885 = tpu.memref_slice %arg18[%add3A_619, %dma_wait3A_884] : memref<10112x128xf32, #tpu.memory_space<vmem_shared>> -> memref<16x128xf32, #tpu.memory_space<vmem_shared>>
    tpu.wait_dma2 semaphore(%arg25 : memref<!tpu.dma_semaphore, #tpu.memory_space<semaphore_mem>>) src(%arg17 : memref<16x128xf32, #tpu.memory_space<vmem>>) dst(%dma_wait3A_885 : memref<16x128xf32, #tpu.memory_space<vmem_shared>>)
    %dma_wait3A_886 = arith.constant 0 : i32
    %dma_wait3A_887 = tpu.memref_slice %arg18[%add3A_625, %dma_wait3A_886] : memref<10112x128xf32, #tpu.memory_space<vmem_shared>> -> memref<16x128xf32, #tpu.memory_space<vmem_shared>>
    %dma_wait3A_888 = arith.constant 0 : i32
    %dma_wait3A_889 = tpu.memref_slice %arg18[%add3A_625, %dma_wait3A_888] : memref<10112x128xf32, #tpu.memory_space<vmem_shared>> -> memref<16x128xf32, #tpu.memory_space<vmem_shared>>
    tpu.wait_dma2 semaphore(%arg25 : memref<!tpu.dma_semaphore, #tpu.memory_space<semaphore_mem>>) src(%arg17 : memref<16x128xf32, #tpu.memory_space<vmem>>) dst(%dma_wait3A_889 : memref<16x128xf32, #tpu.memory_space<vmem_shared>>)
    %dma_wait3A_890 = arith.constant 0 : i32
    %dma_wait3A_891 = tpu.memref_slice %arg18[%add3A_631, %dma_wait3A_890] : memref<10112x128xf32, #tpu.memory_space<vmem_shared>> -> memref<16x128xf32, #tpu.memory_space<vmem_shared>>
    %dma_wait3A_892 = arith.constant 0 : i32
    %dma_wait3A_893 = tpu.memref_slice %arg18[%add3A_631, %dma_wait3A_892] : memref<10112x128xf32, #tpu.memory_space<vmem_shared>> -> memref<16x128xf32, #tpu.memory_space<vmem_shared>>
    tpu.wait_dma2 semaphore(%arg25 : memref<!tpu.dma_semaphore, #tpu.memory_space<semaphore_mem>>) src(%arg17 : memref<16x128xf32, #tpu.memory_space<vmem>>) dst(%dma_wait3A_893 : memref<16x128xf32, #tpu.memory_space<vmem_shared>>)
    %dma_wait3A_894 = arith.constant 0 : i32
    %dma_wait3A_895 = tpu.memref_slice %arg18[%add3A_637, %dma_wait3A_894] : memref<10112x128xf32, #tpu.memory_space<vmem_shared>> -> memref<16x128xf32, #tpu.memory_space<vmem_shared>>
    %dma_wait3A_896 = arith.constant 0 : i32
    %dma_wait3A_897 = tpu.memref_slice %arg18[%add3A_637, %dma_wait3A_896] : memref<10112x128xf32, #tpu.memory_space<vmem_shared>> -> memref<16x128xf32, #tpu.memory_space<vmem_shared>>
    tpu.wait_dma2 semaphore(%arg25 : memref<!tpu.dma_semaphore, #tpu.memory_space<semaphore_mem>>) src(%arg17 : memref<16x128xf32, #tpu.memory_space<vmem>>) dst(%dma_wait3A_897 : memref<16x128xf32, #tpu.memory_space<vmem_shared>>)
    %dma_wait3A_898 = arith.constant 0 : i32
    %dma_wait3A_899 = tpu.memref_slice %arg18[%add3A_643, %dma_wait3A_898] : memref<10112x128xf32, #tpu.memory_space<vmem_shared>> -> memref<16x128xf32, #tpu.memory_space<vmem_shared>>
    %dma_wait3A_900 = arith.constant 0 : i32
    %dma_wait3A_901 = tpu.memref_slice %arg18[%add3A_643, %dma_wait3A_900] : memref<10112x128xf32, #tpu.memory_space<vmem_shared>> -> memref<16x128xf32, #tpu.memory_space<vmem_shared>>
    tpu.wait_dma2 semaphore(%arg25 : memref<!tpu.dma_semaphore, #tpu.memory_space<semaphore_mem>>) src(%arg17 : memref<16x128xf32, #tpu.memory_space<vmem>>) dst(%dma_wait3A_901 : memref<16x128xf32, #tpu.memory_space<vmem_shared>>)
    %dma_wait3A_902 = arith.constant 0 : i32
    %dma_wait3A_903 = tpu.memref_slice %arg18[%add3A_649, %dma_wait3A_902] : memref<10112x128xf32, #tpu.memory_space<vmem_shared>> -> memref<16x128xf32, #tpu.memory_space<vmem_shared>>
    %dma_wait3A_904 = arith.constant 0 : i32
    %dma_wait3A_905 = tpu.memref_slice %arg18[%add3A_649, %dma_wait3A_904] : memref<10112x128xf32, #tpu.memory_space<vmem_shared>> -> memref<16x128xf32, #tpu.memory_space<vmem_shared>>
    tpu.wait_dma2 semaphore(%arg25 : memref<!tpu.dma_semaphore, #tpu.memory_space<semaphore_mem>>) src(%arg17 : memref<16x128xf32, #tpu.memory_space<vmem>>) dst(%dma_wait3A_905 : memref<16x128xf32, #tpu.memory_space<vmem_shared>>)
    %dma_wait3A_906 = arith.constant 0 : i32
    %dma_wait3A_907 = tpu.memref_slice %arg18[%add3A_655, %dma_wait3A_906] : memref<10112x128xf32, #tpu.memory_space<vmem_shared>> -> memref<16x128xf32, #tpu.memory_space<vmem_shared>>
    %dma_wait3A_908 = arith.constant 0 : i32
    %dma_wait3A_909 = tpu.memref_slice %arg18[%add3A_655, %dma_wait3A_908] : memref<10112x128xf32, #tpu.memory_space<vmem_shared>> -> memref<16x128xf32, #tpu.memory_space<vmem_shared>>
    tpu.wait_dma2 semaphore(%arg25 : memref<!tpu.dma_semaphore, #tpu.memory_space<semaphore_mem>>) src(%arg17 : memref<16x128xf32, #tpu.memory_space<vmem>>) dst(%dma_wait3A_909 : memref<16x128xf32, #tpu.memory_space<vmem_shared>>)
    %dma_wait3A_910 = arith.constant 0 : i32
    %dma_wait3A_911 = tpu.memref_slice %arg18[%add3A_661, %dma_wait3A_910] : memref<10112x128xf32, #tpu.memory_space<vmem_shared>> -> memref<16x128xf32, #tpu.memory_space<vmem_shared>>
    %dma_wait3A_912 = arith.constant 0 : i32
    %dma_wait3A_913 = tpu.memref_slice %arg18[%add3A_661, %dma_wait3A_912] : memref<10112x128xf32, #tpu.memory_space<vmem_shared>> -> memref<16x128xf32, #tpu.memory_space<vmem_shared>>
    tpu.wait_dma2 semaphore(%arg25 : memref<!tpu.dma_semaphore, #tpu.memory_space<semaphore_mem>>) src(%arg17 : memref<16x128xf32, #tpu.memory_space<vmem>>) dst(%dma_wait3A_913 : memref<16x128xf32, #tpu.memory_space<vmem_shared>>)
    %dma_wait3A_914 = arith.constant 0 : i32
    %dma_wait3A_915 = tpu.memref_slice %arg18[%add3A_667, %dma_wait3A_914] : memref<10112x128xf32, #tpu.memory_space<vmem_shared>> -> memref<16x128xf32, #tpu.memory_space<vmem_shared>>
    %dma_wait3A_916 = arith.constant 0 : i32
    %dma_wait3A_917 = tpu.memref_slice %arg18[%add3A_667, %dma_wait3A_916] : memref<10112x128xf32, #tpu.memory_space<vmem_shared>> -> memref<16x128xf32, #tpu.memory_space<vmem_shared>>
    tpu.wait_dma2 semaphore(%arg25 : memref<!tpu.dma_semaphore, #tpu.memory_space<semaphore_mem>>) src(%arg17 : memref<16x128xf32, #tpu.memory_space<vmem>>) dst(%dma_wait3A_917 : memref<16x128xf32, #tpu.memory_space<vmem_shared>>)
    %dma_wait3A_918 = arith.constant 0 : i32
    %dma_wait3A_919 = tpu.memref_slice %arg18[%add3A_673, %dma_wait3A_918] : memref<10112x128xf32, #tpu.memory_space<vmem_shared>> -> memref<16x128xf32, #tpu.memory_space<vmem_shared>>
    %dma_wait3A_920 = arith.constant 0 : i32
    %dma_wait3A_921 = tpu.memref_slice %arg18[%add3A_673, %dma_wait3A_920] : memref<10112x128xf32, #tpu.memory_space<vmem_shared>> -> memref<16x128xf32, #tpu.memory_space<vmem_shared>>
    tpu.wait_dma2 semaphore(%arg25 : memref<!tpu.dma_semaphore, #tpu.memory_space<semaphore_mem>>) src(%arg17 : memref<16x128xf32, #tpu.memory_space<vmem>>) dst(%dma_wait3A_921 : memref<16x128xf32, #tpu.memory_space<vmem_shared>>)
    %dma_wait3A_922 = arith.constant 0 : i32
    %dma_wait3A_923 = tpu.memref_slice %arg18[%add3A_679, %dma_wait3A_922] : memref<10112x128xf32, #tpu.memory_space<vmem_shared>> -> memref<16x128xf32, #tpu.memory_space<vmem_shared>>
    %dma_wait3A_924 = arith.constant 0 : i32
    %dma_wait3A_925 = tpu.memref_slice %arg18[%add3A_679, %dma_wait3A_924] : memref<10112x128xf32, #tpu.memory_space<vmem_shared>> -> memref<16x128xf32, #tpu.memory_space<vmem_shared>>
    tpu.wait_dma2 semaphore(%arg25 : memref<!tpu.dma_semaphore, #tpu.memory_space<semaphore_mem>>) src(%arg17 : memref<16x128xf32, #tpu.memory_space<vmem>>) dst(%dma_wait3A_925 : memref<16x128xf32, #tpu.memory_space<vmem_shared>>)
    %dma_wait3A_926 = arith.constant 0 : i32
    %dma_wait3A_927 = tpu.memref_slice %arg18[%add3A_685, %dma_wait3A_926] : memref<10112x128xf32, #tpu.memory_space<vmem_shared>> -> memref<16x128xf32, #tpu.memory_space<vmem_shared>>
    %dma_wait3A_928 = arith.constant 0 : i32
    %dma_wait3A_929 = tpu.memref_slice %arg18[%add3A_685, %dma_wait3A_928] : memref<10112x128xf32, #tpu.memory_space<vmem_shared>> -> memref<16x128xf32, #tpu.memory_space<vmem_shared>>
    tpu.wait_dma2 semaphore(%arg25 : memref<!tpu.dma_semaphore, #tpu.memory_space<semaphore_mem>>) src(%arg17 : memref<16x128xf32, #tpu.memory_space<vmem>>) dst(%dma_wait3A_929 : memref<16x128xf32, #tpu.memory_space<vmem_shared>>)
    %dma_wait3A_930 = arith.constant 0 : i32
    %dma_wait3A_931 = tpu.memref_slice %arg18[%add3A_691, %dma_wait3A_930] : memref<10112x128xf32, #tpu.memory_space<vmem_shared>> -> memref<16x128xf32, #tpu.memory_space<vmem_shared>>
    %dma_wait3A_932 = arith.constant 0 : i32
    %dma_wait3A_933 = tpu.memref_slice %arg18[%add3A_691, %dma_wait3A_932] : memref<10112x128xf32, #tpu.memory_space<vmem_shared>> -> memref<16x128xf32, #tpu.memory_space<vmem_shared>>
    tpu.wait_dma2 semaphore(%arg25 : memref<!tpu.dma_semaphore, #tpu.memory_space<semaphore_mem>>) src(%arg17 : memref<16x128xf32, #tpu.memory_space<vmem>>) dst(%dma_wait3A_933 : memref<16x128xf32, #tpu.memory_space<vmem_shared>>)
    %dma_wait3A_934 = arith.constant 0 : i32
    %dma_wait3A_935 = tpu.memref_slice %arg18[%add3A_697, %dma_wait3A_934] : memref<10112x128xf32, #tpu.memory_space<vmem_shared>> -> memref<16x128xf32, #tpu.memory_space<vmem_shared>>
    %dma_wait3A_936 = arith.constant 0 : i32
    %dma_wait3A_937 = tpu.memref_slice %arg18[%add3A_697, %dma_wait3A_936] : memref<10112x128xf32, #tpu.memory_space<vmem_shared>> -> memref<16x128xf32, #tpu.memory_space<vmem_shared>>
    tpu.wait_dma2 semaphore(%arg25 : memref<!tpu.dma_semaphore, #tpu.memory_space<semaphore_mem>>) src(%arg17 : memref<16x128xf32, #tpu.memory_space<vmem>>) dst(%dma_wait3A_937 : memref<16x128xf32, #tpu.memory_space<vmem_shared>>)
    %dma_wait3A_938 = arith.constant 0 : i32
    %dma_wait3A_939 = tpu.memref_slice %arg18[%add3A_703, %dma_wait3A_938] : memref<10112x128xf32, #tpu.memory_space<vmem_shared>> -> memref<16x128xf32, #tpu.memory_space<vmem_shared>>
    %dma_wait3A_940 = arith.constant 0 : i32
    %dma_wait3A_941 = tpu.memref_slice %arg18[%add3A_703, %dma_wait3A_940] : memref<10112x128xf32, #tpu.memory_space<vmem_shared>> -> memref<16x128xf32, #tpu.memory_space<vmem_shared>>
    tpu.wait_dma2 semaphore(%arg25 : memref<!tpu.dma_semaphore, #tpu.memory_space<semaphore_mem>>) src(%arg17 : memref<16x128xf32, #tpu.memory_space<vmem>>) dst(%dma_wait3A_941 : memref<16x128xf32, #tpu.memory_space<vmem_shared>>)
    %dma_wait3A_942 = arith.constant 0 : i32
    %dma_wait3A_943 = tpu.memref_slice %arg18[%add3A_709, %dma_wait3A_942] : memref<10112x128xf32, #tpu.memory_space<vmem_shared>> -> memref<16x128xf32, #tpu.memory_space<vmem_shared>>
    %dma_wait3A_944 = arith.constant 0 : i32
    %dma_wait3A_945 = tpu.memref_slice %arg18[%add3A_709, %dma_wait3A_944] : memref<10112x128xf32, #tpu.memory_space<vmem_shared>> -> memref<16x128xf32, #tpu.memory_space<vmem_shared>>
    tpu.wait_dma2 semaphore(%arg25 : memref<!tpu.dma_semaphore, #tpu.memory_space<semaphore_mem>>) src(%arg17 : memref<16x128xf32, #tpu.memory_space<vmem>>) dst(%dma_wait3A_945 : memref<16x128xf32, #tpu.memory_space<vmem_shared>>)
    %dma_wait3A_946 = arith.constant 0 : i32
    %dma_wait3A_947 = tpu.memref_slice %arg18[%add3A_715, %dma_wait3A_946] : memref<10112x128xf32, #tpu.memory_space<vmem_shared>> -> memref<16x128xf32, #tpu.memory_space<vmem_shared>>
    %dma_wait3A_948 = arith.constant 0 : i32
    %dma_wait3A_949 = tpu.memref_slice %arg18[%add3A_715, %dma_wait3A_948] : memref<10112x128xf32, #tpu.memory_space<vmem_shared>> -> memref<16x128xf32, #tpu.memory_space<vmem_shared>>
    tpu.wait_dma2 semaphore(%arg25 : memref<!tpu.dma_semaphore, #tpu.memory_space<semaphore_mem>>) src(%arg17 : memref<16x128xf32, #tpu.memory_space<vmem>>) dst(%dma_wait3A_949 : memref<16x128xf32, #tpu.memory_space<vmem_shared>>)
    %dma_wait3A_950 = arith.constant 0 : i32
    %dma_wait3A_951 = tpu.memref_slice %arg18[%add3A_721, %dma_wait3A_950] : memref<10112x128xf32, #tpu.memory_space<vmem_shared>> -> memref<16x128xf32, #tpu.memory_space<vmem_shared>>
    %dma_wait3A_952 = arith.constant 0 : i32
    %dma_wait3A_953 = tpu.memref_slice %arg18[%add3A_721, %dma_wait3A_952] : memref<10112x128xf32, #tpu.memory_space<vmem_shared>> -> memref<16x128xf32, #tpu.memory_space<vmem_shared>>
    tpu.wait_dma2 semaphore(%arg25 : memref<!tpu.dma_semaphore, #tpu.memory_space<semaphore_mem>>) src(%arg17 : memref<16x128xf32, #tpu.memory_space<vmem>>) dst(%dma_wait3A_953 : memref<16x128xf32, #tpu.memory_space<vmem_shared>>)
    %dma_wait3A_954 = arith.constant 0 : i32
    %dma_wait3A_955 = tpu.memref_slice %arg18[%add3A_727, %dma_wait3A_954] : memref<10112x128xf32, #tpu.memory_space<vmem_shared>> -> memref<16x128xf32, #tpu.memory_space<vmem_shared>>
    %dma_wait3A_956 = arith.constant 0 : i32
    %dma_wait3A_957 = tpu.memref_slice %arg18[%add3A_727, %dma_wait3A_956] : memref<10112x128xf32, #tpu.memory_space<vmem_shared>> -> memref<16x128xf32, #tpu.memory_space<vmem_shared>>
    tpu.wait_dma2 semaphore(%arg25 : memref<!tpu.dma_semaphore, #tpu.memory_space<semaphore_mem>>) src(%arg17 : memref<16x128xf32, #tpu.memory_space<vmem>>) dst(%dma_wait3A_957 : memref<16x128xf32, #tpu.memory_space<vmem_shared>>)
    %dma_wait3A_958 = arith.constant 0 : i32
    %dma_wait3A_959 = tpu.memref_slice %arg18[%add3A_733, %dma_wait3A_958] : memref<10112x128xf32, #tpu.memory_space<vmem_shared>> -> memref<16x128xf32, #tpu.memory_space<vmem_shared>>
    %dma_wait3A_960 = arith.constant 0 : i32
    %dma_wait3A_961 = tpu.memref_slice %arg18[%add3A_733, %dma_wait3A_960] : memref<10112x128xf32, #tpu.memory_space<vmem_shared>> -> memref<16x128xf32, #tpu.memory_space<vmem_shared>>
    tpu.wait_dma2 semaphore(%arg25 : memref<!tpu.dma_semaphore, #tpu.memory_space<semaphore_mem>>) src(%arg17 : memref<16x128xf32, #tpu.memory_space<vmem>>) dst(%dma_wait3A_961 : memref<16x128xf32, #tpu.memory_space<vmem_shared>>)
    %dma_wait3A_962 = arith.constant 0 : i32
    %dma_wait3A_963 = tpu.memref_slice %arg18[%add3A_739, %dma_wait3A_962] : memref<10112x128xf32, #tpu.memory_space<vmem_shared>> -> memref<16x128xf32, #tpu.memory_space<vmem_shared>>
    %dma_wait3A_964 = arith.constant 0 : i32
    %dma_wait3A_965 = tpu.memref_slice %arg18[%add3A_739, %dma_wait3A_964] : memref<10112x128xf32, #tpu.memory_space<vmem_shared>> -> memref<16x128xf32, #tpu.memory_space<vmem_shared>>
    tpu.wait_dma2 semaphore(%arg25 : memref<!tpu.dma_semaphore, #tpu.memory_space<semaphore_mem>>) src(%arg17 : memref<16x128xf32, #tpu.memory_space<vmem>>) dst(%dma_wait3A_965 : memref<16x128xf32, #tpu.memory_space<vmem_shared>>)
    %dma_wait3A_966 = arith.constant 0 : i32
    %dma_wait3A_967 = tpu.memref_slice %arg18[%add3A_745, %dma_wait3A_966] : memref<10112x128xf32, #tpu.memory_space<vmem_shared>> -> memref<16x128xf32, #tpu.memory_space<vmem_shared>>
    %dma_wait3A_968 = arith.constant 0 : i32
    %dma_wait3A_969 = tpu.memref_slice %arg18[%add3A_745, %dma_wait3A_968] : memref<10112x128xf32, #tpu.memory_space<vmem_shared>> -> memref<16x128xf32, #tpu.memory_space<vmem_shared>>
    tpu.wait_dma2 semaphore(%arg25 : memref<!tpu.dma_semaphore, #tpu.memory_space<semaphore_mem>>) src(%arg17 : memref<16x128xf32, #tpu.memory_space<vmem>>) dst(%dma_wait3A_969 : memref<16x128xf32, #tpu.memory_space<vmem_shared>>)
    %dma_wait3A_970 = arith.constant 0 : i32
    %dma_wait3A_971 = arith.constant 0 : i32
    %dma_wait3A_972 = tpu.memref_slice %arg17[%dma_wait3A_970, %dma_wait3A_971] : memref<16x128xf32, #tpu.memory_space<vmem>> -> memref<8x128xf32, #tpu.memory_space<vmem>>
    %dma_wait3A_973 = arith.constant 0 : i32
    %dma_wait3A_974 = tpu.memref_slice %arg18[%add3A_751, %dma_wait3A_973] : memref<10112x128xf32, #tpu.memory_space<vmem_shared>> -> memref<8x128xf32, #tpu.memory_space<vmem_shared>>
    %dma_wait3A_975 = arith.constant 0 : i32
    %dma_wait3A_976 = tpu.memref_slice %arg18[%add3A_751, %dma_wait3A_975] : memref<10112x128xf32, #tpu.memory_space<vmem_shared>> -> memref<8x128xf32, #tpu.memory_space<vmem_shared>>
    %dma_wait3A_977 = arith.constant 0 : i32
    %dma_wait3A_978 = arith.constant 0 : i32
    %dma_wait3A_979 = tpu.memref_slice %arg17[%dma_wait3A_977, %dma_wait3A_978] : memref<16x128xf32, #tpu.memory_space<vmem>> -> memref<8x128xf32, #tpu.memory_space<vmem>>
    tpu.wait_dma2 semaphore(%arg25 : memref<!tpu.dma_semaphore, #tpu.memory_space<semaphore_mem>>) src(%dma_wait3A_979 : memref<8x128xf32, #tpu.memory_space<vmem>>) dst(%dma_wait3A_976 : memref<8x128xf32, #tpu.memory_space<vmem_shared>>)
    %barrier3A = arith.constant 0 : index
    tpu.barrier barrier_id(%barrier3A)
    %scan3A_980 = arith.constant 0 : i32
    %scan3A_981 = arith.constant 0 : i32
    %scan3A_982 = arith.constant 19 : i32
    %scan3A_983 = arith.addi %scan3A_981, %scan3A_982 : i32
    %scan3A_984 = arith.constant 1 : i32
    scf.for %scan3A_1096 = %scan3A_981 to %scan3A_983 step %scan3A_984  : i32 {
      %dma_wait3A_1097 = arith.constant 0 : i32
      %dma_wait3A_1098 = arith.constant 0 : i32
      %dma_wait3A_1099 = tpu.memref_slice %arg2[%dma_wait3A_1097, %dma_wait3A_1098] : memref<10000x128xf32, #tpu.memory_space<hbm>> -> memref<128x128xf32, #tpu.memory_space<hbm>>
      %dma_wait3A_1100 = arith.constant 0 : i32
      %dma_wait3A_1101 = arith.constant 0 : i32
      %dma_wait3A_1102 = tpu.memref_slice %arg2[%dma_wait3A_1100, %dma_wait3A_1101] : memref<10000x128xf32, #tpu.memory_space<hbm>> -> memref<128x128xf32, #tpu.memory_space<hbm>>
      tpu.wait_dma2 semaphore(%arg19 : memref<!tpu.dma_semaphore, #tpu.memory_space<semaphore_mem>>) src(%dma_wait3A_1102 : memref<128x128xf32, #tpu.memory_space<hbm>>) dst(%arg15 : memref<128x128xf32, #tpu.memory_space<vmem>>)
      "tpu.region"() ({
        %run_scoped3A = tpu.sem_alloc : memref<!tpu.dma_semaphore, #tpu.memory_space<semaphore_mem>>
        %dma_start3A_1281 = arith.constant 0 : i32
        %dma_start3A_1282 = arith.constant 0 : i32
        %dma_start3A_1283 = tpu.memref_slice %arg18[%dma_start3A_1281, %dma_start3A_1282] : memref<10112x128xf32, #tpu.memory_space<vmem_shared>> -> memref<10112x128xf32, #tpu.memory_space<vmem_shared>>
        tpu.enqueue_indirect_dma source(%arg15 : memref<128x128xf32, #tpu.memory_space<vmem>>) target(%dma_start3A_1283 : memref<10112x128xf32, #tpu.memory_space<vmem_shared>>) offsets(%arg8 : memref<128xi32, #tpu.memory_space<vmem>>) semaphore(%run_scoped3A : memref<!tpu.dma_semaphore, #tpu.memory_space<semaphore_mem>>) {add = true}
        %dma_wait3A_1284 = arith.constant 0 : i32
        %dma_wait3A_1285 = arith.constant 0 : i32
        %dma_wait3A_1286 = tpu.memref_slice %arg18[%dma_wait3A_1284, %dma_wait3A_1285] : memref<10112x128xf32, #tpu.memory_space<vmem_shared>> -> memref<10112x128xf32, #tpu.memory_space<vmem_shared>>
        tpu.wait_indirect_dma semaphore(%run_scoped3A : memref<!tpu.dma_semaphore, #tpu.memory_space<semaphore_mem>>) src(%arg15 : memref<128x128xf32, #tpu.memory_space<vmem>>) dst(%dma_wait3A_1286 : memref<10112x128xf32, #tpu.memory_space<vmem_shared>>)
        tpu.yield
      }) : () -> ()
      %get3A_1103 = arith.constant 0 : index
      %get3A_1104 = tpu.vector_load %arg8[%get3A_1103] {strides = array<i32>} : memref<128xi32, #tpu.memory_space<vmem>>, vector<16xi32>,
      tpu.vector_store_idx %arg26[%get3A_1104], %broadcast_in_dim3A_813 {add = true} : memref<10112xf32, #tpu.memory_space<vmem>>[vector<16xi32>], vector<16xf32>,
      %get3A_1105 = arith.constant 16 : index
      %get3A_1106 = tpu.vector_load %arg8[%get3A_1105] {strides = array<i32>} : memref<128xi32, #tpu.memory_space<vmem>>, vector<16xi32>,
      tpu.vector_store_idx %arg26[%get3A_1106], %broadcast_in_dim3A_813 {add = true} : memref<10112xf32, #tpu.memory_space<vmem>>[vector<16xi32>], vector<16xf32>,
      %get3A_1107 = arith.constant 32 : index
      %get3A_1108 = tpu.vector_load %arg8[%get3A_1107] {strides = array<i32>} : memref<128xi32, #tpu.memory_space<vmem>>, vector<16xi32>,
      tpu.vector_store_idx %arg26[%get3A_1108], %broadcast_in_dim3A_813 {add = true} : memref<10112xf32, #tpu.memory_space<vmem>>[vector<16xi32>], vector<16xf32>,
      %get3A_1109 = arith.constant 48 : index
      %get3A_1110 = tpu.vector_load %arg8[%get3A_1109] {strides = array<i32>} : memref<128xi32, #tpu.memory_space<vmem>>, vector<16xi32>,
      tpu.vector_store_idx %arg26[%get3A_1110], %broadcast_in_dim3A_813 {add = true} : memref<10112xf32, #tpu.memory_space<vmem>>[vector<16xi32>], vector<16xf32>,
      %get3A_1111 = arith.constant 64 : index
      %get3A_1112 = tpu.vector_load %arg8[%get3A_1111] {strides = array<i32>} : memref<128xi32, #tpu.memory_space<vmem>>, vector<16xi32>,
      tpu.vector_store_idx %arg26[%get3A_1112], %broadcast_in_dim3A_813 {add = true} : memref<10112xf32, #tpu.memory_space<vmem>>[vector<16xi32>], vector<16xf32>,
      %get3A_1113 = arith.constant 80 : index
      %get3A_1114 = tpu.vector_load %arg8[%get3A_1113] {strides = array<i32>} : memref<128xi32, #tpu.memory_space<vmem>>, vector<16xi32>,
      tpu.vector_store_idx %arg26[%get3A_1114], %broadcast_in_dim3A_813 {add = true} : memref<10112xf32, #tpu.memory_space<vmem>>[vector<16xi32>], vector<16xf32>,
      %get3A_1115 = arith.constant 96 : index
      %get3A_1116 = tpu.vector_load %arg8[%get3A_1115] {strides = array<i32>} : memref<128xi32, #tpu.memory_space<vmem>>, vector<16xi32>,
      tpu.vector_store_idx %arg26[%get3A_1116], %broadcast_in_dim3A_813 {add = true} : memref<10112xf32, #tpu.memory_space<vmem>>[vector<16xi32>], vector<16xf32>,
      %get3A_1117 = arith.constant 112 : index
      %get3A_1118 = tpu.vector_load %arg8[%get3A_1117] {strides = array<i32>} : memref<128xi32, #tpu.memory_space<vmem>>, vector<16xi32>,
      tpu.vector_store_idx %arg26[%get3A_1118], %broadcast_in_dim3A_813 {add = true} : memref<10112xf32, #tpu.memory_space<vmem>>[vector<16xi32>], vector<16xf32>,
      %mul3A_1119 = arith.constant 4 : i32
      %mul3A_1120 = arith.muli %mul3A_1119, %scan3A_1096 : i32
      %add3A_1121 = arith.constant 0 : i32
      %add3A_1122 = arith.addi %mul3A_1120, %add3A_1121 : i32
      %add3A_1123 = arith.constant 4 : i32
      %add3A_1124 = arith.addi %add3A_1122, %add3A_1123 : i32
      %mul3A_1125 = arith.constant 128 : i32
      %mul3A_1126 = arith.muli %add3A_1124, %mul3A_1125 : i32
      %add3A_1127 = arith.addi %mul3A_514, %mul3A_1126 : i32
      %dma_start3A_1128 = tpu.memref_slice %arg3[%add3A_1127] : memref<327680xi32, #tpu.memory_space<hbm>> -> memref<128xi32, #tpu.memory_space<hbm>>
      %dma_start3A_1129 = tpu.memref_slice %arg3[%add3A_1127] : memref<327680xi32, #tpu.memory_space<hbm>> -> memref<128xi32, #tpu.memory_space<hbm>>
      tpu.enqueue_dma source(%dma_start3A_1129 : memref<128xi32, #tpu.memory_space<hbm>>) target(%arg7 : memref<128xi32, #tpu.memory_space<vmem>>) target_semaphore(%arg21 : memref<!tpu.dma_semaphore, #tpu.memory_space<semaphore_mem>>)
      %dma_start3A_1130 = tpu.memref_slice %arg4[%add3A_1127] : memref<327680xi32, #tpu.memory_space<hbm>> -> memref<128xi32, #tpu.memory_space<hbm>>
      %dma_start3A_1131 = tpu.memref_slice %arg4[%add3A_1127] : memref<327680xi32, #tpu.memory_space<hbm>> -> memref<128xi32, #tpu.memory_space<hbm>>
      tpu.enqueue_dma source(%dma_start3A_1131 : memref<128xi32, #tpu.memory_space<hbm>>) target(%arg8 : memref<128xi32, #tpu.memory_space<vmem>>) target_semaphore(%arg21 : memref<!tpu.dma_semaphore, #tpu.memory_space<semaphore_mem>>)
      %dma_wait3A_1132 = arith.constant 0 : i32
      %dma_wait3A_1133 = tpu.memref_slice %arg3[%dma_wait3A_1132] : memref<327680xi32, #tpu.memory_space<hbm>> -> memref<128xi32, #tpu.memory_space<hbm>>
      %dma_wait3A_1134 = arith.constant 0 : i32
      %dma_wait3A_1135 = tpu.memref_slice %arg3[%dma_wait3A_1134] : memref<327680xi32, #tpu.memory_space<hbm>> -> memref<128xi32, #tpu.memory_space<hbm>>
      tpu.wait_dma2 semaphore(%arg23 : memref<!tpu.dma_semaphore, #tpu.memory_space<semaphore_mem>>) src(%dma_wait3A_1135 : memref<128xi32, #tpu.memory_space<hbm>>) dst(%arg11 : memref<128xi32, #tpu.memory_space<vmem>>)
      %dma_wait3A_1136 = arith.constant 0 : i32
      %dma_wait3A_1137 = tpu.memref_slice %arg4[%dma_wait3A_1136] : memref<327680xi32, #tpu.memory_space<hbm>> -> memref<128xi32, #tpu.memory_space<hbm>>
      %dma_wait3A_1138 = arith.constant 0 : i32
      %dma_wait3A_1139 = tpu.memref_slice %arg4[%dma_wait3A_1138] : memref<327680xi32, #tpu.memory_space<hbm>> -> memref<128xi32, #tpu.memory_space<hbm>>
      tpu.wait_dma2 semaphore(%arg23 : memref<!tpu.dma_semaphore, #tpu.memory_space<semaphore_mem>>) src(%dma_wait3A_1139 : memref<128xi32, #tpu.memory_space<hbm>>) dst(%arg12 : memref<128xi32, #tpu.memory_space<vmem>>)
      %dma_start3A_1140 = arith.constant 0 : i32
      %dma_start3A_1141 = arith.constant 0 : i32
      %dma_start3A_1142 = tpu.memref_slice %arg2[%dma_start3A_1140, %dma_start3A_1141] : memref<10000x128xf32, #tpu.memory_space<hbm>> -> memref<10000x128xf32, #tpu.memory_space<hbm>>
      tpu.enqueue_indirect_dma source(%dma_start3A_1142 : memref<10000x128xf32, #tpu.memory_space<hbm>>) target(%arg15 : memref<128x128xf32, #tpu.memory_space<vmem>>) offsets(%arg11 : memref<128xi32, #tpu.memory_space<vmem>>) semaphore(%arg19 : memref<!tpu.dma_semaphore, #tpu.memory_space<semaphore_mem>>)
      %dma_wait3A_1143 = arith.constant 0 : i32
      %dma_wait3A_1144 = arith.constant 0 : i32
      %dma_wait3A_1145 = tpu.memref_slice %arg2[%dma_wait3A_1143, %dma_wait3A_1144] : memref<10000x128xf32, #tpu.memory_space<hbm>> -> memref<128x128xf32, #tpu.memory_space<hbm>>
      %dma_wait3A_1146 = arith.constant 0 : i32
      %dma_wait3A_1147 = arith.constant 0 : i32
      %dma_wait3A_1148 = tpu.memref_slice %arg2[%dma_wait3A_1146, %dma_wait3A_1147] : memref<10000x128xf32, #tpu.memory_space<hbm>> -> memref<128x128xf32, #tpu.memory_space<hbm>>
      tpu.wait_dma2 semaphore(%arg20 : memref<!tpu.dma_semaphore, #tpu.memory_space<semaphore_mem>>) src(%dma_wait3A_1148 : memref<128x128xf32, #tpu.memory_space<hbm>>) dst(%arg16 : memref<128x128xf32, #tpu.memory_space<vmem>>)
      "tpu.region"() ({
        %run_scoped3A = tpu.sem_alloc : memref<!tpu.dma_semaphore, #tpu.memory_space<semaphore_mem>>
        %dma_start3A_1281 = arith.constant 0 : i32
        %dma_start3A_1282 = arith.constant 0 : i32
        %dma_start3A_1283 = tpu.memref_slice %arg18[%dma_start3A_1281, %dma_start3A_1282] : memref<10112x128xf32, #tpu.memory_space<vmem_shared>> -> memref<10112x128xf32, #tpu.memory_space<vmem_shared>>
        tpu.enqueue_indirect_dma source(%arg16 : memref<128x128xf32, #tpu.memory_space<vmem>>) target(%dma_start3A_1283 : memref<10112x128xf32, #tpu.memory_space<vmem_shared>>) offsets(%arg10 : memref<128xi32, #tpu.memory_space<vmem>>) semaphore(%run_scoped3A : memref<!tpu.dma_semaphore, #tpu.memory_space<semaphore_mem>>) {add = true}
        %dma_wait3A_1284 = arith.constant 0 : i32
        %dma_wait3A_1285 = arith.constant 0 : i32
        %dma_wait3A_1286 = tpu.memref_slice %arg18[%dma_wait3A_1284, %dma_wait3A_1285] : memref<10112x128xf32, #tpu.memory_space<vmem_shared>> -> memref<10112x128xf32, #tpu.memory_space<vmem_shared>>
        tpu.wait_indirect_dma semaphore(%run_scoped3A : memref<!tpu.dma_semaphore, #tpu.memory_space<semaphore_mem>>) src(%arg16 : memref<128x128xf32, #tpu.memory_space<vmem>>) dst(%dma_wait3A_1286 : memref<10112x128xf32, #tpu.memory_space<vmem_shared>>)
        tpu.yield
      }) : () -> ()
      %get3A_1149 = arith.constant 0 : index
      %get3A_1150 = tpu.vector_load %arg10[%get3A_1149] {strides = array<i32>} : memref<128xi32, #tpu.memory_space<vmem>>, vector<16xi32>,
      tpu.vector_store_idx %arg26[%get3A_1150], %broadcast_in_dim3A_813 {add = true} : memref<10112xf32, #tpu.memory_space<vmem>>[vector<16xi32>], vector<16xf32>,
      %get3A_1151 = arith.constant 16 : index
      %get3A_1152 = tpu.vector_load %arg10[%get3A_1151] {strides = array<i32>} : memref<128xi32, #tpu.memory_space<vmem>>, vector<16xi32>,
      tpu.vector_store_idx %arg26[%get3A_1152], %broadcast_in_dim3A_813 {add = true} : memref<10112xf32, #tpu.memory_space<vmem>>[vector<16xi32>], vector<16xf32>,
      %get3A_1153 = arith.constant 32 : index
      %get3A_1154 = tpu.vector_load %arg10[%get3A_1153] {strides = array<i32>} : memref<128xi32, #tpu.memory_space<vmem>>, vector<16xi32>,
      tpu.vector_store_idx %arg26[%get3A_1154], %broadcast_in_dim3A_813 {add = true} : memref<10112xf32, #tpu.memory_space<vmem>>[vector<16xi32>], vector<16xf32>,
      %get3A_1155 = arith.constant 48 : index
      %get3A_1156 = tpu.vector_load %arg10[%get3A_1155] {strides = array<i32>} : memref<128xi32, #tpu.memory_space<vmem>>, vector<16xi32>,
      tpu.vector_store_idx %arg26[%get3A_1156], %broadcast_in_dim3A_813 {add = true} : memref<10112xf32, #tpu.memory_space<vmem>>[vector<16xi32>], vector<16xf32>,
      %get3A_1157 = arith.constant 64 : index
      %get3A_1158 = tpu.vector_load %arg10[%get3A_1157] {strides = array<i32>} : memref<128xi32, #tpu.memory_space<vmem>>, vector<16xi32>,
      tpu.vector_store_idx %arg26[%get3A_1158], %broadcast_in_dim3A_813 {add = true} : memref<10112xf32, #tpu.memory_space<vmem>>[vector<16xi32>], vector<16xf32>,
      %get3A_1159 = arith.constant 80 : index
      %get3A_1160 = tpu.vector_load %arg10[%get3A_1159] {strides = array<i32>} : memref<128xi32, #tpu.memory_space<vmem>>, vector<16xi32>,
      tpu.vector_store_idx %arg26[%get3A_1160], %broadcast_in_dim3A_813 {add = true} : memref<10112xf32, #tpu.memory_space<vmem>>[vector<16xi32>], vector<16xf32>,
      %get3A_1161 = arith.constant 96 : index
      %get3A_1162 = tpu.vector_load %arg10[%get3A_1161] {strides = array<i32>} : memref<128xi32, #tpu.memory_space<vmem>>, vector<16xi32>,
      tpu.vector_store_idx %arg26[%get3A_1162], %broadcast_in_dim3A_813 {add = true} : memref<10112xf32, #tpu.memory_space<vmem>>[vector<16xi32>], vector<16xf32>,
      %get3A_1163 = arith.constant 112 : index
      %get3A_1164 = tpu.vector_load %arg10[%get3A_1163] {strides = array<i32>} : memref<128xi32, #tpu.memory_space<vmem>>, vector<16xi32>,
      tpu.vector_store_idx %arg26[%get3A_1164], %broadcast_in_dim3A_813 {add = true} : memref<10112xf32, #tpu.memory_space<vmem>>[vector<16xi32>], vector<16xf32>,
      %mul3A_1165 = arith.constant 4 : i32
      %mul3A_1166 = arith.muli %mul3A_1165, %scan3A_1096 : i32
      %add3A_1167 = arith.constant 1 : i32
      %add3A_1168 = arith.addi %mul3A_1166, %add3A_1167 : i32
      %add3A_1169 = arith.constant 4 : i32
      %add3A_1170 = arith.addi %add3A_1168, %add3A_1169 : i32
      %mul3A_1171 = arith.constant 128 : i32
      %mul3A_1172 = arith.muli %add3A_1170, %mul3A_1171 : i32
      %add3A_1173 = arith.addi %mul3A_514, %mul3A_1172 : i32
      %dma_start3A_1174 = tpu.memref_slice %arg3[%add3A_1173] : memref<327680xi32, #tpu.memory_space<hbm>> -> memref<128xi32, #tpu.memory_space<hbm>>
      %dma_start3A_1175 = tpu.memref_slice %arg3[%add3A_1173] : memref<327680xi32, #tpu.memory_space<hbm>> -> memref<128xi32, #tpu.memory_space<hbm>>
      tpu.enqueue_dma source(%dma_start3A_1175 : memref<128xi32, #tpu.memory_space<hbm>>) target(%arg9 : memref<128xi32, #tpu.memory_space<vmem>>) target_semaphore(%arg22 : memref<!tpu.dma_semaphore, #tpu.memory_space<semaphore_mem>>)
      %dma_start3A_1176 = tpu.memref_slice %arg4[%add3A_1173] : memref<327680xi32, #tpu.memory_space<hbm>> -> memref<128xi32, #tpu.memory_space<hbm>>
      %dma_start3A_1177 = tpu.memref_slice %arg4[%add3A_1173] : memref<327680xi32, #tpu.memory_space<hbm>> -> memref<128xi32, #tpu.memory_space<hbm>>
      tpu.enqueue_dma source(%dma_start3A_1177 : memref<128xi32, #tpu.memory_space<hbm>>) target(%arg10 : memref<128xi32, #tpu.memory_space<vmem>>) target_semaphore(%arg22 : memref<!tpu.dma_semaphore, #tpu.memory_space<semaphore_mem>>)
      %dma_wait3A_1178 = arith.constant 0 : i32
      %dma_wait3A_1179 = tpu.memref_slice %arg3[%dma_wait3A_1178] : memref<327680xi32, #tpu.memory_space<hbm>> -> memref<128xi32, #tpu.memory_space<hbm>>
      %dma_wait3A_1180 = arith.constant 0 : i32
      %dma_wait3A_1181 = tpu.memref_slice %arg3[%dma_wait3A_1180] : memref<327680xi32, #tpu.memory_space<hbm>> -> memref<128xi32, #tpu.memory_space<hbm>>
      tpu.wait_dma2 semaphore(%arg24 : memref<!tpu.dma_semaphore, #tpu.memory_space<semaphore_mem>>) src(%dma_wait3A_1181 : memref<128xi32, #tpu.memory_space<hbm>>) dst(%arg13 : memref<128xi32, #tpu.memory_space<vmem>>)
      %dma_wait3A_1182 = arith.constant 0 : i32
      %dma_wait3A_1183 = tpu.memref_slice %arg4[%dma_wait3A_1182] : memref<327680xi32, #tpu.memory_space<hbm>> -> memref<128xi32, #tpu.memory_space<hbm>>
      %dma_wait3A_1184 = arith.constant 0 : i32
      %dma_wait3A_1185 = tpu.memref_slice %arg4[%dma_wait3A_1184] : memref<327680xi32, #tpu.memory_space<hbm>> -> memref<128xi32, #tpu.memory_space<hbm>>
      tpu.wait_dma2 semaphore(%arg24 : memref<!tpu.dma_semaphore, #tpu.memory_space<semaphore_mem>>) src(%dma_wait3A_1185 : memref<128xi32, #tpu.memory_space<hbm>>) dst(%arg14 : memref<128xi32, #tpu.memory_space<vmem>>)
      %dma_start3A_1186 = arith.constant 0 : i32
      %dma_start3A_1187 = arith.constant 0 : i32
      %dma_start3A_1188 = tpu.memref_slice %arg2[%dma_start3A_1186, %dma_start3A_1187] : memref<10000x128xf32, #tpu.memory_space<hbm>> -> memref<10000x128xf32, #tpu.memory_space<hbm>>
      tpu.enqueue_indirect_dma source(%dma_start3A_1188 : memref<10000x128xf32, #tpu.memory_space<hbm>>) target(%arg16 : memref<128x128xf32, #tpu.memory_space<vmem>>) offsets(%arg13 : memref<128xi32, #tpu.memory_space<vmem>>) semaphore(%arg20 : memref<!tpu.dma_semaphore, #tpu.memory_space<semaphore_mem>>)
      %dma_wait3A_1189 = arith.constant 0 : i32
      %dma_wait3A_1190 = arith.constant 0 : i32
      %dma_wait3A_1191 = tpu.memref_slice %arg2[%dma_wait3A_1189, %dma_wait3A_1190] : memref<10000x128xf32, #tpu.memory_space<hbm>> -> memref<128x128xf32, #tpu.memory_space<hbm>>
      %dma_wait3A_1192 = arith.constant 0 : i32
      %dma_wait3A_1193 = arith.constant 0 : i32
      %dma_wait3A_1194 = tpu.memref_slice %arg2[%dma_wait3A_1192, %dma_wait3A_1193] : memref<10000x128xf32, #tpu.memory_space<hbm>> -> memref<128x128xf32, #tpu.memory_space<hbm>>
      tpu.wait_dma2 semaphore(%arg19 : memref<!tpu.dma_semaphore, #tpu.memory_space<semaphore_mem>>) src(%dma_wait3A_1194 : memref<128x128xf32, #tpu.memory_space<hbm>>) dst(%arg15 : memref<128x128xf32, #tpu.memory_space<vmem>>)
      "tpu.region"() ({
        %run_scoped3A = tpu.sem_alloc : memref<!tpu.dma_semaphore, #tpu.memory_space<semaphore_mem>>
        %dma_start3A_1281 = arith.constant 0 : i32
        %dma_start3A_1282 = arith.constant 0 : i32
        %dma_start3A_1283 = tpu.memref_slice %arg18[%dma_start3A_1281, %dma_start3A_1282] : memref<10112x128xf32, #tpu.memory_space<vmem_shared>> -> memref<10112x128xf32, #tpu.memory_space<vmem_shared>>
        tpu.enqueue_indirect_dma source(%arg15 : memref<128x128xf32, #tpu.memory_space<vmem>>) target(%dma_start3A_1283 : memref<10112x128xf32, #tpu.memory_space<vmem_shared>>) offsets(%arg12 : memref<128xi32, #tpu.memory_space<vmem>>) semaphore(%run_scoped3A : memref<!tpu.dma_semaphore, #tpu.memory_space<semaphore_mem>>) {add = true}
        %dma_wait3A_1284 = arith.constant 0 : i32
        %dma_wait3A_1285 = arith.constant 0 : i32
        %dma_wait3A_1286 = tpu.memref_slice %arg18[%dma_wait3A_1284, %dma_wait3A_1285] : memref<10112x128xf32, #tpu.memory_space<vmem_shared>> -> memref<10112x128xf32, #tpu.memory_space<vmem_shared>>
        tpu.wait_indirect_dma semaphore(%run_scoped3A : memref<!tpu.dma_semaphore, #tpu.memory_space<semaphore_mem>>) src(%arg15 : memref<128x128xf32, #tpu.memory_space<vmem>>) dst(%dma_wait3A_1286 : memref<10112x128xf32, #tpu.memory_space<vmem_shared>>)
        tpu.yield
      }) : () -> ()
      %get3A_1195 = arith.constant 0 : index
      %get3A_1196 = tpu.vector_load %arg12[%get3A_1195] {strides = array<i32>} : memref<128xi32, #tpu.memory_space<vmem>>, vector<16xi32>,
      tpu.vector_store_idx %arg26[%get3A_1196], %broadcast_in_dim3A_813 {add = true} : memref<10112xf32, #tpu.memory_space<vmem>>[vector<16xi32>], vector<16xf32>,
      %get3A_1197 = arith.constant 16 : index
      %get3A_1198 = tpu.vector_load %arg12[%get3A_1197] {strides = array<i32>} : memref<128xi32, #tpu.memory_space<vmem>>, vector<16xi32>,
      tpu.vector_store_idx %arg26[%get3A_1198], %broadcast_in_dim3A_813 {add = true} : memref<10112xf32, #tpu.memory_space<vmem>>[vector<16xi32>], vector<16xf32>,
      %get3A_1199 = arith.constant 32 : index
      %get3A_1200 = tpu.vector_load %arg12[%get3A_1199] {strides = array<i32>} : memref<128xi32, #tpu.memory_space<vmem>>, vector<16xi32>,
      tpu.vector_store_idx %arg26[%get3A_1200], %broadcast_in_dim3A_813 {add = true} : memref<10112xf32, #tpu.memory_space<vmem>>[vector<16xi32>], vector<16xf32>,
      %get3A_1201 = arith.constant 48 : index
      %get3A_1202 = tpu.vector_load %arg12[%get3A_1201] {strides = array<i32>} : memref<128xi32, #tpu.memory_space<vmem>>, vector<16xi32>,
      tpu.vector_store_idx %arg26[%get3A_1202], %broadcast_in_dim3A_813 {add = true} : memref<10112xf32, #tpu.memory_space<vmem>>[vector<16xi32>], vector<16xf32>,
      %get3A_1203 = arith.constant 64 : index
      %get3A_1204 = tpu.vector_load %arg12[%get3A_1203] {strides = array<i32>} : memref<128xi32, #tpu.memory_space<vmem>>, vector<16xi32>,
      tpu.vector_store_idx %arg26[%get3A_1204], %broadcast_in_dim3A_813 {add = true} : memref<10112xf32, #tpu.memory_space<vmem>>[vector<16xi32>], vector<16xf32>,
      %get3A_1205 = arith.constant 80 : index
      %get3A_1206 = tpu.vector_load %arg12[%get3A_1205] {strides = array<i32>} : memref<128xi32, #tpu.memory_space<vmem>>, vector<16xi32>,
      tpu.vector_store_idx %arg26[%get3A_1206], %broadcast_in_dim3A_813 {add = true} : memref<10112xf32, #tpu.memory_space<vmem>>[vector<16xi32>], vector<16xf32>,
      %get3A_1207 = arith.constant 96 : index
      %get3A_1208 = tpu.vector_load %arg12[%get3A_1207] {strides = array<i32>} : memref<128xi32, #tpu.memory_space<vmem>>, vector<16xi32>,
      tpu.vector_store_idx %arg26[%get3A_1208], %broadcast_in_dim3A_813 {add = true} : memref<10112xf32, #tpu.memory_space<vmem>>[vector<16xi32>], vector<16xf32>,
      %get3A_1209 = arith.constant 112 : index
      %get3A_1210 = tpu.vector_load %arg12[%get3A_1209] {strides = array<i32>} : memref<128xi32, #tpu.memory_space<vmem>>, vector<16xi32>,
      tpu.vector_store_idx %arg26[%get3A_1210], %broadcast_in_dim3A_813 {add = true} : memref<10112xf32, #tpu.memory_space<vmem>>[vector<16xi32>], vector<16xf32>,
      %mul3A_1211 = arith.constant 4 : i32
      %mul3A_1212 = arith.muli %mul3A_1211, %scan3A_1096 : i32
      %add3A_1213 = arith.constant 2 : i32
      %add3A_1214 = arith.addi %mul3A_1212, %add3A_1213 : i32
      %add3A_1215 = arith.constant 4 : i32
      %add3A_1216 = arith.addi %add3A_1214, %add3A_1215 : i32
      %mul3A_1217 = arith.constant 128 : i32
      %mul3A_1218 = arith.muli %add3A_1216, %mul3A_1217 : i32
      %add3A_1219 = arith.addi %mul3A_514, %mul3A_1218 : i32
      %dma_start3A_1220 = tpu.memref_slice %arg3[%add3A_1219] : memref<327680xi32, #tpu.memory_space<hbm>> -> memref<128xi32, #tpu.memory_space<hbm>>
      %dma_start3A_1221 = tpu.memref_slice %arg3[%add3A_1219] : memref<327680xi32, #tpu.memory_space<hbm>> -> memref<128xi32, #tpu.memory_space<hbm>>
      tpu.enqueue_dma source(%dma_start3A_1221 : memref<128xi32, #tpu.memory_space<hbm>>) target(%arg11 : memref<128xi32, #tpu.memory_space<vmem>>) target_semaphore(%arg23 : memref<!tpu.dma_semaphore, #tpu.memory_space<semaphore_mem>>)
      %dma_start3A_1222 = tpu.memref_slice %arg4[%add3A_1219] : memref<327680xi32, #tpu.memory_space<hbm>> -> memref<128xi32, #tpu.memory_space<hbm>>
      %dma_start3A_1223 = tpu.memref_slice %arg4[%add3A_1219] : memref<327680xi32, #tpu.memory_space<hbm>> -> memref<128xi32, #tpu.memory_space<hbm>>
      tpu.enqueue_dma source(%dma_start3A_1223 : memref<128xi32, #tpu.memory_space<hbm>>) target(%arg12 : memref<128xi32, #tpu.memory_space<vmem>>) target_semaphore(%arg23 : memref<!tpu.dma_semaphore, #tpu.memory_space<semaphore_mem>>)
      %dma_wait3A_1224 = arith.constant 0 : i32
      %dma_wait3A_1225 = tpu.memref_slice %arg3[%dma_wait3A_1224] : memref<327680xi32, #tpu.memory_space<hbm>> -> memref<128xi32, #tpu.memory_space<hbm>>
      %dma_wait3A_1226 = arith.constant 0 : i32
      %dma_wait3A_1227 = tpu.memref_slice %arg3[%dma_wait3A_1226] : memref<327680xi32, #tpu.memory_space<hbm>> -> memref<128xi32, #tpu.memory_space<hbm>>
      tpu.wait_dma2 semaphore(%arg21 : memref<!tpu.dma_semaphore, #tpu.memory_space<semaphore_mem>>) src(%dma_wait3A_1227 : memref<128xi32, #tpu.memory_space<hbm>>) dst(%arg7 : memref<128xi32, #tpu.memory_space<vmem>>)
      %dma_wait3A_1228 = arith.constant 0 : i32
      %dma_wait3A_1229 = tpu.memref_slice %arg4[%dma_wait3A_1228] : memref<327680xi32, #tpu.memory_space<hbm>> -> memref<128xi32, #tpu.memory_space<hbm>>
      %dma_wait3A_1230 = arith.constant 0 : i32
      %dma_wait3A_1231 = tpu.memref_slice %arg4[%dma_wait3A_1230] : memref<327680xi32, #tpu.memory_space<hbm>> -> memref<128xi32, #tpu.memory_space<hbm>>
      tpu.wait_dma2 semaphore(%arg21 : memref<!tpu.dma_semaphore, #tpu.memory_space<semaphore_mem>>) src(%dma_wait3A_1231 : memref<128xi32, #tpu.memory_space<hbm>>) dst(%arg8 : memref<128xi32, #tpu.memory_space<vmem>>)
      %dma_start3A_1232 = arith.constant 0 : i32
      %dma_start3A_1233 = arith.constant 0 : i32
      %dma_start3A_1234 = tpu.memref_slice %arg2[%dma_start3A_1232, %dma_start3A_1233] : memref<10000x128xf32, #tpu.memory_space<hbm>> -> memref<10000x128xf32, #tpu.memory_space<hbm>>
      tpu.enqueue_indirect_dma source(%dma_start3A_1234 : memref<10000x128xf32, #tpu.memory_space<hbm>>) target(%arg15 : memref<128x128xf32, #tpu.memory_space<vmem>>) offsets(%arg7 : memref<128xi32, #tpu.memory_space<vmem>>) semaphore(%arg19 : memref<!tpu.dma_semaphore, #tpu.memory_space<semaphore_mem>>)
      %dma_wait3A_1235 = arith.constant 0 : i32
      %dma_wait3A_1236 = arith.constant 0 : i32
      %dma_wait3A_1237 = tpu.memref_slice %arg2[%dma_wait3A_1235, %dma_wait3A_1236] : memref<10000x128xf32, #tpu.memory_space<hbm>> -> memref<128x128xf32, #tpu.memory_space<hbm>>
      %dma_wait3A_1238 = arith.constant 0 : i32
      %dma_wait3A_1239 = arith.constant 0 : i32
      %dma_wait3A_1240 = tpu.memref_slice %arg2[%dma_wait3A_1238, %dma_wait3A_1239] : memref<10000x128xf32, #tpu.memory_space<hbm>> -> memref<128x128xf32, #tpu.memory_space<hbm>>
      tpu.wait_dma2 semaphore(%arg20 : memref<!tpu.dma_semaphore, #tpu.memory_space<semaphore_mem>>) src(%dma_wait3A_1240 : memref<128x128xf32, #tpu.memory_space<hbm>>) dst(%arg16 : memref<128x128xf32, #tpu.memory_space<vmem>>)
      "tpu.region"() ({
        %run_scoped3A = tpu.sem_alloc : memref<!tpu.dma_semaphore, #tpu.memory_space<semaphore_mem>>
        %dma_start3A_1281 = arith.constant 0 : i32
        %dma_start3A_1282 = arith.constant 0 : i32
        %dma_start3A_1283 = tpu.memref_slice %arg18[%dma_start3A_1281, %dma_start3A_1282] : memref<10112x128xf32, #tpu.memory_space<vmem_shared>> -> memref<10112x128xf32, #tpu.memory_space<vmem_shared>>
        tpu.enqueue_indirect_dma source(%arg16 : memref<128x128xf32, #tpu.memory_space<vmem>>) target(%dma_start3A_1283 : memref<10112x128xf32, #tpu.memory_space<vmem_shared>>) offsets(%arg14 : memref<128xi32, #tpu.memory_space<vmem>>) semaphore(%run_scoped3A : memref<!tpu.dma_semaphore, #tpu.memory_space<semaphore_mem>>) {add = true}
        %dma_wait3A_1284 = arith.constant 0 : i32
        %dma_wait3A_1285 = arith.constant 0 : i32
        %dma_wait3A_1286 = tpu.memref_slice %arg18[%dma_wait3A_1284, %dma_wait3A_1285] : memref<10112x128xf32, #tpu.memory_space<vmem_shared>> -> memref<10112x128xf32, #tpu.memory_space<vmem_shared>>
        tpu.wait_indirect_dma semaphore(%run_scoped3A : memref<!tpu.dma_semaphore, #tpu.memory_space<semaphore_mem>>) src(%arg16 : memref<128x128xf32, #tpu.memory_space<vmem>>) dst(%dma_wait3A_1286 : memref<10112x128xf32, #tpu.memory_space<vmem_shared>>)
        tpu.yield
      }) : () -> ()
      %get3A_1241 = arith.constant 0 : index
      %get3A_1242 = tpu.vector_load %arg14[%get3A_1241] {strides = array<i32>} : memref<128xi32, #tpu.memory_space<vmem>>, vector<16xi32>,
      tpu.vector_store_idx %arg26[%get3A_1242], %broadcast_in_dim3A_813 {add = true} : memref<10112xf32, #tpu.memory_space<vmem>>[vector<16xi32>], vector<16xf32>,
      %get3A_1243 = arith.constant 16 : index
      %get3A_1244 = tpu.vector_load %arg14[%get3A_1243] {strides = array<i32>} : memref<128xi32, #tpu.memory_space<vmem>>, vector<16xi32>,
      tpu.vector_store_idx %arg26[%get3A_1244], %broadcast_in_dim3A_813 {add = true} : memref<10112xf32, #tpu.memory_space<vmem>>[vector<16xi32>], vector<16xf32>,
      %get3A_1245 = arith.constant 32 : index
      %get3A_1246 = tpu.vector_load %arg14[%get3A_1245] {strides = array<i32>} : memref<128xi32, #tpu.memory_space<vmem>>, vector<16xi32>,
      tpu.vector_store_idx %arg26[%get3A_1246], %broadcast_in_dim3A_813 {add = true} : memref<10112xf32, #tpu.memory_space<vmem>>[vector<16xi32>], vector<16xf32>,
      %get3A_1247 = arith.constant 48 : index
      %get3A_1248 = tpu.vector_load %arg14[%get3A_1247] {strides = array<i32>} : memref<128xi32, #tpu.memory_space<vmem>>, vector<16xi32>,
      tpu.vector_store_idx %arg26[%get3A_1248], %broadcast_in_dim3A_813 {add = true} : memref<10112xf32, #tpu.memory_space<vmem>>[vector<16xi32>], vector<16xf32>,
      %get3A_1249 = arith.constant 64 : index
      %get3A_1250 = tpu.vector_load %arg14[%get3A_1249] {strides = array<i32>} : memref<128xi32, #tpu.memory_space<vmem>>, vector<16xi32>,
      tpu.vector_store_idx %arg26[%get3A_1250], %broadcast_in_dim3A_813 {add = true} : memref<10112xf32, #tpu.memory_space<vmem>>[vector<16xi32>], vector<16xf32>,
      %get3A_1251 = arith.constant 80 : index
      %get3A_1252 = tpu.vector_load %arg14[%get3A_1251] {strides = array<i32>} : memref<128xi32, #tpu.memory_space<vmem>>, vector<16xi32>,
      tpu.vector_store_idx %arg26[%get3A_1252], %broadcast_in_dim3A_813 {add = true} : memref<10112xf32, #tpu.memory_space<vmem>>[vector<16xi32>], vector<16xf32>,
      %get3A_1253 = arith.constant 96 : index
      %get3A_1254 = tpu.vector_load %arg14[%get3A_1253] {strides = array<i32>} : memref<128xi32, #tpu.memory_space<vmem>>, vector<16xi32>,
      tpu.vector_store_idx %arg26[%get3A_1254], %broadcast_in_dim3A_813 {add = true} : memref<10112xf32, #tpu.memory_space<vmem>>[vector<16xi32>], vector<16xf32>,
      %get3A_1255 = arith.constant 112 : index
      %get3A_1256 = tpu.vector_load %arg14[%get3A_1255] {strides = array<i32>} : memref<128xi32, #tpu.memory_space<vmem>>, vector<16xi32>,
      tpu.vector_store_idx %arg26[%get3A_1256], %broadcast_in_dim3A_813 {add = true} : memref<10112xf32, #tpu.memory_space<vmem>>[vector<16xi32>], vector<16xf32>,
      %mul3A_1257 = arith.constant 4 : i32
      %mul3A_1258 = arith.muli %mul3A_1257, %scan3A_1096 : i32
      %add3A_1259 = arith.constant 3 : i32
      %add3A_1260 = arith.addi %mul3A_1258, %add3A_1259 : i32
      %add3A_1261 = arith.constant 4 : i32
      %add3A_1262 = arith.addi %add3A_1260, %add3A_1261 : i32
      %mul3A_1263 = arith.constant 128 : i32
      %mul3A_1264 = arith.muli %add3A_1262, %mul3A_1263 : i32
      %add3A_1265 = arith.addi %mul3A_514, %mul3A_1264 : i32
      %dma_start3A_1266 = tpu.memref_slice %arg3[%add3A_1265] : memref<327680xi32, #tpu.memory_space<hbm>> -> memref<128xi32, #tpu.memory_space<hbm>>
      %dma_start3A_1267 = tpu.memref_slice %arg3[%add3A_1265] : memref<327680xi32, #tpu.memory_space<hbm>> -> memref<128xi32, #tpu.memory_space<hbm>>
      tpu.enqueue_dma source(%dma_start3A_1267 : memref<128xi32, #tpu.memory_space<hbm>>) target(%arg13 : memref<128xi32, #tpu.memory_space<vmem>>) target_semaphore(%arg24 : memref<!tpu.dma_semaphore, #tpu.memory_space<semaphore_mem>>)
      %dma_start3A_1268 = tpu.memref_slice %arg4[%add3A_1265] : memref<327680xi32, #tpu.memory_space<hbm>> -> memref<128xi32, #tpu.memory_space<hbm>>
      %dma_start3A_1269 = tpu.memref_slice %arg4[%add3A_1265] : memref<327680xi32, #tpu.memory_space<hbm>> -> memref<128xi32, #tpu.memory_space<hbm>>
      tpu.enqueue_dma source(%dma_start3A_1269 : memref<128xi32, #tpu.memory_space<hbm>>) target(%arg14 : memref<128xi32, #tpu.memory_space<vmem>>) target_semaphore(%arg24 : memref<!tpu.dma_semaphore, #tpu.memory_space<semaphore_mem>>)
      %dma_wait3A_1270 = arith.constant 0 : i32
      %dma_wait3A_1271 = tpu.memref_slice %arg3[%dma_wait3A_1270] : memref<327680xi32, #tpu.memory_space<hbm>> -> memref<128xi32, #tpu.memory_space<hbm>>
      %dma_wait3A_1272 = arith.constant 0 : i32
      %dma_wait3A_1273 = tpu.memref_slice %arg3[%dma_wait3A_1272] : memref<327680xi32, #tpu.memory_space<hbm>> -> memref<128xi32, #tpu.memory_space<hbm>>
      tpu.wait_dma2 semaphore(%arg22 : memref<!tpu.dma_semaphore, #tpu.memory_space<semaphore_mem>>) src(%dma_wait3A_1273 : memref<128xi32, #tpu.memory_space<hbm>>) dst(%arg9 : memref<128xi32, #tpu.memory_space<vmem>>)
      %dma_wait3A_1274 = arith.constant 0 : i32
      %dma_wait3A_1275 = tpu.memref_slice %arg4[%dma_wait3A_1274] : memref<327680xi32, #tpu.memory_space<hbm>> -> memref<128xi32, #tpu.memory_space<hbm>>
      %dma_wait3A_1276 = arith.constant 0 : i32
      %dma_wait3A_1277 = tpu.memref_slice %arg4[%dma_wait3A_1276] : memref<327680xi32, #tpu.memory_space<hbm>> -> memref<128xi32, #tpu.memory_space<hbm>>
      tpu.wait_dma2 semaphore(%arg22 : memref<!tpu.dma_semaphore, #tpu.memory_space<semaphore_mem>>) src(%dma_wait3A_1277 : memref<128xi32, #tpu.memory_space<hbm>>) dst(%arg10 : memref<128xi32, #tpu.memory_space<vmem>>)
      %dma_start3A_1278 = arith.constant 0 : i32
      %dma_start3A_1279 = arith.constant 0 : i32
      %dma_start3A_1280 = tpu.memref_slice %arg2[%dma_start3A_1278, %dma_start3A_1279] : memref<10000x128xf32, #tpu.memory_space<hbm>> -> memref<10000x128xf32, #tpu.memory_space<hbm>>
      tpu.enqueue_indirect_dma source(%dma_start3A_1280 : memref<10000x128xf32, #tpu.memory_space<hbm>>) target(%arg16 : memref<128x128xf32, #tpu.memory_space<vmem>>) offsets(%arg9 : memref<128xi32, #tpu.memory_space<vmem>>) semaphore(%arg20 : memref<!tpu.dma_semaphore, #tpu.memory_space<semaphore_mem>>)
    }
    %scan3A_985 = arith.constant 19 : i32
    %dma_wait3A_986 = arith.constant 0 : i32
    %dma_wait3A_987 = arith.constant 0 : i32
    %dma_wait3A_988 = tpu.memref_slice %arg2[%dma_wait3A_986, %dma_wait3A_987] : memref<10000x128xf32, #tpu.memory_space<hbm>> -> memref<128x128xf32, #tpu.memory_space<hbm>>
    %dma_wait3A_989 = arith.constant 0 : i32
    %dma_wait3A_990 = arith.constant 0 : i32
    %dma_wait3A_991 = tpu.memref_slice %arg2[%dma_wait3A_989, %dma_wait3A_990] : memref<10000x128xf32, #tpu.memory_space<hbm>> -> memref<128x128xf32, #tpu.memory_space<hbm>>
    tpu.wait_dma2 semaphore(%arg19 : memref<!tpu.dma_semaphore, #tpu.memory_space<semaphore_mem>>) src(%dma_wait3A_991 : memref<128x128xf32, #tpu.memory_space<hbm>>) dst(%arg15 : memref<128x128xf32, #tpu.memory_space<vmem>>)
    "tpu.region"() ({
      %run_scoped3A = tpu.sem_alloc : memref<!tpu.dma_semaphore, #tpu.memory_space<semaphore_mem>>
      %dma_start3A_1096 = arith.constant 0 : i32
      %dma_start3A_1097 = arith.constant 0 : i32
      %dma_start3A_1098 = tpu.memref_slice %arg18[%dma_start3A_1096, %dma_start3A_1097] : memref<10112x128xf32, #tpu.memory_space<vmem_shared>> -> memref<10112x128xf32, #tpu.memory_space<vmem_shared>>
      tpu.enqueue_indirect_dma source(%arg15 : memref<128x128xf32, #tpu.memory_space<vmem>>) target(%dma_start3A_1098 : memref<10112x128xf32, #tpu.memory_space<vmem_shared>>) offsets(%arg8 : memref<128xi32, #tpu.memory_space<vmem>>) semaphore(%run_scoped3A : memref<!tpu.dma_semaphore, #tpu.memory_space<semaphore_mem>>) {add = true}
      %dma_wait3A_1099 = arith.constant 0 : i32
      %dma_wait3A_1100 = arith.constant 0 : i32
      %dma_wait3A_1101 = tpu.memref_slice %arg18[%dma_wait3A_1099, %dma_wait3A_1100] : memref<10112x128xf32, #tpu.memory_space<vmem_shared>> -> memref<10112x128xf32, #tpu.memory_space<vmem_shared>>
      tpu.wait_indirect_dma semaphore(%run_scoped3A : memref<!tpu.dma_semaphore, #tpu.memory_space<semaphore_mem>>) src(%arg15 : memref<128x128xf32, #tpu.memory_space<vmem>>) dst(%dma_wait3A_1101 : memref<10112x128xf32, #tpu.memory_space<vmem_shared>>)
      tpu.yield
    }) : () -> ()
    %get3A = arith.constant 0 : index
    %get3A_992 = tpu.vector_load %arg8[%get3A] {strides = array<i32>} : memref<128xi32, #tpu.memory_space<vmem>>, vector<16xi32>,
    tpu.vector_store_idx %arg26[%get3A_992], %broadcast_in_dim3A_813 {add = true} : memref<10112xf32, #tpu.memory_space<vmem>>[vector<16xi32>], vector<16xf32>,
    %get3A_993 = arith.constant 16 : index
    %get3A_994 = tpu.vector_load %arg8[%get3A_993] {strides = array<i32>} : memref<128xi32, #tpu.memory_space<vmem>>, vector<16xi32>,
    tpu.vector_store_idx %arg26[%get3A_994], %broadcast_in_dim3A_813 {add = true} : memref<10112xf32, #tpu.memory_space<vmem>>[vector<16xi32>], vector<16xf32>,
    %get3A_995 = arith.constant 32 : index
    %get3A_996 = tpu.vector_load %arg8[%get3A_995] {strides = array<i32>} : memref<128xi32, #tpu.memory_space<vmem>>, vector<16xi32>,
    tpu.vector_store_idx %arg26[%get3A_996], %broadcast_in_dim3A_813 {add = true} : memref<10112xf32, #tpu.memory_space<vmem>>[vector<16xi32>], vector<16xf32>,
    %get3A_997 = arith.constant 48 : index
    %get3A_998 = tpu.vector_load %arg8[%get3A_997] {strides = array<i32>} : memref<128xi32, #tpu.memory_space<vmem>>, vector<16xi32>,
    tpu.vector_store_idx %arg26[%get3A_998], %broadcast_in_dim3A_813 {add = true} : memref<10112xf32, #tpu.memory_space<vmem>>[vector<16xi32>], vector<16xf32>,
    %get3A_999 = arith.constant 64 : index
    %get3A_1000 = tpu.vector_load %arg8[%get3A_999] {strides = array<i32>} : memref<128xi32, #tpu.memory_space<vmem>>, vector<16xi32>,
    tpu.vector_store_idx %arg26[%get3A_1000], %broadcast_in_dim3A_813 {add = true} : memref<10112xf32, #tpu.memory_space<vmem>>[vector<16xi32>], vector<16xf32>,
    %get3A_1001 = arith.constant 80 : index
    %get3A_1002 = tpu.vector_load %arg8[%get3A_1001] {strides = array<i32>} : memref<128xi32, #tpu.memory_space<vmem>>, vector<16xi32>,
    tpu.vector_store_idx %arg26[%get3A_1002], %broadcast_in_dim3A_813 {add = true} : memref<10112xf32, #tpu.memory_space<vmem>>[vector<16xi32>], vector<16xf32>,
    %get3A_1003 = arith.constant 96 : index
    %get3A_1004 = tpu.vector_load %arg8[%get3A_1003] {strides = array<i32>} : memref<128xi32, #tpu.memory_space<vmem>>, vector<16xi32>,
    tpu.vector_store_idx %arg26[%get3A_1004], %broadcast_in_dim3A_813 {add = true} : memref<10112xf32, #tpu.memory_space<vmem>>[vector<16xi32>], vector<16xf32>,
    %get3A_1005 = arith.constant 112 : index
    %get3A_1006 = tpu.vector_load %arg8[%get3A_1005] {strides = array<i32>} : memref<128xi32, #tpu.memory_space<vmem>>, vector<16xi32>,
    tpu.vector_store_idx %arg26[%get3A_1006], %broadcast_in_dim3A_813 {add = true} : memref<10112xf32, #tpu.memory_space<vmem>>[vector<16xi32>], vector<16xf32>,
    %dma_wait3A_1007 = arith.constant 0 : i32
    %dma_wait3A_1008 = tpu.memref_slice %arg3[%dma_wait3A_1007] : memref<327680xi32, #tpu.memory_space<hbm>> -> memref<128xi32, #tpu.memory_space<hbm>>
    %dma_wait3A_1009 = arith.constant 0 : i32
    %dma_wait3A_1010 = tpu.memref_slice %arg3[%dma_wait3A_1009] : memref<327680xi32, #tpu.memory_space<hbm>> -> memref<128xi32, #tpu.memory_space<hbm>>
    tpu.wait_dma2 semaphore(%arg23 : memref<!tpu.dma_semaphore, #tpu.memory_space<semaphore_mem>>) src(%dma_wait3A_1010 : memref<128xi32, #tpu.memory_space<hbm>>) dst(%arg11 : memref<128xi32, #tpu.memory_space<vmem>>)
    %dma_wait3A_1011 = arith.constant 0 : i32
    %dma_wait3A_1012 = tpu.memref_slice %arg4[%dma_wait3A_1011] : memref<327680xi32, #tpu.memory_space<hbm>> -> memref<128xi32, #tpu.memory_space<hbm>>
    %dma_wait3A_1013 = arith.constant 0 : i32
    %dma_wait3A_1014 = tpu.memref_slice %arg4[%dma_wait3A_1013] : memref<327680xi32, #tpu.memory_space<hbm>> -> memref<128xi32, #tpu.memory_space<hbm>>
    tpu.wait_dma2 semaphore(%arg23 : memref<!tpu.dma_semaphore, #tpu.memory_space<semaphore_mem>>) src(%dma_wait3A_1014 : memref<128xi32, #tpu.memory_space<hbm>>) dst(%arg12 : memref<128xi32, #tpu.memory_space<vmem>>)
    %dma_start3A_1015 = arith.constant 0 : i32
    %dma_start3A_1016 = arith.constant 0 : i32
    %dma_start3A_1017 = tpu.memref_slice %arg2[%dma_start3A_1015, %dma_start3A_1016] : memref<10000x128xf32, #tpu.memory_space<hbm>> -> memref<10000x128xf32, #tpu.memory_space<hbm>>
    tpu.enqueue_indirect_dma source(%dma_start3A_1017 : memref<10000x128xf32, #tpu.memory_space<hbm>>) target(%arg15 : memref<128x128xf32, #tpu.memory_space<vmem>>) offsets(%arg11 : memref<128xi32, #tpu.memory_space<vmem>>) semaphore(%arg19 : memref<!tpu.dma_semaphore, #tpu.memory_space<semaphore_mem>>)
    %dma_wait3A_1018 = arith.constant 0 : i32
    %dma_wait3A_1019 = arith.constant 0 : i32
    %dma_wait3A_1020 = tpu.memref_slice %arg2[%dma_wait3A_1018, %dma_wait3A_1019] : memref<10000x128xf32, #tpu.memory_space<hbm>> -> memref<128x128xf32, #tpu.memory_space<hbm>>
    %dma_wait3A_1021 = arith.constant 0 : i32
    %dma_wait3A_1022 = arith.constant 0 : i32
    %dma_wait3A_1023 = tpu.memref_slice %arg2[%dma_wait3A_1021, %dma_wait3A_1022] : memref<10000x128xf32, #tpu.memory_space<hbm>> -> memref<128x128xf32, #tpu.memory_space<hbm>>
    tpu.wait_dma2 semaphore(%arg20 : memref<!tpu.dma_semaphore, #tpu.memory_space<semaphore_mem>>) src(%dma_wait3A_1023 : memref<128x128xf32, #tpu.memory_space<hbm>>) dst(%arg16 : memref<128x128xf32, #tpu.memory_space<vmem>>)
    "tpu.region"() ({
      %run_scoped3A = tpu.sem_alloc : memref<!tpu.dma_semaphore, #tpu.memory_space<semaphore_mem>>
      %dma_start3A_1096 = arith.constant 0 : i32
      %dma_start3A_1097 = arith.constant 0 : i32
      %dma_start3A_1098 = tpu.memref_slice %arg18[%dma_start3A_1096, %dma_start3A_1097] : memref<10112x128xf32, #tpu.memory_space<vmem_shared>> -> memref<10112x128xf32, #tpu.memory_space<vmem_shared>>
      tpu.enqueue_indirect_dma source(%arg16 : memref<128x128xf32, #tpu.memory_space<vmem>>) target(%dma_start3A_1098 : memref<10112x128xf32, #tpu.memory_space<vmem_shared>>) offsets(%arg10 : memref<128xi32, #tpu.memory_space<vmem>>) semaphore(%run_scoped3A : memref<!tpu.dma_semaphore, #tpu.memory_space<semaphore_mem>>) {add = true}
      %dma_wait3A_1099 = arith.constant 0 : i32
      %dma_wait3A_1100 = arith.constant 0 : i32
      %dma_wait3A_1101 = tpu.memref_slice %arg18[%dma_wait3A_1099, %dma_wait3A_1100] : memref<10112x128xf32, #tpu.memory_space<vmem_shared>> -> memref<10112x128xf32, #tpu.memory_space<vmem_shared>>
      tpu.wait_indirect_dma semaphore(%run_scoped3A : memref<!tpu.dma_semaphore, #tpu.memory_space<semaphore_mem>>) src(%arg16 : memref<128x128xf32, #tpu.memory_space<vmem>>) dst(%dma_wait3A_1101 : memref<10112x128xf32, #tpu.memory_space<vmem_shared>>)
      tpu.yield
    }) : () -> ()
    %get3A_1024 = arith.constant 0 : index
    %get3A_1025 = tpu.vector_load %arg10[%get3A_1024] {strides = array<i32>} : memref<128xi32, #tpu.memory_space<vmem>>, vector<16xi32>,
    tpu.vector_store_idx %arg26[%get3A_1025], %broadcast_in_dim3A_813 {add = true} : memref<10112xf32, #tpu.memory_space<vmem>>[vector<16xi32>], vector<16xf32>,
    %get3A_1026 = arith.constant 16 : index
    %get3A_1027 = tpu.vector_load %arg10[%get3A_1026] {strides = array<i32>} : memref<128xi32, #tpu.memory_space<vmem>>, vector<16xi32>,
    tpu.vector_store_idx %arg26[%get3A_1027], %broadcast_in_dim3A_813 {add = true} : memref<10112xf32, #tpu.memory_space<vmem>>[vector<16xi32>], vector<16xf32>,
    %get3A_1028 = arith.constant 32 : index
    %get3A_1029 = tpu.vector_load %arg10[%get3A_1028] {strides = array<i32>} : memref<128xi32, #tpu.memory_space<vmem>>, vector<16xi32>,
    tpu.vector_store_idx %arg26[%get3A_1029], %broadcast_in_dim3A_813 {add = true} : memref<10112xf32, #tpu.memory_space<vmem>>[vector<16xi32>], vector<16xf32>,
    %get3A_1030 = arith.constant 48 : index
    %get3A_1031 = tpu.vector_load %arg10[%get3A_1030] {strides = array<i32>} : memref<128xi32, #tpu.memory_space<vmem>>, vector<16xi32>,
    tpu.vector_store_idx %arg26[%get3A_1031], %broadcast_in_dim3A_813 {add = true} : memref<10112xf32, #tpu.memory_space<vmem>>[vector<16xi32>], vector<16xf32>,
    %get3A_1032 = arith.constant 64 : index
    %get3A_1033 = tpu.vector_load %arg10[%get3A_1032] {strides = array<i32>} : memref<128xi32, #tpu.memory_space<vmem>>, vector<16xi32>,
    tpu.vector_store_idx %arg26[%get3A_1033], %broadcast_in_dim3A_813 {add = true} : memref<10112xf32, #tpu.memory_space<vmem>>[vector<16xi32>], vector<16xf32>,
    %get3A_1034 = arith.constant 80 : index
    %get3A_1035 = tpu.vector_load %arg10[%get3A_1034] {strides = array<i32>} : memref<128xi32, #tpu.memory_space<vmem>>, vector<16xi32>,
    tpu.vector_store_idx %arg26[%get3A_1035], %broadcast_in_dim3A_813 {add = true} : memref<10112xf32, #tpu.memory_space<vmem>>[vector<16xi32>], vector<16xf32>,
    %get3A_1036 = arith.constant 96 : index
    %get3A_1037 = tpu.vector_load %arg10[%get3A_1036] {strides = array<i32>} : memref<128xi32, #tpu.memory_space<vmem>>, vector<16xi32>,
    tpu.vector_store_idx %arg26[%get3A_1037], %broadcast_in_dim3A_813 {add = true} : memref<10112xf32, #tpu.memory_space<vmem>>[vector<16xi32>], vector<16xf32>,
    %get3A_1038 = arith.constant 112 : index
    %get3A_1039 = tpu.vector_load %arg10[%get3A_1038] {strides = array<i32>} : memref<128xi32, #tpu.memory_space<vmem>>, vector<16xi32>,
    tpu.vector_store_idx %arg26[%get3A_1039], %broadcast_in_dim3A_813 {add = true} : memref<10112xf32, #tpu.memory_space<vmem>>[vector<16xi32>], vector<16xf32>,
    %dma_wait3A_1040 = arith.constant 0 : i32
    %dma_wait3A_1041 = tpu.memref_slice %arg3[%dma_wait3A_1040] : memref<327680xi32, #tpu.memory_space<hbm>> -> memref<128xi32, #tpu.memory_space<hbm>>
    %dma_wait3A_1042 = arith.constant 0 : i32
    %dma_wait3A_1043 = tpu.memref_slice %arg3[%dma_wait3A_1042] : memref<327680xi32, #tpu.memory_space<hbm>> -> memref<128xi32, #tpu.memory_space<hbm>>
    tpu.wait_dma2 semaphore(%arg24 : memref<!tpu.dma_semaphore, #tpu.memory_space<semaphore_mem>>) src(%dma_wait3A_1043 : memref<128xi32, #tpu.memory_space<hbm>>) dst(%arg13 : memref<128xi32, #tpu.memory_space<vmem>>)
    %dma_wait3A_1044 = arith.constant 0 : i32
    %dma_wait3A_1045 = tpu.memref_slice %arg4[%dma_wait3A_1044] : memref<327680xi32, #tpu.memory_space<hbm>> -> memref<128xi32, #tpu.memory_space<hbm>>
    %dma_wait3A_1046 = arith.constant 0 : i32
    %dma_wait3A_1047 = tpu.memref_slice %arg4[%dma_wait3A_1046] : memref<327680xi32, #tpu.memory_space<hbm>> -> memref<128xi32, #tpu.memory_space<hbm>>
    tpu.wait_dma2 semaphore(%arg24 : memref<!tpu.dma_semaphore, #tpu.memory_space<semaphore_mem>>) src(%dma_wait3A_1047 : memref<128xi32, #tpu.memory_space<hbm>>) dst(%arg14 : memref<128xi32, #tpu.memory_space<vmem>>)
    %dma_start3A_1048 = arith.constant 0 : i32
    %dma_start3A_1049 = arith.constant 0 : i32
    %dma_start3A_1050 = tpu.memref_slice %arg2[%dma_start3A_1048, %dma_start3A_1049] : memref<10000x128xf32, #tpu.memory_space<hbm>> -> memref<10000x128xf32, #tpu.memory_space<hbm>>
    tpu.enqueue_indirect_dma source(%dma_start3A_1050 : memref<10000x128xf32, #tpu.memory_space<hbm>>) target(%arg16 : memref<128x128xf32, #tpu.memory_space<vmem>>) offsets(%arg13 : memref<128xi32, #tpu.memory_space<vmem>>) semaphore(%arg20 : memref<!tpu.dma_semaphore, #tpu.memory_space<semaphore_mem>>)
    %dma_wait3A_1051 = arith.constant 0 : i32
    %dma_wait3A_1052 = arith.constant 0 : i32
    %dma_wait3A_1053 = tpu.memref_slice %arg2[%dma_wait3A_1051, %dma_wait3A_1052] : memref<10000x128xf32, #tpu.memory_space<hbm>> -> memref<128x128xf32, #tpu.memory_space<hbm>>
    %dma_wait3A_1054 = arith.constant 0 : i32
    %dma_wait3A_1055 = arith.constant 0 : i32
    %dma_wait3A_1056 = tpu.memref_slice %arg2[%dma_wait3A_1054, %dma_wait3A_1055] : memref<10000x128xf32, #tpu.memory_space<hbm>> -> memref<128x128xf32, #tpu.memory_space<hbm>>
    tpu.wait_dma2 semaphore(%arg19 : memref<!tpu.dma_semaphore, #tpu.memory_space<semaphore_mem>>) src(%dma_wait3A_1056 : memref<128x128xf32, #tpu.memory_space<hbm>>) dst(%arg15 : memref<128x128xf32, #tpu.memory_space<vmem>>)
    "tpu.region"() ({
      %run_scoped3A = tpu.sem_alloc : memref<!tpu.dma_semaphore, #tpu.memory_space<semaphore_mem>>
      %dma_start3A_1096 = arith.constant 0 : i32
      %dma_start3A_1097 = arith.constant 0 : i32
      %dma_start3A_1098 = tpu.memref_slice %arg18[%dma_start3A_1096, %dma_start3A_1097] : memref<10112x128xf32, #tpu.memory_space<vmem_shared>> -> memref<10112x128xf32, #tpu.memory_space<vmem_shared>>
      tpu.enqueue_indirect_dma source(%arg15 : memref<128x128xf32, #tpu.memory_space<vmem>>) target(%dma_start3A_1098 : memref<10112x128xf32, #tpu.memory_space<vmem_shared>>) offsets(%arg12 : memref<128xi32, #tpu.memory_space<vmem>>) semaphore(%run_scoped3A : memref<!tpu.dma_semaphore, #tpu.memory_space<semaphore_mem>>) {add = true}
      %dma_wait3A_1099 = arith.constant 0 : i32
      %dma_wait3A_1100 = arith.constant 0 : i32
      %dma_wait3A_1101 = tpu.memref_slice %arg18[%dma_wait3A_1099, %dma_wait3A_1100] : memref<10112x128xf32, #tpu.memory_space<vmem_shared>> -> memref<10112x128xf32, #tpu.memory_space<vmem_shared>>
      tpu.wait_indirect_dma semaphore(%run_scoped3A : memref<!tpu.dma_semaphore, #tpu.memory_space<semaphore_mem>>) src(%arg15 : memref<128x128xf32, #tpu.memory_space<vmem>>) dst(%dma_wait3A_1101 : memref<10112x128xf32, #tpu.memory_space<vmem_shared>>)
      tpu.yield
    }) : () -> ()
    %get3A_1057 = arith.constant 0 : index
    %get3A_1058 = tpu.vector_load %arg12[%get3A_1057] {strides = array<i32>} : memref<128xi32, #tpu.memory_space<vmem>>, vector<16xi32>,
    tpu.vector_store_idx %arg26[%get3A_1058], %broadcast_in_dim3A_813 {add = true} : memref<10112xf32, #tpu.memory_space<vmem>>[vector<16xi32>], vector<16xf32>,
    %get3A_1059 = arith.constant 16 : index
    %get3A_1060 = tpu.vector_load %arg12[%get3A_1059] {strides = array<i32>} : memref<128xi32, #tpu.memory_space<vmem>>, vector<16xi32>,
    tpu.vector_store_idx %arg26[%get3A_1060], %broadcast_in_dim3A_813 {add = true} : memref<10112xf32, #tpu.memory_space<vmem>>[vector<16xi32>], vector<16xf32>,
    %get3A_1061 = arith.constant 32 : index
    %get3A_1062 = tpu.vector_load %arg12[%get3A_1061] {strides = array<i32>} : memref<128xi32, #tpu.memory_space<vmem>>, vector<16xi32>,
    tpu.vector_store_idx %arg26[%get3A_1062], %broadcast_in_dim3A_813 {add = true} : memref<10112xf32, #tpu.memory_space<vmem>>[vector<16xi32>], vector<16xf32>,
    %get3A_1063 = arith.constant 48 : index
    %get3A_1064 = tpu.vector_load %arg12[%get3A_1063] {strides = array<i32>} : memref<128xi32, #tpu.memory_space<vmem>>, vector<16xi32>,
    tpu.vector_store_idx %arg26[%get3A_1064], %broadcast_in_dim3A_813 {add = true} : memref<10112xf32, #tpu.memory_space<vmem>>[vector<16xi32>], vector<16xf32>,
    %get3A_1065 = arith.constant 64 : index
    %get3A_1066 = tpu.vector_load %arg12[%get3A_1065] {strides = array<i32>} : memref<128xi32, #tpu.memory_space<vmem>>, vector<16xi32>,
    tpu.vector_store_idx %arg26[%get3A_1066], %broadcast_in_dim3A_813 {add = true} : memref<10112xf32, #tpu.memory_space<vmem>>[vector<16xi32>], vector<16xf32>,
    %get3A_1067 = arith.constant 80 : index
    %get3A_1068 = tpu.vector_load %arg12[%get3A_1067] {strides = array<i32>} : memref<128xi32, #tpu.memory_space<vmem>>, vector<16xi32>,
    tpu.vector_store_idx %arg26[%get3A_1068], %broadcast_in_dim3A_813 {add = true} : memref<10112xf32, #tpu.memory_space<vmem>>[vector<16xi32>], vector<16xf32>,
    %get3A_1069 = arith.constant 96 : index
    %get3A_1070 = tpu.vector_load %arg12[%get3A_1069] {strides = array<i32>} : memref<128xi32, #tpu.memory_space<vmem>>, vector<16xi32>,
    tpu.vector_store_idx %arg26[%get3A_1070], %broadcast_in_dim3A_813 {add = true} : memref<10112xf32, #tpu.memory_space<vmem>>[vector<16xi32>], vector<16xf32>,
    %get3A_1071 = arith.constant 112 : index
    %get3A_1072 = tpu.vector_load %arg12[%get3A_1071] {strides = array<i32>} : memref<128xi32, #tpu.memory_space<vmem>>, vector<16xi32>,
    tpu.vector_store_idx %arg26[%get3A_1072], %broadcast_in_dim3A_813 {add = true} : memref<10112xf32, #tpu.memory_space<vmem>>[vector<16xi32>], vector<16xf32>,
    %dma_wait3A_1073 = arith.constant 0 : i32
    %dma_wait3A_1074 = arith.constant 0 : i32
    %dma_wait3A_1075 = tpu.memref_slice %arg2[%dma_wait3A_1073, %dma_wait3A_1074] : memref<10000x128xf32, #tpu.memory_space<hbm>> -> memref<128x128xf32, #tpu.memory_space<hbm>>
    %dma_wait3A_1076 = arith.constant 0 : i32
    %dma_wait3A_1077 = arith.constant 0 : i32
    %dma_wait3A_1078 = tpu.memref_slice %arg2[%dma_wait3A_1076, %dma_wait3A_1077] : memref<10000x128xf32, #tpu.memory_space<hbm>> -> memref<128x128xf32, #tpu.memory_space<hbm>>
    tpu.wait_dma2 semaphore(%arg20 : memref<!tpu.dma_semaphore, #tpu.memory_space<semaphore_mem>>) src(%dma_wait3A_1078 : memref<128x128xf32, #tpu.memory_space<hbm>>) dst(%arg16 : memref<128x128xf32, #tpu.memory_space<vmem>>)
    "tpu.region"() ({
      %run_scoped3A = tpu.sem_alloc : memref<!tpu.dma_semaphore, #tpu.memory_space<semaphore_mem>>
      %dma_start3A_1096 = arith.constant 0 : i32
      %dma_start3A_1097 = arith.constant 0 : i32
      %dma_start3A_1098 = tpu.memref_slice %arg18[%dma_start3A_1096, %dma_start3A_1097] : memref<10112x128xf32, #tpu.memory_space<vmem_shared>> -> memref<10112x128xf32, #tpu.memory_space<vmem_shared>>
      tpu.enqueue_indirect_dma source(%arg16 : memref<128x128xf32, #tpu.memory_space<vmem>>) target(%dma_start3A_1098 : memref<10112x128xf32, #tpu.memory_space<vmem_shared>>) offsets(%arg14 : memref<128xi32, #tpu.memory_space<vmem>>) semaphore(%run_scoped3A : memref<!tpu.dma_semaphore, #tpu.memory_space<semaphore_mem>>) {add = true}
      %dma_wait3A_1099 = arith.constant 0 : i32
      %dma_wait3A_1100 = arith.constant 0 : i32
      %dma_wait3A_1101 = tpu.memref_slice %arg18[%dma_wait3A_1099, %dma_wait3A_1100] : memref<10112x128xf32, #tpu.memory_space<vmem_shared>> -> memref<10112x128xf32, #tpu.memory_space<vmem_shared>>
      tpu.wait_indirect_dma semaphore(%run_scoped3A : memref<!tpu.dma_semaphore, #tpu.memory_space<semaphore_mem>>) src(%arg16 : memref<128x128xf32, #tpu.memory_space<vmem>>) dst(%dma_wait3A_1101 : memref<10112x128xf32, #tpu.memory_space<vmem_shared>>)
      tpu.yield
    }) : () -> ()
    %get3A_1079 = arith.constant 0 : index
    %get3A_1080 = tpu.vector_load %arg14[%get3A_1079] {strides = array<i32>} : memref<128xi32, #tpu.memory_space<vmem>>, vector<16xi32>,
    tpu.vector_store_idx %arg26[%get3A_1080], %broadcast_in_dim3A_813 {add = true} : memref<10112xf32, #tpu.memory_space<vmem>>[vector<16xi32>], vector<16xf32>,
    %get3A_1081 = arith.constant 16 : index
    %get3A_1082 = tpu.vector_load %arg14[%get3A_1081] {strides = array<i32>} : memref<128xi32, #tpu.memory_space<vmem>>, vector<16xi32>,
    tpu.vector_store_idx %arg26[%get3A_1082], %broadcast_in_dim3A_813 {add = true} : memref<10112xf32, #tpu.memory_space<vmem>>[vector<16xi32>], vector<16xf32>,
    %get3A_1083 = arith.constant 32 : index
    %get3A_1084 = tpu.vector_load %arg14[%get3A_1083] {strides = array<i32>} : memref<128xi32, #tpu.memory_space<vmem>>, vector<16xi32>,
    tpu.vector_store_idx %arg26[%get3A_1084], %broadcast_in_dim3A_813 {add = true} : memref<10112xf32, #tpu.memory_space<vmem>>[vector<16xi32>], vector<16xf32>,
    %get3A_1085 = arith.constant 48 : index
    %get3A_1086 = tpu.vector_load %arg14[%get3A_1085] {strides = array<i32>} : memref<128xi32, #tpu.memory_space<vmem>>, vector<16xi32>,
    tpu.vector_store_idx %arg26[%get3A_1086], %broadcast_in_dim3A_813 {add = true} : memref<10112xf32, #tpu.memory_space<vmem>>[vector<16xi32>], vector<16xf32>,
    %get3A_1087 = arith.constant 64 : index
    %get3A_1088 = tpu.vector_load %arg14[%get3A_1087] {strides = array<i32>} : memref<128xi32, #tpu.memory_space<vmem>>, vector<16xi32>,
    tpu.vector_store_idx %arg26[%get3A_1088], %broadcast_in_dim3A_813 {add = true} : memref<10112xf32, #tpu.memory_space<vmem>>[vector<16xi32>], vector<16xf32>,
    %get3A_1089 = arith.constant 80 : index
    %get3A_1090 = tpu.vector_load %arg14[%get3A_1089] {strides = array<i32>} : memref<128xi32, #tpu.memory_space<vmem>>, vector<16xi32>,
    tpu.vector_store_idx %arg26[%get3A_1090], %broadcast_in_dim3A_813 {add = true} : memref<10112xf32, #tpu.memory_space<vmem>>[vector<16xi32>], vector<16xf32>,
    %get3A_1091 = arith.constant 96 : index
    %get3A_1092 = tpu.vector_load %arg14[%get3A_1091] {strides = array<i32>} : memref<128xi32, #tpu.memory_space<vmem>>, vector<16xi32>,
    tpu.vector_store_idx %arg26[%get3A_1092], %broadcast_in_dim3A_813 {add = true} : memref<10112xf32, #tpu.memory_space<vmem>>[vector<16xi32>], vector<16xf32>,
    %get3A_1093 = arith.constant 112 : index
    %get3A_1094 = tpu.vector_load %arg14[%get3A_1093] {strides = array<i32>} : memref<128xi32, #tpu.memory_space<vmem>>, vector<16xi32>,
    tpu.vector_store_idx %arg26[%get3A_1094], %broadcast_in_dim3A_813 {add = true} : memref<10112xf32, #tpu.memory_space<vmem>>[vector<16xi32>], vector<16xf32>,
    %barrier3A_1095 = arith.constant 0 : index
    tpu.barrier barrier_id(%barrier3A_1095)
    "tpu.region"() ({
      %run_scoped3A = tpu.sem_alloc : memref<!tpu.dma_semaphore, #tpu.memory_space<semaphore_mem>>
      %dma_start3A_1096 = arith.constant 0 : i32
      %dma_start3A_1097 = tpu.memref_slice %arg5[%arg0, %mul3A_516, %dma_start3A_1096] : memref<2x10112x128xf32, #tpu.memory_space<hbm>> -> memref<1x632x128xf32, #tpu.memory_space<hbm>>
      %dma_start3A_1098 = tpu.memref_squeeze %dma_start3A_1097 : memref<1x632x128xf32, #tpu.memory_space<hbm>> -> memref<632x128xf32, #tpu.memory_space<hbm>>
      %dma_start3A_1099 = arith.constant 0 : i32
      %dma_start3A_1100 = tpu.memref_slice %arg18[%mul3A_516, %dma_start3A_1099] : memref<10112x128xf32, #tpu.memory_space<vmem_shared>> -> memref<632x128xf32, #tpu.memory_space<vmem_shared>>
      tpu.enqueue_dma source(%dma_start3A_1100 : memref<632x128xf32, #tpu.memory_space<vmem_shared>>) target(%dma_start3A_1098 : memref<632x128xf32, #tpu.memory_space<hbm>>) target_semaphore(%run_scoped3A : memref<!tpu.dma_semaphore, #tpu.memory_space<semaphore_mem>>)
      %dma_wait3A_1101 = arith.constant 0 : i32
      %dma_wait3A_1102 = tpu.memref_slice %arg5[%arg0, %mul3A_516, %dma_wait3A_1101] : memref<2x10112x128xf32, #tpu.memory_space<hbm>> -> memref<1x632x128xf32, #tpu.memory_space<hbm>>
      %dma_wait3A_1103 = tpu.memref_squeeze %dma_wait3A_1102 : memref<1x632x128xf32, #tpu.memory_space<hbm>> -> memref<632x128xf32, #tpu.memory_space<hbm>>
      %dma_wait3A_1104 = arith.constant 0 : i32
      %dma_wait3A_1105 = tpu.memref_slice %arg18[%mul3A_516, %dma_wait3A_1104] : memref<10112x128xf32, #tpu.memory_space<vmem_shared>> -> memref<632x128xf32, #tpu.memory_space<vmem_shared>>
      tpu.wait_dma2 semaphore(%run_scoped3A : memref<!tpu.dma_semaphore, #tpu.memory_space<semaphore_mem>>) src(%dma_wait3A_1105 : memref<632x128xf32, #tpu.memory_space<vmem_shared>>) dst(%dma_wait3A_1103 : memref<632x128xf32, #tpu.memory_space<hbm>>)
      tpu.yield
    }) : () -> ()
    "tpu.region"() ({
      %run_scoped3A = tpu.sem_alloc : memref<!tpu.dma_semaphore, #tpu.memory_space<semaphore_mem>>
      %dma_start3A_1096 = arith.constant 0 : i32
      %dma_start3A_1097 = tpu.memref_slice %arg6[%add3A, %dma_start3A_1096] : memref<32x10112xf32, #tpu.memory_space<hbm>> -> memref<1x10112xf32, #tpu.memory_space<hbm>>
      %dma_start3A_1098 = tpu.memref_squeeze %dma_start3A_1097 : memref<1x10112xf32, #tpu.memory_space<hbm>> -> memref<10112xf32, #tpu.memory_space<hbm>>
      %dma_start3A_1099 = arith.constant 0 : i32
      %dma_start3A_1100 = tpu.memref_slice %arg6[%add3A, %dma_start3A_1099] : memref<32x10112xf32, #tpu.memory_space<hbm>> -> memref<1x10112xf32, #tpu.memory_space<hbm>>
      %dma_start3A_1101 = tpu.memref_squeeze %dma_start3A_1100 : memref<1x10112xf32, #tpu.memory_space<hbm>> -> memref<10112xf32, #tpu.memory_space<hbm>>
      tpu.enqueue_dma source(%arg26 : memref<10112xf32, #tpu.memory_space<vmem>>) target(%dma_start3A_1101 : memref<10112xf32, #tpu.memory_space<hbm>>) target_semaphore(%run_scoped3A : memref<!tpu.dma_semaphore, #tpu.memory_space<semaphore_mem>>)
      %dma_wait3A_1102 = arith.constant 0 : i32
      %dma_wait3A_1103 = tpu.memref_slice %arg6[%add3A, %dma_wait3A_1102] : memref<32x10112xf32, #tpu.memory_space<hbm>> -> memref<1x10112xf32, #tpu.memory_space<hbm>>
      %dma_wait3A_1104 = tpu.memref_squeeze %dma_wait3A_1103 : memref<1x10112xf32, #tpu.memory_space<hbm>> -> memref<10112xf32, #tpu.memory_space<hbm>>
      %dma_wait3A_1105 = arith.constant 0 : i32
      %dma_wait3A_1106 = tpu.memref_slice %arg6[%add3A, %dma_wait3A_1105] : memref<32x10112xf32, #tpu.memory_space<hbm>> -> memref<1x10112xf32, #tpu.memory_space<hbm>>
      %dma_wait3A_1107 = tpu.memref_squeeze %dma_wait3A_1106 : memref<1x10112xf32, #tpu.memory_space<hbm>> -> memref<10112xf32, #tpu.memory_space<hbm>>
      tpu.wait_dma2 semaphore(%run_scoped3A : memref<!tpu.dma_semaphore, #tpu.memory_space<semaphore_mem>>) src(%arg26 : memref<10112xf32, #tpu.memory_space<vmem>>) dst(%dma_wait3A_1107 : memref<10112xf32, #tpu.memory_space<hbm>>)
      tpu.yield
    }) : () -> ()
    return
  }
}

#map = affine_map<(d0, d1) -> (0, 0)>
#map1 = affine_map<(d0, d1) -> (0)>
#map2 = affine_map<(d0, d1) -> (0, 0, 0)>
module attributes {stable_mosaic.version = 14 : i64} {
  func.func @seg_sum(%arg0: i32, %arg1: i32, %arg2: memref<10000x128xf32, #tpu.memory_space<hbm>>, %arg3: memref<327680xi32, #tpu.memory_space<hbm>>, %arg4: memref<327680xi32, #tpu.memory_space<hbm>>, %arg5: memref<2x10112x128xf32, #tpu.memory_space<hbm>>, %arg6: memref<128xi32, #tpu.memory_space<vmem>>, %arg7: memref<128xi32, #tpu.memory_space<vmem>>, %arg8: memref<128xi32, #tpu.memory_space<vmem>>, %arg9: memref<128xi32, #tpu.memory_space<vmem>>, %arg10: memref<128xi32, #tpu.memory_space<vmem>>, %arg11: memref<128xi32, #tpu.memory_space<vmem>>, %arg12: memref<128xi32, #tpu.memory_space<vmem>>, %arg13: memref<128xi32, #tpu.memory_space<vmem>>, %arg14: memref<128x128xf32, #tpu.memory_space<vmem>>, %arg15: memref<128x128xf32, #tpu.memory_space<vmem>>, %arg16: memref<16x128xf32, #tpu.memory_space<vmem>>, %arg17: memref<10112x128xf32, #tpu.memory_space<vmem_shared>>, %arg18: memref<!tpu.dma_semaphore, #tpu.memory_space<semaphore_mem>>, %arg19: memref<!tpu.dma_semaphore, #tpu.memory_space<semaphore_mem>>, %arg20: memref<!tpu.dma_semaphore, #tpu.memory_space<semaphore_mem>>, %arg21: memref<!tpu.dma_semaphore, #tpu.memory_space<semaphore_mem>>, %arg22: memref<!tpu.dma_semaphore, #tpu.memory_space<semaphore_mem>>, %arg23: memref<!tpu.dma_semaphore, #tpu.memory_space<semaphore_mem>>, %arg24: memref<!tpu.dma_semaphore, #tpu.memory_space<semaphore_mem>>) attributes {dimension_semantics = [#tpu.dimension_semantics<core_parallel>, #tpu.dimension_semantics<subcore_parallel>], iteration_bounds = array<i64: 2, 16>, scalar_prefetch = 0 : i64, scratch_operands = 19 : i64, tpu.core_type = #tpu.core_type<sc_vector_subcore>, window_params = [{transform_indices = #map}, {transform_indices = #map1}, {transform_indices = #map1}, {transform_indices = #map2}]} {
    %mul3A = arith.constant 16 : i32
    %mul3A_0 = arith.muli %arg0, %mul3A : i32
    %add3A = arith.addi %mul3A_0, %arg1 : i32
    %broadcast_in_dim3A = arith.constant 0.000000e+00 : f32
    %broadcast_in_dim3A_1 = vector.broadcast %broadcast_in_dim3A : f32 to vector<16xf32>
    %swap3A = arith.constant 0 : i32
    %swap3A_2 = arith.index_cast %swap3A : i32 to index
    %swap3A_3 = arith.constant 0 : index
    %swap3A_4 = tpu.vector_load %arg16[%swap3A_2, %swap3A_3] {strides = array<i32>} : memref<16x128xf32, #tpu.memory_space<vmem>>, vector<16xf32>,
    tpu.vector_store %arg16[%swap3A_2, %swap3A_3], %broadcast_in_dim3A_1 {strides = array<i32>} : memref<16x128xf32, #tpu.memory_space<vmem>>, vector<16xf32>,
    %swap3A_5 = arith.constant 0 : i32
    %swap3A_6 = arith.index_cast %swap3A_5 : i32 to index
    %swap3A_7 = arith.constant 16 : index
    %swap3A_8 = tpu.vector_load %arg16[%swap3A_6, %swap3A_7] {strides = array<i32>} : memref<16x128xf32, #tpu.memory_space<vmem>>, vector<16xf32>,
    tpu.vector_store %arg16[%swap3A_6, %swap3A_7], %broadcast_in_dim3A_1 {strides = array<i32>} : memref<16x128xf32, #tpu.memory_space<vmem>>, vector<16xf32>,
    %swap3A_9 = arith.constant 0 : i32
    %swap3A_10 = arith.index_cast %swap3A_9 : i32 to index
    %swap3A_11 = arith.constant 32 : index
    %swap3A_12 = tpu.vector_load %arg16[%swap3A_10, %swap3A_11] {strides = array<i32>} : memref<16x128xf32, #tpu.memory_space<vmem>>, vector<16xf32>,
    tpu.vector_store %arg16[%swap3A_10, %swap3A_11], %broadcast_in_dim3A_1 {strides = array<i32>} : memref<16x128xf32, #tpu.memory_space<vmem>>, vector<16xf32>,
    %swap3A_13 = arith.constant 0 : i32
    %swap3A_14 = arith.index_cast %swap3A_13 : i32 to index
    %swap3A_15 = arith.constant 48 : index
    %swap3A_16 = tpu.vector_load %arg16[%swap3A_14, %swap3A_15] {strides = array<i32>} : memref<16x128xf32, #tpu.memory_space<vmem>>, vector<16xf32>,
    tpu.vector_store %arg16[%swap3A_14, %swap3A_15], %broadcast_in_dim3A_1 {strides = array<i32>} : memref<16x128xf32, #tpu.memory_space<vmem>>, vector<16xf32>,
    %swap3A_17 = arith.constant 0 : i32
    %swap3A_18 = arith.index_cast %swap3A_17 : i32 to index
    %swap3A_19 = arith.constant 64 : index
    %swap3A_20 = tpu.vector_load %arg16[%swap3A_18, %swap3A_19] {strides = array<i32>} : memref<16x128xf32, #tpu.memory_space<vmem>>, vector<16xf32>,
    tpu.vector_store %arg16[%swap3A_18, %swap3A_19], %broadcast_in_dim3A_1 {strides = array<i32>} : memref<16x128xf32, #tpu.memory_space<vmem>>, vector<16xf32>,
    %swap3A_21 = arith.constant 0 : i32
    %swap3A_22 = arith.index_cast %swap3A_21 : i32 to index
    %swap3A_23 = arith.constant 80 : index
    %swap3A_24 = tpu.vector_load %arg16[%swap3A_22, %swap3A_23] {strides = array<i32>} : memref<16x128xf32, #tpu.memory_space<vmem>>, vector<16xf32>,
    tpu.vector_store %arg16[%swap3A_22, %swap3A_23], %broadcast_in_dim3A_1 {strides = array<i32>} : memref<16x128xf32, #tpu.memory_space<vmem>>, vector<16xf32>,
    %swap3A_25 = arith.constant 0 : i32
    %swap3A_26 = arith.index_cast %swap3A_25 : i32 to index
    %swap3A_27 = arith.constant 96 : index
    %swap3A_28 = tpu.vector_load %arg16[%swap3A_26, %swap3A_27] {strides = array<i32>} : memref<16x128xf32, #tpu.memory_space<vmem>>, vector<16xf32>,
    tpu.vector_store %arg16[%swap3A_26, %swap3A_27], %broadcast_in_dim3A_1 {strides = array<i32>} : memref<16x128xf32, #tpu.memory_space<vmem>>, vector<16xf32>,
    %swap3A_29 = arith.constant 0 : i32
    %swap3A_30 = arith.index_cast %swap3A_29 : i32 to index
    %swap3A_31 = arith.constant 112 : index
    %swap3A_32 = tpu.vector_load %arg16[%swap3A_30, %swap3A_31] {strides = array<i32>} : memref<16x128xf32, #tpu.memory_space<vmem>>, vector<16xf32>,
    tpu.vector_store %arg16[%swap3A_30, %swap3A_31], %broadcast_in_dim3A_1 {strides = array<i32>} : memref<16x128xf32, #tpu.memory_space<vmem>>, vector<16xf32>,
    %swap3A_33 = arith.constant 1 : i32
    %swap3A_34 = arith.index_cast %swap3A_33 : i32 to index
    %swap3A_35 = arith.constant 0 : index
    %swap3A_36 = tpu.vector_load %arg16[%swap3A_34, %swap3A_35] {strides = array<i32>} : memref<16x128xf32, #tpu.memory_space<vmem>>, vector<16xf32>,
    tpu.vector_store %arg16[%swap3A_34, %swap3A_35], %broadcast_in_dim3A_1 {strides = array<i32>} : memref<16x128xf32, #tpu.memory_space<vmem>>, vector<16xf32>,
    %swap3A_37 = arith.constant 1 : i32
    %swap3A_38 = arith.index_cast %swap3A_37 : i32 to index
    %swap3A_39 = arith.constant 16 : index
    %swap3A_40 = tpu.vector_load %arg16[%swap3A_38, %swap3A_39] {strides = array<i32>} : memref<16x128xf32, #tpu.memory_space<vmem>>, vector<16xf32>,
    tpu.vector_store %arg16[%swap3A_38, %swap3A_39], %broadcast_in_dim3A_1 {strides = array<i32>} : memref<16x128xf32, #tpu.memory_space<vmem>>, vector<16xf32>,
    %swap3A_41 = arith.constant 1 : i32
    %swap3A_42 = arith.index_cast %swap3A_41 : i32 to index
    %swap3A_43 = arith.constant 32 : index
    %swap3A_44 = tpu.vector_load %arg16[%swap3A_42, %swap3A_43] {strides = array<i32>} : memref<16x128xf32, #tpu.memory_space<vmem>>, vector<16xf32>,
    tpu.vector_store %arg16[%swap3A_42, %swap3A_43], %broadcast_in_dim3A_1 {strides = array<i32>} : memref<16x128xf32, #tpu.memory_space<vmem>>, vector<16xf32>,
    %swap3A_45 = arith.constant 1 : i32
    %swap3A_46 = arith.index_cast %swap3A_45 : i32 to index
    %swap3A_47 = arith.constant 48 : index
    %swap3A_48 = tpu.vector_load %arg16[%swap3A_46, %swap3A_47] {strides = array<i32>} : memref<16x128xf32, #tpu.memory_space<vmem>>, vector<16xf32>,
    tpu.vector_store %arg16[%swap3A_46, %swap3A_47], %broadcast_in_dim3A_1 {strides = array<i32>} : memref<16x128xf32, #tpu.memory_space<vmem>>, vector<16xf32>,
    %swap3A_49 = arith.constant 1 : i32
    %swap3A_50 = arith.index_cast %swap3A_49 : i32 to index
    %swap3A_51 = arith.constant 64 : index
    %swap3A_52 = tpu.vector_load %arg16[%swap3A_50, %swap3A_51] {strides = array<i32>} : memref<16x128xf32, #tpu.memory_space<vmem>>, vector<16xf32>,
    tpu.vector_store %arg16[%swap3A_50, %swap3A_51], %broadcast_in_dim3A_1 {strides = array<i32>} : memref<16x128xf32, #tpu.memory_space<vmem>>, vector<16xf32>,
    %swap3A_53 = arith.constant 1 : i32
    %swap3A_54 = arith.index_cast %swap3A_53 : i32 to index
    %swap3A_55 = arith.constant 80 : index
    %swap3A_56 = tpu.vector_load %arg16[%swap3A_54, %swap3A_55] {strides = array<i32>} : memref<16x128xf32, #tpu.memory_space<vmem>>, vector<16xf32>,
    tpu.vector_store %arg16[%swap3A_54, %swap3A_55], %broadcast_in_dim3A_1 {strides = array<i32>} : memref<16x128xf32, #tpu.memory_space<vmem>>, vector<16xf32>,
    %swap3A_57 = arith.constant 1 : i32
    %swap3A_58 = arith.index_cast %swap3A_57 : i32 to index
    %swap3A_59 = arith.constant 96 : index
    %swap3A_60 = tpu.vector_load %arg16[%swap3A_58, %swap3A_59] {strides = array<i32>} : memref<16x128xf32, #tpu.memory_space<vmem>>, vector<16xf32>,
    tpu.vector_store %arg16[%swap3A_58, %swap3A_59], %broadcast_in_dim3A_1 {strides = array<i32>} : memref<16x128xf32, #tpu.memory_space<vmem>>, vector<16xf32>,
    %swap3A_61 = arith.constant 1 : i32
    %swap3A_62 = arith.index_cast %swap3A_61 : i32 to index
    %swap3A_63 = arith.constant 112 : index
    %swap3A_64 = tpu.vector_load %arg16[%swap3A_62, %swap3A_63] {strides = array<i32>} : memref<16x128xf32, #tpu.memory_space<vmem>>, vector<16xf32>,
    tpu.vector_store %arg16[%swap3A_62, %swap3A_63], %broadcast_in_dim3A_1 {strides = array<i32>} : memref<16x128xf32, #tpu.memory_space<vmem>>, vector<16xf32>,
    %swap3A_65 = arith.constant 2 : i32
    %swap3A_66 = arith.index_cast %swap3A_65 : i32 to index
    %swap3A_67 = arith.constant 0 : index
    %swap3A_68 = tpu.vector_load %arg16[%swap3A_66, %swap3A_67] {strides = array<i32>} : memref<16x128xf32, #tpu.memory_space<vmem>>, vector<16xf32>,
    tpu.vector_store %arg16[%swap3A_66, %swap3A_67], %broadcast_in_dim3A_1 {strides = array<i32>} : memref<16x128xf32, #tpu.memory_space<vmem>>, vector<16xf32>,
    %swap3A_69 = arith.constant 2 : i32
    %swap3A_70 = arith.index_cast %swap3A_69 : i32 to index
    %swap3A_71 = arith.constant 16 : index
    %swap3A_72 = tpu.vector_load %arg16[%swap3A_70, %swap3A_71] {strides = array<i32>} : memref<16x128xf32, #tpu.memory_space<vmem>>, vector<16xf32>,
    tpu.vector_store %arg16[%swap3A_70, %swap3A_71], %broadcast_in_dim3A_1 {strides = array<i32>} : memref<16x128xf32, #tpu.memory_space<vmem>>, vector<16xf32>,
    %swap3A_73 = arith.constant 2 : i32
    %swap3A_74 = arith.index_cast %swap3A_73 : i32 to index
    %swap3A_75 = arith.constant 32 : index
    %swap3A_76 = tpu.vector_load %arg16[%swap3A_74, %swap3A_75] {strides = array<i32>} : memref<16x128xf32, #tpu.memory_space<vmem>>, vector<16xf32>,
    tpu.vector_store %arg16[%swap3A_74, %swap3A_75], %broadcast_in_dim3A_1 {strides = array<i32>} : memref<16x128xf32, #tpu.memory_space<vmem>>, vector<16xf32>,
    %swap3A_77 = arith.constant 2 : i32
    %swap3A_78 = arith.index_cast %swap3A_77 : i32 to index
    %swap3A_79 = arith.constant 48 : index
    %swap3A_80 = tpu.vector_load %arg16[%swap3A_78, %swap3A_79] {strides = array<i32>} : memref<16x128xf32, #tpu.memory_space<vmem>>, vector<16xf32>,
    tpu.vector_store %arg16[%swap3A_78, %swap3A_79], %broadcast_in_dim3A_1 {strides = array<i32>} : memref<16x128xf32, #tpu.memory_space<vmem>>, vector<16xf32>,
    %swap3A_81 = arith.constant 2 : i32
    %swap3A_82 = arith.index_cast %swap3A_81 : i32 to index
    %swap3A_83 = arith.constant 64 : index
    %swap3A_84 = tpu.vector_load %arg16[%swap3A_82, %swap3A_83] {strides = array<i32>} : memref<16x128xf32, #tpu.memory_space<vmem>>, vector<16xf32>,
    tpu.vector_store %arg16[%swap3A_82, %swap3A_83], %broadcast_in_dim3A_1 {strides = array<i32>} : memref<16x128xf32, #tpu.memory_space<vmem>>, vector<16xf32>,
    %swap3A_85 = arith.constant 2 : i32
    %swap3A_86 = arith.index_cast %swap3A_85 : i32 to index
    %swap3A_87 = arith.constant 80 : index
    %swap3A_88 = tpu.vector_load %arg16[%swap3A_86, %swap3A_87] {strides = array<i32>} : memref<16x128xf32, #tpu.memory_space<vmem>>, vector<16xf32>,
    tpu.vector_store %arg16[%swap3A_86, %swap3A_87], %broadcast_in_dim3A_1 {strides = array<i32>} : memref<16x128xf32, #tpu.memory_space<vmem>>, vector<16xf32>,
    %swap3A_89 = arith.constant 2 : i32
    %swap3A_90 = arith.index_cast %swap3A_89 : i32 to index
    %swap3A_91 = arith.constant 96 : index
    %swap3A_92 = tpu.vector_load %arg16[%swap3A_90, %swap3A_91] {strides = array<i32>} : memref<16x128xf32, #tpu.memory_space<vmem>>, vector<16xf32>,
    tpu.vector_store %arg16[%swap3A_90, %swap3A_91], %broadcast_in_dim3A_1 {strides = array<i32>} : memref<16x128xf32, #tpu.memory_space<vmem>>, vector<16xf32>,
    %swap3A_93 = arith.constant 2 : i32
    %swap3A_94 = arith.index_cast %swap3A_93 : i32 to index
    %swap3A_95 = arith.constant 112 : index
    %swap3A_96 = tpu.vector_load %arg16[%swap3A_94, %swap3A_95] {strides = array<i32>} : memref<16x128xf32, #tpu.memory_space<vmem>>, vector<16xf32>,
    tpu.vector_store %arg16[%swap3A_94, %swap3A_95], %broadcast_in_dim3A_1 {strides = array<i32>} : memref<16x128xf32, #tpu.memory_space<vmem>>, vector<16xf32>,
    %swap3A_97 = arith.constant 3 : i32
    %swap3A_98 = arith.index_cast %swap3A_97 : i32 to index
    %swap3A_99 = arith.constant 0 : index
    %swap3A_100 = tpu.vector_load %arg16[%swap3A_98, %swap3A_99] {strides = array<i32>} : memref<16x128xf32, #tpu.memory_space<vmem>>, vector<16xf32>,
    tpu.vector_store %arg16[%swap3A_98, %swap3A_99], %broadcast_in_dim3A_1 {strides = array<i32>} : memref<16x128xf32, #tpu.memory_space<vmem>>, vector<16xf32>,
    %swap3A_101 = arith.constant 3 : i32
    %swap3A_102 = arith.index_cast %swap3A_101 : i32 to index
    %swap3A_103 = arith.constant 16 : index
    %swap3A_104 = tpu.vector_load %arg16[%swap3A_102, %swap3A_103] {strides = array<i32>} : memref<16x128xf32, #tpu.memory_space<vmem>>, vector<16xf32>,
    tpu.vector_store %arg16[%swap3A_102, %swap3A_103], %broadcast_in_dim3A_1 {strides = array<i32>} : memref<16x128xf32, #tpu.memory_space<vmem>>, vector<16xf32>,
    %swap3A_105 = arith.constant 3 : i32
    %swap3A_106 = arith.index_cast %swap3A_105 : i32 to index
    %swap3A_107 = arith.constant 32 : index
    %swap3A_108 = tpu.vector_load %arg16[%swap3A_106, %swap3A_107] {strides = array<i32>} : memref<16x128xf32, #tpu.memory_space<vmem>>, vector<16xf32>,
    tpu.vector_store %arg16[%swap3A_106, %swap3A_107], %broadcast_in_dim3A_1 {strides = array<i32>} : memref<16x128xf32, #tpu.memory_space<vmem>>, vector<16xf32>,
    %swap3A_109 = arith.constant 3 : i32
    %swap3A_110 = arith.index_cast %swap3A_109 : i32 to index
    %swap3A_111 = arith.constant 48 : index
    %swap3A_112 = tpu.vector_load %arg16[%swap3A_110, %swap3A_111] {strides = array<i32>} : memref<16x128xf32, #tpu.memory_space<vmem>>, vector<16xf32>,
    tpu.vector_store %arg16[%swap3A_110, %swap3A_111], %broadcast_in_dim3A_1 {strides = array<i32>} : memref<16x128xf32, #tpu.memory_space<vmem>>, vector<16xf32>,
    %swap3A_113 = arith.constant 3 : i32
    %swap3A_114 = arith.index_cast %swap3A_113 : i32 to index
    %swap3A_115 = arith.constant 64 : index
    %swap3A_116 = tpu.vector_load %arg16[%swap3A_114, %swap3A_115] {strides = array<i32>} : memref<16x128xf32, #tpu.memory_space<vmem>>, vector<16xf32>,
    tpu.vector_store %arg16[%swap3A_114, %swap3A_115], %broadcast_in_dim3A_1 {strides = array<i32>} : memref<16x128xf32, #tpu.memory_space<vmem>>, vector<16xf32>,
    %swap3A_117 = arith.constant 3 : i32
    %swap3A_118 = arith.index_cast %swap3A_117 : i32 to index
    %swap3A_119 = arith.constant 80 : index
    %swap3A_120 = tpu.vector_load %arg16[%swap3A_118, %swap3A_119] {strides = array<i32>} : memref<16x128xf32, #tpu.memory_space<vmem>>, vector<16xf32>,
    tpu.vector_store %arg16[%swap3A_118, %swap3A_119], %broadcast_in_dim3A_1 {strides = array<i32>} : memref<16x128xf32, #tpu.memory_space<vmem>>, vector<16xf32>,
    %swap3A_121 = arith.constant 3 : i32
    %swap3A_122 = arith.index_cast %swap3A_121 : i32 to index
    %swap3A_123 = arith.constant 96 : index
    %swap3A_124 = tpu.vector_load %arg16[%swap3A_122, %swap3A_123] {strides = array<i32>} : memref<16x128xf32, #tpu.memory_space<vmem>>, vector<16xf32>,
    tpu.vector_store %arg16[%swap3A_122, %swap3A_123], %broadcast_in_dim3A_1 {strides = array<i32>} : memref<16x128xf32, #tpu.memory_space<vmem>>, vector<16xf32>,
    %swap3A_125 = arith.constant 3 : i32
    %swap3A_126 = arith.index_cast %swap3A_125 : i32 to index
    %swap3A_127 = arith.constant 112 : index
    %swap3A_128 = tpu.vector_load %arg16[%swap3A_126, %swap3A_127] {strides = array<i32>} : memref<16x128xf32, #tpu.memory_space<vmem>>, vector<16xf32>,
    tpu.vector_store %arg16[%swap3A_126, %swap3A_127], %broadcast_in_dim3A_1 {strides = array<i32>} : memref<16x128xf32, #tpu.memory_space<vmem>>, vector<16xf32>,
    %swap3A_129 = arith.constant 4 : i32
    %swap3A_130 = arith.index_cast %swap3A_129 : i32 to index
    %swap3A_131 = arith.constant 0 : index
    %swap3A_132 = tpu.vector_load %arg16[%swap3A_130, %swap3A_131] {strides = array<i32>} : memref<16x128xf32, #tpu.memory_space<vmem>>, vector<16xf32>,
    tpu.vector_store %arg16[%swap3A_130, %swap3A_131], %broadcast_in_dim3A_1 {strides = array<i32>} : memref<16x128xf32, #tpu.memory_space<vmem>>, vector<16xf32>,
    %swap3A_133 = arith.constant 4 : i32
    %swap3A_134 = arith.index_cast %swap3A_133 : i32 to index
    %swap3A_135 = arith.constant 16 : index
    %swap3A_136 = tpu.vector_load %arg16[%swap3A_134, %swap3A_135] {strides = array<i32>} : memref<16x128xf32, #tpu.memory_space<vmem>>, vector<16xf32>,
    tpu.vector_store %arg16[%swap3A_134, %swap3A_135], %broadcast_in_dim3A_1 {strides = array<i32>} : memref<16x128xf32, #tpu.memory_space<vmem>>, vector<16xf32>,
    %swap3A_137 = arith.constant 4 : i32
    %swap3A_138 = arith.index_cast %swap3A_137 : i32 to index
    %swap3A_139 = arith.constant 32 : index
    %swap3A_140 = tpu.vector_load %arg16[%swap3A_138, %swap3A_139] {strides = array<i32>} : memref<16x128xf32, #tpu.memory_space<vmem>>, vector<16xf32>,
    tpu.vector_store %arg16[%swap3A_138, %swap3A_139], %broadcast_in_dim3A_1 {strides = array<i32>} : memref<16x128xf32, #tpu.memory_space<vmem>>, vector<16xf32>,
    %swap3A_141 = arith.constant 4 : i32
    %swap3A_142 = arith.index_cast %swap3A_141 : i32 to index
    %swap3A_143 = arith.constant 48 : index
    %swap3A_144 = tpu.vector_load %arg16[%swap3A_142, %swap3A_143] {strides = array<i32>} : memref<16x128xf32, #tpu.memory_space<vmem>>, vector<16xf32>,
    tpu.vector_store %arg16[%swap3A_142, %swap3A_143], %broadcast_in_dim3A_1 {strides = array<i32>} : memref<16x128xf32, #tpu.memory_space<vmem>>, vector<16xf32>,
    %swap3A_145 = arith.constant 4 : i32
    %swap3A_146 = arith.index_cast %swap3A_145 : i32 to index
    %swap3A_147 = arith.constant 64 : index
    %swap3A_148 = tpu.vector_load %arg16[%swap3A_146, %swap3A_147] {strides = array<i32>} : memref<16x128xf32, #tpu.memory_space<vmem>>, vector<16xf32>,
    tpu.vector_store %arg16[%swap3A_146, %swap3A_147], %broadcast_in_dim3A_1 {strides = array<i32>} : memref<16x128xf32, #tpu.memory_space<vmem>>, vector<16xf32>,
    %swap3A_149 = arith.constant 4 : i32
    %swap3A_150 = arith.index_cast %swap3A_149 : i32 to index
    %swap3A_151 = arith.constant 80 : index
    %swap3A_152 = tpu.vector_load %arg16[%swap3A_150, %swap3A_151] {strides = array<i32>} : memref<16x128xf32, #tpu.memory_space<vmem>>, vector<16xf32>,
    tpu.vector_store %arg16[%swap3A_150, %swap3A_151], %broadcast_in_dim3A_1 {strides = array<i32>} : memref<16x128xf32, #tpu.memory_space<vmem>>, vector<16xf32>,
    %swap3A_153 = arith.constant 4 : i32
    %swap3A_154 = arith.index_cast %swap3A_153 : i32 to index
    %swap3A_155 = arith.constant 96 : index
    %swap3A_156 = tpu.vector_load %arg16[%swap3A_154, %swap3A_155] {strides = array<i32>} : memref<16x128xf32, #tpu.memory_space<vmem>>, vector<16xf32>,
    tpu.vector_store %arg16[%swap3A_154, %swap3A_155], %broadcast_in_dim3A_1 {strides = array<i32>} : memref<16x128xf32, #tpu.memory_space<vmem>>, vector<16xf32>,
    %swap3A_157 = arith.constant 4 : i32
    %swap3A_158 = arith.index_cast %swap3A_157 : i32 to index
    %swap3A_159 = arith.constant 112 : index
    %swap3A_160 = tpu.vector_load %arg16[%swap3A_158, %swap3A_159] {strides = array<i32>} : memref<16x128xf32, #tpu.memory_space<vmem>>, vector<16xf32>,
    tpu.vector_store %arg16[%swap3A_158, %swap3A_159], %broadcast_in_dim3A_1 {strides = array<i32>} : memref<16x128xf32, #tpu.memory_space<vmem>>, vector<16xf32>,
    %swap3A_161 = arith.constant 5 : i32
    %swap3A_162 = arith.index_cast %swap3A_161 : i32 to index
    %swap3A_163 = arith.constant 0 : index
    %swap3A_164 = tpu.vector_load %arg16[%swap3A_162, %swap3A_163] {strides = array<i32>} : memref<16x128xf32, #tpu.memory_space<vmem>>, vector<16xf32>,
    tpu.vector_store %arg16[%swap3A_162, %swap3A_163], %broadcast_in_dim3A_1 {strides = array<i32>} : memref<16x128xf32, #tpu.memory_space<vmem>>, vector<16xf32>,
    %swap3A_165 = arith.constant 5 : i32
    %swap3A_166 = arith.index_cast %swap3A_165 : i32 to index
    %swap3A_167 = arith.constant 16 : index
    %swap3A_168 = tpu.vector_load %arg16[%swap3A_166, %swap3A_167] {strides = array<i32>} : memref<16x128xf32, #tpu.memory_space<vmem>>, vector<16xf32>,
    tpu.vector_store %arg16[%swap3A_166, %swap3A_167], %broadcast_in_dim3A_1 {strides = array<i32>} : memref<16x128xf32, #tpu.memory_space<vmem>>, vector<16xf32>,
    %swap3A_169 = arith.constant 5 : i32
    %swap3A_170 = arith.index_cast %swap3A_169 : i32 to index
    %swap3A_171 = arith.constant 32 : index
    %swap3A_172 = tpu.vector_load %arg16[%swap3A_170, %swap3A_171] {strides = array<i32>} : memref<16x128xf32, #tpu.memory_space<vmem>>, vector<16xf32>,
    tpu.vector_store %arg16[%swap3A_170, %swap3A_171], %broadcast_in_dim3A_1 {strides = array<i32>} : memref<16x128xf32, #tpu.memory_space<vmem>>, vector<16xf32>,
    %swap3A_173 = arith.constant 5 : i32
    %swap3A_174 = arith.index_cast %swap3A_173 : i32 to index
    %swap3A_175 = arith.constant 48 : index
    %swap3A_176 = tpu.vector_load %arg16[%swap3A_174, %swap3A_175] {strides = array<i32>} : memref<16x128xf32, #tpu.memory_space<vmem>>, vector<16xf32>,
    tpu.vector_store %arg16[%swap3A_174, %swap3A_175], %broadcast_in_dim3A_1 {strides = array<i32>} : memref<16x128xf32, #tpu.memory_space<vmem>>, vector<16xf32>,
    %swap3A_177 = arith.constant 5 : i32
    %swap3A_178 = arith.index_cast %swap3A_177 : i32 to index
    %swap3A_179 = arith.constant 64 : index
    %swap3A_180 = tpu.vector_load %arg16[%swap3A_178, %swap3A_179] {strides = array<i32>} : memref<16x128xf32, #tpu.memory_space<vmem>>, vector<16xf32>,
    tpu.vector_store %arg16[%swap3A_178, %swap3A_179], %broadcast_in_dim3A_1 {strides = array<i32>} : memref<16x128xf32, #tpu.memory_space<vmem>>, vector<16xf32>,
    %swap3A_181 = arith.constant 5 : i32
    %swap3A_182 = arith.index_cast %swap3A_181 : i32 to index
    %swap3A_183 = arith.constant 80 : index
    %swap3A_184 = tpu.vector_load %arg16[%swap3A_182, %swap3A_183] {strides = array<i32>} : memref<16x128xf32, #tpu.memory_space<vmem>>, vector<16xf32>,
    tpu.vector_store %arg16[%swap3A_182, %swap3A_183], %broadcast_in_dim3A_1 {strides = array<i32>} : memref<16x128xf32, #tpu.memory_space<vmem>>, vector<16xf32>,
    %swap3A_185 = arith.constant 5 : i32
    %swap3A_186 = arith.index_cast %swap3A_185 : i32 to index
    %swap3A_187 = arith.constant 96 : index
    %swap3A_188 = tpu.vector_load %arg16[%swap3A_186, %swap3A_187] {strides = array<i32>} : memref<16x128xf32, #tpu.memory_space<vmem>>, vector<16xf32>,
    tpu.vector_store %arg16[%swap3A_186, %swap3A_187], %broadcast_in_dim3A_1 {strides = array<i32>} : memref<16x128xf32, #tpu.memory_space<vmem>>, vector<16xf32>,
    %swap3A_189 = arith.constant 5 : i32
    %swap3A_190 = arith.index_cast %swap3A_189 : i32 to index
    %swap3A_191 = arith.constant 112 : index
    %swap3A_192 = tpu.vector_load %arg16[%swap3A_190, %swap3A_191] {strides = array<i32>} : memref<16x128xf32, #tpu.memory_space<vmem>>, vector<16xf32>,
    tpu.vector_store %arg16[%swap3A_190, %swap3A_191], %broadcast_in_dim3A_1 {strides = array<i32>} : memref<16x128xf32, #tpu.memory_space<vmem>>, vector<16xf32>,
    %swap3A_193 = arith.constant 6 : i32
    %swap3A_194 = arith.index_cast %swap3A_193 : i32 to index
    %swap3A_195 = arith.constant 0 : index
    %swap3A_196 = tpu.vector_load %arg16[%swap3A_194, %swap3A_195] {strides = array<i32>} : memref<16x128xf32, #tpu.memory_space<vmem>>, vector<16xf32>,
    tpu.vector_store %arg16[%swap3A_194, %swap3A_195], %broadcast_in_dim3A_1 {strides = array<i32>} : memref<16x128xf32, #tpu.memory_space<vmem>>, vector<16xf32>,
    %swap3A_197 = arith.constant 6 : i32
    %swap3A_198 = arith.index_cast %swap3A_197 : i32 to index
    %swap3A_199 = arith.constant 16 : index
    %swap3A_200 = tpu.vector_load %arg16[%swap3A_198, %swap3A_199] {strides = array<i32>} : memref<16x128xf32, #tpu.memory_space<vmem>>, vector<16xf32>,
    tpu.vector_store %arg16[%swap3A_198, %swap3A_199], %broadcast_in_dim3A_1 {strides = array<i32>} : memref<16x128xf32, #tpu.memory_space<vmem>>, vector<16xf32>,
    %swap3A_201 = arith.constant 6 : i32
    %swap3A_202 = arith.index_cast %swap3A_201 : i32 to index
    %swap3A_203 = arith.constant 32 : index
    %swap3A_204 = tpu.vector_load %arg16[%swap3A_202, %swap3A_203] {strides = array<i32>} : memref<16x128xf32, #tpu.memory_space<vmem>>, vector<16xf32>,
    tpu.vector_store %arg16[%swap3A_202, %swap3A_203], %broadcast_in_dim3A_1 {strides = array<i32>} : memref<16x128xf32, #tpu.memory_space<vmem>>, vector<16xf32>,
    %swap3A_205 = arith.constant 6 : i32
    %swap3A_206 = arith.index_cast %swap3A_205 : i32 to index
    %swap3A_207 = arith.constant 48 : index
    %swap3A_208 = tpu.vector_load %arg16[%swap3A_206, %swap3A_207] {strides = array<i32>} : memref<16x128xf32, #tpu.memory_space<vmem>>, vector<16xf32>,
    tpu.vector_store %arg16[%swap3A_206, %swap3A_207], %broadcast_in_dim3A_1 {strides = array<i32>} : memref<16x128xf32, #tpu.memory_space<vmem>>, vector<16xf32>,
    %swap3A_209 = arith.constant 6 : i32
    %swap3A_210 = arith.index_cast %swap3A_209 : i32 to index
    %swap3A_211 = arith.constant 64 : index
    %swap3A_212 = tpu.vector_load %arg16[%swap3A_210, %swap3A_211] {strides = array<i32>} : memref<16x128xf32, #tpu.memory_space<vmem>>, vector<16xf32>,
    tpu.vector_store %arg16[%swap3A_210, %swap3A_211], %broadcast_in_dim3A_1 {strides = array<i32>} : memref<16x128xf32, #tpu.memory_space<vmem>>, vector<16xf32>,
    %swap3A_213 = arith.constant 6 : i32
    %swap3A_214 = arith.index_cast %swap3A_213 : i32 to index
    %swap3A_215 = arith.constant 80 : index
    %swap3A_216 = tpu.vector_load %arg16[%swap3A_214, %swap3A_215] {strides = array<i32>} : memref<16x128xf32, #tpu.memory_space<vmem>>, vector<16xf32>,
    tpu.vector_store %arg16[%swap3A_214, %swap3A_215], %broadcast_in_dim3A_1 {strides = array<i32>} : memref<16x128xf32, #tpu.memory_space<vmem>>, vector<16xf32>,
    %swap3A_217 = arith.constant 6 : i32
    %swap3A_218 = arith.index_cast %swap3A_217 : i32 to index
    %swap3A_219 = arith.constant 96 : index
    %swap3A_220 = tpu.vector_load %arg16[%swap3A_218, %swap3A_219] {strides = array<i32>} : memref<16x128xf32, #tpu.memory_space<vmem>>, vector<16xf32>,
    tpu.vector_store %arg16[%swap3A_218, %swap3A_219], %broadcast_in_dim3A_1 {strides = array<i32>} : memref<16x128xf32, #tpu.memory_space<vmem>>, vector<16xf32>,
    %swap3A_221 = arith.constant 6 : i32
    %swap3A_222 = arith.index_cast %swap3A_221 : i32 to index
    %swap3A_223 = arith.constant 112 : index
    %swap3A_224 = tpu.vector_load %arg16[%swap3A_222, %swap3A_223] {strides = array<i32>} : memref<16x128xf32, #tpu.memory_space<vmem>>, vector<16xf32>,
    tpu.vector_store %arg16[%swap3A_222, %swap3A_223], %broadcast_in_dim3A_1 {strides = array<i32>} : memref<16x128xf32, #tpu.memory_space<vmem>>, vector<16xf32>,
    %swap3A_225 = arith.constant 7 : i32
    %swap3A_226 = arith.index_cast %swap3A_225 : i32 to index
    %swap3A_227 = arith.constant 0 : index
    %swap3A_228 = tpu.vector_load %arg16[%swap3A_226, %swap3A_227] {strides = array<i32>} : memref<16x128xf32, #tpu.memory_space<vmem>>, vector<16xf32>,
    tpu.vector_store %arg16[%swap3A_226, %swap3A_227], %broadcast_in_dim3A_1 {strides = array<i32>} : memref<16x128xf32, #tpu.memory_space<vmem>>, vector<16xf32>,
    %swap3A_229 = arith.constant 7 : i32
    %swap3A_230 = arith.index_cast %swap3A_229 : i32 to index
    %swap3A_231 = arith.constant 16 : index
    %swap3A_232 = tpu.vector_load %arg16[%swap3A_230, %swap3A_231] {strides = array<i32>} : memref<16x128xf32, #tpu.memory_space<vmem>>, vector<16xf32>,
    tpu.vector_store %arg16[%swap3A_230, %swap3A_231], %broadcast_in_dim3A_1 {strides = array<i32>} : memref<16x128xf32, #tpu.memory_space<vmem>>, vector<16xf32>,
    %swap3A_233 = arith.constant 7 : i32
    %swap3A_234 = arith.index_cast %swap3A_233 : i32 to index
    %swap3A_235 = arith.constant 32 : index
    %swap3A_236 = tpu.vector_load %arg16[%swap3A_234, %swap3A_235] {strides = array<i32>} : memref<16x128xf32, #tpu.memory_space<vmem>>, vector<16xf32>,
    tpu.vector_store %arg16[%swap3A_234, %swap3A_235], %broadcast_in_dim3A_1 {strides = array<i32>} : memref<16x128xf32, #tpu.memory_space<vmem>>, vector<16xf32>,
    %swap3A_237 = arith.constant 7 : i32
    %swap3A_238 = arith.index_cast %swap3A_237 : i32 to index
    %swap3A_239 = arith.constant 48 : index
    %swap3A_240 = tpu.vector_load %arg16[%swap3A_238, %swap3A_239] {strides = array<i32>} : memref<16x128xf32, #tpu.memory_space<vmem>>, vector<16xf32>,
    tpu.vector_store %arg16[%swap3A_238, %swap3A_239], %broadcast_in_dim3A_1 {strides = array<i32>} : memref<16x128xf32, #tpu.memory_space<vmem>>, vector<16xf32>,
    %swap3A_241 = arith.constant 7 : i32
    %swap3A_242 = arith.index_cast %swap3A_241 : i32 to index
    %swap3A_243 = arith.constant 64 : index
    %swap3A_244 = tpu.vector_load %arg16[%swap3A_242, %swap3A_243] {strides = array<i32>} : memref<16x128xf32, #tpu.memory_space<vmem>>, vector<16xf32>,
    tpu.vector_store %arg16[%swap3A_242, %swap3A_243], %broadcast_in_dim3A_1 {strides = array<i32>} : memref<16x128xf32, #tpu.memory_space<vmem>>, vector<16xf32>,
    %swap3A_245 = arith.constant 7 : i32
    %swap3A_246 = arith.index_cast %swap3A_245 : i32 to index
    %swap3A_247 = arith.constant 80 : index
    %swap3A_248 = tpu.vector_load %arg16[%swap3A_246, %swap3A_247] {strides = array<i32>} : memref<16x128xf32, #tpu.memory_space<vmem>>, vector<16xf32>,
    tpu.vector_store %arg16[%swap3A_246, %swap3A_247], %broadcast_in_dim3A_1 {strides = array<i32>} : memref<16x128xf32, #tpu.memory_space<vmem>>, vector<16xf32>,
    %swap3A_249 = arith.constant 7 : i32
    %swap3A_250 = arith.index_cast %swap3A_249 : i32 to index
    %swap3A_251 = arith.constant 96 : index
    %swap3A_252 = tpu.vector_load %arg16[%swap3A_250, %swap3A_251] {strides = array<i32>} : memref<16x128xf32, #tpu.memory_space<vmem>>, vector<16xf32>,
    tpu.vector_store %arg16[%swap3A_250, %swap3A_251], %broadcast_in_dim3A_1 {strides = array<i32>} : memref<16x128xf32, #tpu.memory_space<vmem>>, vector<16xf32>,
    %swap3A_253 = arith.constant 7 : i32
    %swap3A_254 = arith.index_cast %swap3A_253 : i32 to index
    %swap3A_255 = arith.constant 112 : index
    %swap3A_256 = tpu.vector_load %arg16[%swap3A_254, %swap3A_255] {strides = array<i32>} : memref<16x128xf32, #tpu.memory_space<vmem>>, vector<16xf32>,
    tpu.vector_store %arg16[%swap3A_254, %swap3A_255], %broadcast_in_dim3A_1 {strides = array<i32>} : memref<16x128xf32, #tpu.memory_space<vmem>>, vector<16xf32>,
    %swap3A_257 = arith.constant 8 : i32
    %swap3A_258 = arith.index_cast %swap3A_257 : i32 to index
    %swap3A_259 = arith.constant 0 : index
    %swap3A_260 = tpu.vector_load %arg16[%swap3A_258, %swap3A_259] {strides = array<i32>} : memref<16x128xf32, #tpu.memory_space<vmem>>, vector<16xf32>,
    tpu.vector_store %arg16[%swap3A_258, %swap3A_259], %broadcast_in_dim3A_1 {strides = array<i32>} : memref<16x128xf32, #tpu.memory_space<vmem>>, vector<16xf32>,
    %swap3A_261 = arith.constant 8 : i32
    %swap3A_262 = arith.index_cast %swap3A_261 : i32 to index
    %swap3A_263 = arith.constant 16 : index
    %swap3A_264 = tpu.vector_load %arg16[%swap3A_262, %swap3A_263] {strides = array<i32>} : memref<16x128xf32, #tpu.memory_space<vmem>>, vector<16xf32>,
    tpu.vector_store %arg16[%swap3A_262, %swap3A_263], %broadcast_in_dim3A_1 {strides = array<i32>} : memref<16x128xf32, #tpu.memory_space<vmem>>, vector<16xf32>,
    %swap3A_265 = arith.constant 8 : i32
    %swap3A_266 = arith.index_cast %swap3A_265 : i32 to index
    %swap3A_267 = arith.constant 32 : index
    %swap3A_268 = tpu.vector_load %arg16[%swap3A_266, %swap3A_267] {strides = array<i32>} : memref<16x128xf32, #tpu.memory_space<vmem>>, vector<16xf32>,
    tpu.vector_store %arg16[%swap3A_266, %swap3A_267], %broadcast_in_dim3A_1 {strides = array<i32>} : memref<16x128xf32, #tpu.memory_space<vmem>>, vector<16xf32>,
    %swap3A_269 = arith.constant 8 : i32
    %swap3A_270 = arith.index_cast %swap3A_269 : i32 to index
    %swap3A_271 = arith.constant 48 : index
    %swap3A_272 = tpu.vector_load %arg16[%swap3A_270, %swap3A_271] {strides = array<i32>} : memref<16x128xf32, #tpu.memory_space<vmem>>, vector<16xf32>,
    tpu.vector_store %arg16[%swap3A_270, %swap3A_271], %broadcast_in_dim3A_1 {strides = array<i32>} : memref<16x128xf32, #tpu.memory_space<vmem>>, vector<16xf32>,
    %swap3A_273 = arith.constant 8 : i32
    %swap3A_274 = arith.index_cast %swap3A_273 : i32 to index
    %swap3A_275 = arith.constant 64 : index
    %swap3A_276 = tpu.vector_load %arg16[%swap3A_274, %swap3A_275] {strides = array<i32>} : memref<16x128xf32, #tpu.memory_space<vmem>>, vector<16xf32>,
    tpu.vector_store %arg16[%swap3A_274, %swap3A_275], %broadcast_in_dim3A_1 {strides = array<i32>} : memref<16x128xf32, #tpu.memory_space<vmem>>, vector<16xf32>,
    %swap3A_277 = arith.constant 8 : i32
    %swap3A_278 = arith.index_cast %swap3A_277 : i32 to index
    %swap3A_279 = arith.constant 80 : index
    %swap3A_280 = tpu.vector_load %arg16[%swap3A_278, %swap3A_279] {strides = array<i32>} : memref<16x128xf32, #tpu.memory_space<vmem>>, vector<16xf32>,
    tpu.vector_store %arg16[%swap3A_278, %swap3A_279], %broadcast_in_dim3A_1 {strides = array<i32>} : memref<16x128xf32, #tpu.memory_space<vmem>>, vector<16xf32>,
    %swap3A_281 = arith.constant 8 : i32
    %swap3A_282 = arith.index_cast %swap3A_281 : i32 to index
    %swap3A_283 = arith.constant 96 : index
    %swap3A_284 = tpu.vector_load %arg16[%swap3A_282, %swap3A_283] {strides = array<i32>} : memref<16x128xf32, #tpu.memory_space<vmem>>, vector<16xf32>,
    tpu.vector_store %arg16[%swap3A_282, %swap3A_283], %broadcast_in_dim3A_1 {strides = array<i32>} : memref<16x128xf32, #tpu.memory_space<vmem>>, vector<16xf32>,
    %swap3A_285 = arith.constant 8 : i32
    %swap3A_286 = arith.index_cast %swap3A_285 : i32 to index
    %swap3A_287 = arith.constant 112 : index
    %swap3A_288 = tpu.vector_load %arg16[%swap3A_286, %swap3A_287] {strides = array<i32>} : memref<16x128xf32, #tpu.memory_space<vmem>>, vector<16xf32>,
    tpu.vector_store %arg16[%swap3A_286, %swap3A_287], %broadcast_in_dim3A_1 {strides = array<i32>} : memref<16x128xf32, #tpu.memory_space<vmem>>, vector<16xf32>,
    %swap3A_289 = arith.constant 9 : i32
    %swap3A_290 = arith.index_cast %swap3A_289 : i32 to index
    %swap3A_291 = arith.constant 0 : index
    %swap3A_292 = tpu.vector_load %arg16[%swap3A_290, %swap3A_291] {strides = array<i32>} : memref<16x128xf32, #tpu.memory_space<vmem>>, vector<16xf32>,
    tpu.vector_store %arg16[%swap3A_290, %swap3A_291], %broadcast_in_dim3A_1 {strides = array<i32>} : memref<16x128xf32, #tpu.memory_space<vmem>>, vector<16xf32>,
    %swap3A_293 = arith.constant 9 : i32
    %swap3A_294 = arith.index_cast %swap3A_293 : i32 to index
    %swap3A_295 = arith.constant 16 : index
    %swap3A_296 = tpu.vector_load %arg16[%swap3A_294, %swap3A_295] {strides = array<i32>} : memref<16x128xf32, #tpu.memory_space<vmem>>, vector<16xf32>,
    tpu.vector_store %arg16[%swap3A_294, %swap3A_295], %broadcast_in_dim3A_1 {strides = array<i32>} : memref<16x128xf32, #tpu.memory_space<vmem>>, vector<16xf32>,
    %swap3A_297 = arith.constant 9 : i32
    %swap3A_298 = arith.index_cast %swap3A_297 : i32 to index
    %swap3A_299 = arith.constant 32 : index
    %swap3A_300 = tpu.vector_load %arg16[%swap3A_298, %swap3A_299] {strides = array<i32>} : memref<16x128xf32, #tpu.memory_space<vmem>>, vector<16xf32>,
    tpu.vector_store %arg16[%swap3A_298, %swap3A_299], %broadcast_in_dim3A_1 {strides = array<i32>} : memref<16x128xf32, #tpu.memory_space<vmem>>, vector<16xf32>,
    %swap3A_301 = arith.constant 9 : i32
    %swap3A_302 = arith.index_cast %swap3A_301 : i32 to index
    %swap3A_303 = arith.constant 48 : index
    %swap3A_304 = tpu.vector_load %arg16[%swap3A_302, %swap3A_303] {strides = array<i32>} : memref<16x128xf32, #tpu.memory_space<vmem>>, vector<16xf32>,
    tpu.vector_store %arg16[%swap3A_302, %swap3A_303], %broadcast_in_dim3A_1 {strides = array<i32>} : memref<16x128xf32, #tpu.memory_space<vmem>>, vector<16xf32>,
    %swap3A_305 = arith.constant 9 : i32
    %swap3A_306 = arith.index_cast %swap3A_305 : i32 to index
    %swap3A_307 = arith.constant 64 : index
    %swap3A_308 = tpu.vector_load %arg16[%swap3A_306, %swap3A_307] {strides = array<i32>} : memref<16x128xf32, #tpu.memory_space<vmem>>, vector<16xf32>,
    tpu.vector_store %arg16[%swap3A_306, %swap3A_307], %broadcast_in_dim3A_1 {strides = array<i32>} : memref<16x128xf32, #tpu.memory_space<vmem>>, vector<16xf32>,
    %swap3A_309 = arith.constant 9 : i32
    %swap3A_310 = arith.index_cast %swap3A_309 : i32 to index
    %swap3A_311 = arith.constant 80 : index
    %swap3A_312 = tpu.vector_load %arg16[%swap3A_310, %swap3A_311] {strides = array<i32>} : memref<16x128xf32, #tpu.memory_space<vmem>>, vector<16xf32>,
    tpu.vector_store %arg16[%swap3A_310, %swap3A_311], %broadcast_in_dim3A_1 {strides = array<i32>} : memref<16x128xf32, #tpu.memory_space<vmem>>, vector<16xf32>,
    %swap3A_313 = arith.constant 9 : i32
    %swap3A_314 = arith.index_cast %swap3A_313 : i32 to index
    %swap3A_315 = arith.constant 96 : index
    %swap3A_316 = tpu.vector_load %arg16[%swap3A_314, %swap3A_315] {strides = array<i32>} : memref<16x128xf32, #tpu.memory_space<vmem>>, vector<16xf32>,
    tpu.vector_store %arg16[%swap3A_314, %swap3A_315], %broadcast_in_dim3A_1 {strides = array<i32>} : memref<16x128xf32, #tpu.memory_space<vmem>>, vector<16xf32>,
    %swap3A_317 = arith.constant 9 : i32
    %swap3A_318 = arith.index_cast %swap3A_317 : i32 to index
    %swap3A_319 = arith.constant 112 : index
    %swap3A_320 = tpu.vector_load %arg16[%swap3A_318, %swap3A_319] {strides = array<i32>} : memref<16x128xf32, #tpu.memory_space<vmem>>, vector<16xf32>,
    tpu.vector_store %arg16[%swap3A_318, %swap3A_319], %broadcast_in_dim3A_1 {strides = array<i32>} : memref<16x128xf32, #tpu.memory_space<vmem>>, vector<16xf32>,
    %swap3A_321 = arith.constant 10 : i32
    %swap3A_322 = arith.index_cast %swap3A_321 : i32 to index
    %swap3A_323 = arith.constant 0 : index
    %swap3A_324 = tpu.vector_load %arg16[%swap3A_322, %swap3A_323] {strides = array<i32>} : memref<16x128xf32, #tpu.memory_space<vmem>>, vector<16xf32>,
    tpu.vector_store %arg16[%swap3A_322, %swap3A_323], %broadcast_in_dim3A_1 {strides = array<i32>} : memref<16x128xf32, #tpu.memory_space<vmem>>, vector<16xf32>,
    %swap3A_325 = arith.constant 10 : i32
    %swap3A_326 = arith.index_cast %swap3A_325 : i32 to index
    %swap3A_327 = arith.constant 16 : index
    %swap3A_328 = tpu.vector_load %arg16[%swap3A_326, %swap3A_327] {strides = array<i32>} : memref<16x128xf32, #tpu.memory_space<vmem>>, vector<16xf32>,
    tpu.vector_store %arg16[%swap3A_326, %swap3A_327], %broadcast_in_dim3A_1 {strides = array<i32>} : memref<16x128xf32, #tpu.memory_space<vmem>>, vector<16xf32>,
    %swap3A_329 = arith.constant 10 : i32
    %swap3A_330 = arith.index_cast %swap3A_329 : i32 to index
    %swap3A_331 = arith.constant 32 : index
    %swap3A_332 = tpu.vector_load %arg16[%swap3A_330, %swap3A_331] {strides = array<i32>} : memref<16x128xf32, #tpu.memory_space<vmem>>, vector<16xf32>,
    tpu.vector_store %arg16[%swap3A_330, %swap3A_331], %broadcast_in_dim3A_1 {strides = array<i32>} : memref<16x128xf32, #tpu.memory_space<vmem>>, vector<16xf32>,
    %swap3A_333 = arith.constant 10 : i32
    %swap3A_334 = arith.index_cast %swap3A_333 : i32 to index
    %swap3A_335 = arith.constant 48 : index
    %swap3A_336 = tpu.vector_load %arg16[%swap3A_334, %swap3A_335] {strides = array<i32>} : memref<16x128xf32, #tpu.memory_space<vmem>>, vector<16xf32>,
    tpu.vector_store %arg16[%swap3A_334, %swap3A_335], %broadcast_in_dim3A_1 {strides = array<i32>} : memref<16x128xf32, #tpu.memory_space<vmem>>, vector<16xf32>,
    %swap3A_337 = arith.constant 10 : i32
    %swap3A_338 = arith.index_cast %swap3A_337 : i32 to index
    %swap3A_339 = arith.constant 64 : index
    %swap3A_340 = tpu.vector_load %arg16[%swap3A_338, %swap3A_339] {strides = array<i32>} : memref<16x128xf32, #tpu.memory_space<vmem>>, vector<16xf32>,
    tpu.vector_store %arg16[%swap3A_338, %swap3A_339], %broadcast_in_dim3A_1 {strides = array<i32>} : memref<16x128xf32, #tpu.memory_space<vmem>>, vector<16xf32>,
    %swap3A_341 = arith.constant 10 : i32
    %swap3A_342 = arith.index_cast %swap3A_341 : i32 to index
    %swap3A_343 = arith.constant 80 : index
    %swap3A_344 = tpu.vector_load %arg16[%swap3A_342, %swap3A_343] {strides = array<i32>} : memref<16x128xf32, #tpu.memory_space<vmem>>, vector<16xf32>,
    tpu.vector_store %arg16[%swap3A_342, %swap3A_343], %broadcast_in_dim3A_1 {strides = array<i32>} : memref<16x128xf32, #tpu.memory_space<vmem>>, vector<16xf32>,
    %swap3A_345 = arith.constant 10 : i32
    %swap3A_346 = arith.index_cast %swap3A_345 : i32 to index
    %swap3A_347 = arith.constant 96 : index
    %swap3A_348 = tpu.vector_load %arg16[%swap3A_346, %swap3A_347] {strides = array<i32>} : memref<16x128xf32, #tpu.memory_space<vmem>>, vector<16xf32>,
    tpu.vector_store %arg16[%swap3A_346, %swap3A_347], %broadcast_in_dim3A_1 {strides = array<i32>} : memref<16x128xf32, #tpu.memory_space<vmem>>, vector<16xf32>,
    %swap3A_349 = arith.constant 10 : i32
    %swap3A_350 = arith.index_cast %swap3A_349 : i32 to index
    %swap3A_351 = arith.constant 112 : index
    %swap3A_352 = tpu.vector_load %arg16[%swap3A_350, %swap3A_351] {strides = array<i32>} : memref<16x128xf32, #tpu.memory_space<vmem>>, vector<16xf32>,
    tpu.vector_store %arg16[%swap3A_350, %swap3A_351], %broadcast_in_dim3A_1 {strides = array<i32>} : memref<16x128xf32, #tpu.memory_space<vmem>>, vector<16xf32>,
    %swap3A_353 = arith.constant 11 : i32
    %swap3A_354 = arith.index_cast %swap3A_353 : i32 to index
    %swap3A_355 = arith.constant 0 : index
    %swap3A_356 = tpu.vector_load %arg16[%swap3A_354, %swap3A_355] {strides = array<i32>} : memref<16x128xf32, #tpu.memory_space<vmem>>, vector<16xf32>,
    tpu.vector_store %arg16[%swap3A_354, %swap3A_355], %broadcast_in_dim3A_1 {strides = array<i32>} : memref<16x128xf32, #tpu.memory_space<vmem>>, vector<16xf32>,
    %swap3A_357 = arith.constant 11 : i32
    %swap3A_358 = arith.index_cast %swap3A_357 : i32 to index
    %swap3A_359 = arith.constant 16 : index
    %swap3A_360 = tpu.vector_load %arg16[%swap3A_358, %swap3A_359] {strides = array<i32>} : memref<16x128xf32, #tpu.memory_space<vmem>>, vector<16xf32>,
    tpu.vector_store %arg16[%swap3A_358, %swap3A_359], %broadcast_in_dim3A_1 {strides = array<i32>} : memref<16x128xf32, #tpu.memory_space<vmem>>, vector<16xf32>,
    %swap3A_361 = arith.constant 11 : i32
    %swap3A_362 = arith.index_cast %swap3A_361 : i32 to index
    %swap3A_363 = arith.constant 32 : index
    %swap3A_364 = tpu.vector_load %arg16[%swap3A_362, %swap3A_363] {strides = array<i32>} : memref<16x128xf32, #tpu.memory_space<vmem>>, vector<16xf32>,
    tpu.vector_store %arg16[%swap3A_362, %swap3A_363], %broadcast_in_dim3A_1 {strides = array<i32>} : memref<16x128xf32, #tpu.memory_space<vmem>>, vector<16xf32>,
    %swap3A_365 = arith.constant 11 : i32
    %swap3A_366 = arith.index_cast %swap3A_365 : i32 to index
    %swap3A_367 = arith.constant 48 : index
    %swap3A_368 = tpu.vector_load %arg16[%swap3A_366, %swap3A_367] {strides = array<i32>} : memref<16x128xf32, #tpu.memory_space<vmem>>, vector<16xf32>,
    tpu.vector_store %arg16[%swap3A_366, %swap3A_367], %broadcast_in_dim3A_1 {strides = array<i32>} : memref<16x128xf32, #tpu.memory_space<vmem>>, vector<16xf32>,
    %swap3A_369 = arith.constant 11 : i32
    %swap3A_370 = arith.index_cast %swap3A_369 : i32 to index
    %swap3A_371 = arith.constant 64 : index
    %swap3A_372 = tpu.vector_load %arg16[%swap3A_370, %swap3A_371] {strides = array<i32>} : memref<16x128xf32, #tpu.memory_space<vmem>>, vector<16xf32>,
    tpu.vector_store %arg16[%swap3A_370, %swap3A_371], %broadcast_in_dim3A_1 {strides = array<i32>} : memref<16x128xf32, #tpu.memory_space<vmem>>, vector<16xf32>,
    %swap3A_373 = arith.constant 11 : i32
    %swap3A_374 = arith.index_cast %swap3A_373 : i32 to index
    %swap3A_375 = arith.constant 80 : index
    %swap3A_376 = tpu.vector_load %arg16[%swap3A_374, %swap3A_375] {strides = array<i32>} : memref<16x128xf32, #tpu.memory_space<vmem>>, vector<16xf32>,
    tpu.vector_store %arg16[%swap3A_374, %swap3A_375], %broadcast_in_dim3A_1 {strides = array<i32>} : memref<16x128xf32, #tpu.memory_space<vmem>>, vector<16xf32>,
    %swap3A_377 = arith.constant 11 : i32
    %swap3A_378 = arith.index_cast %swap3A_377 : i32 to index
    %swap3A_379 = arith.constant 96 : index
    %swap3A_380 = tpu.vector_load %arg16[%swap3A_378, %swap3A_379] {strides = array<i32>} : memref<16x128xf32, #tpu.memory_space<vmem>>, vector<16xf32>,
    tpu.vector_store %arg16[%swap3A_378, %swap3A_379], %broadcast_in_dim3A_1 {strides = array<i32>} : memref<16x128xf32, #tpu.memory_space<vmem>>, vector<16xf32>,
    %swap3A_381 = arith.constant 11 : i32
    %swap3A_382 = arith.index_cast %swap3A_381 : i32 to index
    %swap3A_383 = arith.constant 112 : index
    %swap3A_384 = tpu.vector_load %arg16[%swap3A_382, %swap3A_383] {strides = array<i32>} : memref<16x128xf32, #tpu.memory_space<vmem>>, vector<16xf32>,
    tpu.vector_store %arg16[%swap3A_382, %swap3A_383], %broadcast_in_dim3A_1 {strides = array<i32>} : memref<16x128xf32, #tpu.memory_space<vmem>>, vector<16xf32>,
    %swap3A_385 = arith.constant 12 : i32
    %swap3A_386 = arith.index_cast %swap3A_385 : i32 to index
    %swap3A_387 = arith.constant 0 : index
    %swap3A_388 = tpu.vector_load %arg16[%swap3A_386, %swap3A_387] {strides = array<i32>} : memref<16x128xf32, #tpu.memory_space<vmem>>, vector<16xf32>,
    tpu.vector_store %arg16[%swap3A_386, %swap3A_387], %broadcast_in_dim3A_1 {strides = array<i32>} : memref<16x128xf32, #tpu.memory_space<vmem>>, vector<16xf32>,
    %swap3A_389 = arith.constant 12 : i32
    %swap3A_390 = arith.index_cast %swap3A_389 : i32 to index
    %swap3A_391 = arith.constant 16 : index
    %swap3A_392 = tpu.vector_load %arg16[%swap3A_390, %swap3A_391] {strides = array<i32>} : memref<16x128xf32, #tpu.memory_space<vmem>>, vector<16xf32>,
    tpu.vector_store %arg16[%swap3A_390, %swap3A_391], %broadcast_in_dim3A_1 {strides = array<i32>} : memref<16x128xf32, #tpu.memory_space<vmem>>, vector<16xf32>,
    %swap3A_393 = arith.constant 12 : i32
    %swap3A_394 = arith.index_cast %swap3A_393 : i32 to index
    %swap3A_395 = arith.constant 32 : index
    %swap3A_396 = tpu.vector_load %arg16[%swap3A_394, %swap3A_395] {strides = array<i32>} : memref<16x128xf32, #tpu.memory_space<vmem>>, vector<16xf32>,
    tpu.vector_store %arg16[%swap3A_394, %swap3A_395], %broadcast_in_dim3A_1 {strides = array<i32>} : memref<16x128xf32, #tpu.memory_space<vmem>>, vector<16xf32>,
    %swap3A_397 = arith.constant 12 : i32
    %swap3A_398 = arith.index_cast %swap3A_397 : i32 to index
    %swap3A_399 = arith.constant 48 : index
    %swap3A_400 = tpu.vector_load %arg16[%swap3A_398, %swap3A_399] {strides = array<i32>} : memref<16x128xf32, #tpu.memory_space<vmem>>, vector<16xf32>,
    tpu.vector_store %arg16[%swap3A_398, %swap3A_399], %broadcast_in_dim3A_1 {strides = array<i32>} : memref<16x128xf32, #tpu.memory_space<vmem>>, vector<16xf32>,
    %swap3A_401 = arith.constant 12 : i32
    %swap3A_402 = arith.index_cast %swap3A_401 : i32 to index
    %swap3A_403 = arith.constant 64 : index
    %swap3A_404 = tpu.vector_load %arg16[%swap3A_402, %swap3A_403] {strides = array<i32>} : memref<16x128xf32, #tpu.memory_space<vmem>>, vector<16xf32>,
    tpu.vector_store %arg16[%swap3A_402, %swap3A_403], %broadcast_in_dim3A_1 {strides = array<i32>} : memref<16x128xf32, #tpu.memory_space<vmem>>, vector<16xf32>,
    %swap3A_405 = arith.constant 12 : i32
    %swap3A_406 = arith.index_cast %swap3A_405 : i32 to index
    %swap3A_407 = arith.constant 80 : index
    %swap3A_408 = tpu.vector_load %arg16[%swap3A_406, %swap3A_407] {strides = array<i32>} : memref<16x128xf32, #tpu.memory_space<vmem>>, vector<16xf32>,
    tpu.vector_store %arg16[%swap3A_406, %swap3A_407], %broadcast_in_dim3A_1 {strides = array<i32>} : memref<16x128xf32, #tpu.memory_space<vmem>>, vector<16xf32>,
    %swap3A_409 = arith.constant 12 : i32
    %swap3A_410 = arith.index_cast %swap3A_409 : i32 to index
    %swap3A_411 = arith.constant 96 : index
    %swap3A_412 = tpu.vector_load %arg16[%swap3A_410, %swap3A_411] {strides = array<i32>} : memref<16x128xf32, #tpu.memory_space<vmem>>, vector<16xf32>,
    tpu.vector_store %arg16[%swap3A_410, %swap3A_411], %broadcast_in_dim3A_1 {strides = array<i32>} : memref<16x128xf32, #tpu.memory_space<vmem>>, vector<16xf32>,
    %swap3A_413 = arith.constant 12 : i32
    %swap3A_414 = arith.index_cast %swap3A_413 : i32 to index
    %swap3A_415 = arith.constant 112 : index
    %swap3A_416 = tpu.vector_load %arg16[%swap3A_414, %swap3A_415] {strides = array<i32>} : memref<16x128xf32, #tpu.memory_space<vmem>>, vector<16xf32>,
    tpu.vector_store %arg16[%swap3A_414, %swap3A_415], %broadcast_in_dim3A_1 {strides = array<i32>} : memref<16x128xf32, #tpu.memory_space<vmem>>, vector<16xf32>,
    %swap3A_417 = arith.constant 13 : i32
    %swap3A_418 = arith.index_cast %swap3A_417 : i32 to index
    %swap3A_419 = arith.constant 0 : index
    %swap3A_420 = tpu.vector_load %arg16[%swap3A_418, %swap3A_419] {strides = array<i32>} : memref<16x128xf32, #tpu.memory_space<vmem>>, vector<16xf32>,
    tpu.vector_store %arg16[%swap3A_418, %swap3A_419], %broadcast_in_dim3A_1 {strides = array<i32>} : memref<16x128xf32, #tpu.memory_space<vmem>>, vector<16xf32>,
    %swap3A_421 = arith.constant 13 : i32
    %swap3A_422 = arith.index_cast %swap3A_421 : i32 to index
    %swap3A_423 = arith.constant 16 : index
    %swap3A_424 = tpu.vector_load %arg16[%swap3A_422, %swap3A_423] {strides = array<i32>} : memref<16x128xf32, #tpu.memory_space<vmem>>, vector<16xf32>,
    tpu.vector_store %arg16[%swap3A_422, %swap3A_423], %broadcast_in_dim3A_1 {strides = array<i32>} : memref<16x128xf32, #tpu.memory_space<vmem>>, vector<16xf32>,
    %swap3A_425 = arith.constant 13 : i32
    %swap3A_426 = arith.index_cast %swap3A_425 : i32 to index
    %swap3A_427 = arith.constant 32 : index
    %swap3A_428 = tpu.vector_load %arg16[%swap3A_426, %swap3A_427] {strides = array<i32>} : memref<16x128xf32, #tpu.memory_space<vmem>>, vector<16xf32>,
    tpu.vector_store %arg16[%swap3A_426, %swap3A_427], %broadcast_in_dim3A_1 {strides = array<i32>} : memref<16x128xf32, #tpu.memory_space<vmem>>, vector<16xf32>,
    %swap3A_429 = arith.constant 13 : i32
    %swap3A_430 = arith.index_cast %swap3A_429 : i32 to index
    %swap3A_431 = arith.constant 48 : index
    %swap3A_432 = tpu.vector_load %arg16[%swap3A_430, %swap3A_431] {strides = array<i32>} : memref<16x128xf32, #tpu.memory_space<vmem>>, vector<16xf32>,
    tpu.vector_store %arg16[%swap3A_430, %swap3A_431], %broadcast_in_dim3A_1 {strides = array<i32>} : memref<16x128xf32, #tpu.memory_space<vmem>>, vector<16xf32>,
    %swap3A_433 = arith.constant 13 : i32
    %swap3A_434 = arith.index_cast %swap3A_433 : i32 to index
    %swap3A_435 = arith.constant 64 : index
    %swap3A_436 = tpu.vector_load %arg16[%swap3A_434, %swap3A_435] {strides = array<i32>} : memref<16x128xf32, #tpu.memory_space<vmem>>, vector<16xf32>,
    tpu.vector_store %arg16[%swap3A_434, %swap3A_435], %broadcast_in_dim3A_1 {strides = array<i32>} : memref<16x128xf32, #tpu.memory_space<vmem>>, vector<16xf32>,
    %swap3A_437 = arith.constant 13 : i32
    %swap3A_438 = arith.index_cast %swap3A_437 : i32 to index
    %swap3A_439 = arith.constant 80 : index
    %swap3A_440 = tpu.vector_load %arg16[%swap3A_438, %swap3A_439] {strides = array<i32>} : memref<16x128xf32, #tpu.memory_space<vmem>>, vector<16xf32>,
    tpu.vector_store %arg16[%swap3A_438, %swap3A_439], %broadcast_in_dim3A_1 {strides = array<i32>} : memref<16x128xf32, #tpu.memory_space<vmem>>, vector<16xf32>,
    %swap3A_441 = arith.constant 13 : i32
    %swap3A_442 = arith.index_cast %swap3A_441 : i32 to index
    %swap3A_443 = arith.constant 96 : index
    %swap3A_444 = tpu.vector_load %arg16[%swap3A_442, %swap3A_443] {strides = array<i32>} : memref<16x128xf32, #tpu.memory_space<vmem>>, vector<16xf32>,
    tpu.vector_store %arg16[%swap3A_442, %swap3A_443], %broadcast_in_dim3A_1 {strides = array<i32>} : memref<16x128xf32, #tpu.memory_space<vmem>>, vector<16xf32>,
    %swap3A_445 = arith.constant 13 : i32
    %swap3A_446 = arith.index_cast %swap3A_445 : i32 to index
    %swap3A_447 = arith.constant 112 : index
    %swap3A_448 = tpu.vector_load %arg16[%swap3A_446, %swap3A_447] {strides = array<i32>} : memref<16x128xf32, #tpu.memory_space<vmem>>, vector<16xf32>,
    tpu.vector_store %arg16[%swap3A_446, %swap3A_447], %broadcast_in_dim3A_1 {strides = array<i32>} : memref<16x128xf32, #tpu.memory_space<vmem>>, vector<16xf32>,
    %swap3A_449 = arith.constant 14 : i32
    %swap3A_450 = arith.index_cast %swap3A_449 : i32 to index
    %swap3A_451 = arith.constant 0 : index
    %swap3A_452 = tpu.vector_load %arg16[%swap3A_450, %swap3A_451] {strides = array<i32>} : memref<16x128xf32, #tpu.memory_space<vmem>>, vector<16xf32>,
    tpu.vector_store %arg16[%swap3A_450, %swap3A_451], %broadcast_in_dim3A_1 {strides = array<i32>} : memref<16x128xf32, #tpu.memory_space<vmem>>, vector<16xf32>,
    %swap3A_453 = arith.constant 14 : i32
    %swap3A_454 = arith.index_cast %swap3A_453 : i32 to index
    %swap3A_455 = arith.constant 16 : index
    %swap3A_456 = tpu.vector_load %arg16[%swap3A_454, %swap3A_455] {strides = array<i32>} : memref<16x128xf32, #tpu.memory_space<vmem>>, vector<16xf32>,
    tpu.vector_store %arg16[%swap3A_454, %swap3A_455], %broadcast_in_dim3A_1 {strides = array<i32>} : memref<16x128xf32, #tpu.memory_space<vmem>>, vector<16xf32>,
    %swap3A_457 = arith.constant 14 : i32
    %swap3A_458 = arith.index_cast %swap3A_457 : i32 to index
    %swap3A_459 = arith.constant 32 : index
    %swap3A_460 = tpu.vector_load %arg16[%swap3A_458, %swap3A_459] {strides = array<i32>} : memref<16x128xf32, #tpu.memory_space<vmem>>, vector<16xf32>,
    tpu.vector_store %arg16[%swap3A_458, %swap3A_459], %broadcast_in_dim3A_1 {strides = array<i32>} : memref<16x128xf32, #tpu.memory_space<vmem>>, vector<16xf32>,
    %swap3A_461 = arith.constant 14 : i32
    %swap3A_462 = arith.index_cast %swap3A_461 : i32 to index
    %swap3A_463 = arith.constant 48 : index
    %swap3A_464 = tpu.vector_load %arg16[%swap3A_462, %swap3A_463] {strides = array<i32>} : memref<16x128xf32, #tpu.memory_space<vmem>>, vector<16xf32>,
    tpu.vector_store %arg16[%swap3A_462, %swap3A_463], %broadcast_in_dim3A_1 {strides = array<i32>} : memref<16x128xf32, #tpu.memory_space<vmem>>, vector<16xf32>,
    %swap3A_465 = arith.constant 14 : i32
    %swap3A_466 = arith.index_cast %swap3A_465 : i32 to index
    %swap3A_467 = arith.constant 64 : index
    %swap3A_468 = tpu.vector_load %arg16[%swap3A_466, %swap3A_467] {strides = array<i32>} : memref<16x128xf32, #tpu.memory_space<vmem>>, vector<16xf32>,
    tpu.vector_store %arg16[%swap3A_466, %swap3A_467], %broadcast_in_dim3A_1 {strides = array<i32>} : memref<16x128xf32, #tpu.memory_space<vmem>>, vector<16xf32>,
    %swap3A_469 = arith.constant 14 : i32
    %swap3A_470 = arith.index_cast %swap3A_469 : i32 to index
    %swap3A_471 = arith.constant 80 : index
    %swap3A_472 = tpu.vector_load %arg16[%swap3A_470, %swap3A_471] {strides = array<i32>} : memref<16x128xf32, #tpu.memory_space<vmem>>, vector<16xf32>,
    tpu.vector_store %arg16[%swap3A_470, %swap3A_471], %broadcast_in_dim3A_1 {strides = array<i32>} : memref<16x128xf32, #tpu.memory_space<vmem>>, vector<16xf32>,
    %swap3A_473 = arith.constant 14 : i32
    %swap3A_474 = arith.index_cast %swap3A_473 : i32 to index
    %swap3A_475 = arith.constant 96 : index
    %swap3A_476 = tpu.vector_load %arg16[%swap3A_474, %swap3A_475] {strides = array<i32>} : memref<16x128xf32, #tpu.memory_space<vmem>>, vector<16xf32>,
    tpu.vector_store %arg16[%swap3A_474, %swap3A_475], %broadcast_in_dim3A_1 {strides = array<i32>} : memref<16x128xf32, #tpu.memory_space<vmem>>, vector<16xf32>,
    %swap3A_477 = arith.constant 14 : i32
    %swap3A_478 = arith.index_cast %swap3A_477 : i32 to index
    %swap3A_479 = arith.constant 112 : index
    %swap3A_480 = tpu.vector_load %arg16[%swap3A_478, %swap3A_479] {strides = array<i32>} : memref<16x128xf32, #tpu.memory_space<vmem>>, vector<16xf32>,
    tpu.vector_store %arg16[%swap3A_478, %swap3A_479], %broadcast_in_dim3A_1 {strides = array<i32>} : memref<16x128xf32, #tpu.memory_space<vmem>>, vector<16xf32>,
    %swap3A_481 = arith.constant 15 : i32
    %swap3A_482 = arith.index_cast %swap3A_481 : i32 to index
    %swap3A_483 = arith.constant 0 : index
    %swap3A_484 = tpu.vector_load %arg16[%swap3A_482, %swap3A_483] {strides = array<i32>} : memref<16x128xf32, #tpu.memory_space<vmem>>, vector<16xf32>,
    tpu.vector_store %arg16[%swap3A_482, %swap3A_483], %broadcast_in_dim3A_1 {strides = array<i32>} : memref<16x128xf32, #tpu.memory_space<vmem>>, vector<16xf32>,
    %swap3A_485 = arith.constant 15 : i32
    %swap3A_486 = arith.index_cast %swap3A_485 : i32 to index
    %swap3A_487 = arith.constant 16 : index
    %swap3A_488 = tpu.vector_load %arg16[%swap3A_486, %swap3A_487] {strides = array<i32>} : memref<16x128xf32, #tpu.memory_space<vmem>>, vector<16xf32>,
    tpu.vector_store %arg16[%swap3A_486, %swap3A_487], %broadcast_in_dim3A_1 {strides = array<i32>} : memref<16x128xf32, #tpu.memory_space<vmem>>, vector<16xf32>,
    %swap3A_489 = arith.constant 15 : i32
    %swap3A_490 = arith.index_cast %swap3A_489 : i32 to index
    %swap3A_491 = arith.constant 32 : index
    %swap3A_492 = tpu.vector_load %arg16[%swap3A_490, %swap3A_491] {strides = array<i32>} : memref<16x128xf32, #tpu.memory_space<vmem>>, vector<16xf32>,
    tpu.vector_store %arg16[%swap3A_490, %swap3A_491], %broadcast_in_dim3A_1 {strides = array<i32>} : memref<16x128xf32, #tpu.memory_space<vmem>>, vector<16xf32>,
    %swap3A_493 = arith.constant 15 : i32
    %swap3A_494 = arith.index_cast %swap3A_493 : i32 to index
    %swap3A_495 = arith.constant 48 : index
    %swap3A_496 = tpu.vector_load %arg16[%swap3A_494, %swap3A_495] {strides = array<i32>} : memref<16x128xf32, #tpu.memory_space<vmem>>, vector<16xf32>,
    tpu.vector_store %arg16[%swap3A_494, %swap3A_495], %broadcast_in_dim3A_1 {strides = array<i32>} : memref<16x128xf32, #tpu.memory_space<vmem>>, vector<16xf32>,
    %swap3A_497 = arith.constant 15 : i32
    %swap3A_498 = arith.index_cast %swap3A_497 : i32 to index
    %swap3A_499 = arith.constant 64 : index
    %swap3A_500 = tpu.vector_load %arg16[%swap3A_498, %swap3A_499] {strides = array<i32>} : memref<16x128xf32, #tpu.memory_space<vmem>>, vector<16xf32>,
    tpu.vector_store %arg16[%swap3A_498, %swap3A_499], %broadcast_in_dim3A_1 {strides = array<i32>} : memref<16x128xf32, #tpu.memory_space<vmem>>, vector<16xf32>,
    %swap3A_501 = arith.constant 15 : i32
    %swap3A_502 = arith.index_cast %swap3A_501 : i32 to index
    %swap3A_503 = arith.constant 80 : index
    %swap3A_504 = tpu.vector_load %arg16[%swap3A_502, %swap3A_503] {strides = array<i32>} : memref<16x128xf32, #tpu.memory_space<vmem>>, vector<16xf32>,
    tpu.vector_store %arg16[%swap3A_502, %swap3A_503], %broadcast_in_dim3A_1 {strides = array<i32>} : memref<16x128xf32, #tpu.memory_space<vmem>>, vector<16xf32>,
    %swap3A_505 = arith.constant 15 : i32
    %swap3A_506 = arith.index_cast %swap3A_505 : i32 to index
    %swap3A_507 = arith.constant 96 : index
    %swap3A_508 = tpu.vector_load %arg16[%swap3A_506, %swap3A_507] {strides = array<i32>} : memref<16x128xf32, #tpu.memory_space<vmem>>, vector<16xf32>,
    tpu.vector_store %arg16[%swap3A_506, %swap3A_507], %broadcast_in_dim3A_1 {strides = array<i32>} : memref<16x128xf32, #tpu.memory_space<vmem>>, vector<16xf32>,
    %swap3A_509 = arith.constant 15 : i32
    %swap3A_510 = arith.index_cast %swap3A_509 : i32 to index
    %swap3A_511 = arith.constant 112 : index
    %swap3A_512 = tpu.vector_load %arg16[%swap3A_510, %swap3A_511] {strides = array<i32>} : memref<16x128xf32, #tpu.memory_space<vmem>>, vector<16xf32>,
    tpu.vector_store %arg16[%swap3A_510, %swap3A_511], %broadcast_in_dim3A_1 {strides = array<i32>} : memref<16x128xf32, #tpu.memory_space<vmem>>, vector<16xf32>,
    %mul3A_513 = arith.constant 10240 : i32
    %mul3A_514 = arith.muli %add3A, %mul3A_513 : i32
    %mul3A_515 = arith.constant 632 : i32
    %mul3A_516 = arith.muli %arg1, %mul3A_515 : i32
    %add3A_517 = arith.constant 0 : i32
    %add3A_518 = arith.addi %mul3A_516, %add3A_517 : i32
    %dma_start3A = arith.constant 0 : i32
    %dma_start3A_519 = tpu.memref_slice %arg17[%add3A_518, %dma_start3A] : memref<10112x128xf32, #tpu.memory_space<vmem_shared>> -> memref<16x128xf32, #tpu.memory_space<vmem_shared>>
    %dma_start3A_520 = arith.constant 0 : i32
    %dma_start3A_521 = tpu.memref_slice %arg17[%add3A_518, %dma_start3A_520] : memref<10112x128xf32, #tpu.memory_space<vmem_shared>> -> memref<16x128xf32, #tpu.memory_space<vmem_shared>>
    tpu.enqueue_dma source(%arg16 : memref<16x128xf32, #tpu.memory_space<vmem>>) target(%dma_start3A_521 : memref<16x128xf32, #tpu.memory_space<vmem_shared>>) target_semaphore(%arg24 : memref<!tpu.dma_semaphore, #tpu.memory_space<semaphore_mem>>)
    %add3A_522 = arith.constant 16 : i32
    %add3A_523 = arith.addi %mul3A_516, %add3A_522 : i32
    %dma_start3A_524 = arith.constant 0 : i32
    %dma_start3A_525 = tpu.memref_slice %arg17[%add3A_523, %dma_start3A_524] : memref<10112x128xf32, #tpu.memory_space<vmem_shared>> -> memref<16x128xf32, #tpu.memory_space<vmem_shared>>
    %dma_start3A_526 = arith.constant 0 : i32
    %dma_start3A_527 = tpu.memref_slice %arg17[%add3A_523, %dma_start3A_526] : memref<10112x128xf32, #tpu.memory_space<vmem_shared>> -> memref<16x128xf32, #tpu.memory_space<vmem_shared>>
    tpu.enqueue_dma source(%arg16 : memref<16x128xf32, #tpu.memory_space<vmem>>) target(%dma_start3A_527 : memref<16x128xf32, #tpu.memory_space<vmem_shared>>) target_semaphore(%arg24 : memref<!tpu.dma_semaphore, #tpu.memory_space<semaphore_mem>>)
    %add3A_528 = arith.constant 32 : i32
    %add3A_529 = arith.addi %mul3A_516, %add3A_528 : i32
    %dma_start3A_530 = arith.constant 0 : i32
    %dma_start3A_531 = tpu.memref_slice %arg17[%add3A_529, %dma_start3A_530] : memref<10112x128xf32, #tpu.memory_space<vmem_shared>> -> memref<16x128xf32, #tpu.memory_space<vmem_shared>>
    %dma_start3A_532 = arith.constant 0 : i32
    %dma_start3A_533 = tpu.memref_slice %arg17[%add3A_529, %dma_start3A_532] : memref<10112x128xf32, #tpu.memory_space<vmem_shared>> -> memref<16x128xf32, #tpu.memory_space<vmem_shared>>
    tpu.enqueue_dma source(%arg16 : memref<16x128xf32, #tpu.memory_space<vmem>>) target(%dma_start3A_533 : memref<16x128xf32, #tpu.memory_space<vmem_shared>>) target_semaphore(%arg24 : memref<!tpu.dma_semaphore, #tpu.memory_space<semaphore_mem>>)
    %add3A_534 = arith.constant 48 : i32
    %add3A_535 = arith.addi %mul3A_516, %add3A_534 : i32
    %dma_start3A_536 = arith.constant 0 : i32
    %dma_start3A_537 = tpu.memref_slice %arg17[%add3A_535, %dma_start3A_536] : memref<10112x128xf32, #tpu.memory_space<vmem_shared>> -> memref<16x128xf32, #tpu.memory_space<vmem_shared>>
    %dma_start3A_538 = arith.constant 0 : i32
    %dma_start3A_539 = tpu.memref_slice %arg17[%add3A_535, %dma_start3A_538] : memref<10112x128xf32, #tpu.memory_space<vmem_shared>> -> memref<16x128xf32, #tpu.memory_space<vmem_shared>>
    tpu.enqueue_dma source(%arg16 : memref<16x128xf32, #tpu.memory_space<vmem>>) target(%dma_start3A_539 : memref<16x128xf32, #tpu.memory_space<vmem_shared>>) target_semaphore(%arg24 : memref<!tpu.dma_semaphore, #tpu.memory_space<semaphore_mem>>)
    %add3A_540 = arith.constant 64 : i32
    %add3A_541 = arith.addi %mul3A_516, %add3A_540 : i32
    %dma_start3A_542 = arith.constant 0 : i32
    %dma_start3A_543 = tpu.memref_slice %arg17[%add3A_541, %dma_start3A_542] : memref<10112x128xf32, #tpu.memory_space<vmem_shared>> -> memref<16x128xf32, #tpu.memory_space<vmem_shared>>
    %dma_start3A_544 = arith.constant 0 : i32
    %dma_start3A_545 = tpu.memref_slice %arg17[%add3A_541, %dma_start3A_544] : memref<10112x128xf32, #tpu.memory_space<vmem_shared>> -> memref<16x128xf32, #tpu.memory_space<vmem_shared>>
    tpu.enqueue_dma source(%arg16 : memref<16x128xf32, #tpu.memory_space<vmem>>) target(%dma_start3A_545 : memref<16x128xf32, #tpu.memory_space<vmem_shared>>) target_semaphore(%arg24 : memref<!tpu.dma_semaphore, #tpu.memory_space<semaphore_mem>>)
    %add3A_546 = arith.constant 80 : i32
    %add3A_547 = arith.addi %mul3A_516, %add3A_546 : i32
    %dma_start3A_548 = arith.constant 0 : i32
    %dma_start3A_549 = tpu.memref_slice %arg17[%add3A_547, %dma_start3A_548] : memref<10112x128xf32, #tpu.memory_space<vmem_shared>> -> memref<16x128xf32, #tpu.memory_space<vmem_shared>>
    %dma_start3A_550 = arith.constant 0 : i32
    %dma_start3A_551 = tpu.memref_slice %arg17[%add3A_547, %dma_start3A_550] : memref<10112x128xf32, #tpu.memory_space<vmem_shared>> -> memref<16x128xf32, #tpu.memory_space<vmem_shared>>
    tpu.enqueue_dma source(%arg16 : memref<16x128xf32, #tpu.memory_space<vmem>>) target(%dma_start3A_551 : memref<16x128xf32, #tpu.memory_space<vmem_shared>>) target_semaphore(%arg24 : memref<!tpu.dma_semaphore, #tpu.memory_space<semaphore_mem>>)
    %add3A_552 = arith.constant 96 : i32
    %add3A_553 = arith.addi %mul3A_516, %add3A_552 : i32
    %dma_start3A_554 = arith.constant 0 : i32
    %dma_start3A_555 = tpu.memref_slice %arg17[%add3A_553, %dma_start3A_554] : memref<10112x128xf32, #tpu.memory_space<vmem_shared>> -> memref<16x128xf32, #tpu.memory_space<vmem_shared>>
    %dma_start3A_556 = arith.constant 0 : i32
    %dma_start3A_557 = tpu.memref_slice %arg17[%add3A_553, %dma_start3A_556] : memref<10112x128xf32, #tpu.memory_space<vmem_shared>> -> memref<16x128xf32, #tpu.memory_space<vmem_shared>>
    tpu.enqueue_dma source(%arg16 : memref<16x128xf32, #tpu.memory_space<vmem>>) target(%dma_start3A_557 : memref<16x128xf32, #tpu.memory_space<vmem_shared>>) target_semaphore(%arg24 : memref<!tpu.dma_semaphore, #tpu.memory_space<semaphore_mem>>)
    %add3A_558 = arith.constant 112 : i32
    %add3A_559 = arith.addi %mul3A_516, %add3A_558 : i32
    %dma_start3A_560 = arith.constant 0 : i32
    %dma_start3A_561 = tpu.memref_slice %arg17[%add3A_559, %dma_start3A_560] : memref<10112x128xf32, #tpu.memory_space<vmem_shared>> -> memref<16x128xf32, #tpu.memory_space<vmem_shared>>
    %dma_start3A_562 = arith.constant 0 : i32
    %dma_start3A_563 = tpu.memref_slice %arg17[%add3A_559, %dma_start3A_562] : memref<10112x128xf32, #tpu.memory_space<vmem_shared>> -> memref<16x128xf32, #tpu.memory_space<vmem_shared>>
    tpu.enqueue_dma source(%arg16 : memref<16x128xf32, #tpu.memory_space<vmem>>) target(%dma_start3A_563 : memref<16x128xf32, #tpu.memory_space<vmem_shared>>) target_semaphore(%arg24 : memref<!tpu.dma_semaphore, #tpu.memory_space<semaphore_mem>>)
    %add3A_564 = arith.constant 128 : i32
    %add3A_565 = arith.addi %mul3A_516, %add3A_564 : i32
    %dma_start3A_566 = arith.constant 0 : i32
    %dma_start3A_567 = tpu.memref_slice %arg17[%add3A_565, %dma_start3A_566] : memref<10112x128xf32, #tpu.memory_space<vmem_shared>> -> memref<16x128xf32, #tpu.memory_space<vmem_shared>>
    %dma_start3A_568 = arith.constant 0 : i32
    %dma_start3A_569 = tpu.memref_slice %arg17[%add3A_565, %dma_start3A_568] : memref<10112x128xf32, #tpu.memory_space<vmem_shared>> -> memref<16x128xf32, #tpu.memory_space<vmem_shared>>
    tpu.enqueue_dma source(%arg16 : memref<16x128xf32, #tpu.memory_space<vmem>>) target(%dma_start3A_569 : memref<16x128xf32, #tpu.memory_space<vmem_shared>>) target_semaphore(%arg24 : memref<!tpu.dma_semaphore, #tpu.memory_space<semaphore_mem>>)
    %add3A_570 = arith.constant 144 : i32
    %add3A_571 = arith.addi %mul3A_516, %add3A_570 : i32
    %dma_start3A_572 = arith.constant 0 : i32
    %dma_start3A_573 = tpu.memref_slice %arg17[%add3A_571, %dma_start3A_572] : memref<10112x128xf32, #tpu.memory_space<vmem_shared>> -> memref<16x128xf32, #tpu.memory_space<vmem_shared>>
    %dma_start3A_574 = arith.constant 0 : i32
    %dma_start3A_575 = tpu.memref_slice %arg17[%add3A_571, %dma_start3A_574] : memref<10112x128xf32, #tpu.memory_space<vmem_shared>> -> memref<16x128xf32, #tpu.memory_space<vmem_shared>>
    tpu.enqueue_dma source(%arg16 : memref<16x128xf32, #tpu.memory_space<vmem>>) target(%dma_start3A_575 : memref<16x128xf32, #tpu.memory_space<vmem_shared>>) target_semaphore(%arg24 : memref<!tpu.dma_semaphore, #tpu.memory_space<semaphore_mem>>)
    %add3A_576 = arith.constant 160 : i32
    %add3A_577 = arith.addi %mul3A_516, %add3A_576 : i32
    %dma_start3A_578 = arith.constant 0 : i32
    %dma_start3A_579 = tpu.memref_slice %arg17[%add3A_577, %dma_start3A_578] : memref<10112x128xf32, #tpu.memory_space<vmem_shared>> -> memref<16x128xf32, #tpu.memory_space<vmem_shared>>
    %dma_start3A_580 = arith.constant 0 : i32
    %dma_start3A_581 = tpu.memref_slice %arg17[%add3A_577, %dma_start3A_580] : memref<10112x128xf32, #tpu.memory_space<vmem_shared>> -> memref<16x128xf32, #tpu.memory_space<vmem_shared>>
    tpu.enqueue_dma source(%arg16 : memref<16x128xf32, #tpu.memory_space<vmem>>) target(%dma_start3A_581 : memref<16x128xf32, #tpu.memory_space<vmem_shared>>) target_semaphore(%arg24 : memref<!tpu.dma_semaphore, #tpu.memory_space<semaphore_mem>>)
    %add3A_582 = arith.constant 176 : i32
    %add3A_583 = arith.addi %mul3A_516, %add3A_582 : i32
    %dma_start3A_584 = arith.constant 0 : i32
    %dma_start3A_585 = tpu.memref_slice %arg17[%add3A_583, %dma_start3A_584] : memref<10112x128xf32, #tpu.memory_space<vmem_shared>> -> memref<16x128xf32, #tpu.memory_space<vmem_shared>>
    %dma_start3A_586 = arith.constant 0 : i32
    %dma_start3A_587 = tpu.memref_slice %arg17[%add3A_583, %dma_start3A_586] : memref<10112x128xf32, #tpu.memory_space<vmem_shared>> -> memref<16x128xf32, #tpu.memory_space<vmem_shared>>
    tpu.enqueue_dma source(%arg16 : memref<16x128xf32, #tpu.memory_space<vmem>>) target(%dma_start3A_587 : memref<16x128xf32, #tpu.memory_space<vmem_shared>>) target_semaphore(%arg24 : memref<!tpu.dma_semaphore, #tpu.memory_space<semaphore_mem>>)
    %add3A_588 = arith.constant 192 : i32
    %add3A_589 = arith.addi %mul3A_516, %add3A_588 : i32
    %dma_start3A_590 = arith.constant 0 : i32
    %dma_start3A_591 = tpu.memref_slice %arg17[%add3A_589, %dma_start3A_590] : memref<10112x128xf32, #tpu.memory_space<vmem_shared>> -> memref<16x128xf32, #tpu.memory_space<vmem_shared>>
    %dma_start3A_592 = arith.constant 0 : i32
    %dma_start3A_593 = tpu.memref_slice %arg17[%add3A_589, %dma_start3A_592] : memref<10112x128xf32, #tpu.memory_space<vmem_shared>> -> memref<16x128xf32, #tpu.memory_space<vmem_shared>>
    tpu.enqueue_dma source(%arg16 : memref<16x128xf32, #tpu.memory_space<vmem>>) target(%dma_start3A_593 : memref<16x128xf32, #tpu.memory_space<vmem_shared>>) target_semaphore(%arg24 : memref<!tpu.dma_semaphore, #tpu.memory_space<semaphore_mem>>)
    %add3A_594 = arith.constant 208 : i32
    %add3A_595 = arith.addi %mul3A_516, %add3A_594 : i32
    %dma_start3A_596 = arith.constant 0 : i32
    %dma_start3A_597 = tpu.memref_slice %arg17[%add3A_595, %dma_start3A_596] : memref<10112x128xf32, #tpu.memory_space<vmem_shared>> -> memref<16x128xf32, #tpu.memory_space<vmem_shared>>
    %dma_start3A_598 = arith.constant 0 : i32
    %dma_start3A_599 = tpu.memref_slice %arg17[%add3A_595, %dma_start3A_598] : memref<10112x128xf32, #tpu.memory_space<vmem_shared>> -> memref<16x128xf32, #tpu.memory_space<vmem_shared>>
    tpu.enqueue_dma source(%arg16 : memref<16x128xf32, #tpu.memory_space<vmem>>) target(%dma_start3A_599 : memref<16x128xf32, #tpu.memory_space<vmem_shared>>) target_semaphore(%arg24 : memref<!tpu.dma_semaphore, #tpu.memory_space<semaphore_mem>>)
    %add3A_600 = arith.constant 224 : i32
    %add3A_601 = arith.addi %mul3A_516, %add3A_600 : i32
    %dma_start3A_602 = arith.constant 0 : i32
    %dma_start3A_603 = tpu.memref_slice %arg17[%add3A_601, %dma_start3A_602] : memref<10112x128xf32, #tpu.memory_space<vmem_shared>> -> memref<16x128xf32, #tpu.memory_space<vmem_shared>>
    %dma_start3A_604 = arith.constant 0 : i32
    %dma_start3A_605 = tpu.memref_slice %arg17[%add3A_601, %dma_start3A_604] : memref<10112x128xf32, #tpu.memory_space<vmem_shared>> -> memref<16x128xf32, #tpu.memory_space<vmem_shared>>
    tpu.enqueue_dma source(%arg16 : memref<16x128xf32, #tpu.memory_space<vmem>>) target(%dma_start3A_605 : memref<16x128xf32, #tpu.memory_space<vmem_shared>>) target_semaphore(%arg24 : memref<!tpu.dma_semaphore, #tpu.memory_space<semaphore_mem>>)
    %add3A_606 = arith.constant 240 : i32
    %add3A_607 = arith.addi %mul3A_516, %add3A_606 : i32
    %dma_start3A_608 = arith.constant 0 : i32
    %dma_start3A_609 = tpu.memref_slice %arg17[%add3A_607, %dma_start3A_608] : memref<10112x128xf32, #tpu.memory_space<vmem_shared>> -> memref<16x128xf32, #tpu.memory_space<vmem_shared>>
    %dma_start3A_610 = arith.constant 0 : i32
    %dma_start3A_611 = tpu.memref_slice %arg17[%add3A_607, %dma_start3A_610] : memref<10112x128xf32, #tpu.memory_space<vmem_shared>> -> memref<16x128xf32, #tpu.memory_space<vmem_shared>>
    tpu.enqueue_dma source(%arg16 : memref<16x128xf32, #tpu.memory_space<vmem>>) target(%dma_start3A_611 : memref<16x128xf32, #tpu.memory_space<vmem_shared>>) target_semaphore(%arg24 : memref<!tpu.dma_semaphore, #tpu.memory_space<semaphore_mem>>)
    %add3A_612 = arith.constant 256 : i32
    %add3A_613 = arith.addi %mul3A_516, %add3A_612 : i32
    %dma_start3A_614 = arith.constant 0 : i32
    %dma_start3A_615 = tpu.memref_slice %arg17[%add3A_613, %dma_start3A_614] : memref<10112x128xf32, #tpu.memory_space<vmem_shared>> -> memref<16x128xf32, #tpu.memory_space<vmem_shared>>
    %dma_start3A_616 = arith.constant 0 : i32
    %dma_start3A_617 = tpu.memref_slice %arg17[%add3A_613, %dma_start3A_616] : memref<10112x128xf32, #tpu.memory_space<vmem_shared>> -> memref<16x128xf32, #tpu.memory_space<vmem_shared>>
    tpu.enqueue_dma source(%arg16 : memref<16x128xf32, #tpu.memory_space<vmem>>) target(%dma_start3A_617 : memref<16x128xf32, #tpu.memory_space<vmem_shared>>) target_semaphore(%arg24 : memref<!tpu.dma_semaphore, #tpu.memory_space<semaphore_mem>>)
    %add3A_618 = arith.constant 272 : i32
    %add3A_619 = arith.addi %mul3A_516, %add3A_618 : i32
    %dma_start3A_620 = arith.constant 0 : i32
    %dma_start3A_621 = tpu.memref_slice %arg17[%add3A_619, %dma_start3A_620] : memref<10112x128xf32, #tpu.memory_space<vmem_shared>> -> memref<16x128xf32, #tpu.memory_space<vmem_shared>>
    %dma_start3A_622 = arith.constant 0 : i32
    %dma_start3A_623 = tpu.memref_slice %arg17[%add3A_619, %dma_start3A_622] : memref<10112x128xf32, #tpu.memory_space<vmem_shared>> -> memref<16x128xf32, #tpu.memory_space<vmem_shared>>
    tpu.enqueue_dma source(%arg16 : memref<16x128xf32, #tpu.memory_space<vmem>>) target(%dma_start3A_623 : memref<16x128xf32, #tpu.memory_space<vmem_shared>>) target_semaphore(%arg24 : memref<!tpu.dma_semaphore, #tpu.memory_space<semaphore_mem>>)
    %add3A_624 = arith.constant 288 : i32
    %add3A_625 = arith.addi %mul3A_516, %add3A_624 : i32
    %dma_start3A_626 = arith.constant 0 : i32
    %dma_start3A_627 = tpu.memref_slice %arg17[%add3A_625, %dma_start3A_626] : memref<10112x128xf32, #tpu.memory_space<vmem_shared>> -> memref<16x128xf32, #tpu.memory_space<vmem_shared>>
    %dma_start3A_628 = arith.constant 0 : i32
    %dma_start3A_629 = tpu.memref_slice %arg17[%add3A_625, %dma_start3A_628] : memref<10112x128xf32, #tpu.memory_space<vmem_shared>> -> memref<16x128xf32, #tpu.memory_space<vmem_shared>>
    tpu.enqueue_dma source(%arg16 : memref<16x128xf32, #tpu.memory_space<vmem>>) target(%dma_start3A_629 : memref<16x128xf32, #tpu.memory_space<vmem_shared>>) target_semaphore(%arg24 : memref<!tpu.dma_semaphore, #tpu.memory_space<semaphore_mem>>)
    %add3A_630 = arith.constant 304 : i32
    %add3A_631 = arith.addi %mul3A_516, %add3A_630 : i32
    %dma_start3A_632 = arith.constant 0 : i32
    %dma_start3A_633 = tpu.memref_slice %arg17[%add3A_631, %dma_start3A_632] : memref<10112x128xf32, #tpu.memory_space<vmem_shared>> -> memref<16x128xf32, #tpu.memory_space<vmem_shared>>
    %dma_start3A_634 = arith.constant 0 : i32
    %dma_start3A_635 = tpu.memref_slice %arg17[%add3A_631, %dma_start3A_634] : memref<10112x128xf32, #tpu.memory_space<vmem_shared>> -> memref<16x128xf32, #tpu.memory_space<vmem_shared>>
    tpu.enqueue_dma source(%arg16 : memref<16x128xf32, #tpu.memory_space<vmem>>) target(%dma_start3A_635 : memref<16x128xf32, #tpu.memory_space<vmem_shared>>) target_semaphore(%arg24 : memref<!tpu.dma_semaphore, #tpu.memory_space<semaphore_mem>>)
    %add3A_636 = arith.constant 320 : i32
    %add3A_637 = arith.addi %mul3A_516, %add3A_636 : i32
    %dma_start3A_638 = arith.constant 0 : i32
    %dma_start3A_639 = tpu.memref_slice %arg17[%add3A_637, %dma_start3A_638] : memref<10112x128xf32, #tpu.memory_space<vmem_shared>> -> memref<16x128xf32, #tpu.memory_space<vmem_shared>>
    %dma_start3A_640 = arith.constant 0 : i32
    %dma_start3A_641 = tpu.memref_slice %arg17[%add3A_637, %dma_start3A_640] : memref<10112x128xf32, #tpu.memory_space<vmem_shared>> -> memref<16x128xf32, #tpu.memory_space<vmem_shared>>
    tpu.enqueue_dma source(%arg16 : memref<16x128xf32, #tpu.memory_space<vmem>>) target(%dma_start3A_641 : memref<16x128xf32, #tpu.memory_space<vmem_shared>>) target_semaphore(%arg24 : memref<!tpu.dma_semaphore, #tpu.memory_space<semaphore_mem>>)
    %add3A_642 = arith.constant 336 : i32
    %add3A_643 = arith.addi %mul3A_516, %add3A_642 : i32
    %dma_start3A_644 = arith.constant 0 : i32
    %dma_start3A_645 = tpu.memref_slice %arg17[%add3A_643, %dma_start3A_644] : memref<10112x128xf32, #tpu.memory_space<vmem_shared>> -> memref<16x128xf32, #tpu.memory_space<vmem_shared>>
    %dma_start3A_646 = arith.constant 0 : i32
    %dma_start3A_647 = tpu.memref_slice %arg17[%add3A_643, %dma_start3A_646] : memref<10112x128xf32, #tpu.memory_space<vmem_shared>> -> memref<16x128xf32, #tpu.memory_space<vmem_shared>>
    tpu.enqueue_dma source(%arg16 : memref<16x128xf32, #tpu.memory_space<vmem>>) target(%dma_start3A_647 : memref<16x128xf32, #tpu.memory_space<vmem_shared>>) target_semaphore(%arg24 : memref<!tpu.dma_semaphore, #tpu.memory_space<semaphore_mem>>)
    %add3A_648 = arith.constant 352 : i32
    %add3A_649 = arith.addi %mul3A_516, %add3A_648 : i32
    %dma_start3A_650 = arith.constant 0 : i32
    %dma_start3A_651 = tpu.memref_slice %arg17[%add3A_649, %dma_start3A_650] : memref<10112x128xf32, #tpu.memory_space<vmem_shared>> -> memref<16x128xf32, #tpu.memory_space<vmem_shared>>
    %dma_start3A_652 = arith.constant 0 : i32
    %dma_start3A_653 = tpu.memref_slice %arg17[%add3A_649, %dma_start3A_652] : memref<10112x128xf32, #tpu.memory_space<vmem_shared>> -> memref<16x128xf32, #tpu.memory_space<vmem_shared>>
    tpu.enqueue_dma source(%arg16 : memref<16x128xf32, #tpu.memory_space<vmem>>) target(%dma_start3A_653 : memref<16x128xf32, #tpu.memory_space<vmem_shared>>) target_semaphore(%arg24 : memref<!tpu.dma_semaphore, #tpu.memory_space<semaphore_mem>>)
    %add3A_654 = arith.constant 368 : i32
    %add3A_655 = arith.addi %mul3A_516, %add3A_654 : i32
    %dma_start3A_656 = arith.constant 0 : i32
    %dma_start3A_657 = tpu.memref_slice %arg17[%add3A_655, %dma_start3A_656] : memref<10112x128xf32, #tpu.memory_space<vmem_shared>> -> memref<16x128xf32, #tpu.memory_space<vmem_shared>>
    %dma_start3A_658 = arith.constant 0 : i32
    %dma_start3A_659 = tpu.memref_slice %arg17[%add3A_655, %dma_start3A_658] : memref<10112x128xf32, #tpu.memory_space<vmem_shared>> -> memref<16x128xf32, #tpu.memory_space<vmem_shared>>
    tpu.enqueue_dma source(%arg16 : memref<16x128xf32, #tpu.memory_space<vmem>>) target(%dma_start3A_659 : memref<16x128xf32, #tpu.memory_space<vmem_shared>>) target_semaphore(%arg24 : memref<!tpu.dma_semaphore, #tpu.memory_space<semaphore_mem>>)
    %add3A_660 = arith.constant 384 : i32
    %add3A_661 = arith.addi %mul3A_516, %add3A_660 : i32
    %dma_start3A_662 = arith.constant 0 : i32
    %dma_start3A_663 = tpu.memref_slice %arg17[%add3A_661, %dma_start3A_662] : memref<10112x128xf32, #tpu.memory_space<vmem_shared>> -> memref<16x128xf32, #tpu.memory_space<vmem_shared>>
    %dma_start3A_664 = arith.constant 0 : i32
    %dma_start3A_665 = tpu.memref_slice %arg17[%add3A_661, %dma_start3A_664] : memref<10112x128xf32, #tpu.memory_space<vmem_shared>> -> memref<16x128xf32, #tpu.memory_space<vmem_shared>>
    tpu.enqueue_dma source(%arg16 : memref<16x128xf32, #tpu.memory_space<vmem>>) target(%dma_start3A_665 : memref<16x128xf32, #tpu.memory_space<vmem_shared>>) target_semaphore(%arg24 : memref<!tpu.dma_semaphore, #tpu.memory_space<semaphore_mem>>)
    %add3A_666 = arith.constant 400 : i32
    %add3A_667 = arith.addi %mul3A_516, %add3A_666 : i32
    %dma_start3A_668 = arith.constant 0 : i32
    %dma_start3A_669 = tpu.memref_slice %arg17[%add3A_667, %dma_start3A_668] : memref<10112x128xf32, #tpu.memory_space<vmem_shared>> -> memref<16x128xf32, #tpu.memory_space<vmem_shared>>
    %dma_start3A_670 = arith.constant 0 : i32
    %dma_start3A_671 = tpu.memref_slice %arg17[%add3A_667, %dma_start3A_670] : memref<10112x128xf32, #tpu.memory_space<vmem_shared>> -> memref<16x128xf32, #tpu.memory_space<vmem_shared>>
    tpu.enqueue_dma source(%arg16 : memref<16x128xf32, #tpu.memory_space<vmem>>) target(%dma_start3A_671 : memref<16x128xf32, #tpu.memory_space<vmem_shared>>) target_semaphore(%arg24 : memref<!tpu.dma_semaphore, #tpu.memory_space<semaphore_mem>>)
    %add3A_672 = arith.constant 416 : i32
    %add3A_673 = arith.addi %mul3A_516, %add3A_672 : i32
    %dma_start3A_674 = arith.constant 0 : i32
    %dma_start3A_675 = tpu.memref_slice %arg17[%add3A_673, %dma_start3A_674] : memref<10112x128xf32, #tpu.memory_space<vmem_shared>> -> memref<16x128xf32, #tpu.memory_space<vmem_shared>>
    %dma_start3A_676 = arith.constant 0 : i32
    %dma_start3A_677 = tpu.memref_slice %arg17[%add3A_673, %dma_start3A_676] : memref<10112x128xf32, #tpu.memory_space<vmem_shared>> -> memref<16x128xf32, #tpu.memory_space<vmem_shared>>
    tpu.enqueue_dma source(%arg16 : memref<16x128xf32, #tpu.memory_space<vmem>>) target(%dma_start3A_677 : memref<16x128xf32, #tpu.memory_space<vmem_shared>>) target_semaphore(%arg24 : memref<!tpu.dma_semaphore, #tpu.memory_space<semaphore_mem>>)
    %add3A_678 = arith.constant 432 : i32
    %add3A_679 = arith.addi %mul3A_516, %add3A_678 : i32
    %dma_start3A_680 = arith.constant 0 : i32
    %dma_start3A_681 = tpu.memref_slice %arg17[%add3A_679, %dma_start3A_680] : memref<10112x128xf32, #tpu.memory_space<vmem_shared>> -> memref<16x128xf32, #tpu.memory_space<vmem_shared>>
    %dma_start3A_682 = arith.constant 0 : i32
    %dma_start3A_683 = tpu.memref_slice %arg17[%add3A_679, %dma_start3A_682] : memref<10112x128xf32, #tpu.memory_space<vmem_shared>> -> memref<16x128xf32, #tpu.memory_space<vmem_shared>>
    tpu.enqueue_dma source(%arg16 : memref<16x128xf32, #tpu.memory_space<vmem>>) target(%dma_start3A_683 : memref<16x128xf32, #tpu.memory_space<vmem_shared>>) target_semaphore(%arg24 : memref<!tpu.dma_semaphore, #tpu.memory_space<semaphore_mem>>)
    %add3A_684 = arith.constant 448 : i32
    %add3A_685 = arith.addi %mul3A_516, %add3A_684 : i32
    %dma_start3A_686 = arith.constant 0 : i32
    %dma_start3A_687 = tpu.memref_slice %arg17[%add3A_685, %dma_start3A_686] : memref<10112x128xf32, #tpu.memory_space<vmem_shared>> -> memref<16x128xf32, #tpu.memory_space<vmem_shared>>
    %dma_start3A_688 = arith.constant 0 : i32
    %dma_start3A_689 = tpu.memref_slice %arg17[%add3A_685, %dma_start3A_688] : memref<10112x128xf32, #tpu.memory_space<vmem_shared>> -> memref<16x128xf32, #tpu.memory_space<vmem_shared>>
    tpu.enqueue_dma source(%arg16 : memref<16x128xf32, #tpu.memory_space<vmem>>) target(%dma_start3A_689 : memref<16x128xf32, #tpu.memory_space<vmem_shared>>) target_semaphore(%arg24 : memref<!tpu.dma_semaphore, #tpu.memory_space<semaphore_mem>>)
    %add3A_690 = arith.constant 464 : i32
    %add3A_691 = arith.addi %mul3A_516, %add3A_690 : i32
    %dma_start3A_692 = arith.constant 0 : i32
    %dma_start3A_693 = tpu.memref_slice %arg17[%add3A_691, %dma_start3A_692] : memref<10112x128xf32, #tpu.memory_space<vmem_shared>> -> memref<16x128xf32, #tpu.memory_space<vmem_shared>>
    %dma_start3A_694 = arith.constant 0 : i32
    %dma_start3A_695 = tpu.memref_slice %arg17[%add3A_691, %dma_start3A_694] : memref<10112x128xf32, #tpu.memory_space<vmem_shared>> -> memref<16x128xf32, #tpu.memory_space<vmem_shared>>
    tpu.enqueue_dma source(%arg16 : memref<16x128xf32, #tpu.memory_space<vmem>>) target(%dma_start3A_695 : memref<16x128xf32, #tpu.memory_space<vmem_shared>>) target_semaphore(%arg24 : memref<!tpu.dma_semaphore, #tpu.memory_space<semaphore_mem>>)
    %add3A_696 = arith.constant 480 : i32
    %add3A_697 = arith.addi %mul3A_516, %add3A_696 : i32
    %dma_start3A_698 = arith.constant 0 : i32
    %dma_start3A_699 = tpu.memref_slice %arg17[%add3A_697, %dma_start3A_698] : memref<10112x128xf32, #tpu.memory_space<vmem_shared>> -> memref<16x128xf32, #tpu.memory_space<vmem_shared>>
    %dma_start3A_700 = arith.constant 0 : i32
    %dma_start3A_701 = tpu.memref_slice %arg17[%add3A_697, %dma_start3A_700] : memref<10112x128xf32, #tpu.memory_space<vmem_shared>> -> memref<16x128xf32, #tpu.memory_space<vmem_shared>>
    tpu.enqueue_dma source(%arg16 : memref<16x128xf32, #tpu.memory_space<vmem>>) target(%dma_start3A_701 : memref<16x128xf32, #tpu.memory_space<vmem_shared>>) target_semaphore(%arg24 : memref<!tpu.dma_semaphore, #tpu.memory_space<semaphore_mem>>)
    %add3A_702 = arith.constant 496 : i32
    %add3A_703 = arith.addi %mul3A_516, %add3A_702 : i32
    %dma_start3A_704 = arith.constant 0 : i32
    %dma_start3A_705 = tpu.memref_slice %arg17[%add3A_703, %dma_start3A_704] : memref<10112x128xf32, #tpu.memory_space<vmem_shared>> -> memref<16x128xf32, #tpu.memory_space<vmem_shared>>
    %dma_start3A_706 = arith.constant 0 : i32
    %dma_start3A_707 = tpu.memref_slice %arg17[%add3A_703, %dma_start3A_706] : memref<10112x128xf32, #tpu.memory_space<vmem_shared>> -> memref<16x128xf32, #tpu.memory_space<vmem_shared>>
    tpu.enqueue_dma source(%arg16 : memref<16x128xf32, #tpu.memory_space<vmem>>) target(%dma_start3A_707 : memref<16x128xf32, #tpu.memory_space<vmem_shared>>) target_semaphore(%arg24 : memref<!tpu.dma_semaphore, #tpu.memory_space<semaphore_mem>>)
    %add3A_708 = arith.constant 512 : i32
    %add3A_709 = arith.addi %mul3A_516, %add3A_708 : i32
    %dma_start3A_710 = arith.constant 0 : i32
    %dma_start3A_711 = tpu.memref_slice %arg17[%add3A_709, %dma_start3A_710] : memref<10112x128xf32, #tpu.memory_space<vmem_shared>> -> memref<16x128xf32, #tpu.memory_space<vmem_shared>>
    %dma_start3A_712 = arith.constant 0 : i32
    %dma_start3A_713 = tpu.memref_slice %arg17[%add3A_709, %dma_start3A_712] : memref<10112x128xf32, #tpu.memory_space<vmem_shared>> -> memref<16x128xf32, #tpu.memory_space<vmem_shared>>
    tpu.enqueue_dma source(%arg16 : memref<16x128xf32, #tpu.memory_space<vmem>>) target(%dma_start3A_713 : memref<16x128xf32, #tpu.memory_space<vmem_shared>>) target_semaphore(%arg24 : memref<!tpu.dma_semaphore, #tpu.memory_space<semaphore_mem>>)
    %add3A_714 = arith.constant 528 : i32
    %add3A_715 = arith.addi %mul3A_516, %add3A_714 : i32
    %dma_start3A_716 = arith.constant 0 : i32
    %dma_start3A_717 = tpu.memref_slice %arg17[%add3A_715, %dma_start3A_716] : memref<10112x128xf32, #tpu.memory_space<vmem_shared>> -> memref<16x128xf32, #tpu.memory_space<vmem_shared>>
    %dma_start3A_718 = arith.constant 0 : i32
    %dma_start3A_719 = tpu.memref_slice %arg17[%add3A_715, %dma_start3A_718] : memref<10112x128xf32, #tpu.memory_space<vmem_shared>> -> memref<16x128xf32, #tpu.memory_space<vmem_shared>>
    tpu.enqueue_dma source(%arg16 : memref<16x128xf32, #tpu.memory_space<vmem>>) target(%dma_start3A_719 : memref<16x128xf32, #tpu.memory_space<vmem_shared>>) target_semaphore(%arg24 : memref<!tpu.dma_semaphore, #tpu.memory_space<semaphore_mem>>)
    %add3A_720 = arith.constant 544 : i32
    %add3A_721 = arith.addi %mul3A_516, %add3A_720 : i32
    %dma_start3A_722 = arith.constant 0 : i32
    %dma_start3A_723 = tpu.memref_slice %arg17[%add3A_721, %dma_start3A_722] : memref<10112x128xf32, #tpu.memory_space<vmem_shared>> -> memref<16x128xf32, #tpu.memory_space<vmem_shared>>
    %dma_start3A_724 = arith.constant 0 : i32
    %dma_start3A_725 = tpu.memref_slice %arg17[%add3A_721, %dma_start3A_724] : memref<10112x128xf32, #tpu.memory_space<vmem_shared>> -> memref<16x128xf32, #tpu.memory_space<vmem_shared>>
    tpu.enqueue_dma source(%arg16 : memref<16x128xf32, #tpu.memory_space<vmem>>) target(%dma_start3A_725 : memref<16x128xf32, #tpu.memory_space<vmem_shared>>) target_semaphore(%arg24 : memref<!tpu.dma_semaphore, #tpu.memory_space<semaphore_mem>>)
    %add3A_726 = arith.constant 560 : i32
    %add3A_727 = arith.addi %mul3A_516, %add3A_726 : i32
    %dma_start3A_728 = arith.constant 0 : i32
    %dma_start3A_729 = tpu.memref_slice %arg17[%add3A_727, %dma_start3A_728] : memref<10112x128xf32, #tpu.memory_space<vmem_shared>> -> memref<16x128xf32, #tpu.memory_space<vmem_shared>>
    %dma_start3A_730 = arith.constant 0 : i32
    %dma_start3A_731 = tpu.memref_slice %arg17[%add3A_727, %dma_start3A_730] : memref<10112x128xf32, #tpu.memory_space<vmem_shared>> -> memref<16x128xf32, #tpu.memory_space<vmem_shared>>
    tpu.enqueue_dma source(%arg16 : memref<16x128xf32, #tpu.memory_space<vmem>>) target(%dma_start3A_731 : memref<16x128xf32, #tpu.memory_space<vmem_shared>>) target_semaphore(%arg24 : memref<!tpu.dma_semaphore, #tpu.memory_space<semaphore_mem>>)
    %add3A_732 = arith.constant 576 : i32
    %add3A_733 = arith.addi %mul3A_516, %add3A_732 : i32
    %dma_start3A_734 = arith.constant 0 : i32
    %dma_start3A_735 = tpu.memref_slice %arg17[%add3A_733, %dma_start3A_734] : memref<10112x128xf32, #tpu.memory_space<vmem_shared>> -> memref<16x128xf32, #tpu.memory_space<vmem_shared>>
    %dma_start3A_736 = arith.constant 0 : i32
    %dma_start3A_737 = tpu.memref_slice %arg17[%add3A_733, %dma_start3A_736] : memref<10112x128xf32, #tpu.memory_space<vmem_shared>> -> memref<16x128xf32, #tpu.memory_space<vmem_shared>>
    tpu.enqueue_dma source(%arg16 : memref<16x128xf32, #tpu.memory_space<vmem>>) target(%dma_start3A_737 : memref<16x128xf32, #tpu.memory_space<vmem_shared>>) target_semaphore(%arg24 : memref<!tpu.dma_semaphore, #tpu.memory_space<semaphore_mem>>)
    %add3A_738 = arith.constant 592 : i32
    %add3A_739 = arith.addi %mul3A_516, %add3A_738 : i32
    %dma_start3A_740 = arith.constant 0 : i32
    %dma_start3A_741 = tpu.memref_slice %arg17[%add3A_739, %dma_start3A_740] : memref<10112x128xf32, #tpu.memory_space<vmem_shared>> -> memref<16x128xf32, #tpu.memory_space<vmem_shared>>
    %dma_start3A_742 = arith.constant 0 : i32
    %dma_start3A_743 = tpu.memref_slice %arg17[%add3A_739, %dma_start3A_742] : memref<10112x128xf32, #tpu.memory_space<vmem_shared>> -> memref<16x128xf32, #tpu.memory_space<vmem_shared>>
    tpu.enqueue_dma source(%arg16 : memref<16x128xf32, #tpu.memory_space<vmem>>) target(%dma_start3A_743 : memref<16x128xf32, #tpu.memory_space<vmem_shared>>) target_semaphore(%arg24 : memref<!tpu.dma_semaphore, #tpu.memory_space<semaphore_mem>>)
    %add3A_744 = arith.constant 608 : i32
    %add3A_745 = arith.addi %mul3A_516, %add3A_744 : i32
    %dma_start3A_746 = arith.constant 0 : i32
    %dma_start3A_747 = tpu.memref_slice %arg17[%add3A_745, %dma_start3A_746] : memref<10112x128xf32, #tpu.memory_space<vmem_shared>> -> memref<16x128xf32, #tpu.memory_space<vmem_shared>>
    %dma_start3A_748 = arith.constant 0 : i32
    %dma_start3A_749 = tpu.memref_slice %arg17[%add3A_745, %dma_start3A_748] : memref<10112x128xf32, #tpu.memory_space<vmem_shared>> -> memref<16x128xf32, #tpu.memory_space<vmem_shared>>
    tpu.enqueue_dma source(%arg16 : memref<16x128xf32, #tpu.memory_space<vmem>>) target(%dma_start3A_749 : memref<16x128xf32, #tpu.memory_space<vmem_shared>>) target_semaphore(%arg24 : memref<!tpu.dma_semaphore, #tpu.memory_space<semaphore_mem>>)
    %add3A_750 = arith.constant 624 : i32
    %add3A_751 = arith.addi %mul3A_516, %add3A_750 : i32
    %dma_start3A_752 = arith.constant 0 : i32
    %dma_start3A_753 = arith.constant 0 : i32
    %dma_start3A_754 = tpu.memref_slice %arg16[%dma_start3A_752, %dma_start3A_753] : memref<16x128xf32, #tpu.memory_space<vmem>> -> memref<8x128xf32, #tpu.memory_space<vmem>>
    %dma_start3A_755 = arith.constant 0 : i32
    %dma_start3A_756 = tpu.memref_slice %arg17[%add3A_751, %dma_start3A_755] : memref<10112x128xf32, #tpu.memory_space<vmem_shared>> -> memref<8x128xf32, #tpu.memory_space<vmem_shared>>
    %dma_start3A_757 = arith.constant 0 : i32
    %dma_start3A_758 = tpu.memref_slice %arg17[%add3A_751, %dma_start3A_757] : memref<10112x128xf32, #tpu.memory_space<vmem_shared>> -> memref<8x128xf32, #tpu.memory_space<vmem_shared>>
    %dma_start3A_759 = arith.constant 0 : i32
    %dma_start3A_760 = arith.constant 0 : i32
    %dma_start3A_761 = tpu.memref_slice %arg16[%dma_start3A_759, %dma_start3A_760] : memref<16x128xf32, #tpu.memory_space<vmem>> -> memref<8x128xf32, #tpu.memory_space<vmem>>
    tpu.enqueue_dma source(%dma_start3A_761 : memref<8x128xf32, #tpu.memory_space<vmem>>) target(%dma_start3A_758 : memref<8x128xf32, #tpu.memory_space<vmem_shared>>) target_semaphore(%arg24 : memref<!tpu.dma_semaphore, #tpu.memory_space<semaphore_mem>>)
    %add3A_762 = arith.constant 0 : i32
    %add3A_763 = arith.addi %mul3A_514, %add3A_762 : i32
    %dma_start3A_764 = tpu.memref_slice %arg3[%add3A_763] : memref<327680xi32, #tpu.memory_space<hbm>> -> memref<128xi32, #tpu.memory_space<hbm>>
    %dma_start3A_765 = tpu.memref_slice %arg3[%add3A_763] : memref<327680xi32, #tpu.memory_space<hbm>> -> memref<128xi32, #tpu.memory_space<hbm>>
    tpu.enqueue_dma source(%dma_start3A_765 : memref<128xi32, #tpu.memory_space<hbm>>) target(%arg6 : memref<128xi32, #tpu.memory_space<vmem>>) target_semaphore(%arg20 : memref<!tpu.dma_semaphore, #tpu.memory_space<semaphore_mem>>)
    %dma_start3A_766 = tpu.memref_slice %arg4[%add3A_763] : memref<327680xi32, #tpu.memory_space<hbm>> -> memref<128xi32, #tpu.memory_space<hbm>>
    %dma_start3A_767 = tpu.memref_slice %arg4[%add3A_763] : memref<327680xi32, #tpu.memory_space<hbm>> -> memref<128xi32, #tpu.memory_space<hbm>>
    tpu.enqueue_dma source(%dma_start3A_767 : memref<128xi32, #tpu.memory_space<hbm>>) target(%arg7 : memref<128xi32, #tpu.memory_space<vmem>>) target_semaphore(%arg20 : memref<!tpu.dma_semaphore, #tpu.memory_space<semaphore_mem>>)
    %add3A_768 = arith.constant 128 : i32
    %add3A_769 = arith.addi %mul3A_514, %add3A_768 : i32
    %dma_start3A_770 = tpu.memref_slice %arg3[%add3A_769] : memref<327680xi32, #tpu.memory_space<hbm>> -> memref<128xi32, #tpu.memory_space<hbm>>
    %dma_start3A_771 = tpu.memref_slice %arg3[%add3A_769] : memref<327680xi32, #tpu.memory_space<hbm>> -> memref<128xi32, #tpu.memory_space<hbm>>
    tpu.enqueue_dma source(%dma_start3A_771 : memref<128xi32, #tpu.memory_space<hbm>>) target(%arg8 : memref<128xi32, #tpu.memory_space<vmem>>) target_semaphore(%arg21 : memref<!tpu.dma_semaphore, #tpu.memory_space<semaphore_mem>>)
    %dma_start3A_772 = tpu.memref_slice %arg4[%add3A_769] : memref<327680xi32, #tpu.memory_space<hbm>> -> memref<128xi32, #tpu.memory_space<hbm>>
    %dma_start3A_773 = tpu.memref_slice %arg4[%add3A_769] : memref<327680xi32, #tpu.memory_space<hbm>> -> memref<128xi32, #tpu.memory_space<hbm>>
    tpu.enqueue_dma source(%dma_start3A_773 : memref<128xi32, #tpu.memory_space<hbm>>) target(%arg9 : memref<128xi32, #tpu.memory_space<vmem>>) target_semaphore(%arg21 : memref<!tpu.dma_semaphore, #tpu.memory_space<semaphore_mem>>)
    %add3A_774 = arith.constant 256 : i32
    %add3A_775 = arith.addi %mul3A_514, %add3A_774 : i32
    %dma_start3A_776 = tpu.memref_slice %arg3[%add3A_775] : memref<327680xi32, #tpu.memory_space<hbm>> -> memref<128xi32, #tpu.memory_space<hbm>>
    %dma_start3A_777 = tpu.memref_slice %arg3[%add3A_775] : memref<327680xi32, #tpu.memory_space<hbm>> -> memref<128xi32, #tpu.memory_space<hbm>>
    tpu.enqueue_dma source(%dma_start3A_777 : memref<128xi32, #tpu.memory_space<hbm>>) target(%arg10 : memref<128xi32, #tpu.memory_space<vmem>>) target_semaphore(%arg22 : memref<!tpu.dma_semaphore, #tpu.memory_space<semaphore_mem>>)
    %dma_start3A_778 = tpu.memref_slice %arg4[%add3A_775] : memref<327680xi32, #tpu.memory_space<hbm>> -> memref<128xi32, #tpu.memory_space<hbm>>
    %dma_start3A_779 = tpu.memref_slice %arg4[%add3A_775] : memref<327680xi32, #tpu.memory_space<hbm>> -> memref<128xi32, #tpu.memory_space<hbm>>
    tpu.enqueue_dma source(%dma_start3A_779 : memref<128xi32, #tpu.memory_space<hbm>>) target(%arg11 : memref<128xi32, #tpu.memory_space<vmem>>) target_semaphore(%arg22 : memref<!tpu.dma_semaphore, #tpu.memory_space<semaphore_mem>>)
    %add3A_780 = arith.constant 384 : i32
    %add3A_781 = arith.addi %mul3A_514, %add3A_780 : i32
    %dma_start3A_782 = tpu.memref_slice %arg3[%add3A_781] : memref<327680xi32, #tpu.memory_space<hbm>> -> memref<128xi32, #tpu.memory_space<hbm>>
    %dma_start3A_783 = tpu.memref_slice %arg3[%add3A_781] : memref<327680xi32, #tpu.memory_space<hbm>> -> memref<128xi32, #tpu.memory_space<hbm>>
    tpu.enqueue_dma source(%dma_start3A_783 : memref<128xi32, #tpu.memory_space<hbm>>) target(%arg12 : memref<128xi32, #tpu.memory_space<vmem>>) target_semaphore(%arg23 : memref<!tpu.dma_semaphore, #tpu.memory_space<semaphore_mem>>)
    %dma_start3A_784 = tpu.memref_slice %arg4[%add3A_781] : memref<327680xi32, #tpu.memory_space<hbm>> -> memref<128xi32, #tpu.memory_space<hbm>>
    %dma_start3A_785 = tpu.memref_slice %arg4[%add3A_781] : memref<327680xi32, #tpu.memory_space<hbm>> -> memref<128xi32, #tpu.memory_space<hbm>>
    tpu.enqueue_dma source(%dma_start3A_785 : memref<128xi32, #tpu.memory_space<hbm>>) target(%arg13 : memref<128xi32, #tpu.memory_space<vmem>>) target_semaphore(%arg23 : memref<!tpu.dma_semaphore, #tpu.memory_space<semaphore_mem>>)
    %dma_wait3A = arith.constant 0 : i32
    %dma_wait3A_786 = tpu.memref_slice %arg3[%dma_wait3A] : memref<327680xi32, #tpu.memory_space<hbm>> -> memref<128xi32, #tpu.memory_space<hbm>>
    %dma_wait3A_787 = arith.constant 0 : i32
    %dma_wait3A_788 = tpu.memref_slice %arg3[%dma_wait3A_787] : memref<327680xi32, #tpu.memory_space<hbm>> -> memref<128xi32, #tpu.memory_space<hbm>>
    tpu.wait_dma2 semaphore(%arg20 : memref<!tpu.dma_semaphore, #tpu.memory_space<semaphore_mem>>) src(%dma_wait3A_788 : memref<128xi32, #tpu.memory_space<hbm>>) dst(%arg6 : memref<128xi32, #tpu.memory_space<vmem>>)
    %dma_wait3A_789 = arith.constant 0 : i32
    %dma_wait3A_790 = tpu.memref_slice %arg4[%dma_wait3A_789] : memref<327680xi32, #tpu.memory_space<hbm>> -> memref<128xi32, #tpu.memory_space<hbm>>
    %dma_wait3A_791 = arith.constant 0 : i32
    %dma_wait3A_792 = tpu.memref_slice %arg4[%dma_wait3A_791] : memref<327680xi32, #tpu.memory_space<hbm>> -> memref<128xi32, #tpu.memory_space<hbm>>
    tpu.wait_dma2 semaphore(%arg20 : memref<!tpu.dma_semaphore, #tpu.memory_space<semaphore_mem>>) src(%dma_wait3A_792 : memref<128xi32, #tpu.memory_space<hbm>>) dst(%arg7 : memref<128xi32, #tpu.memory_space<vmem>>)
    %dma_start3A_793 = arith.constant 0 : i32
    %dma_start3A_794 = arith.constant 0 : i32
    %dma_start3A_795 = tpu.memref_slice %arg2[%dma_start3A_793, %dma_start3A_794] : memref<10000x128xf32, #tpu.memory_space<hbm>> -> memref<10000x128xf32, #tpu.memory_space<hbm>>
    tpu.enqueue_indirect_dma source(%dma_start3A_795 : memref<10000x128xf32, #tpu.memory_space<hbm>>) target(%arg14 : memref<128x128xf32, #tpu.memory_space<vmem>>) offsets(%arg6 : memref<128xi32, #tpu.memory_space<vmem>>) semaphore(%arg18 : memref<!tpu.dma_semaphore, #tpu.memory_space<semaphore_mem>>)
    %dma_wait3A_796 = arith.constant 0 : i32
    %dma_wait3A_797 = tpu.memref_slice %arg3[%dma_wait3A_796] : memref<327680xi32, #tpu.memory_space<hbm>> -> memref<128xi32, #tpu.memory_space<hbm>>
    %dma_wait3A_798 = arith.constant 0 : i32
    %dma_wait3A_799 = tpu.memref_slice %arg3[%dma_wait3A_798] : memref<327680xi32, #tpu.memory_space<hbm>> -> memref<128xi32, #tpu.memory_space<hbm>>
    tpu.wait_dma2 semaphore(%arg21 : memref<!tpu.dma_semaphore, #tpu.memory_space<semaphore_mem>>) src(%dma_wait3A_799 : memref<128xi32, #tpu.memory_space<hbm>>) dst(%arg8 : memref<128xi32, #tpu.memory_space<vmem>>)
    %dma_wait3A_800 = arith.constant 0 : i32
    %dma_wait3A_801 = tpu.memref_slice %arg4[%dma_wait3A_800] : memref<327680xi32, #tpu.memory_space<hbm>> -> memref<128xi32, #tpu.memory_space<hbm>>
    %dma_wait3A_802 = arith.constant 0 : i32
    %dma_wait3A_803 = tpu.memref_slice %arg4[%dma_wait3A_802] : memref<327680xi32, #tpu.memory_space<hbm>> -> memref<128xi32, #tpu.memory_space<hbm>>
    tpu.wait_dma2 semaphore(%arg21 : memref<!tpu.dma_semaphore, #tpu.memory_space<semaphore_mem>>) src(%dma_wait3A_803 : memref<128xi32, #tpu.memory_space<hbm>>) dst(%arg9 : memref<128xi32, #tpu.memory_space<vmem>>)
    %dma_start3A_804 = arith.constant 0 : i32
    %dma_start3A_805 = arith.constant 0 : i32
    %dma_start3A_806 = tpu.memref_slice %arg2[%dma_start3A_804, %dma_start3A_805] : memref<10000x128xf32, #tpu.memory_space<hbm>> -> memref<10000x128xf32, #tpu.memory_space<hbm>>
    tpu.enqueue_indirect_dma source(%dma_start3A_806 : memref<10000x128xf32, #tpu.memory_space<hbm>>) target(%arg15 : memref<128x128xf32, #tpu.memory_space<vmem>>) offsets(%arg8 : memref<128xi32, #tpu.memory_space<vmem>>) semaphore(%arg19 : memref<!tpu.dma_semaphore, #tpu.memory_space<semaphore_mem>>)
    %dma_wait3A_807 = arith.constant 0 : i32
    %dma_wait3A_808 = tpu.memref_slice %arg17[%add3A_518, %dma_wait3A_807] : memref<10112x128xf32, #tpu.memory_space<vmem_shared>> -> memref<16x128xf32, #tpu.memory_space<vmem_shared>>
    %dma_wait3A_809 = arith.constant 0 : i32
    %dma_wait3A_810 = tpu.memref_slice %arg17[%add3A_518, %dma_wait3A_809] : memref<10112x128xf32, #tpu.memory_space<vmem_shared>> -> memref<16x128xf32, #tpu.memory_space<vmem_shared>>
    tpu.wait_dma2 semaphore(%arg24 : memref<!tpu.dma_semaphore, #tpu.memory_space<semaphore_mem>>) src(%arg16 : memref<16x128xf32, #tpu.memory_space<vmem>>) dst(%dma_wait3A_810 : memref<16x128xf32, #tpu.memory_space<vmem_shared>>)
    %dma_wait3A_811 = arith.constant 0 : i32
    %dma_wait3A_812 = tpu.memref_slice %arg17[%add3A_523, %dma_wait3A_811] : memref<10112x128xf32, #tpu.memory_space<vmem_shared>> -> memref<16x128xf32, #tpu.memory_space<vmem_shared>>
    %dma_wait3A_813 = arith.constant 0 : i32
    %dma_wait3A_814 = tpu.memref_slice %arg17[%add3A_523, %dma_wait3A_813] : memref<10112x128xf32, #tpu.memory_space<vmem_shared>> -> memref<16x128xf32, #tpu.memory_space<vmem_shared>>
    tpu.wait_dma2 semaphore(%arg24 : memref<!tpu.dma_semaphore, #tpu.memory_space<semaphore_mem>>) src(%arg16 : memref<16x128xf32, #tpu.memory_space<vmem>>) dst(%dma_wait3A_814 : memref<16x128xf32, #tpu.memory_space<vmem_shared>>)
    %dma_wait3A_815 = arith.constant 0 : i32
    %dma_wait3A_816 = tpu.memref_slice %arg17[%add3A_529, %dma_wait3A_815] : memref<10112x128xf32, #tpu.memory_space<vmem_shared>> -> memref<16x128xf32, #tpu.memory_space<vmem_shared>>
    %dma_wait3A_817 = arith.constant 0 : i32
    %dma_wait3A_818 = tpu.memref_slice %arg17[%add3A_529, %dma_wait3A_817] : memref<10112x128xf32, #tpu.memory_space<vmem_shared>> -> memref<16x128xf32, #tpu.memory_space<vmem_shared>>
    tpu.wait_dma2 semaphore(%arg24 : memref<!tpu.dma_semaphore, #tpu.memory_space<semaphore_mem>>) src(%arg16 : memref<16x128xf32, #tpu.memory_space<vmem>>) dst(%dma_wait3A_818 : memref<16x128xf32, #tpu.memory_space<vmem_shared>>)
    %dma_wait3A_819 = arith.constant 0 : i32
    %dma_wait3A_820 = tpu.memref_slice %arg17[%add3A_535, %dma_wait3A_819] : memref<10112x128xf32, #tpu.memory_space<vmem_shared>> -> memref<16x128xf32, #tpu.memory_space<vmem_shared>>
    %dma_wait3A_821 = arith.constant 0 : i32
    %dma_wait3A_822 = tpu.memref_slice %arg17[%add3A_535, %dma_wait3A_821] : memref<10112x128xf32, #tpu.memory_space<vmem_shared>> -> memref<16x128xf32, #tpu.memory_space<vmem_shared>>
    tpu.wait_dma2 semaphore(%arg24 : memref<!tpu.dma_semaphore, #tpu.memory_space<semaphore_mem>>) src(%arg16 : memref<16x128xf32, #tpu.memory_space<vmem>>) dst(%dma_wait3A_822 : memref<16x128xf32, #tpu.memory_space<vmem_shared>>)
    %dma_wait3A_823 = arith.constant 0 : i32
    %dma_wait3A_824 = tpu.memref_slice %arg17[%add3A_541, %dma_wait3A_823] : memref<10112x128xf32, #tpu.memory_space<vmem_shared>> -> memref<16x128xf32, #tpu.memory_space<vmem_shared>>
    %dma_wait3A_825 = arith.constant 0 : i32
    %dma_wait3A_826 = tpu.memref_slice %arg17[%add3A_541, %dma_wait3A_825] : memref<10112x128xf32, #tpu.memory_space<vmem_shared>> -> memref<16x128xf32, #tpu.memory_space<vmem_shared>>
    tpu.wait_dma2 semaphore(%arg24 : memref<!tpu.dma_semaphore, #tpu.memory_space<semaphore_mem>>) src(%arg16 : memref<16x128xf32, #tpu.memory_space<vmem>>) dst(%dma_wait3A_826 : memref<16x128xf32, #tpu.memory_space<vmem_shared>>)
    %dma_wait3A_827 = arith.constant 0 : i32
    %dma_wait3A_828 = tpu.memref_slice %arg17[%add3A_547, %dma_wait3A_827] : memref<10112x128xf32, #tpu.memory_space<vmem_shared>> -> memref<16x128xf32, #tpu.memory_space<vmem_shared>>
    %dma_wait3A_829 = arith.constant 0 : i32
    %dma_wait3A_830 = tpu.memref_slice %arg17[%add3A_547, %dma_wait3A_829] : memref<10112x128xf32, #tpu.memory_space<vmem_shared>> -> memref<16x128xf32, #tpu.memory_space<vmem_shared>>
    tpu.wait_dma2 semaphore(%arg24 : memref<!tpu.dma_semaphore, #tpu.memory_space<semaphore_mem>>) src(%arg16 : memref<16x128xf32, #tpu.memory_space<vmem>>) dst(%dma_wait3A_830 : memref<16x128xf32, #tpu.memory_space<vmem_shared>>)
    %dma_wait3A_831 = arith.constant 0 : i32
    %dma_wait3A_832 = tpu.memref_slice %arg17[%add3A_553, %dma_wait3A_831] : memref<10112x128xf32, #tpu.memory_space<vmem_shared>> -> memref<16x128xf32, #tpu.memory_space<vmem_shared>>
    %dma_wait3A_833 = arith.constant 0 : i32
    %dma_wait3A_834 = tpu.memref_slice %arg17[%add3A_553, %dma_wait3A_833] : memref<10112x128xf32, #tpu.memory_space<vmem_shared>> -> memref<16x128xf32, #tpu.memory_space<vmem_shared>>
    tpu.wait_dma2 semaphore(%arg24 : memref<!tpu.dma_semaphore, #tpu.memory_space<semaphore_mem>>) src(%arg16 : memref<16x128xf32, #tpu.memory_space<vmem>>) dst(%dma_wait3A_834 : memref<16x128xf32, #tpu.memory_space<vmem_shared>>)
    %dma_wait3A_835 = arith.constant 0 : i32
    %dma_wait3A_836 = tpu.memref_slice %arg17[%add3A_559, %dma_wait3A_835] : memref<10112x128xf32, #tpu.memory_space<vmem_shared>> -> memref<16x128xf32, #tpu.memory_space<vmem_shared>>
    %dma_wait3A_837 = arith.constant 0 : i32
    %dma_wait3A_838 = tpu.memref_slice %arg17[%add3A_559, %dma_wait3A_837] : memref<10112x128xf32, #tpu.memory_space<vmem_shared>> -> memref<16x128xf32, #tpu.memory_space<vmem_shared>>
    tpu.wait_dma2 semaphore(%arg24 : memref<!tpu.dma_semaphore, #tpu.memory_space<semaphore_mem>>) src(%arg16 : memref<16x128xf32, #tpu.memory_space<vmem>>) dst(%dma_wait3A_838 : memref<16x128xf32, #tpu.memory_space<vmem_shared>>)
    %dma_wait3A_839 = arith.constant 0 : i32
    %dma_wait3A_840 = tpu.memref_slice %arg17[%add3A_565, %dma_wait3A_839] : memref<10112x128xf32, #tpu.memory_space<vmem_shared>> -> memref<16x128xf32, #tpu.memory_space<vmem_shared>>
    %dma_wait3A_841 = arith.constant 0 : i32
    %dma_wait3A_842 = tpu.memref_slice %arg17[%add3A_565, %dma_wait3A_841] : memref<10112x128xf32, #tpu.memory_space<vmem_shared>> -> memref<16x128xf32, #tpu.memory_space<vmem_shared>>
    tpu.wait_dma2 semaphore(%arg24 : memref<!tpu.dma_semaphore, #tpu.memory_space<semaphore_mem>>) src(%arg16 : memref<16x128xf32, #tpu.memory_space<vmem>>) dst(%dma_wait3A_842 : memref<16x128xf32, #tpu.memory_space<vmem_shared>>)
    %dma_wait3A_843 = arith.constant 0 : i32
    %dma_wait3A_844 = tpu.memref_slice %arg17[%add3A_571, %dma_wait3A_843] : memref<10112x128xf32, #tpu.memory_space<vmem_shared>> -> memref<16x128xf32, #tpu.memory_space<vmem_shared>>
    %dma_wait3A_845 = arith.constant 0 : i32
    %dma_wait3A_846 = tpu.memref_slice %arg17[%add3A_571, %dma_wait3A_845] : memref<10112x128xf32, #tpu.memory_space<vmem_shared>> -> memref<16x128xf32, #tpu.memory_space<vmem_shared>>
    tpu.wait_dma2 semaphore(%arg24 : memref<!tpu.dma_semaphore, #tpu.memory_space<semaphore_mem>>) src(%arg16 : memref<16x128xf32, #tpu.memory_space<vmem>>) dst(%dma_wait3A_846 : memref<16x128xf32, #tpu.memory_space<vmem_shared>>)
    %dma_wait3A_847 = arith.constant 0 : i32
    %dma_wait3A_848 = tpu.memref_slice %arg17[%add3A_577, %dma_wait3A_847] : memref<10112x128xf32, #tpu.memory_space<vmem_shared>> -> memref<16x128xf32, #tpu.memory_space<vmem_shared>>
    %dma_wait3A_849 = arith.constant 0 : i32
    %dma_wait3A_850 = tpu.memref_slice %arg17[%add3A_577, %dma_wait3A_849] : memref<10112x128xf32, #tpu.memory_space<vmem_shared>> -> memref<16x128xf32, #tpu.memory_space<vmem_shared>>
    tpu.wait_dma2 semaphore(%arg24 : memref<!tpu.dma_semaphore, #tpu.memory_space<semaphore_mem>>) src(%arg16 : memref<16x128xf32, #tpu.memory_space<vmem>>) dst(%dma_wait3A_850 : memref<16x128xf32, #tpu.memory_space<vmem_shared>>)
    %dma_wait3A_851 = arith.constant 0 : i32
    %dma_wait3A_852 = tpu.memref_slice %arg17[%add3A_583, %dma_wait3A_851] : memref<10112x128xf32, #tpu.memory_space<vmem_shared>> -> memref<16x128xf32, #tpu.memory_space<vmem_shared>>
    %dma_wait3A_853 = arith.constant 0 : i32
    %dma_wait3A_854 = tpu.memref_slice %arg17[%add3A_583, %dma_wait3A_853] : memref<10112x128xf32, #tpu.memory_space<vmem_shared>> -> memref<16x128xf32, #tpu.memory_space<vmem_shared>>
    tpu.wait_dma2 semaphore(%arg24 : memref<!tpu.dma_semaphore, #tpu.memory_space<semaphore_mem>>) src(%arg16 : memref<16x128xf32, #tpu.memory_space<vmem>>) dst(%dma_wait3A_854 : memref<16x128xf32, #tpu.memory_space<vmem_shared>>)
    %dma_wait3A_855 = arith.constant 0 : i32
    %dma_wait3A_856 = tpu.memref_slice %arg17[%add3A_589, %dma_wait3A_855] : memref<10112x128xf32, #tpu.memory_space<vmem_shared>> -> memref<16x128xf32, #tpu.memory_space<vmem_shared>>
    %dma_wait3A_857 = arith.constant 0 : i32
    %dma_wait3A_858 = tpu.memref_slice %arg17[%add3A_589, %dma_wait3A_857] : memref<10112x128xf32, #tpu.memory_space<vmem_shared>> -> memref<16x128xf32, #tpu.memory_space<vmem_shared>>
    tpu.wait_dma2 semaphore(%arg24 : memref<!tpu.dma_semaphore, #tpu.memory_space<semaphore_mem>>) src(%arg16 : memref<16x128xf32, #tpu.memory_space<vmem>>) dst(%dma_wait3A_858 : memref<16x128xf32, #tpu.memory_space<vmem_shared>>)
    %dma_wait3A_859 = arith.constant 0 : i32
    %dma_wait3A_860 = tpu.memref_slice %arg17[%add3A_595, %dma_wait3A_859] : memref<10112x128xf32, #tpu.memory_space<vmem_shared>> -> memref<16x128xf32, #tpu.memory_space<vmem_shared>>
    %dma_wait3A_861 = arith.constant 0 : i32
    %dma_wait3A_862 = tpu.memref_slice %arg17[%add3A_595, %dma_wait3A_861] : memref<10112x128xf32, #tpu.memory_space<vmem_shared>> -> memref<16x128xf32, #tpu.memory_space<vmem_shared>>
    tpu.wait_dma2 semaphore(%arg24 : memref<!tpu.dma_semaphore, #tpu.memory_space<semaphore_mem>>) src(%arg16 : memref<16x128xf32, #tpu.memory_space<vmem>>) dst(%dma_wait3A_862 : memref<16x128xf32, #tpu.memory_space<vmem_shared>>)
    %dma_wait3A_863 = arith.constant 0 : i32
    %dma_wait3A_864 = tpu.memref_slice %arg17[%add3A_601, %dma_wait3A_863] : memref<10112x128xf32, #tpu.memory_space<vmem_shared>> -> memref<16x128xf32, #tpu.memory_space<vmem_shared>>
    %dma_wait3A_865 = arith.constant 0 : i32
    %dma_wait3A_866 = tpu.memref_slice %arg17[%add3A_601, %dma_wait3A_865] : memref<10112x128xf32, #tpu.memory_space<vmem_shared>> -> memref<16x128xf32, #tpu.memory_space<vmem_shared>>
    tpu.wait_dma2 semaphore(%arg24 : memref<!tpu.dma_semaphore, #tpu.memory_space<semaphore_mem>>) src(%arg16 : memref<16x128xf32, #tpu.memory_space<vmem>>) dst(%dma_wait3A_866 : memref<16x128xf32, #tpu.memory_space<vmem_shared>>)
    %dma_wait3A_867 = arith.constant 0 : i32
    %dma_wait3A_868 = tpu.memref_slice %arg17[%add3A_607, %dma_wait3A_867] : memref<10112x128xf32, #tpu.memory_space<vmem_shared>> -> memref<16x128xf32, #tpu.memory_space<vmem_shared>>
    %dma_wait3A_869 = arith.constant 0 : i32
    %dma_wait3A_870 = tpu.memref_slice %arg17[%add3A_607, %dma_wait3A_869] : memref<10112x128xf32, #tpu.memory_space<vmem_shared>> -> memref<16x128xf32, #tpu.memory_space<vmem_shared>>
    tpu.wait_dma2 semaphore(%arg24 : memref<!tpu.dma_semaphore, #tpu.memory_space<semaphore_mem>>) src(%arg16 : memref<16x128xf32, #tpu.memory_space<vmem>>) dst(%dma_wait3A_870 : memref<16x128xf32, #tpu.memory_space<vmem_shared>>)
    %dma_wait3A_871 = arith.constant 0 : i32
    %dma_wait3A_872 = tpu.memref_slice %arg17[%add3A_613, %dma_wait3A_871] : memref<10112x128xf32, #tpu.memory_space<vmem_shared>> -> memref<16x128xf32, #tpu.memory_space<vmem_shared>>
    %dma_wait3A_873 = arith.constant 0 : i32
    %dma_wait3A_874 = tpu.memref_slice %arg17[%add3A_613, %dma_wait3A_873] : memref<10112x128xf32, #tpu.memory_space<vmem_shared>> -> memref<16x128xf32, #tpu.memory_space<vmem_shared>>
    tpu.wait_dma2 semaphore(%arg24 : memref<!tpu.dma_semaphore, #tpu.memory_space<semaphore_mem>>) src(%arg16 : memref<16x128xf32, #tpu.memory_space<vmem>>) dst(%dma_wait3A_874 : memref<16x128xf32, #tpu.memory_space<vmem_shared>>)
    %dma_wait3A_875 = arith.constant 0 : i32
    %dma_wait3A_876 = tpu.memref_slice %arg17[%add3A_619, %dma_wait3A_875] : memref<10112x128xf32, #tpu.memory_space<vmem_shared>> -> memref<16x128xf32, #tpu.memory_space<vmem_shared>>
    %dma_wait3A_877 = arith.constant 0 : i32
    %dma_wait3A_878 = tpu.memref_slice %arg17[%add3A_619, %dma_wait3A_877] : memref<10112x128xf32, #tpu.memory_space<vmem_shared>> -> memref<16x128xf32, #tpu.memory_space<vmem_shared>>
    tpu.wait_dma2 semaphore(%arg24 : memref<!tpu.dma_semaphore, #tpu.memory_space<semaphore_mem>>) src(%arg16 : memref<16x128xf32, #tpu.memory_space<vmem>>) dst(%dma_wait3A_878 : memref<16x128xf32, #tpu.memory_space<vmem_shared>>)
    %dma_wait3A_879 = arith.constant 0 : i32
    %dma_wait3A_880 = tpu.memref_slice %arg17[%add3A_625, %dma_wait3A_879] : memref<10112x128xf32, #tpu.memory_space<vmem_shared>> -> memref<16x128xf32, #tpu.memory_space<vmem_shared>>
    %dma_wait3A_881 = arith.constant 0 : i32
    %dma_wait3A_882 = tpu.memref_slice %arg17[%add3A_625, %dma_wait3A_881] : memref<10112x128xf32, #tpu.memory_space<vmem_shared>> -> memref<16x128xf32, #tpu.memory_space<vmem_shared>>
    tpu.wait_dma2 semaphore(%arg24 : memref<!tpu.dma_semaphore, #tpu.memory_space<semaphore_mem>>) src(%arg16 : memref<16x128xf32, #tpu.memory_space<vmem>>) dst(%dma_wait3A_882 : memref<16x128xf32, #tpu.memory_space<vmem_shared>>)
    %dma_wait3A_883 = arith.constant 0 : i32
    %dma_wait3A_884 = tpu.memref_slice %arg17[%add3A_631, %dma_wait3A_883] : memref<10112x128xf32, #tpu.memory_space<vmem_shared>> -> memref<16x128xf32, #tpu.memory_space<vmem_shared>>
    %dma_wait3A_885 = arith.constant 0 : i32
    %dma_wait3A_886 = tpu.memref_slice %arg17[%add3A_631, %dma_wait3A_885] : memref<10112x128xf32, #tpu.memory_space<vmem_shared>> -> memref<16x128xf32, #tpu.memory_space<vmem_shared>>
    tpu.wait_dma2 semaphore(%arg24 : memref<!tpu.dma_semaphore, #tpu.memory_space<semaphore_mem>>) src(%arg16 : memref<16x128xf32, #tpu.memory_space<vmem>>) dst(%dma_wait3A_886 : memref<16x128xf32, #tpu.memory_space<vmem_shared>>)
    %dma_wait3A_887 = arith.constant 0 : i32
    %dma_wait3A_888 = tpu.memref_slice %arg17[%add3A_637, %dma_wait3A_887] : memref<10112x128xf32, #tpu.memory_space<vmem_shared>> -> memref<16x128xf32, #tpu.memory_space<vmem_shared>>
    %dma_wait3A_889 = arith.constant 0 : i32
    %dma_wait3A_890 = tpu.memref_slice %arg17[%add3A_637, %dma_wait3A_889] : memref<10112x128xf32, #tpu.memory_space<vmem_shared>> -> memref<16x128xf32, #tpu.memory_space<vmem_shared>>
    tpu.wait_dma2 semaphore(%arg24 : memref<!tpu.dma_semaphore, #tpu.memory_space<semaphore_mem>>) src(%arg16 : memref<16x128xf32, #tpu.memory_space<vmem>>) dst(%dma_wait3A_890 : memref<16x128xf32, #tpu.memory_space<vmem_shared>>)
    %dma_wait3A_891 = arith.constant 0 : i32
    %dma_wait3A_892 = tpu.memref_slice %arg17[%add3A_643, %dma_wait3A_891] : memref<10112x128xf32, #tpu.memory_space<vmem_shared>> -> memref<16x128xf32, #tpu.memory_space<vmem_shared>>
    %dma_wait3A_893 = arith.constant 0 : i32
    %dma_wait3A_894 = tpu.memref_slice %arg17[%add3A_643, %dma_wait3A_893] : memref<10112x128xf32, #tpu.memory_space<vmem_shared>> -> memref<16x128xf32, #tpu.memory_space<vmem_shared>>
    tpu.wait_dma2 semaphore(%arg24 : memref<!tpu.dma_semaphore, #tpu.memory_space<semaphore_mem>>) src(%arg16 : memref<16x128xf32, #tpu.memory_space<vmem>>) dst(%dma_wait3A_894 : memref<16x128xf32, #tpu.memory_space<vmem_shared>>)
    %dma_wait3A_895 = arith.constant 0 : i32
    %dma_wait3A_896 = tpu.memref_slice %arg17[%add3A_649, %dma_wait3A_895] : memref<10112x128xf32, #tpu.memory_space<vmem_shared>> -> memref<16x128xf32, #tpu.memory_space<vmem_shared>>
    %dma_wait3A_897 = arith.constant 0 : i32
    %dma_wait3A_898 = tpu.memref_slice %arg17[%add3A_649, %dma_wait3A_897] : memref<10112x128xf32, #tpu.memory_space<vmem_shared>> -> memref<16x128xf32, #tpu.memory_space<vmem_shared>>
    tpu.wait_dma2 semaphore(%arg24 : memref<!tpu.dma_semaphore, #tpu.memory_space<semaphore_mem>>) src(%arg16 : memref<16x128xf32, #tpu.memory_space<vmem>>) dst(%dma_wait3A_898 : memref<16x128xf32, #tpu.memory_space<vmem_shared>>)
    %dma_wait3A_899 = arith.constant 0 : i32
    %dma_wait3A_900 = tpu.memref_slice %arg17[%add3A_655, %dma_wait3A_899] : memref<10112x128xf32, #tpu.memory_space<vmem_shared>> -> memref<16x128xf32, #tpu.memory_space<vmem_shared>>
    %dma_wait3A_901 = arith.constant 0 : i32
    %dma_wait3A_902 = tpu.memref_slice %arg17[%add3A_655, %dma_wait3A_901] : memref<10112x128xf32, #tpu.memory_space<vmem_shared>> -> memref<16x128xf32, #tpu.memory_space<vmem_shared>>
    tpu.wait_dma2 semaphore(%arg24 : memref<!tpu.dma_semaphore, #tpu.memory_space<semaphore_mem>>) src(%arg16 : memref<16x128xf32, #tpu.memory_space<vmem>>) dst(%dma_wait3A_902 : memref<16x128xf32, #tpu.memory_space<vmem_shared>>)
    %dma_wait3A_903 = arith.constant 0 : i32
    %dma_wait3A_904 = tpu.memref_slice %arg17[%add3A_661, %dma_wait3A_903] : memref<10112x128xf32, #tpu.memory_space<vmem_shared>> -> memref<16x128xf32, #tpu.memory_space<vmem_shared>>
    %dma_wait3A_905 = arith.constant 0 : i32
    %dma_wait3A_906 = tpu.memref_slice %arg17[%add3A_661, %dma_wait3A_905] : memref<10112x128xf32, #tpu.memory_space<vmem_shared>> -> memref<16x128xf32, #tpu.memory_space<vmem_shared>>
    tpu.wait_dma2 semaphore(%arg24 : memref<!tpu.dma_semaphore, #tpu.memory_space<semaphore_mem>>) src(%arg16 : memref<16x128xf32, #tpu.memory_space<vmem>>) dst(%dma_wait3A_906 : memref<16x128xf32, #tpu.memory_space<vmem_shared>>)
    %dma_wait3A_907 = arith.constant 0 : i32
    %dma_wait3A_908 = tpu.memref_slice %arg17[%add3A_667, %dma_wait3A_907] : memref<10112x128xf32, #tpu.memory_space<vmem_shared>> -> memref<16x128xf32, #tpu.memory_space<vmem_shared>>
    %dma_wait3A_909 = arith.constant 0 : i32
    %dma_wait3A_910 = tpu.memref_slice %arg17[%add3A_667, %dma_wait3A_909] : memref<10112x128xf32, #tpu.memory_space<vmem_shared>> -> memref<16x128xf32, #tpu.memory_space<vmem_shared>>
    tpu.wait_dma2 semaphore(%arg24 : memref<!tpu.dma_semaphore, #tpu.memory_space<semaphore_mem>>) src(%arg16 : memref<16x128xf32, #tpu.memory_space<vmem>>) dst(%dma_wait3A_910 : memref<16x128xf32, #tpu.memory_space<vmem_shared>>)
    %dma_wait3A_911 = arith.constant 0 : i32
    %dma_wait3A_912 = tpu.memref_slice %arg17[%add3A_673, %dma_wait3A_911] : memref<10112x128xf32, #tpu.memory_space<vmem_shared>> -> memref<16x128xf32, #tpu.memory_space<vmem_shared>>
    %dma_wait3A_913 = arith.constant 0 : i32
    %dma_wait3A_914 = tpu.memref_slice %arg17[%add3A_673, %dma_wait3A_913] : memref<10112x128xf32, #tpu.memory_space<vmem_shared>> -> memref<16x128xf32, #tpu.memory_space<vmem_shared>>
    tpu.wait_dma2 semaphore(%arg24 : memref<!tpu.dma_semaphore, #tpu.memory_space<semaphore_mem>>) src(%arg16 : memref<16x128xf32, #tpu.memory_space<vmem>>) dst(%dma_wait3A_914 : memref<16x128xf32, #tpu.memory_space<vmem_shared>>)
    %dma_wait3A_915 = arith.constant 0 : i32
    %dma_wait3A_916 = tpu.memref_slice %arg17[%add3A_679, %dma_wait3A_915] : memref<10112x128xf32, #tpu.memory_space<vmem_shared>> -> memref<16x128xf32, #tpu.memory_space<vmem_shared>>
    %dma_wait3A_917 = arith.constant 0 : i32
    %dma_wait3A_918 = tpu.memref_slice %arg17[%add3A_679, %dma_wait3A_917] : memref<10112x128xf32, #tpu.memory_space<vmem_shared>> -> memref<16x128xf32, #tpu.memory_space<vmem_shared>>
    tpu.wait_dma2 semaphore(%arg24 : memref<!tpu.dma_semaphore, #tpu.memory_space<semaphore_mem>>) src(%arg16 : memref<16x128xf32, #tpu.memory_space<vmem>>) dst(%dma_wait3A_918 : memref<16x128xf32, #tpu.memory_space<vmem_shared>>)
    %dma_wait3A_919 = arith.constant 0 : i32
    %dma_wait3A_920 = tpu.memref_slice %arg17[%add3A_685, %dma_wait3A_919] : memref<10112x128xf32, #tpu.memory_space<vmem_shared>> -> memref<16x128xf32, #tpu.memory_space<vmem_shared>>
    %dma_wait3A_921 = arith.constant 0 : i32
    %dma_wait3A_922 = tpu.memref_slice %arg17[%add3A_685, %dma_wait3A_921] : memref<10112x128xf32, #tpu.memory_space<vmem_shared>> -> memref<16x128xf32, #tpu.memory_space<vmem_shared>>
    tpu.wait_dma2 semaphore(%arg24 : memref<!tpu.dma_semaphore, #tpu.memory_space<semaphore_mem>>) src(%arg16 : memref<16x128xf32, #tpu.memory_space<vmem>>) dst(%dma_wait3A_922 : memref<16x128xf32, #tpu.memory_space<vmem_shared>>)
    %dma_wait3A_923 = arith.constant 0 : i32
    %dma_wait3A_924 = tpu.memref_slice %arg17[%add3A_691, %dma_wait3A_923] : memref<10112x128xf32, #tpu.memory_space<vmem_shared>> -> memref<16x128xf32, #tpu.memory_space<vmem_shared>>
    %dma_wait3A_925 = arith.constant 0 : i32
    %dma_wait3A_926 = tpu.memref_slice %arg17[%add3A_691, %dma_wait3A_925] : memref<10112x128xf32, #tpu.memory_space<vmem_shared>> -> memref<16x128xf32, #tpu.memory_space<vmem_shared>>
    tpu.wait_dma2 semaphore(%arg24 : memref<!tpu.dma_semaphore, #tpu.memory_space<semaphore_mem>>) src(%arg16 : memref<16x128xf32, #tpu.memory_space<vmem>>) dst(%dma_wait3A_926 : memref<16x128xf32, #tpu.memory_space<vmem_shared>>)
    %dma_wait3A_927 = arith.constant 0 : i32
    %dma_wait3A_928 = tpu.memref_slice %arg17[%add3A_697, %dma_wait3A_927] : memref<10112x128xf32, #tpu.memory_space<vmem_shared>> -> memref<16x128xf32, #tpu.memory_space<vmem_shared>>
    %dma_wait3A_929 = arith.constant 0 : i32
    %dma_wait3A_930 = tpu.memref_slice %arg17[%add3A_697, %dma_wait3A_929] : memref<10112x128xf32, #tpu.memory_space<vmem_shared>> -> memref<16x128xf32, #tpu.memory_space<vmem_shared>>
    tpu.wait_dma2 semaphore(%arg24 : memref<!tpu.dma_semaphore, #tpu.memory_space<semaphore_mem>>) src(%arg16 : memref<16x128xf32, #tpu.memory_space<vmem>>) dst(%dma_wait3A_930 : memref<16x128xf32, #tpu.memory_space<vmem_shared>>)
    %dma_wait3A_931 = arith.constant 0 : i32
    %dma_wait3A_932 = tpu.memref_slice %arg17[%add3A_703, %dma_wait3A_931] : memref<10112x128xf32, #tpu.memory_space<vmem_shared>> -> memref<16x128xf32, #tpu.memory_space<vmem_shared>>
    %dma_wait3A_933 = arith.constant 0 : i32
    %dma_wait3A_934 = tpu.memref_slice %arg17[%add3A_703, %dma_wait3A_933] : memref<10112x128xf32, #tpu.memory_space<vmem_shared>> -> memref<16x128xf32, #tpu.memory_space<vmem_shared>>
    tpu.wait_dma2 semaphore(%arg24 : memref<!tpu.dma_semaphore, #tpu.memory_space<semaphore_mem>>) src(%arg16 : memref<16x128xf32, #tpu.memory_space<vmem>>) dst(%dma_wait3A_934 : memref<16x128xf32, #tpu.memory_space<vmem_shared>>)
    %dma_wait3A_935 = arith.constant 0 : i32
    %dma_wait3A_936 = tpu.memref_slice %arg17[%add3A_709, %dma_wait3A_935] : memref<10112x128xf32, #tpu.memory_space<vmem_shared>> -> memref<16x128xf32, #tpu.memory_space<vmem_shared>>
    %dma_wait3A_937 = arith.constant 0 : i32
    %dma_wait3A_938 = tpu.memref_slice %arg17[%add3A_709, %dma_wait3A_937] : memref<10112x128xf32, #tpu.memory_space<vmem_shared>> -> memref<16x128xf32, #tpu.memory_space<vmem_shared>>
    tpu.wait_dma2 semaphore(%arg24 : memref<!tpu.dma_semaphore, #tpu.memory_space<semaphore_mem>>) src(%arg16 : memref<16x128xf32, #tpu.memory_space<vmem>>) dst(%dma_wait3A_938 : memref<16x128xf32, #tpu.memory_space<vmem_shared>>)
    %dma_wait3A_939 = arith.constant 0 : i32
    %dma_wait3A_940 = tpu.memref_slice %arg17[%add3A_715, %dma_wait3A_939] : memref<10112x128xf32, #tpu.memory_space<vmem_shared>> -> memref<16x128xf32, #tpu.memory_space<vmem_shared>>
    %dma_wait3A_941 = arith.constant 0 : i32
    %dma_wait3A_942 = tpu.memref_slice %arg17[%add3A_715, %dma_wait3A_941] : memref<10112x128xf32, #tpu.memory_space<vmem_shared>> -> memref<16x128xf32, #tpu.memory_space<vmem_shared>>
    tpu.wait_dma2 semaphore(%arg24 : memref<!tpu.dma_semaphore, #tpu.memory_space<semaphore_mem>>) src(%arg16 : memref<16x128xf32, #tpu.memory_space<vmem>>) dst(%dma_wait3A_942 : memref<16x128xf32, #tpu.memory_space<vmem_shared>>)
    %dma_wait3A_943 = arith.constant 0 : i32
    %dma_wait3A_944 = tpu.memref_slice %arg17[%add3A_721, %dma_wait3A_943] : memref<10112x128xf32, #tpu.memory_space<vmem_shared>> -> memref<16x128xf32, #tpu.memory_space<vmem_shared>>
    %dma_wait3A_945 = arith.constant 0 : i32
    %dma_wait3A_946 = tpu.memref_slice %arg17[%add3A_721, %dma_wait3A_945] : memref<10112x128xf32, #tpu.memory_space<vmem_shared>> -> memref<16x128xf32, #tpu.memory_space<vmem_shared>>
    tpu.wait_dma2 semaphore(%arg24 : memref<!tpu.dma_semaphore, #tpu.memory_space<semaphore_mem>>) src(%arg16 : memref<16x128xf32, #tpu.memory_space<vmem>>) dst(%dma_wait3A_946 : memref<16x128xf32, #tpu.memory_space<vmem_shared>>)
    %dma_wait3A_947 = arith.constant 0 : i32
    %dma_wait3A_948 = tpu.memref_slice %arg17[%add3A_727, %dma_wait3A_947] : memref<10112x128xf32, #tpu.memory_space<vmem_shared>> -> memref<16x128xf32, #tpu.memory_space<vmem_shared>>
    %dma_wait3A_949 = arith.constant 0 : i32
    %dma_wait3A_950 = tpu.memref_slice %arg17[%add3A_727, %dma_wait3A_949] : memref<10112x128xf32, #tpu.memory_space<vmem_shared>> -> memref<16x128xf32, #tpu.memory_space<vmem_shared>>
    tpu.wait_dma2 semaphore(%arg24 : memref<!tpu.dma_semaphore, #tpu.memory_space<semaphore_mem>>) src(%arg16 : memref<16x128xf32, #tpu.memory_space<vmem>>) dst(%dma_wait3A_950 : memref<16x128xf32, #tpu.memory_space<vmem_shared>>)
    %dma_wait3A_951 = arith.constant 0 : i32
    %dma_wait3A_952 = tpu.memref_slice %arg17[%add3A_733, %dma_wait3A_951] : memref<10112x128xf32, #tpu.memory_space<vmem_shared>> -> memref<16x128xf32, #tpu.memory_space<vmem_shared>>
    %dma_wait3A_953 = arith.constant 0 : i32
    %dma_wait3A_954 = tpu.memref_slice %arg17[%add3A_733, %dma_wait3A_953] : memref<10112x128xf32, #tpu.memory_space<vmem_shared>> -> memref<16x128xf32, #tpu.memory_space<vmem_shared>>
    tpu.wait_dma2 semaphore(%arg24 : memref<!tpu.dma_semaphore, #tpu.memory_space<semaphore_mem>>) src(%arg16 : memref<16x128xf32, #tpu.memory_space<vmem>>) dst(%dma_wait3A_954 : memref<16x128xf32, #tpu.memory_space<vmem_shared>>)
    %dma_wait3A_955 = arith.constant 0 : i32
    %dma_wait3A_956 = tpu.memref_slice %arg17[%add3A_739, %dma_wait3A_955] : memref<10112x128xf32, #tpu.memory_space<vmem_shared>> -> memref<16x128xf32, #tpu.memory_space<vmem_shared>>
    %dma_wait3A_957 = arith.constant 0 : i32
    %dma_wait3A_958 = tpu.memref_slice %arg17[%add3A_739, %dma_wait3A_957] : memref<10112x128xf32, #tpu.memory_space<vmem_shared>> -> memref<16x128xf32, #tpu.memory_space<vmem_shared>>
    tpu.wait_dma2 semaphore(%arg24 : memref<!tpu.dma_semaphore, #tpu.memory_space<semaphore_mem>>) src(%arg16 : memref<16x128xf32, #tpu.memory_space<vmem>>) dst(%dma_wait3A_958 : memref<16x128xf32, #tpu.memory_space<vmem_shared>>)
    %dma_wait3A_959 = arith.constant 0 : i32
    %dma_wait3A_960 = tpu.memref_slice %arg17[%add3A_745, %dma_wait3A_959] : memref<10112x128xf32, #tpu.memory_space<vmem_shared>> -> memref<16x128xf32, #tpu.memory_space<vmem_shared>>
    %dma_wait3A_961 = arith.constant 0 : i32
    %dma_wait3A_962 = tpu.memref_slice %arg17[%add3A_745, %dma_wait3A_961] : memref<10112x128xf32, #tpu.memory_space<vmem_shared>> -> memref<16x128xf32, #tpu.memory_space<vmem_shared>>
    tpu.wait_dma2 semaphore(%arg24 : memref<!tpu.dma_semaphore, #tpu.memory_space<semaphore_mem>>) src(%arg16 : memref<16x128xf32, #tpu.memory_space<vmem>>) dst(%dma_wait3A_962 : memref<16x128xf32, #tpu.memory_space<vmem_shared>>)
    %dma_wait3A_963 = arith.constant 0 : i32
    %dma_wait3A_964 = arith.constant 0 : i32
    %dma_wait3A_965 = tpu.memref_slice %arg16[%dma_wait3A_963, %dma_wait3A_964] : memref<16x128xf32, #tpu.memory_space<vmem>> -> memref<8x128xf32, #tpu.memory_space<vmem>>
    %dma_wait3A_966 = arith.constant 0 : i32
    %dma_wait3A_967 = tpu.memref_slice %arg17[%add3A_751, %dma_wait3A_966] : memref<10112x128xf32, #tpu.memory_space<vmem_shared>> -> memref<8x128xf32, #tpu.memory_space<vmem_shared>>
    %dma_wait3A_968 = arith.constant 0 : i32
    %dma_wait3A_969 = tpu.memref_slice %arg17[%add3A_751, %dma_wait3A_968] : memref<10112x128xf32, #tpu.memory_space<vmem_shared>> -> memref<8x128xf32, #tpu.memory_space<vmem_shared>>
    %dma_wait3A_970 = arith.constant 0 : i32
    %dma_wait3A_971 = arith.constant 0 : i32
    %dma_wait3A_972 = tpu.memref_slice %arg16[%dma_wait3A_970, %dma_wait3A_971] : memref<16x128xf32, #tpu.memory_space<vmem>> -> memref<8x128xf32, #tpu.memory_space<vmem>>
    tpu.wait_dma2 semaphore(%arg24 : memref<!tpu.dma_semaphore, #tpu.memory_space<semaphore_mem>>) src(%dma_wait3A_972 : memref<8x128xf32, #tpu.memory_space<vmem>>) dst(%dma_wait3A_969 : memref<8x128xf32, #tpu.memory_space<vmem_shared>>)
    %barrier3A = arith.constant 0 : index
    tpu.barrier barrier_id(%barrier3A)
    %scan3A = arith.constant 0 : i32
    %scan3A_973 = arith.constant 0 : i32
    %scan3A_974 = arith.constant 19 : i32
    %scan3A_975 = arith.addi %scan3A_973, %scan3A_974 : i32
    %scan3A_976 = arith.constant 1 : i32
    scf.for %scan3A_1025 = %scan3A_973 to %scan3A_975 step %scan3A_976  : i32 {
      %dma_wait3A_1026 = arith.constant 0 : i32
      %dma_wait3A_1027 = arith.constant 0 : i32
      %dma_wait3A_1028 = tpu.memref_slice %arg2[%dma_wait3A_1026, %dma_wait3A_1027] : memref<10000x128xf32, #tpu.memory_space<hbm>> -> memref<128x128xf32, #tpu.memory_space<hbm>>
      %dma_wait3A_1029 = arith.constant 0 : i32
      %dma_wait3A_1030 = arith.constant 0 : i32
      %dma_wait3A_1031 = tpu.memref_slice %arg2[%dma_wait3A_1029, %dma_wait3A_1030] : memref<10000x128xf32, #tpu.memory_space<hbm>> -> memref<128x128xf32, #tpu.memory_space<hbm>>
      tpu.wait_dma2 semaphore(%arg18 : memref<!tpu.dma_semaphore, #tpu.memory_space<semaphore_mem>>) src(%dma_wait3A_1031 : memref<128x128xf32, #tpu.memory_space<hbm>>) dst(%arg14 : memref<128x128xf32, #tpu.memory_space<vmem>>)
      "tpu.region"() ({
        %run_scoped3A = tpu.sem_alloc : memref<!tpu.dma_semaphore, #tpu.memory_space<semaphore_mem>>
        %dma_start3A_1146 = arith.constant 0 : i32
        %dma_start3A_1147 = arith.constant 0 : i32
        %dma_start3A_1148 = tpu.memref_slice %arg17[%dma_start3A_1146, %dma_start3A_1147] : memref<10112x128xf32, #tpu.memory_space<vmem_shared>> -> memref<10112x128xf32, #tpu.memory_space<vmem_shared>>
        tpu.enqueue_indirect_dma source(%arg14 : memref<128x128xf32, #tpu.memory_space<vmem>>) target(%dma_start3A_1148 : memref<10112x128xf32, #tpu.memory_space<vmem_shared>>) offsets(%arg7 : memref<128xi32, #tpu.memory_space<vmem>>) semaphore(%run_scoped3A : memref<!tpu.dma_semaphore, #tpu.memory_space<semaphore_mem>>) {add = true}
        %dma_wait3A_1149 = arith.constant 0 : i32
        %dma_wait3A_1150 = arith.constant 0 : i32
        %dma_wait3A_1151 = tpu.memref_slice %arg17[%dma_wait3A_1149, %dma_wait3A_1150] : memref<10112x128xf32, #tpu.memory_space<vmem_shared>> -> memref<10112x128xf32, #tpu.memory_space<vmem_shared>>
        tpu.wait_indirect_dma semaphore(%run_scoped3A : memref<!tpu.dma_semaphore, #tpu.memory_space<semaphore_mem>>) src(%arg14 : memref<128x128xf32, #tpu.memory_space<vmem>>) dst(%dma_wait3A_1151 : memref<10112x128xf32, #tpu.memory_space<vmem_shared>>)
        tpu.yield
      }) : () -> ()
      %mul3A_1032 = arith.constant 4 : i32
      %mul3A_1033 = arith.muli %mul3A_1032, %scan3A_1025 : i32
      %add3A_1034 = arith.constant 0 : i32
      %add3A_1035 = arith.addi %mul3A_1033, %add3A_1034 : i32
      %add3A_1036 = arith.constant 4 : i32
      %add3A_1037 = arith.addi %add3A_1035, %add3A_1036 : i32
      %mul3A_1038 = arith.constant 128 : i32
      %mul3A_1039 = arith.muli %add3A_1037, %mul3A_1038 : i32
      %add3A_1040 = arith.addi %mul3A_514, %mul3A_1039 : i32
      %dma_start3A_1041 = tpu.memref_slice %arg3[%add3A_1040] : memref<327680xi32, #tpu.memory_space<hbm>> -> memref<128xi32, #tpu.memory_space<hbm>>
      %dma_start3A_1042 = tpu.memref_slice %arg3[%add3A_1040] : memref<327680xi32, #tpu.memory_space<hbm>> -> memref<128xi32, #tpu.memory_space<hbm>>
      tpu.enqueue_dma source(%dma_start3A_1042 : memref<128xi32, #tpu.memory_space<hbm>>) target(%arg6 : memref<128xi32, #tpu.memory_space<vmem>>) target_semaphore(%arg20 : memref<!tpu.dma_semaphore, #tpu.memory_space<semaphore_mem>>)
      %dma_start3A_1043 = tpu.memref_slice %arg4[%add3A_1040] : memref<327680xi32, #tpu.memory_space<hbm>> -> memref<128xi32, #tpu.memory_space<hbm>>
      %dma_start3A_1044 = tpu.memref_slice %arg4[%add3A_1040] : memref<327680xi32, #tpu.memory_space<hbm>> -> memref<128xi32, #tpu.memory_space<hbm>>
      tpu.enqueue_dma source(%dma_start3A_1044 : memref<128xi32, #tpu.memory_space<hbm>>) target(%arg7 : memref<128xi32, #tpu.memory_space<vmem>>) target_semaphore(%arg20 : memref<!tpu.dma_semaphore, #tpu.memory_space<semaphore_mem>>)
      %dma_wait3A_1045 = arith.constant 0 : i32
      %dma_wait3A_1046 = tpu.memref_slice %arg3[%dma_wait3A_1045] : memref<327680xi32, #tpu.memory_space<hbm>> -> memref<128xi32, #tpu.memory_space<hbm>>
      %dma_wait3A_1047 = arith.constant 0 : i32
      %dma_wait3A_1048 = tpu.memref_slice %arg3[%dma_wait3A_1047] : memref<327680xi32, #tpu.memory_space<hbm>> -> memref<128xi32, #tpu.memory_space<hbm>>
      tpu.wait_dma2 semaphore(%arg22 : memref<!tpu.dma_semaphore, #tpu.memory_space<semaphore_mem>>) src(%dma_wait3A_1048 : memref<128xi32, #tpu.memory_space<hbm>>) dst(%arg10 : memref<128xi32, #tpu.memory_space<vmem>>)
      %dma_wait3A_1049 = arith.constant 0 : i32
      %dma_wait3A_1050 = tpu.memref_slice %arg4[%dma_wait3A_1049] : memref<327680xi32, #tpu.memory_space<hbm>> -> memref<128xi32, #tpu.memory_space<hbm>>
      %dma_wait3A_1051 = arith.constant 0 : i32
      %dma_wait3A_1052 = tpu.memref_slice %arg4[%dma_wait3A_1051] : memref<327680xi32, #tpu.memory_space<hbm>> -> memref<128xi32, #tpu.memory_space<hbm>>
      tpu.wait_dma2 semaphore(%arg22 : memref<!tpu.dma_semaphore, #tpu.memory_space<semaphore_mem>>) src(%dma_wait3A_1052 : memref<128xi32, #tpu.memory_space<hbm>>) dst(%arg11 : memref<128xi32, #tpu.memory_space<vmem>>)
      %dma_start3A_1053 = arith.constant 0 : i32
      %dma_start3A_1054 = arith.constant 0 : i32
      %dma_start3A_1055 = tpu.memref_slice %arg2[%dma_start3A_1053, %dma_start3A_1054] : memref<10000x128xf32, #tpu.memory_space<hbm>> -> memref<10000x128xf32, #tpu.memory_space<hbm>>
      tpu.enqueue_indirect_dma source(%dma_start3A_1055 : memref<10000x128xf32, #tpu.memory_space<hbm>>) target(%arg14 : memref<128x128xf32, #tpu.memory_space<vmem>>) offsets(%arg10 : memref<128xi32, #tpu.memory_space<vmem>>) semaphore(%arg18 : memref<!tpu.dma_semaphore, #tpu.memory_space<semaphore_mem>>)
      %dma_wait3A_1056 = arith.constant 0 : i32
      %dma_wait3A_1057 = arith.constant 0 : i32
      %dma_wait3A_1058 = tpu.memref_slice %arg2[%dma_wait3A_1056, %dma_wait3A_1057] : memref<10000x128xf32, #tpu.memory_space<hbm>> -> memref<128x128xf32, #tpu.memory_space<hbm>>
      %dma_wait3A_1059 = arith.constant 0 : i32
      %dma_wait3A_1060 = arith.constant 0 : i32
      %dma_wait3A_1061 = tpu.memref_slice %arg2[%dma_wait3A_1059, %dma_wait3A_1060] : memref<10000x128xf32, #tpu.memory_space<hbm>> -> memref<128x128xf32, #tpu.memory_space<hbm>>
      tpu.wait_dma2 semaphore(%arg19 : memref<!tpu.dma_semaphore, #tpu.memory_space<semaphore_mem>>) src(%dma_wait3A_1061 : memref<128x128xf32, #tpu.memory_space<hbm>>) dst(%arg15 : memref<128x128xf32, #tpu.memory_space<vmem>>)
      "tpu.region"() ({
        %run_scoped3A = tpu.sem_alloc : memref<!tpu.dma_semaphore, #tpu.memory_space<semaphore_mem>>
        %dma_start3A_1146 = arith.constant 0 : i32
        %dma_start3A_1147 = arith.constant 0 : i32
        %dma_start3A_1148 = tpu.memref_slice %arg17[%dma_start3A_1146, %dma_start3A_1147] : memref<10112x128xf32, #tpu.memory_space<vmem_shared>> -> memref<10112x128xf32, #tpu.memory_space<vmem_shared>>
        tpu.enqueue_indirect_dma source(%arg15 : memref<128x128xf32, #tpu.memory_space<vmem>>) target(%dma_start3A_1148 : memref<10112x128xf32, #tpu.memory_space<vmem_shared>>) offsets(%arg9 : memref<128xi32, #tpu.memory_space<vmem>>) semaphore(%run_scoped3A : memref<!tpu.dma_semaphore, #tpu.memory_space<semaphore_mem>>) {add = true}
        %dma_wait3A_1149 = arith.constant 0 : i32
        %dma_wait3A_1150 = arith.constant 0 : i32
        %dma_wait3A_1151 = tpu.memref_slice %arg17[%dma_wait3A_1149, %dma_wait3A_1150] : memref<10112x128xf32, #tpu.memory_space<vmem_shared>> -> memref<10112x128xf32, #tpu.memory_space<vmem_shared>>
        tpu.wait_indirect_dma semaphore(%run_scoped3A : memref<!tpu.dma_semaphore, #tpu.memory_space<semaphore_mem>>) src(%arg15 : memref<128x128xf32, #tpu.memory_space<vmem>>) dst(%dma_wait3A_1151 : memref<10112x128xf32, #tpu.memory_space<vmem_shared>>)
        tpu.yield
      }) : () -> ()
      %mul3A_1062 = arith.constant 4 : i32
      %mul3A_1063 = arith.muli %mul3A_1062, %scan3A_1025 : i32
      %add3A_1064 = arith.constant 1 : i32
      %add3A_1065 = arith.addi %mul3A_1063, %add3A_1064 : i32
      %add3A_1066 = arith.constant 4 : i32
      %add3A_1067 = arith.addi %add3A_1065, %add3A_1066 : i32
      %mul3A_1068 = arith.constant 128 : i32
      %mul3A_1069 = arith.muli %add3A_1067, %mul3A_1068 : i32
      %add3A_1070 = arith.addi %mul3A_514, %mul3A_1069 : i32
      %dma_start3A_1071 = tpu.memref_slice %arg3[%add3A_1070] : memref<327680xi32, #tpu.memory_space<hbm>> -> memref<128xi32, #tpu.memory_space<hbm>>
      %dma_start3A_1072 = tpu.memref_slice %arg3[%add3A_1070] : memref<327680xi32, #tpu.memory_space<hbm>> -> memref<128xi32, #tpu.memory_space<hbm>>
      tpu.enqueue_dma source(%dma_start3A_1072 : memref<128xi32, #tpu.memory_space<hbm>>) target(%arg8 : memref<128xi32, #tpu.memory_space<vmem>>) target_semaphore(%arg21 : memref<!tpu.dma_semaphore, #tpu.memory_space<semaphore_mem>>)
      %dma_start3A_1073 = tpu.memref_slice %arg4[%add3A_1070] : memref<327680xi32, #tpu.memory_space<hbm>> -> memref<128xi32, #tpu.memory_space<hbm>>
      %dma_start3A_1074 = tpu.memref_slice %arg4[%add3A_1070] : memref<327680xi32, #tpu.memory_space<hbm>> -> memref<128xi32, #tpu.memory_space<hbm>>
      tpu.enqueue_dma source(%dma_start3A_1074 : memref<128xi32, #tpu.memory_space<hbm>>) target(%arg9 : memref<128xi32, #tpu.memory_space<vmem>>) target_semaphore(%arg21 : memref<!tpu.dma_semaphore, #tpu.memory_space<semaphore_mem>>)
      %dma_wait3A_1075 = arith.constant 0 : i32
      %dma_wait3A_1076 = tpu.memref_slice %arg3[%dma_wait3A_1075] : memref<327680xi32, #tpu.memory_space<hbm>> -> memref<128xi32, #tpu.memory_space<hbm>>
      %dma_wait3A_1077 = arith.constant 0 : i32
      %dma_wait3A_1078 = tpu.memref_slice %arg3[%dma_wait3A_1077] : memref<327680xi32, #tpu.memory_space<hbm>> -> memref<128xi32, #tpu.memory_space<hbm>>
      tpu.wait_dma2 semaphore(%arg23 : memref<!tpu.dma_semaphore, #tpu.memory_space<semaphore_mem>>) src(%dma_wait3A_1078 : memref<128xi32, #tpu.memory_space<hbm>>) dst(%arg12 : memref<128xi32, #tpu.memory_space<vmem>>)
      %dma_wait3A_1079 = arith.constant 0 : i32
      %dma_wait3A_1080 = tpu.memref_slice %arg4[%dma_wait3A_1079] : memref<327680xi32, #tpu.memory_space<hbm>> -> memref<128xi32, #tpu.memory_space<hbm>>
      %dma_wait3A_1081 = arith.constant 0 : i32
      %dma_wait3A_1082 = tpu.memref_slice %arg4[%dma_wait3A_1081] : memref<327680xi32, #tpu.memory_space<hbm>> -> memref<128xi32, #tpu.memory_space<hbm>>
      tpu.wait_dma2 semaphore(%arg23 : memref<!tpu.dma_semaphore, #tpu.memory_space<semaphore_mem>>) src(%dma_wait3A_1082 : memref<128xi32, #tpu.memory_space<hbm>>) dst(%arg13 : memref<128xi32, #tpu.memory_space<vmem>>)
      %dma_start3A_1083 = arith.constant 0 : i32
      %dma_start3A_1084 = arith.constant 0 : i32
      %dma_start3A_1085 = tpu.memref_slice %arg2[%dma_start3A_1083, %dma_start3A_1084] : memref<10000x128xf32, #tpu.memory_space<hbm>> -> memref<10000x128xf32, #tpu.memory_space<hbm>>
      tpu.enqueue_indirect_dma source(%dma_start3A_1085 : memref<10000x128xf32, #tpu.memory_space<hbm>>) target(%arg15 : memref<128x128xf32, #tpu.memory_space<vmem>>) offsets(%arg12 : memref<128xi32, #tpu.memory_space<vmem>>) semaphore(%arg19 : memref<!tpu.dma_semaphore, #tpu.memory_space<semaphore_mem>>)
      %dma_wait3A_1086 = arith.constant 0 : i32
      %dma_wait3A_1087 = arith.constant 0 : i32
      %dma_wait3A_1088 = tpu.memref_slice %arg2[%dma_wait3A_1086, %dma_wait3A_1087] : memref<10000x128xf32, #tpu.memory_space<hbm>> -> memref<128x128xf32, #tpu.memory_space<hbm>>
      %dma_wait3A_1089 = arith.constant 0 : i32
      %dma_wait3A_1090 = arith.constant 0 : i32
      %dma_wait3A_1091 = tpu.memref_slice %arg2[%dma_wait3A_1089, %dma_wait3A_1090] : memref<10000x128xf32, #tpu.memory_space<hbm>> -> memref<128x128xf32, #tpu.memory_space<hbm>>
      tpu.wait_dma2 semaphore(%arg18 : memref<!tpu.dma_semaphore, #tpu.memory_space<semaphore_mem>>) src(%dma_wait3A_1091 : memref<128x128xf32, #tpu.memory_space<hbm>>) dst(%arg14 : memref<128x128xf32, #tpu.memory_space<vmem>>)
      "tpu.region"() ({
        %run_scoped3A = tpu.sem_alloc : memref<!tpu.dma_semaphore, #tpu.memory_space<semaphore_mem>>
        %dma_start3A_1146 = arith.constant 0 : i32
        %dma_start3A_1147 = arith.constant 0 : i32
        %dma_start3A_1148 = tpu.memref_slice %arg17[%dma_start3A_1146, %dma_start3A_1147] : memref<10112x128xf32, #tpu.memory_space<vmem_shared>> -> memref<10112x128xf32, #tpu.memory_space<vmem_shared>>
        tpu.enqueue_indirect_dma source(%arg14 : memref<128x128xf32, #tpu.memory_space<vmem>>) target(%dma_start3A_1148 : memref<10112x128xf32, #tpu.memory_space<vmem_shared>>) offsets(%arg11 : memref<128xi32, #tpu.memory_space<vmem>>) semaphore(%run_scoped3A : memref<!tpu.dma_semaphore, #tpu.memory_space<semaphore_mem>>) {add = true}
        %dma_wait3A_1149 = arith.constant 0 : i32
        %dma_wait3A_1150 = arith.constant 0 : i32
        %dma_wait3A_1151 = tpu.memref_slice %arg17[%dma_wait3A_1149, %dma_wait3A_1150] : memref<10112x128xf32, #tpu.memory_space<vmem_shared>> -> memref<10112x128xf32, #tpu.memory_space<vmem_shared>>
        tpu.wait_indirect_dma semaphore(%run_scoped3A : memref<!tpu.dma_semaphore, #tpu.memory_space<semaphore_mem>>) src(%arg14 : memref<128x128xf32, #tpu.memory_space<vmem>>) dst(%dma_wait3A_1151 : memref<10112x128xf32, #tpu.memory_space<vmem_shared>>)
        tpu.yield
      }) : () -> ()
      %mul3A_1092 = arith.constant 4 : i32
      %mul3A_1093 = arith.muli %mul3A_1092, %scan3A_1025 : i32
      %add3A_1094 = arith.constant 2 : i32
      %add3A_1095 = arith.addi %mul3A_1093, %add3A_1094 : i32
      %add3A_1096 = arith.constant 4 : i32
      %add3A_1097 = arith.addi %add3A_1095, %add3A_1096 : i32
      %mul3A_1098 = arith.constant 128 : i32
      %mul3A_1099 = arith.muli %add3A_1097, %mul3A_1098 : i32
      %add3A_1100 = arith.addi %mul3A_514, %mul3A_1099 : i32
      %dma_start3A_1101 = tpu.memref_slice %arg3[%add3A_1100] : memref<327680xi32, #tpu.memory_space<hbm>> -> memref<128xi32, #tpu.memory_space<hbm>>
      %dma_start3A_1102 = tpu.memref_slice %arg3[%add3A_1100] : memref<327680xi32, #tpu.memory_space<hbm>> -> memref<128xi32, #tpu.memory_space<hbm>>
      tpu.enqueue_dma source(%dma_start3A_1102 : memref<128xi32, #tpu.memory_space<hbm>>) target(%arg10 : memref<128xi32, #tpu.memory_space<vmem>>) target_semaphore(%arg22 : memref<!tpu.dma_semaphore, #tpu.memory_space<semaphore_mem>>)
      %dma_start3A_1103 = tpu.memref_slice %arg4[%add3A_1100] : memref<327680xi32, #tpu.memory_space<hbm>> -> memref<128xi32, #tpu.memory_space<hbm>>
      %dma_start3A_1104 = tpu.memref_slice %arg4[%add3A_1100] : memref<327680xi32, #tpu.memory_space<hbm>> -> memref<128xi32, #tpu.memory_space<hbm>>
      tpu.enqueue_dma source(%dma_start3A_1104 : memref<128xi32, #tpu.memory_space<hbm>>) target(%arg11 : memref<128xi32, #tpu.memory_space<vmem>>) target_semaphore(%arg22 : memref<!tpu.dma_semaphore, #tpu.memory_space<semaphore_mem>>)
      %dma_wait3A_1105 = arith.constant 0 : i32
      %dma_wait3A_1106 = tpu.memref_slice %arg3[%dma_wait3A_1105] : memref<327680xi32, #tpu.memory_space<hbm>> -> memref<128xi32, #tpu.memory_space<hbm>>
      %dma_wait3A_1107 = arith.constant 0 : i32
      %dma_wait3A_1108 = tpu.memref_slice %arg3[%dma_wait3A_1107] : memref<327680xi32, #tpu.memory_space<hbm>> -> memref<128xi32, #tpu.memory_space<hbm>>
      tpu.wait_dma2 semaphore(%arg20 : memref<!tpu.dma_semaphore, #tpu.memory_space<semaphore_mem>>) src(%dma_wait3A_1108 : memref<128xi32, #tpu.memory_space<hbm>>) dst(%arg6 : memref<128xi32, #tpu.memory_space<vmem>>)
      %dma_wait3A_1109 = arith.constant 0 : i32
      %dma_wait3A_1110 = tpu.memref_slice %arg4[%dma_wait3A_1109] : memref<327680xi32, #tpu.memory_space<hbm>> -> memref<128xi32, #tpu.memory_space<hbm>>
      %dma_wait3A_1111 = arith.constant 0 : i32
      %dma_wait3A_1112 = tpu.memref_slice %arg4[%dma_wait3A_1111] : memref<327680xi32, #tpu.memory_space<hbm>> -> memref<128xi32, #tpu.memory_space<hbm>>
      tpu.wait_dma2 semaphore(%arg20 : memref<!tpu.dma_semaphore, #tpu.memory_space<semaphore_mem>>) src(%dma_wait3A_1112 : memref<128xi32, #tpu.memory_space<hbm>>) dst(%arg7 : memref<128xi32, #tpu.memory_space<vmem>>)
      %dma_start3A_1113 = arith.constant 0 : i32
      %dma_start3A_1114 = arith.constant 0 : i32
      %dma_start3A_1115 = tpu.memref_slice %arg2[%dma_start3A_1113, %dma_start3A_1114] : memref<10000x128xf32, #tpu.memory_space<hbm>> -> memref<10000x128xf32, #tpu.memory_space<hbm>>
      tpu.enqueue_indirect_dma source(%dma_start3A_1115 : memref<10000x128xf32, #tpu.memory_space<hbm>>) target(%arg14 : memref<128x128xf32, #tpu.memory_space<vmem>>) offsets(%arg6 : memref<128xi32, #tpu.memory_space<vmem>>) semaphore(%arg18 : memref<!tpu.dma_semaphore, #tpu.memory_space<semaphore_mem>>)
      %dma_wait3A_1116 = arith.constant 0 : i32
      %dma_wait3A_1117 = arith.constant 0 : i32
      %dma_wait3A_1118 = tpu.memref_slice %arg2[%dma_wait3A_1116, %dma_wait3A_1117] : memref<10000x128xf32, #tpu.memory_space<hbm>> -> memref<128x128xf32, #tpu.memory_space<hbm>>
      %dma_wait3A_1119 = arith.constant 0 : i32
      %dma_wait3A_1120 = arith.constant 0 : i32
      %dma_wait3A_1121 = tpu.memref_slice %arg2[%dma_wait3A_1119, %dma_wait3A_1120] : memref<10000x128xf32, #tpu.memory_space<hbm>> -> memref<128x128xf32, #tpu.memory_space<hbm>>
      tpu.wait_dma2 semaphore(%arg19 : memref<!tpu.dma_semaphore, #tpu.memory_space<semaphore_mem>>) src(%dma_wait3A_1121 : memref<128x128xf32, #tpu.memory_space<hbm>>) dst(%arg15 : memref<128x128xf32, #tpu.memory_space<vmem>>)
      "tpu.region"() ({
        %run_scoped3A = tpu.sem_alloc : memref<!tpu.dma_semaphore, #tpu.memory_space<semaphore_mem>>
        %dma_start3A_1146 = arith.constant 0 : i32
        %dma_start3A_1147 = arith.constant 0 : i32
        %dma_start3A_1148 = tpu.memref_slice %arg17[%dma_start3A_1146, %dma_start3A_1147] : memref<10112x128xf32, #tpu.memory_space<vmem_shared>> -> memref<10112x128xf32, #tpu.memory_space<vmem_shared>>
        tpu.enqueue_indirect_dma source(%arg15 : memref<128x128xf32, #tpu.memory_space<vmem>>) target(%dma_start3A_1148 : memref<10112x128xf32, #tpu.memory_space<vmem_shared>>) offsets(%arg13 : memref<128xi32, #tpu.memory_space<vmem>>) semaphore(%run_scoped3A : memref<!tpu.dma_semaphore, #tpu.memory_space<semaphore_mem>>) {add = true}
        %dma_wait3A_1149 = arith.constant 0 : i32
        %dma_wait3A_1150 = arith.constant 0 : i32
        %dma_wait3A_1151 = tpu.memref_slice %arg17[%dma_wait3A_1149, %dma_wait3A_1150] : memref<10112x128xf32, #tpu.memory_space<vmem_shared>> -> memref<10112x128xf32, #tpu.memory_space<vmem_shared>>
        tpu.wait_indirect_dma semaphore(%run_scoped3A : memref<!tpu.dma_semaphore, #tpu.memory_space<semaphore_mem>>) src(%arg15 : memref<128x128xf32, #tpu.memory_space<vmem>>) dst(%dma_wait3A_1151 : memref<10112x128xf32, #tpu.memory_space<vmem_shared>>)
        tpu.yield
      }) : () -> ()
      %mul3A_1122 = arith.constant 4 : i32
      %mul3A_1123 = arith.muli %mul3A_1122, %scan3A_1025 : i32
      %add3A_1124 = arith.constant 3 : i32
      %add3A_1125 = arith.addi %mul3A_1123, %add3A_1124 : i32
      %add3A_1126 = arith.constant 4 : i32
      %add3A_1127 = arith.addi %add3A_1125, %add3A_1126 : i32
      %mul3A_1128 = arith.constant 128 : i32
      %mul3A_1129 = arith.muli %add3A_1127, %mul3A_1128 : i32
      %add3A_1130 = arith.addi %mul3A_514, %mul3A_1129 : i32
      %dma_start3A_1131 = tpu.memref_slice %arg3[%add3A_1130] : memref<327680xi32, #tpu.memory_space<hbm>> -> memref<128xi32, #tpu.memory_space<hbm>>
      %dma_start3A_1132 = tpu.memref_slice %arg3[%add3A_1130] : memref<327680xi32, #tpu.memory_space<hbm>> -> memref<128xi32, #tpu.memory_space<hbm>>
      tpu.enqueue_dma source(%dma_start3A_1132 : memref<128xi32, #tpu.memory_space<hbm>>) target(%arg12 : memref<128xi32, #tpu.memory_space<vmem>>) target_semaphore(%arg23 : memref<!tpu.dma_semaphore, #tpu.memory_space<semaphore_mem>>)
      %dma_start3A_1133 = tpu.memref_slice %arg4[%add3A_1130] : memref<327680xi32, #tpu.memory_space<hbm>> -> memref<128xi32, #tpu.memory_space<hbm>>
      %dma_start3A_1134 = tpu.memref_slice %arg4[%add3A_1130] : memref<327680xi32, #tpu.memory_space<hbm>> -> memref<128xi32, #tpu.memory_space<hbm>>
      tpu.enqueue_dma source(%dma_start3A_1134 : memref<128xi32, #tpu.memory_space<hbm>>) target(%arg13 : memref<128xi32, #tpu.memory_space<vmem>>) target_semaphore(%arg23 : memref<!tpu.dma_semaphore, #tpu.memory_space<semaphore_mem>>)
      %dma_wait3A_1135 = arith.constant 0 : i32
      %dma_wait3A_1136 = tpu.memref_slice %arg3[%dma_wait3A_1135] : memref<327680xi32, #tpu.memory_space<hbm>> -> memref<128xi32, #tpu.memory_space<hbm>>
      %dma_wait3A_1137 = arith.constant 0 : i32
      %dma_wait3A_1138 = tpu.memref_slice %arg3[%dma_wait3A_1137] : memref<327680xi32, #tpu.memory_space<hbm>> -> memref<128xi32, #tpu.memory_space<hbm>>
      tpu.wait_dma2 semaphore(%arg21 : memref<!tpu.dma_semaphore, #tpu.memory_space<semaphore_mem>>) src(%dma_wait3A_1138 : memref<128xi32, #tpu.memory_space<hbm>>) dst(%arg8 : memref<128xi32, #tpu.memory_space<vmem>>)
      %dma_wait3A_1139 = arith.constant 0 : i32
      %dma_wait3A_1140 = tpu.memref_slice %arg4[%dma_wait3A_1139] : memref<327680xi32, #tpu.memory_space<hbm>> -> memref<128xi32, #tpu.memory_space<hbm>>
      %dma_wait3A_1141 = arith.constant 0 : i32
      %dma_wait3A_1142 = tpu.memref_slice %arg4[%dma_wait3A_1141] : memref<327680xi32, #tpu.memory_space<hbm>> -> memref<128xi32, #tpu.memory_space<hbm>>
      tpu.wait_dma2 semaphore(%arg21 : memref<!tpu.dma_semaphore, #tpu.memory_space<semaphore_mem>>) src(%dma_wait3A_1142 : memref<128xi32, #tpu.memory_space<hbm>>) dst(%arg9 : memref<128xi32, #tpu.memory_space<vmem>>)
      %dma_start3A_1143 = arith.constant 0 : i32
      %dma_start3A_1144 = arith.constant 0 : i32
      %dma_start3A_1145 = tpu.memref_slice %arg2[%dma_start3A_1143, %dma_start3A_1144] : memref<10000x128xf32, #tpu.memory_space<hbm>> -> memref<10000x128xf32, #tpu.memory_space<hbm>>
      tpu.enqueue_indirect_dma source(%dma_start3A_1145 : memref<10000x128xf32, #tpu.memory_space<hbm>>) target(%arg15 : memref<128x128xf32, #tpu.memory_space<vmem>>) offsets(%arg8 : memref<128xi32, #tpu.memory_space<vmem>>) semaphore(%arg19 : memref<!tpu.dma_semaphore, #tpu.memory_space<semaphore_mem>>)
    }
    %scan3A_977 = arith.constant 19 : i32
    %dma_wait3A_978 = arith.constant 0 : i32
    %dma_wait3A_979 = arith.constant 0 : i32
    %dma_wait3A_980 = tpu.memref_slice %arg2[%dma_wait3A_978, %dma_wait3A_979] : memref<10000x128xf32, #tpu.memory_space<hbm>> -> memref<128x128xf32, #tpu.memory_space<hbm>>
    %dma_wait3A_981 = arith.constant 0 : i32
    %dma_wait3A_982 = arith.constant 0 : i32
    %dma_wait3A_983 = tpu.memref_slice %arg2[%dma_wait3A_981, %dma_wait3A_982] : memref<10000x128xf32, #tpu.memory_space<hbm>> -> memref<128x128xf32, #tpu.memory_space<hbm>>
    tpu.wait_dma2 semaphore(%arg18 : memref<!tpu.dma_semaphore, #tpu.memory_space<semaphore_mem>>) src(%dma_wait3A_983 : memref<128x128xf32, #tpu.memory_space<hbm>>) dst(%arg14 : memref<128x128xf32, #tpu.memory_space<vmem>>)
    "tpu.region"() ({
      %run_scoped3A = tpu.sem_alloc : memref<!tpu.dma_semaphore, #tpu.memory_space<semaphore_mem>>
      %dma_start3A_1025 = arith.constant 0 : i32
      %dma_start3A_1026 = arith.constant 0 : i32
      %dma_start3A_1027 = tpu.memref_slice %arg17[%dma_start3A_1025, %dma_start3A_1026] : memref<10112x128xf32, #tpu.memory_space<vmem_shared>> -> memref<10112x128xf32, #tpu.memory_space<vmem_shared>>
      tpu.enqueue_indirect_dma source(%arg14 : memref<128x128xf32, #tpu.memory_space<vmem>>) target(%dma_start3A_1027 : memref<10112x128xf32, #tpu.memory_space<vmem_shared>>) offsets(%arg7 : memref<128xi32, #tpu.memory_space<vmem>>) semaphore(%run_scoped3A : memref<!tpu.dma_semaphore, #tpu.memory_space<semaphore_mem>>) {add = true}
      %dma_wait3A_1028 = arith.constant 0 : i32
      %dma_wait3A_1029 = arith.constant 0 : i32
      %dma_wait3A_1030 = tpu.memref_slice %arg17[%dma_wait3A_1028, %dma_wait3A_1029] : memref<10112x128xf32, #tpu.memory_space<vmem_shared>> -> memref<10112x128xf32, #tpu.memory_space<vmem_shared>>
      tpu.wait_indirect_dma semaphore(%run_scoped3A : memref<!tpu.dma_semaphore, #tpu.memory_space<semaphore_mem>>) src(%arg14 : memref<128x128xf32, #tpu.memory_space<vmem>>) dst(%dma_wait3A_1030 : memref<10112x128xf32, #tpu.memory_space<vmem_shared>>)
      tpu.yield
    }) : () -> ()
    %dma_wait3A_984 = arith.constant 0 : i32
    %dma_wait3A_985 = tpu.memref_slice %arg3[%dma_wait3A_984] : memref<327680xi32, #tpu.memory_space<hbm>> -> memref<128xi32, #tpu.memory_space<hbm>>
    %dma_wait3A_986 = arith.constant 0 : i32
    %dma_wait3A_987 = tpu.memref_slice %arg3[%dma_wait3A_986] : memref<327680xi32, #tpu.memory_space<hbm>> -> memref<128xi32, #tpu.memory_space<hbm>>
    tpu.wait_dma2 semaphore(%arg22 : memref<!tpu.dma_semaphore, #tpu.memory_space<semaphore_mem>>) src(%dma_wait3A_987 : memref<128xi32, #tpu.memory_space<hbm>>) dst(%arg10 : memref<128xi32, #tpu.memory_space<vmem>>)
    %dma_wait3A_988 = arith.constant 0 : i32
    %dma_wait3A_989 = tpu.memref_slice %arg4[%dma_wait3A_988] : memref<327680xi32, #tpu.memory_space<hbm>> -> memref<128xi32, #tpu.memory_space<hbm>>
    %dma_wait3A_990 = arith.constant 0 : i32
    %dma_wait3A_991 = tpu.memref_slice %arg4[%dma_wait3A_990] : memref<327680xi32, #tpu.memory_space<hbm>> -> memref<128xi32, #tpu.memory_space<hbm>>
    tpu.wait_dma2 semaphore(%arg22 : memref<!tpu.dma_semaphore, #tpu.memory_space<semaphore_mem>>) src(%dma_wait3A_991 : memref<128xi32, #tpu.memory_space<hbm>>) dst(%arg11 : memref<128xi32, #tpu.memory_space<vmem>>)
    %dma_start3A_992 = arith.constant 0 : i32
    %dma_start3A_993 = arith.constant 0 : i32
    %dma_start3A_994 = tpu.memref_slice %arg2[%dma_start3A_992, %dma_start3A_993] : memref<10000x128xf32, #tpu.memory_space<hbm>> -> memref<10000x128xf32, #tpu.memory_space<hbm>>
    tpu.enqueue_indirect_dma source(%dma_start3A_994 : memref<10000x128xf32, #tpu.memory_space<hbm>>) target(%arg14 : memref<128x128xf32, #tpu.memory_space<vmem>>) offsets(%arg10 : memref<128xi32, #tpu.memory_space<vmem>>) semaphore(%arg18 : memref<!tpu.dma_semaphore, #tpu.memory_space<semaphore_mem>>)
    %dma_wait3A_995 = arith.constant 0 : i32
    %dma_wait3A_996 = arith.constant 0 : i32
    %dma_wait3A_997 = tpu.memref_slice %arg2[%dma_wait3A_995, %dma_wait3A_996] : memref<10000x128xf32, #tpu.memory_space<hbm>> -> memref<128x128xf32, #tpu.memory_space<hbm>>
    %dma_wait3A_998 = arith.constant 0 : i32
    %dma_wait3A_999 = arith.constant 0 : i32
    %dma_wait3A_1000 = tpu.memref_slice %arg2[%dma_wait3A_998, %dma_wait3A_999] : memref<10000x128xf32, #tpu.memory_space<hbm>> -> memref<128x128xf32, #tpu.memory_space<hbm>>
    tpu.wait_dma2 semaphore(%arg19 : memref<!tpu.dma_semaphore, #tpu.memory_space<semaphore_mem>>) src(%dma_wait3A_1000 : memref<128x128xf32, #tpu.memory_space<hbm>>) dst(%arg15 : memref<128x128xf32, #tpu.memory_space<vmem>>)
    "tpu.region"() ({
      %run_scoped3A = tpu.sem_alloc : memref<!tpu.dma_semaphore, #tpu.memory_space<semaphore_mem>>
      %dma_start3A_1025 = arith.constant 0 : i32
      %dma_start3A_1026 = arith.constant 0 : i32
      %dma_start3A_1027 = tpu.memref_slice %arg17[%dma_start3A_1025, %dma_start3A_1026] : memref<10112x128xf32, #tpu.memory_space<vmem_shared>> -> memref<10112x128xf32, #tpu.memory_space<vmem_shared>>
      tpu.enqueue_indirect_dma source(%arg15 : memref<128x128xf32, #tpu.memory_space<vmem>>) target(%dma_start3A_1027 : memref<10112x128xf32, #tpu.memory_space<vmem_shared>>) offsets(%arg9 : memref<128xi32, #tpu.memory_space<vmem>>) semaphore(%run_scoped3A : memref<!tpu.dma_semaphore, #tpu.memory_space<semaphore_mem>>) {add = true}
      %dma_wait3A_1028 = arith.constant 0 : i32
      %dma_wait3A_1029 = arith.constant 0 : i32
      %dma_wait3A_1030 = tpu.memref_slice %arg17[%dma_wait3A_1028, %dma_wait3A_1029] : memref<10112x128xf32, #tpu.memory_space<vmem_shared>> -> memref<10112x128xf32, #tpu.memory_space<vmem_shared>>
      tpu.wait_indirect_dma semaphore(%run_scoped3A : memref<!tpu.dma_semaphore, #tpu.memory_space<semaphore_mem>>) src(%arg15 : memref<128x128xf32, #tpu.memory_space<vmem>>) dst(%dma_wait3A_1030 : memref<10112x128xf32, #tpu.memory_space<vmem_shared>>)
      tpu.yield
    }) : () -> ()
    %dma_wait3A_1001 = arith.constant 0 : i32
    %dma_wait3A_1002 = tpu.memref_slice %arg3[%dma_wait3A_1001] : memref<327680xi32, #tpu.memory_space<hbm>> -> memref<128xi32, #tpu.memory_space<hbm>>
    %dma_wait3A_1003 = arith.constant 0 : i32
    %dma_wait3A_1004 = tpu.memref_slice %arg3[%dma_wait3A_1003] : memref<327680xi32, #tpu.memory_space<hbm>> -> memref<128xi32, #tpu.memory_space<hbm>>
    tpu.wait_dma2 semaphore(%arg23 : memref<!tpu.dma_semaphore, #tpu.memory_space<semaphore_mem>>) src(%dma_wait3A_1004 : memref<128xi32, #tpu.memory_space<hbm>>) dst(%arg12 : memref<128xi32, #tpu.memory_space<vmem>>)
    %dma_wait3A_1005 = arith.constant 0 : i32
    %dma_wait3A_1006 = tpu.memref_slice %arg4[%dma_wait3A_1005] : memref<327680xi32, #tpu.memory_space<hbm>> -> memref<128xi32, #tpu.memory_space<hbm>>
    %dma_wait3A_1007 = arith.constant 0 : i32
    %dma_wait3A_1008 = tpu.memref_slice %arg4[%dma_wait3A_1007] : memref<327680xi32, #tpu.memory_space<hbm>> -> memref<128xi32, #tpu.memory_space<hbm>>
    tpu.wait_dma2 semaphore(%arg23 : memref<!tpu.dma_semaphore, #tpu.memory_space<semaphore_mem>>) src(%dma_wait3A_1008 : memref<128xi32, #tpu.memory_space<hbm>>) dst(%arg13 : memref<128xi32, #tpu.memory_space<vmem>>)
    %dma_start3A_1009 = arith.constant 0 : i32
    %dma_start3A_1010 = arith.constant 0 : i32
    %dma_start3A_1011 = tpu.memref_slice %arg2[%dma_start3A_1009, %dma_start3A_1010] : memref<10000x128xf32, #tpu.memory_space<hbm>> -> memref<10000x128xf32, #tpu.memory_space<hbm>>
    tpu.enqueue_indirect_dma source(%dma_start3A_1011 : memref<10000x128xf32, #tpu.memory_space<hbm>>) target(%arg15 : memref<128x128xf32, #tpu.memory_space<vmem>>) offsets(%arg12 : memref<128xi32, #tpu.memory_space<vmem>>) semaphore(%arg19 : memref<!tpu.dma_semaphore, #tpu.memory_space<semaphore_mem>>)
    %dma_wait3A_1012 = arith.constant 0 : i32
    %dma_wait3A_1013 = arith.constant 0 : i32
    %dma_wait3A_1014 = tpu.memref_slice %arg2[%dma_wait3A_1012, %dma_wait3A_1013] : memref<10000x128xf32, #tpu.memory_space<hbm>> -> memref<128x128xf32, #tpu.memory_space<hbm>>
    %dma_wait3A_1015 = arith.constant 0 : i32
    %dma_wait3A_1016 = arith.constant 0 : i32
    %dma_wait3A_1017 = tpu.memref_slice %arg2[%dma_wait3A_1015, %dma_wait3A_1016] : memref<10000x128xf32, #tpu.memory_space<hbm>> -> memref<128x128xf32, #tpu.memory_space<hbm>>
    tpu.wait_dma2 semaphore(%arg18 : memref<!tpu.dma_semaphore, #tpu.memory_space<semaphore_mem>>) src(%dma_wait3A_1017 : memref<128x128xf32, #tpu.memory_space<hbm>>) dst(%arg14 : memref<128x128xf32, #tpu.memory_space<vmem>>)
    "tpu.region"() ({
      %run_scoped3A = tpu.sem_alloc : memref<!tpu.dma_semaphore, #tpu.memory_space<semaphore_mem>>
      %dma_start3A_1025 = arith.constant 0 : i32
      %dma_start3A_1026 = arith.constant 0 : i32
      %dma_start3A_1027 = tpu.memref_slice %arg17[%dma_start3A_1025, %dma_start3A_1026] : memref<10112x128xf32, #tpu.memory_space<vmem_shared>> -> memref<10112x128xf32, #tpu.memory_space<vmem_shared>>
      tpu.enqueue_indirect_dma source(%arg14 : memref<128x128xf32, #tpu.memory_space<vmem>>) target(%dma_start3A_1027 : memref<10112x128xf32, #tpu.memory_space<vmem_shared>>) offsets(%arg11 : memref<128xi32, #tpu.memory_space<vmem>>) semaphore(%run_scoped3A : memref<!tpu.dma_semaphore, #tpu.memory_space<semaphore_mem>>) {add = true}
      %dma_wait3A_1028 = arith.constant 0 : i32
      %dma_wait3A_1029 = arith.constant 0 : i32
      %dma_wait3A_1030 = tpu.memref_slice %arg17[%dma_wait3A_1028, %dma_wait3A_1029] : memref<10112x128xf32, #tpu.memory_space<vmem_shared>> -> memref<10112x128xf32, #tpu.memory_space<vmem_shared>>
      tpu.wait_indirect_dma semaphore(%run_scoped3A : memref<!tpu.dma_semaphore, #tpu.memory_space<semaphore_mem>>) src(%arg14 : memref<128x128xf32, #tpu.memory_space<vmem>>) dst(%dma_wait3A_1030 : memref<10112x128xf32, #tpu.memory_space<vmem_shared>>)
      tpu.yield
    }) : () -> ()
    %dma_wait3A_1018 = arith.constant 0 : i32
    %dma_wait3A_1019 = arith.constant 0 : i32
    %dma_wait3A_1020 = tpu.memref_slice %arg2[%dma_wait3A_1018, %dma_wait3A_1019] : memref<10000x128xf32, #tpu.memory_space<hbm>> -> memref<128x128xf32, #tpu.memory_space<hbm>>
    %dma_wait3A_1021 = arith.constant 0 : i32
    %dma_wait3A_1022 = arith.constant 0 : i32
    %dma_wait3A_1023 = tpu.memref_slice %arg2[%dma_wait3A_1021, %dma_wait3A_1022] : memref<10000x128xf32, #tpu.memory_space<hbm>> -> memref<128x128xf32, #tpu.memory_space<hbm>>
    tpu.wait_dma2 semaphore(%arg19 : memref<!tpu.dma_semaphore, #tpu.memory_space<semaphore_mem>>) src(%dma_wait3A_1023 : memref<128x128xf32, #tpu.memory_space<hbm>>) dst(%arg15 : memref<128x128xf32, #tpu.memory_space<vmem>>)
    "tpu.region"() ({
      %run_scoped3A = tpu.sem_alloc : memref<!tpu.dma_semaphore, #tpu.memory_space<semaphore_mem>>
      %dma_start3A_1025 = arith.constant 0 : i32
      %dma_start3A_1026 = arith.constant 0 : i32
      %dma_start3A_1027 = tpu.memref_slice %arg17[%dma_start3A_1025, %dma_start3A_1026] : memref<10112x128xf32, #tpu.memory_space<vmem_shared>> -> memref<10112x128xf32, #tpu.memory_space<vmem_shared>>
      tpu.enqueue_indirect_dma source(%arg15 : memref<128x128xf32, #tpu.memory_space<vmem>>) target(%dma_start3A_1027 : memref<10112x128xf32, #tpu.memory_space<vmem_shared>>) offsets(%arg13 : memref<128xi32, #tpu.memory_space<vmem>>) semaphore(%run_scoped3A : memref<!tpu.dma_semaphore, #tpu.memory_space<semaphore_mem>>) {add = true}
      %dma_wait3A_1028 = arith.constant 0 : i32
      %dma_wait3A_1029 = arith.constant 0 : i32
      %dma_wait3A_1030 = tpu.memref_slice %arg17[%dma_wait3A_1028, %dma_wait3A_1029] : memref<10112x128xf32, #tpu.memory_space<vmem_shared>> -> memref<10112x128xf32, #tpu.memory_space<vmem_shared>>
      tpu.wait_indirect_dma semaphore(%run_scoped3A : memref<!tpu.dma_semaphore, #tpu.memory_space<semaphore_mem>>) src(%arg15 : memref<128x128xf32, #tpu.memory_space<vmem>>) dst(%dma_wait3A_1030 : memref<10112x128xf32, #tpu.memory_space<vmem_shared>>)
      tpu.yield
    }) : () -> ()
    %barrier3A_1024 = arith.constant 0 : index
    tpu.barrier barrier_id(%barrier3A_1024)
    "tpu.region"() ({
      %run_scoped3A = tpu.sem_alloc : memref<!tpu.dma_semaphore, #tpu.memory_space<semaphore_mem>>
      %dma_start3A_1025 = arith.constant 0 : i32
      %dma_start3A_1026 = tpu.memref_slice %arg5[%arg0, %mul3A_516, %dma_start3A_1025] : memref<2x10112x128xf32, #tpu.memory_space<hbm>> -> memref<1x632x128xf32, #tpu.memory_space<hbm>>
      %dma_start3A_1027 = tpu.memref_squeeze %dma_start3A_1026 : memref<1x632x128xf32, #tpu.memory_space<hbm>> -> memref<632x128xf32, #tpu.memory_space<hbm>>
      %dma_start3A_1028 = arith.constant 0 : i32
      %dma_start3A_1029 = tpu.memref_slice %arg17[%mul3A_516, %dma_start3A_1028] : memref<10112x128xf32, #tpu.memory_space<vmem_shared>> -> memref<632x128xf32, #tpu.memory_space<vmem_shared>>
      tpu.enqueue_dma source(%dma_start3A_1029 : memref<632x128xf32, #tpu.memory_space<vmem_shared>>) target(%dma_start3A_1027 : memref<632x128xf32, #tpu.memory_space<hbm>>) target_semaphore(%run_scoped3A : memref<!tpu.dma_semaphore, #tpu.memory_space<semaphore_mem>>)
      %dma_wait3A_1030 = arith.constant 0 : i32
      %dma_wait3A_1031 = tpu.memref_slice %arg5[%arg0, %mul3A_516, %dma_wait3A_1030] : memref<2x10112x128xf32, #tpu.memory_space<hbm>> -> memref<1x632x128xf32, #tpu.memory_space<hbm>>
      %dma_wait3A_1032 = tpu.memref_squeeze %dma_wait3A_1031 : memref<1x632x128xf32, #tpu.memory_space<hbm>> -> memref<632x128xf32, #tpu.memory_space<hbm>>
      %dma_wait3A_1033 = arith.constant 0 : i32
      %dma_wait3A_1034 = tpu.memref_slice %arg17[%mul3A_516, %dma_wait3A_1033] : memref<10112x128xf32, #tpu.memory_space<vmem_shared>> -> memref<632x128xf32, #tpu.memory_space<vmem_shared>>
      tpu.wait_dma2 semaphore(%run_scoped3A : memref<!tpu.dma_semaphore, #tpu.memory_space<semaphore_mem>>) src(%dma_wait3A_1034 : memref<632x128xf32, #tpu.memory_space<vmem_shared>>) dst(%dma_wait3A_1032 : memref<632x128xf32, #tpu.memory_space<hbm>>)
      tpu.yield
    }) : () -> ()
    return
  }
}

module attributes {stable_mosaic.version = 14 : i64} {
  func.func @_lin0_body(%arg0: i32, %arg1: memref<1024x128xf32, #tpu.memory_space<vmem>>, %arg2: memref<128x128xf32, #tpu.memory_space<vmem>>, %arg3: memref<1024x128xf32, #tpu.memory_space<vmem>>) attributes {dimension_semantics = [#tpu.dimension_semantics<arbitrary>], iteration_bounds = array<i64: 10>, scalar_prefetch = 0 : i64, scratch_operands = 0 : i64, tpu.core_type = #tpu.core_type<tc>, window_params = [{transform_indices = @transform_0, window_bounds = array<i64: 1024, 128>}, {pipeline_mode = #tpu.pipeline_mode<synchronous>, transform_indices = @transform_1, window_bounds = array<i64: 128, 128>}, {transform_indices = @transform_2, window_bounds = array<i64: 1024, 128>}]} {
    %get3A = arith.constant 0 : index
    %get3A_0 = arith.constant 0 : index
    %get3A_1 = vector.load %arg1[%get3A, %get3A_0] : memref<1024x128xf32, #tpu.memory_space<vmem>>, vector<1024x128xf32>
    %get3A_2 = arith.constant 0 : index
    %get3A_3 = arith.constant 0 : index
    %get3A_4 = vector.load %arg2[%get3A_2, %get3A_3] : memref<128x128xf32, #tpu.memory_space<vmem>>, vector<128x128xf32>
    %dot_general3A = arith.constant dense<0.000000e+00> : vector<1024x128xf32>
    %dot_general3A_5 = tpu.matmul %get3A_1, %get3A_4, %dot_general3A {dimension_numbers = #tpu.dot_dimension_numbers<[1], [0], [0], [1], [0, 0, 1, 1], [], []>, transpose_lhs_hint = false} : vector<1024x128xf32>, vector<128x128xf32>, vector<1024x128xf32> -> vector<1024x128xf32>
    %swap3A = arith.constant 0 : index
    %swap3A_6 = arith.constant 0 : index
    %swap3A_7 = vector.load %arg3[%swap3A, %swap3A_6] : memref<1024x128xf32, #tpu.memory_space<vmem>>, vector<1024x128xf32>
    tpu.vector_store %arg3[%swap3A, %swap3A_6], %dot_general3A_5 {strides = array<i32>} : memref<1024x128xf32, #tpu.memory_space<vmem>>, vector<1024x128xf32>,
    return
  }
  func.func @transform_0(%arg0: i32) -> (i32, i32) {
    %c0_i32 = arith.constant 0 : i32
    %c0_i32_0 = arith.constant 0 : i32
    return %arg0, %c0_i32 : i32, i32
  }
  func.func @transform_1(%arg0: i32) -> (i32, i32) {
    %c0_i32 = arith.constant 0 : i32
    %c0_i32_0 = arith.constant 0 : i32
    %c0_i32_1 = arith.constant 0 : i32
    return %c0_i32, %c0_i32_0 : i32, i32
  }
  func.func @transform_2(%arg0: i32) -> (i32, i32) {
    %c0_i32 = arith.constant 0 : i32
    %c0_i32_0 = arith.constant 0 : i32
    return %arg0, %c0_i32 : i32, i32
  }
}

module attributes {stable_mosaic.version = 14 : i64} {
  func.func @_sage_body(%arg0: i32, %arg1: memref<1024x128xf32, #tpu.memory_space<vmem>>, %arg2: memref<1024x128xf32, #tpu.memory_space<vmem>>, %arg3: memref<32x1024xf32, #tpu.memory_space<vmem>>, %arg4: memref<1024x128xf32, #tpu.memory_space<vmem>>, %arg5: memref<128x128xf32, #tpu.memory_space<vmem>>, %arg6: memref<128x128xf32, #tpu.memory_space<vmem>>, %arg7: memref<1x128xf32, #tpu.memory_space<vmem>>, %arg8: memref<1024x128xf32, #tpu.memory_space<vmem>>) attributes {dimension_semantics = [#tpu.dimension_semantics<arbitrary>], iteration_bounds = array<i64: 10>, scalar_prefetch = 0 : i64, scratch_operands = 0 : i64, tpu.core_type = #tpu.core_type<tc>, window_params = [{transform_indices = @transform_0, window_bounds = array<i64: 1024, 128>}, {transform_indices = @transform_1, window_bounds = array<i64: 1024, 128>}, {transform_indices = @transform_2, window_bounds = array<i64: 32, 1024>}, {transform_indices = @transform_3, window_bounds = array<i64: 1024, 128>}, {pipeline_mode = #tpu.pipeline_mode<synchronous>, transform_indices = @transform_4, window_bounds = array<i64: 128, 128>}, {pipeline_mode = #tpu.pipeline_mode<synchronous>, transform_indices = @transform_5, window_bounds = array<i64: 128, 128>}, {pipeline_mode = #tpu.pipeline_mode<synchronous>, transform_indices = @transform_6, window_bounds = array<i64: 1, 128>}, {transform_indices = @transform_7, window_bounds = array<i64: 1024, 128>}]} {
    %get3A = arith.constant 0 : index
    %get3A_0 = arith.constant 0 : index
    %get3A_1 = vector.load %arg1[%get3A, %get3A_0] : memref<1024x128xf32, #tpu.memory_space<vmem>>, vector<1024x128xf32>
    %get3A_2 = arith.constant 0 : index
    %get3A_3 = arith.constant 0 : index
    %get3A_4 = vector.load %arg2[%get3A_2, %get3A_3] : memref<1024x128xf32, #tpu.memory_space<vmem>>, vector<1024x128xf32>
    %add3A = arith.addf %get3A_1, %get3A_4 : vector<1024x128xf32>
    %get3A_5 = arith.constant 0 : index
    %get3A_6 = arith.constant 0 : index
    %get3A_7 = vector.load %arg3[%get3A_5, %get3A_6] : memref<32x1024xf32, #tpu.memory_space<vmem>>, vector<32x1024xf32>
    %reduce_sum3A = arith.constant dense<0.000000e+00> : vector<1024xf32>
    %reduce_sum3A_8 = vector.multi_reduction <add>, %get3A_7, %reduce_sum3A [0] : vector<32x1024xf32> to vector<1024xf32>
    %max3A = arith.constant 1.000000e+00 : f32
    %max3A_9 = vector.broadcast %max3A : f32 to vector<1024xf32>
    %max3A_10 = arith.maximumf %reduce_sum3A_8, %max3A_9 : vector<1024xf32>
    %broadcast_in_dim3A = vector.shape_cast %max3A_10 : vector<1024xf32> to vector<1024x1xf32>
    %div3A = vector.broadcast %broadcast_in_dim3A : vector<1024x1xf32> to vector<1024x128xf32>
    %div3A_11 = arith.divf %add3A, %div3A : vector<1024x128xf32>
    %get3A_12 = arith.constant 0 : index
    %get3A_13 = arith.constant 0 : index
    %get3A_14 = vector.load %arg5[%get3A_12, %get3A_13] : memref<128x128xf32, #tpu.memory_space<vmem>>, vector<128x128xf32>
    %dot_general3A = arith.constant dense<0.000000e+00> : vector<1024x128xf32>
    %dot_general3A_15 = tpu.matmul %div3A_11, %get3A_14, %dot_general3A {dimension_numbers = #tpu.dot_dimension_numbers<[1], [0], [0], [1], [0, 0, 1, 1], [], []>, transpose_lhs_hint = false} : vector<1024x128xf32>, vector<128x128xf32>, vector<1024x128xf32> -> vector<1024x128xf32>
    %get3A_16 = arith.constant 0 : index
    %get3A_17 = arith.constant 0 : index
    %get3A_18 = vector.load %arg4[%get3A_16, %get3A_17] : memref<1024x128xf32, #tpu.memory_space<vmem>>, vector<1024x128xf32>
    %get3A_19 = arith.constant 0 : index
    %get3A_20 = arith.constant 0 : index
    %get3A_21 = vector.load %arg6[%get3A_19, %get3A_20] : memref<128x128xf32, #tpu.memory_space<vmem>>, vector<128x128xf32>
    %dot_general3A_22 = arith.constant dense<0.000000e+00> : vector<1024x128xf32>
    %dot_general3A_23 = tpu.matmul %get3A_18, %get3A_21, %dot_general3A_22 {dimension_numbers = #tpu.dot_dimension_numbers<[1], [0], [0], [1], [0, 0, 1, 1], [], []>, transpose_lhs_hint = false} : vector<1024x128xf32>, vector<128x128xf32>, vector<1024x128xf32> -> vector<1024x128xf32>
    %add3A_24 = arith.addf %dot_general3A_15, %dot_general3A_23 : vector<1024x128xf32>
    %get3A_25 = arith.constant 0 : index
    %get3A_26 = arith.constant 0 : index
    %get3A_27 = vector.load %arg7[%get3A_25, %get3A_26] : memref<1x128xf32, #tpu.memory_space<vmem>>, vector<1x128xf32>
    %add3A_28 = vector.broadcast %get3A_27 : vector<1x128xf32> to vector<1024x128xf32>
    %add3A_29 = arith.addf %add3A_24, %add3A_28 : vector<1024x128xf32>
    %swap3A = arith.constant 0 : index
    %swap3A_30 = arith.constant 0 : index
    %swap3A_31 = vector.load %arg8[%swap3A, %swap3A_30] : memref<1024x128xf32, #tpu.memory_space<vmem>>, vector<1024x128xf32>
    tpu.vector_store %arg8[%swap3A, %swap3A_30], %add3A_29 {strides = array<i32>} : memref<1024x128xf32, #tpu.memory_space<vmem>>, vector<1024x128xf32>,
    return
  }
  func.func @transform_0(%arg0: i32) -> (i32, i32) {
    %c0_i32 = arith.constant 0 : i32
    %c0_i32_0 = arith.constant 0 : i32
    return %arg0, %c0_i32 : i32, i32
  }
  func.func @transform_1(%arg0: i32) -> (i32, i32) {
    %c0_i32 = arith.constant 0 : i32
    %c0_i32_0 = arith.constant 0 : i32
    return %arg0, %c0_i32 : i32, i32
  }
  func.func @transform_2(%arg0: i32) -> (i32, i32) {
    %c0_i32 = arith.constant 0 : i32
    %c0_i32_0 = arith.constant 0 : i32
    return %c0_i32, %arg0 : i32, i32
  }
  func.func @transform_3(%arg0: i32) -> (i32, i32) {
    %c0_i32 = arith.constant 0 : i32
    %c0_i32_0 = arith.constant 0 : i32
    return %arg0, %c0_i32 : i32, i32
  }
  func.func @transform_4(%arg0: i32) -> (i32, i32) {
    %c0_i32 = arith.constant 0 : i32
    %c0_i32_0 = arith.constant 0 : i32
    %c0_i32_1 = arith.constant 0 : i32
    return %c0_i32, %c0_i32_0 : i32, i32
  }
  func.func @transform_5(%arg0: i32) -> (i32, i32) {
    %c0_i32 = arith.constant 0 : i32
    %c0_i32_0 = arith.constant 0 : i32
    %c0_i32_1 = arith.constant 0 : i32
    return %c0_i32, %c0_i32_0 : i32, i32
  }
  func.func @transform_6(%arg0: i32) -> (i32, i32) {
    %c0_i32 = arith.constant 0 : i32
    %c0_i32_0 = arith.constant 0 : i32
    %c0_i32_1 = arith.constant 0 : i32
    return %c0_i32, %c0_i32_0 : i32, i32
  }
  func.func @transform_7(%arg0: i32) -> (i32, i32) {
    %c0_i32 = arith.constant 0 : i32
    %c0_i32_0 = arith.constant 0 : i32
    return %arg0, %c0_i32 : i32, i32
  }
}

module attributes {stable_mosaic.version = 14 : i64} {
  func.func @_final_body(%arg0: i32, %arg1: memref<1024x128xf32, #tpu.memory_space<vmem>>, %arg2: memref<1024x128xf32, #tpu.memory_space<vmem>>, %arg3: memref<32x1024xf32, #tpu.memory_space<vmem>>, %arg4: memref<1024x128xf32, #tpu.memory_space<vmem>>, %arg5: memref<1024x128xf32, #tpu.memory_space<vmem>>, %arg6: memref<1024x128xf32, #tpu.memory_space<vmem>>, %arg7: memref<1024x128xf32, #tpu.memory_space<vmem>>, %arg8: memref<128x128xf32, #tpu.memory_space<vmem>>, %arg9: memref<128x128xf32, #tpu.memory_space<vmem>>, %arg10: memref<1x128xf32, #tpu.memory_space<vmem>>, %arg11: memref<1024x128xf32, #tpu.memory_space<vmem>>) attributes {dimension_semantics = [#tpu.dimension_semantics<arbitrary>], iteration_bounds = array<i64: 10>, scalar_prefetch = 0 : i64, scratch_operands = 0 : i64, tpu.core_type = #tpu.core_type<tc>, window_params = [{transform_indices = @transform_0, window_bounds = array<i64: 1024, 128>}, {transform_indices = @transform_1, window_bounds = array<i64: 1024, 128>}, {transform_indices = @transform_2, window_bounds = array<i64: 32, 1024>}, {transform_indices = @transform_3, window_bounds = array<i64: 1024, 128>}, {transform_indices = @transform_4, window_bounds = array<i64: 1024, 128>}, {transform_indices = @transform_5, window_bounds = array<i64: 1024, 128>}, {transform_indices = @transform_6, window_bounds = array<i64: 1024, 128>}, {pipeline_mode = #tpu.pipeline_mode<synchronous>, transform_indices = @transform_7, window_bounds = array<i64: 128, 128>}, {pipeline_mode = #tpu.pipeline_mode<synchronous>, transform_indices = @transform_8, window_bounds = array<i64: 128, 128>}, {pipeline_mode = #tpu.pipeline_mode<synchronous>, transform_indices = @transform_9, window_bounds = array<i64: 1, 128>}, {transform_indices = @transform_10, window_bounds = array<i64: 1024, 128>}]} {
    %get3A = arith.constant 0 : index
    %get3A_0 = arith.constant 0 : index
    %get3A_1 = vector.load %arg1[%get3A, %get3A_0] : memref<1024x128xf32, #tpu.memory_space<vmem>>, vector<1024x128xf32>
    %get3A_2 = arith.constant 0 : index
    %get3A_3 = arith.constant 0 : index
    %get3A_4 = vector.load %arg2[%get3A_2, %get3A_3] : memref<1024x128xf32, #tpu.memory_space<vmem>>, vector<1024x128xf32>
    %add3A = arith.addf %get3A_1, %get3A_4 : vector<1024x128xf32>
    %get3A_5 = arith.constant 0 : index
    %get3A_6 = arith.constant 0 : index
    %get3A_7 = vector.load %arg3[%get3A_5, %get3A_6] : memref<32x1024xf32, #tpu.memory_space<vmem>>, vector<32x1024xf32>
    %reduce_sum3A = arith.constant dense<0.000000e+00> : vector<1024xf32>
    %reduce_sum3A_8 = vector.multi_reduction <add>, %get3A_7, %reduce_sum3A [0] : vector<32x1024xf32> to vector<1024xf32>
    %max3A = arith.constant 1.000000e+00 : f32
    %max3A_9 = vector.broadcast %max3A : f32 to vector<1024xf32>
    %max3A_10 = arith.maximumf %reduce_sum3A_8, %max3A_9 : vector<1024xf32>
    %broadcast_in_dim3A = vector.shape_cast %max3A_10 : vector<1024xf32> to vector<1024x1xf32>
    %div3A = vector.broadcast %broadcast_in_dim3A : vector<1024x1xf32> to vector<1024x128xf32>
    %div3A_11 = arith.divf %add3A, %div3A : vector<1024x128xf32>
    %get3A_12 = arith.constant 0 : index
    %get3A_13 = arith.constant 0 : index
    %get3A_14 = vector.load %arg8[%get3A_12, %get3A_13] : memref<128x128xf32, #tpu.memory_space<vmem>>, vector<128x128xf32>
    %dot_general3A = arith.constant dense<0.000000e+00> : vector<1024x128xf32>
    %dot_general3A_15 = tpu.matmul %div3A_11, %get3A_14, %dot_general3A {dimension_numbers = #tpu.dot_dimension_numbers<[1], [0], [0], [1], [0, 0, 1, 1], [], []>, transpose_lhs_hint = false} : vector<1024x128xf32>, vector<128x128xf32>, vector<1024x128xf32> -> vector<1024x128xf32>
    %get3A_16 = arith.constant 0 : index
    %get3A_17 = arith.constant 0 : index
    %get3A_18 = vector.load %arg4[%get3A_16, %get3A_17] : memref<1024x128xf32, #tpu.memory_space<vmem>>, vector<1024x128xf32>
    %get3A_19 = arith.constant 0 : index
    %get3A_20 = arith.constant 0 : index
    %get3A_21 = vector.load %arg9[%get3A_19, %get3A_20] : memref<128x128xf32, #tpu.memory_space<vmem>>, vector<128x128xf32>
    %dot_general3A_22 = arith.constant dense<0.000000e+00> : vector<1024x128xf32>
    %dot_general3A_23 = tpu.matmul %get3A_18, %get3A_21, %dot_general3A_22 {dimension_numbers = #tpu.dot_dimension_numbers<[1], [0], [0], [1], [0, 0, 1, 1], [], []>, transpose_lhs_hint = false} : vector<1024x128xf32>, vector<128x128xf32>, vector<1024x128xf32> -> vector<1024x128xf32>
    %add3A_24 = arith.addf %dot_general3A_15, %dot_general3A_23 : vector<1024x128xf32>
    %get3A_25 = arith.constant 0 : index
    %get3A_26 = arith.constant 0 : index
    %get3A_27 = vector.load %arg10[%get3A_25, %get3A_26] : memref<1x128xf32, #tpu.memory_space<vmem>>, vector<1x128xf32>
    %add3A_28 = vector.broadcast %get3A_27 : vector<1x128xf32> to vector<1024x128xf32>
    %add3A_29 = arith.addf %add3A_24, %add3A_28 : vector<1024x128xf32>
    %get3A_30 = arith.constant 0 : index
    %get3A_31 = arith.constant 0 : index
    %get3A_32 = vector.load %arg7[%get3A_30, %get3A_31] : memref<1024x128xf32, #tpu.memory_space<vmem>>, vector<1024x128xf32>
    %get3A_33 = arith.constant 0 : index
    %get3A_34 = arith.constant 0 : index
    %get3A_35 = vector.load %arg5[%get3A_33, %get3A_34] : memref<1024x128xf32, #tpu.memory_space<vmem>>, vector<1024x128xf32>
    %mul3A = arith.mulf %get3A_32, %get3A_35 : vector<1024x128xf32>
    %get3A_36 = arith.constant 0 : index
    %get3A_37 = arith.constant 0 : index
    %get3A_38 = vector.load %arg6[%get3A_36, %get3A_37] : memref<1024x128xf32, #tpu.memory_space<vmem>>, vector<1024x128xf32>
    %tanh3A = math.tanh %add3A_29 : vector<1024x128xf32>
    %mul3A_39 = arith.mulf %get3A_38, %tanh3A : vector<1024x128xf32>
    %add3A_40 = arith.addf %mul3A, %mul3A_39 : vector<1024x128xf32>
    %swap3A = arith.constant 0 : index
    %swap3A_41 = arith.constant 0 : index
    %swap3A_42 = vector.load %arg11[%swap3A, %swap3A_41] : memref<1024x128xf32, #tpu.memory_space<vmem>>, vector<1024x128xf32>
    tpu.vector_store %arg11[%swap3A, %swap3A_41], %add3A_40 {strides = array<i32>} : memref<1024x128xf32, #tpu.memory_space<vmem>>, vector<1024x128xf32>,
    return
  }
  func.func @transform_0(%arg0: i32) -> (i32, i32) {
    %c0_i32 = arith.constant 0 : i32
    %c0_i32_0 = arith.constant 0 : i32
    return %arg0, %c0_i32 : i32, i32
  }
  func.func @transform_1(%arg0: i32) -> (i32, i32) {
    %c0_i32 = arith.constant 0 : i32
    %c0_i32_0 = arith.constant 0 : i32
    return %arg0, %c0_i32 : i32, i32
  }
  func.func @transform_2(%arg0: i32) -> (i32, i32) {
    %c0_i32 = arith.constant 0 : i32
    %c0_i32_0 = arith.constant 0 : i32
    return %c0_i32, %arg0 : i32, i32
  }
  func.func @transform_3(%arg0: i32) -> (i32, i32) {
    %c0_i32 = arith.constant 0 : i32
    %c0_i32_0 = arith.constant 0 : i32
    return %arg0, %c0_i32 : i32, i32
  }
  func.func @transform_4(%arg0: i32) -> (i32, i32) {
    %c0_i32 = arith.constant 0 : i32
    %c0_i32_0 = arith.constant 0 : i32
    return %arg0, %c0_i32 : i32, i32
  }
  func.func @transform_5(%arg0: i32) -> (i32, i32) {
    %c0_i32 = arith.constant 0 : i32
    %c0_i32_0 = arith.constant 0 : i32
    return %arg0, %c0_i32 : i32, i32
  }
  func.func @transform_6(%arg0: i32) -> (i32, i32) {
    %c0_i32 = arith.constant 0 : i32
    %c0_i32_0 = arith.constant 0 : i32
    return %arg0, %c0_i32 : i32, i32
  }
  func.func @transform_7(%arg0: i32) -> (i32, i32) {
    %c0_i32 = arith.constant 0 : i32
    %c0_i32_0 = arith.constant 0 : i32
    %c0_i32_1 = arith.constant 0 : i32
    return %c0_i32, %c0_i32_0 : i32, i32
  }
  func.func @transform_8(%arg0: i32) -> (i32, i32) {
    %c0_i32 = arith.constant 0 : i32
    %c0_i32_0 = arith.constant 0 : i32
    %c0_i32_1 = arith.constant 0 : i32
    return %c0_i32, %c0_i32_0 : i32, i32
  }
  func.func @transform_9(%arg0: i32) -> (i32, i32) {
    %c0_i32 = arith.constant 0 : i32
    %c0_i32_0 = arith.constant 0 : i32
    %c0_i32_1 = arith.constant 0 : i32
    return %c0_i32, %c0_i32_0 : i32, i32
  }
  func.func @transform_10(%arg0: i32) -> (i32, i32) {
    %c0_i32 = arith.constant 0 : i32
    %c0_i32_0 = arith.constant 0 : i32
    return %arg0, %c0_i32 : i32, i32
  }
}

</mosaic_0001>

<sc_bundles>
// kernel: kernel.10.cloned.1.call-start
scs
__scs_entry_jumppad:
0x0: {  	(pc) =	sbr.rel $0x88, $3  }
0x1: {  	(tag) =	ssettag $0x0;
	lr =	simm.s32 $0x1  }
0x2: {  	[smem:$0x3F94] =	sst lr;
	_ =	strace $0xD0000000  }
0x3: {  	_ = 	snop  }
0x4: {  	_ = 	snop  }
0x5: {  	_ = 	snop  }
0x6: {  	_ = 	snop  }
0x7: {  	_ = 	snop  }
__scs_overlays_trampoline_lowered:
0x8: {  	[smem:$0x3FA3] =	sst s0  }
0x9: {  	[smem:$0x3FA4] =	sst s1  }
0xa: {  	[smem:$0x3FA5] =	sst s2  }
0xb: {  	[smem:$0x3FA6] =	sst s3  }
0xc: {  	[smem:$0x3FA7] =	sst s4  }
0xd: {  	[smem:$0x3FA8] =	sst s5  }
0xe: {  	[smem:$0x3FA9] =	sst s6  }
0xf: {  	[smem:$0x3FAA] =	sst s7  }
0x10: {  	[smem:$0x3FAB] =	sst s8  }
0x11: {  	[smem:$0x3FAC] =	sst s9;
	s0 =	simm.s32 @!p0 $0x0  }
0x12: {  	s1 =	sld [smem:$0x3F92];
	s0 =	simm.s32 @p0 $0x1  }
0x13: {  	[smem:$0x3FAD] =	sst s0;
	s0 =	simm.s32 @!p1 $0x0  }
0x14: {  	s2 =	sld [smem:$0x3F91];
	s0 =	simm.s32 @p1 $0x1  }
0x15: {  	[smem:$0x3FAE] =	sst s0;
	s0 =	simm.s32 @!p2 $0x0  }
0x16: {  	s3 =	sld [smem:$0x3FDB];
	s0 =	simm.s32 @p2 $0x1  }
0x17: {  	s4 =	simm.s32 $0x1BF5;
	[smem:$0x3FB0] =	sst s0  }
0x18: {  	s0 =	sld [smem:$0x3F93];
	_ =	swait.ge [sflag:s4], $0x0  }
0x19: {  	s7 =	sld [smem:$0x3F94]  }
0x1a: {  	s8 =	sadd.s32 $0xFFFFE003, lr  }
0x1b: {  	s9 =	sadd.s32 $0xFFFFFEF7, lr;
	s5 =	simm.s32 $0xFFFFFFFF;
	p2 =	slt.u32 s8, $0xFFFFF086  }
0x1c: {  	p1 =	slt.u32 s9, $0xF7A;
	s5 =	simm.s32 @!p2 $0x0  }
0x1d: {  	s5 =	simm.s32 @p1 $0x1;
	p0 =	seq.s32 s7, s2  }
0x1e: {  	s7 =	smul.u32 @!p0 $0xF7A, s2;
	p2 =	seq.s32 @!p0 s5, $0x0  }
0x1f: {  	s9 =	smul.u32 $0xF7A, s1;
	s8 =	simm.s32 @!p0 $0x1BF5;
	p2 =	por !p2, p0  }
0x20: {  	[sflag:s8] =	ssyncset.s32 @!p0 $0xFFFFF086;
	s6 =	sadd.s32 @!p0 s3, s7;
	s7 =	simm.s32 @!p0 $0x108  }
0x21: {  	s3 =	sadd.s32 s3, s9;
	s6 =	sadd.s32 @!p0 $0x88, s6;
	s7 =	simm.s32 @p2 $0x1082  }
0x22: {  	[simem:s7], [sflag:s8] =	dma.local @!p0 [hbm:s6], $0xF7A  }
0x23: {  	s9 =	sor.u32 $0xD0000000, s2;
	s6 =	simm.s32 $0x108;
	_ =	swait.ge @!p0 [sflag:s8], $0x0  }
0x24: {  	s3 =	sadd.s32 $0x88, s3;
	s6 =	simm.s32 @!p1 $0x1082;
	[sflag:s4] =	ssyncset.s32 $0xFFFFF086  }
0x25: {  	[simem:s6], [sflag:s4] =	dma.local [hbm:s3], $0xF7A  }
0x26: {  	[smem:$0x3F94] =	sst s1;
	(tag) =	ssettag s2;
	_ =	strace s9  }
0x27: {  	s1 =	sld [smem:$0x3FA4]  }
0x28: {  	s2 =	sld [smem:$0x3FA5]  }
0x29: {  	s4 =	sld [smem:$0x3FA7]  }
0x2a: {  	p0 =	seq.s32 s5, $0x0;
	s5 =	sld [smem:$0x3FA8]  }
0x2b: {  	s6 =	sld [smem:$0x3FA9]  }
0x2c: {  	s7 =	sld [smem:$0x3FAA]  }
0x2d: {  	s3 =	simm.s32 $0x108;
	s8 =	sld [smem:$0x3FAB]  }
0x2e: {  	s3 =	simm.s32 @!p0 $0x1082;
	s9 =	sld [smem:$0x3FAC]  }
0x2f: {  	lr =	sadd.s32 s0, s3;
	s0 =	sld [smem:$0x3FA3]  }
0x30: {  	s3 =	sld [smem:$0x3FA6]  }
0x31: {  	[smem:$0x3FAF] =	sst s10  }
0x32: {  	s10 =	sld [smem:$0x3FAD];
	_ =	sdelay $0x3  }
0x33: {  	p0 =	seq.s32 s10, $0x1;
	s10 =	sld [smem:$0x3FAF];
	_ =	sdelay $0x3  }
0x34: {  	[smem:$0x3FAF] =	sst s10  }
0x35: {  	s10 =	sld [smem:$0x3FAE];
	_ =	sdelay $0x3  }
0x36: {  	p1 =	seq.s32 s10, $0x1;
	s10 =	sld [smem:$0x3FAF];
	_ =	sdelay $0x3  }
0x37: {  	[smem:$0x3FAF] =	sst s10  }
0x38: {  	s10 =	sld [smem:$0x3FB0]  }
0x39: {  	_ = 	snop;
	(pc) =	sbr.ind lr, $3  }
0x3a: {  	_ = 	snop  }
0x3b: {  	_ = 	snop  }
0x3c: {  	p2 =	seq.s32 s10, $0x1;
	s10 =	sld [smem:$0x3FAF]  }
0x3d: {  	_ =	shalt  }
0x3e: {  	_ =	shalt  }
0x3f: {  	_ =	shalt  }
0x40: {  	_ =	shalt  }
0x41: {  	_ =	shalt  }
0x42: {  	_ =	shalt  }
0x43: {  	_ =	shalt  }
0x44: {  	_ =	shalt  }
0x45: {  	_ =	shalt  }
0x46: {  	_ =	shalt  }
0x47: {  	_ =	shalt  }
0x48: {  	_ =	shalt  }
0x49: {  	_ =	shalt  }
0x4a: {  	_ =	shalt  }
0x4b: {  	_ =	shalt  }
0x4c: {  	_ =	shalt  }
0x4d: {  	_ =	shalt  }
0x4e: {  	_ =	shalt  }
0x4f: {  	_ =	shalt  }
0x50: {  	_ =	shalt  }
0x51: {  	_ =	shalt  }
0x52: {  	_ =	shalt  }
0x53: {  	_ =	shalt  }
0x54: {  	_ =	shalt  }
0x55: {  	_ =	shalt  }
0x56: {  	_ =	shalt  }
0x57: {  	_ =	shalt  }
0x58: {  	_ =	shalt  }
0x59: {  	_ =	shalt  }
0x5a: {  	_ =	shalt  }
0x5b: {  	_ =	shalt  }
0x5c: {  	_ =	shalt  }
0x5d: {  	_ =	shalt  }
0x5e: {  	_ =	shalt  }
0x5f: {  	_ =	shalt  }
0x60: {  	_ =	shalt  }
0x61: {  	_ =	shalt  }
0x62: {  	_ =	shalt  }
0x63: {  	_ =	shalt  }
0x64: {  	_ =	shalt  }
0x65: {  	_ =	shalt  }
0x66: {  	_ =	shalt  }
0x67: {  	_ =	shalt  }
0x68: {  	_ =	shalt  }
0x69: {  	_ =	shalt  }
0x6a: {  	_ =	shalt  }
0x6b: {  	_ =	shalt  }
0x6c: {  	_ =	shalt  }
0x6d: {  	_ =	shalt  }
0x6e: {  	_ =	shalt  }
0x6f: {  	_ =	shalt  }
0x70: {  	_ =	shalt  }
0x71: {  	_ =	shalt  }
0x72: {  	_ =	shalt  }
0x73: {  	_ =	shalt  }
0x74: {  	_ =	shalt  }
0x75: {  	_ =	shalt  }
0x76: {  	_ =	shalt  }
0x77: {  	_ =	shalt  }
0x78: {  	_ =	shalt  }
0x79: {  	_ =	shalt  }
0x7a: {  	_ =	shalt  }
0x7b: {  	_ =	shalt  }
0x7c: {  	_ =	shalt  }
0x7d: {  	_ =	shalt  }
0x7e: {  	_ =	shalt  }
0x7f: {  	_ =	shalt  }
0x80: {  	_ =	shalt  }
0x81: {  	_ =	shalt  }
0x82: {  	_ =	shalt  }
0x83: {  	_ =	shalt  }
0x84: {  	_ =	shalt  }
0x85: {  	_ =	shalt  }
0x86: {  	_ =	shalt  }
0x87: {  	_ =	shalt  }
.Lfunc_end0:
.L_simem_size_0:
called_computation.1_lowered:
.L_overlay_start_0:
0x88: {  	s2 =	sld [smem:$0x3FD9]  }
0x89: {  	s3 =	sld [smem:$0x3FFE];
	_ =	sdelay $0x1  }
0x8a: {  	s1 =	srdreg.scid  }
0x8b: {  	s0 =	sand.u32 $0x1, s1  }
0x8c: {  	s17 =	sshll.u32 s0, $0xA;
	s2 =	sadd.s32 s3, s2  }
0x8d: {  	s2 =	sadd.s32 s2, s17  }
0x8e: {  	[smem:$0x3FBB] =	sst s2  }
0x8f: {  	_ = 	snop  }
0x90: {  	s2 =	sld [smem:$0x3FD0];
	(tm) =	ssettm $0x1  }
0x91: {  	s18 =	sld [smem:$0x3FFB];
	_ =	sdelay $0x3  }
0x92: {  	_ =	strace s18  }
0x93: {  	s3 =	sld [smem:$0x3FFC];
	_ =	sdelay $0x3  }
0x94: {  	_ =	strace s3  }
0x95: {  	s3 =	sld [smem:$0x3FFD];
	_ =	sdelay $0x3  }
0x96: {  	_ =	strace s3  }
0x97: {  	_ =	strace $0x8FFFFFFF  }
0x98: {  	s19 =	sld [smem:$0x3FDB];
	_ =	sdelay $0x1  }
0x99: {  	s4 =	simm.s32 $_scs_section_size  }
0x9a: {  	s5 =	simm.s32 $_size__tile_overlayer_lowered;
	s6 =	simm.s32 $_tile_overlayer_lowered  }
0x9b: {  	s22 =	simm.s32 $0x1BFF;
	s21 =	sshll.u32 s6, $0x1;
	s3 =	sadd.s32 s4, s19  }
0x9c: {  	s7 =	simm.s32 $0x0;
	s20 =	sshll.u32 s5, $0x1;
	s5 =	sadd.s32 s21, s3  }
0x9d: {  	[timem:s7], [sflag:s22] =	dma.local [hbm:s5], s20  }
0x9e: {  	_ =	swait.ge [sflag:s22], s20  }
0x9f: {  	s4 =	ssub.s32 $0x0, s20;
	[sflag:s22] =	ssyncset.done $0x0  }
0xa0: {  	[sflag:s22] =	ssyncadd.s32 s4;
	_ =	sdelay $0x1  }
0xa1: {  	s23 =	simm.s32 $0x1B8B  }
0xa2: {  	_ =	swait.ge [sflag:s23], $0x1  }
0xa3: {  	[sflag:s23] =	ssyncset.done $0x0  }
0xa4: {  	s25 =	simm.s32 $0x1B8E;
	s24 =	sld [smem:$0x3FFE];
	[sflag:s23] =	ssyncadd.s32 $0xFFFFFFFF  }
0xa5: {  	s26 =	simm.s32 $execute0_lowered;
	[smem:$0x3FD2] =	sst s25  }
0xa6: {  	s5 =	sshll.u32 s26, $0x1;
	_ =	strace $0x80000049;
	[dreg:$0x1] =	wrdreg $0xFFFFFFFF  }
0xa7: {  	s28 =	simm.s32 $_size_execute0_lowered;
	s3 =	sadd.s32 s3, s5;
	[dreg:$0x0] =	wrdreg $0x0  }
0xa8: {  	s5 =	sshll.u32 s28, $0x1;
	[dreg:$0x2] =	wrdreg s3  }
0xa9: {  	[dreg:$0x3] =	wrdreg s5  }
0xaa: {  	[dreg:$0x4] =	wrdreg $0xC0  }
0xab: {  	_ =	task [dreg:s7], $0x5FFFF  }
0xac: {  	[dreg:$0x1] =	wrdreg $0xFFFFFFFF  }
0xad: {  	[dreg:$0x0] =	wrdreg $0x60  }
0xae: {  	[dreg:$0x2] =	wrdreg s2  }
0xaf: {  	[dreg:$0x3] =	wrdreg s24  }
0xb0: {  	[dreg:$0x4] =	wrdreg $0x8C000  }
0xb1: {  	[dreg:$0x5] =	wrdreg $0x9  }
0xb2: {  	_ =	task.clear_ibuf [dreg:s7], $0x6FFFF;
	_ =	strace $0x90000049  }
0xb3: {  	s29 =	simm.s32 $0x9;
	_ =	strace $0x8000004B  }
0xb4: {  	_ =	swait.ge [sflag:s29], $0x1  }
0xb5: {  	[sflag:s29] =	ssyncadd.s32 $0xFFFFFFFF  }
0xb6: {  	_ =	strace $0x9000004B  }
0xb7: {  	_ =	sfence  }
0xb8: {  	s30 =	sld [smem:$0x0];
	_ =	sdelay $0x2  }
0xb9: {  	s31 =	sshll.u32 s1, $0xD;
	s1 =	sshrl.u32 s1, $0x2  }
0xba: {  	s3 =	sand.u32 $0x4000, s31;
	s1 =	sadd.s32 s1, s30  }
0xbb: {  	s0 =	sor.u32 s3, s0;
	s1 =	sshll.u32 s1, $0x11  }
0xbc: {  	s0 =	sor.u32 s1, s0  }
0xbd: {  	s0 =	sadd.s32 $0x8F2B, s0  }
0xbe: {  	[sflag:s0] =	ssyncadd.remote.s32 $0x1  }
0xbf: {  	_ =	sfence.sel $0xFFFF  }
0xc0: {  	[dreg:$0x0] =	wrdreg $0xFFFFFFFF;
	(pc) =	sbr.abs _section_cstart, $3  }
0xc1: {  	[dreg:$0x1] =	wrdreg $0xFFFFFFFF  }
0xc2: {  	_ =	task.clear_ibuf [dreg:s7], $0x2FFFF;
	_ =	strace $0x9FFFFFFF  }
0xc3: {  	(tm) =	ssettm $0x7FFFFFFF  }
tec
execute0_lowered:
.L_overlay_start_1:
0x0: {  	(tag) =	ssettag $0x1  }
0x1: {  	s0 =	rddreg [dreg:$0x0]  }
0x2: {  	s2 =	srdreg.scid;
	s11 =	stileid.u32  }
0x3: {  	s1 =	rddreg [dreg:$0x1];
	s2 =	sand.u32 $0x1, s2;
	s6 =	smul.u32 $0x13C00, s11  }
0x4: {  	s3 =	rddreg [dreg:$0x2];
	s4 =	simm.s32 $0x0;
	s5 =	smul.u32 $0x13C000, s2  }
0x5: {  	[smem:$0x7FF] =	sst s4;
	s8 =	smul.u32 $0x4F000, s11  }
0x6: {  	s7 =	sadd.s32 $0x4400, s1;
	s9 =	sadd.s32 $0xE400, s1;
	s5 =	sadd.s32 s6, s5  }
0x7: {  	s13 =	smul.u32 $0x2800, s11;
	s30 =	sshrl.u32 s8, $0x2;
	s5 =	sshrl.u32 s5, $0x3  }
0x8: {  	_ =	strace $0x8000004A;
	s1 =	sadd.s32 s5, s1;
	s5 =	sadd.s32 s30, s3  }
0x9: {  	s24 =	sshll.u32 s2, $0x4;
	s26 =	ssub.s32 $0x2, s2;
	s12 =	sadd.s32 $0x800, s5  }
0xa: {  	s2 =	smul.u32 $0x28000, s2;
	s14 =	sadd.s32 $0x1000, s5;
	[dreg:$0x9] =	wrdreg s12  }
0xb: {  	s25 =	sor.u32 s11, s24;
	s15 =	sadd.s32 $0x1800, s5;
	[dreg:$0xa] =	wrdreg s14  }
0xc: {  	s10 =	smul.u32 $0x2800, s25;
	s16 =	sadd.s32 $0x2000, s5;
	[dreg:$0xb] =	wrdreg s15  }
0xd: {  	s2 =	sadd.s32 s13, s2;
	s17 =	sadd.s32 $0x2800, s5;
	[dreg:$0xc] =	wrdreg s16  }
0xe: {  	s10 =	sshrl.u32 s10, $0x3;
	s18 =	sadd.s32 $0x3000, s5;
	[dreg:$0xd] =	wrdreg s17  }
0xf: {  	s20 =	sor.u32 $0x380, s2;
	s19 =	sadd.s32 s7, s10;
	[dreg:$0xe] =	wrdreg s18  }
0x10: {  	s8 =	sshrl.u32 s20, $0x3;
	s21 =	sadd.s32 s9, s10;
	[dreg:$0xf] =	wrdreg s19  }
0x11: {  	s13 =	sor.u32 $0x300, s2;
	s23 =	sadd.s32 s8, s9;
	[dreg:$0x10] =	wrdreg s21  }
0x12: {  	s24 =	sshrl.u32 s13, $0x3;
	s8 =	sadd.s32 s8, s7;
	[dreg:$0x4] =	wrdreg s23  }
0x13: {  	s31 =	sshrl.u32 s26, $0x1;
	s25 =	sadd.s32 s24, s9;
	[dreg:$0x5] =	wrdreg s8  }
0x14: {  	s22 =	sor.u32 $0x10, s10;
	s1 =	sadd.s32 $0x18400, s1;
	[dreg:$0x6] =	wrdreg s25  }
0x15: {  	s6 =	ssub.s32 s26, s31;
	s12 =	sadd.s32 s7, s22;
	[dreg:$0x18] =	wrdreg s1  }
0x16: {  	s26 =	sor.u32 $0x20, s10;
	s11 =	sadd.s32 s9, s22;
	[dreg:$0x11] =	wrdreg s12  }
0x17: {  	s10 =	sor.u32 $0x30, s10;
	s31 =	sadd.s32 s7, s26;
	[dreg:$0x12] =	wrdreg s11  }
0x18: {  	s13 =	sadd.s32 s7, s10;
	[dreg:$0x13] =	wrdreg s31  }
0x19: {  	s10 =	sadd.s32 s9, s10;
	[dreg:$0x15] =	wrdreg s13  }
0x1a: {  	s14 =	sadd.s32 $0x3800, s5;
	[dreg:$0x16] =	wrdreg s10  }
0x1b: {  	s15 =	smax.u32 s6, $0x1;
	[dreg:$0x17] =	wrdreg s14  }
0x1c: {  	s16 =	sadd.s32 $0x4000, s5;
	[dreg:$0x19] =	wrdreg s15  }
0x1d: {  	s17 =	sadd.s32 $0x4800, s5;
	[dreg:$0x1a] =	wrdreg s16  }
0x1e: {  	s30 =	sor.u32 $0x280, s2;
	s18 =	sadd.s32 $0x5000, s5;
	[dreg:$0x1b] =	wrdreg s17  }
0x1f: {  	s2 =	sor.u32 $0x200, s2;
	s19 =	sadd.s32 $0x5800, s5;
	[dreg:$0x1c] =	wrdreg s18  }
0x20: {  	s2 =	sshrl.u32 s2, $0x3;
	s23 =	sadd.s32 $0x6000, s5;
	[dreg:$0x1d] =	wrdreg s19  }
0x21: {  	s8 =	sshrl.u32 s30, $0x3;
	s25 =	sadd.s32 $0x7000, s5;
	[dreg:$0x1e] =	wrdreg s23  }
0x22: {  	s21 =	sadd.s32 s2, s9;
	s30 =	sadd.s32 $0x8000, s5;
	[smem:$0x7E5] =	sst s25  }
0x23: {  	s22 =	sadd.s32 s2, s7;
	s2 =	sadd.s32 $0x9000, s5;
	[smem:$0x7E7] =	sst s30  }
0x24: {  	s6 =	sadd.s32 $0x9800, s5;
	[smem:$0x7E9] =	sst s2  }
0x25: {  	s11 =	sadd.s32 s9, s26;
	[smem:$0x7EA] =	sst s6  }
0x26: {  	s12 =	sadd.s32 s24, s7;
	[dreg:$0x14] =	wrdreg s11  }
0x27: {  	s24 =	sadd.s32 $0x6800, s5;
	[dreg:$0x7] =	wrdreg s12  }
0x28: {  	s26 =	sadd.s32 $0x7800, s5;
	[dreg:$0x1f] =	wrdreg s24  }
0x29: {  	s31 =	sadd.s32 $0x8800, s5;
	[smem:$0x7E6] =	sst s26  }
0x2a: {  	s20 =	sadd.s32 s8, s7;
	s7 =	sadd.s32 $0xA000, s5;
	[smem:$0x7E8] =	sst s31  }
0x2b: {  	s10 =	sadd.s32 $0xB800, s5;
	[smem:$0x7EB] =	sst s7  }
0x2c: {  	s13 =	sadd.s32 $0xD000, s5;
	[smem:$0x7EE] =	sst s10  }
0x2d: {  	s14 =	sadd.s32 $0xD800, s5;
	[smem:$0x7F1] =	sst s13  }
0x2e: {  	s15 =	sadd.s32 $0xE000, s5;
	[smem:$0x7F2] =	sst s14  }
0x2f: {  	s28 =	simm.s32 $0x6;
	s16 =	sadd.s32 $0xE800, s5;
	[smem:$0x7F3] =	sst s15  }
0x30: {  	s29 =	simm.s32 $0x0;
	s17 =	sadd.s32 $0xF000, s5;
	[smem:$0x7F4] =	sst s16  }
0x31: {  	s18 =	sadd.s32 $0xF800, s5;
	s19 =	sadd.s32 $0x10000, s5;
	[smem:$0x7F5] =	sst s17  }
0x32: {  	s23 =	sadd.s32 $0x10800, s5;
	s25 =	sadd.s32 $0x11800, s5;
	[smem:$0x7F6] =	sst s18  }
0x33: {  	s30 =	sadd.s32 $0x12800, s5;
	s6 =	sadd.s32 $0x13800, s5;
	[smem:$0x7F7] =	sst s19  }
0x34: {  	s12 =	sadd.s32 s8, s9;
	s8 =	sadd.s32 $0xA800, s5;
	[smem:$0x7F8] =	sst s23  }
0x35: {  	s9 =	sadd.s32 $0xB000, s5;
	s11 =	sadd.s32 $0xC000, s5;
	[smem:$0x7FA] =	sst s25  }
0x36: {  	s24 =	sadd.s32 $0x11000, s5;
	s26 =	sadd.s32 $0x12000, s5;
	[smem:$0x7FC] =	sst s30  }
0x37: {  	s31 =	sadd.s32 $0x13000, s5;
	s7 =	simm.s32 $0x8400;
	[dreg:$0x8] =	wrdreg s12  }
0x38: {  	s10 =	simm.s32 $0x180;
	s13 =	simm.s32 $0x300;
	[smem:$0x7EC] =	sst s8  }
0x39: {  	s14 =	simm.s32 $0x380;
	s15 =	simm.s32 $0x3;
	[smem:$0x7ED] =	sst s9  }
0x3a: {  	s16 =	simm.s32 $0x400;
	s17 =	simm.s32 $0x4;
	[smem:$0x7EF] =	sst s11  }
0x3b: {  	s18 =	simm.s32 $0x4400;
	s19 =	simm.s32 $0x7;
	[smem:$0x7F9] =	sst s24  }
0x3c: {  	s23 =	simm.s32 $0x1;
	s25 =	simm.s32 $0x5;
	[smem:$0x7FB] =	sst s26  }
0x3d: {  	s12 =	sadd.s32 $0xC800, s5;
	[smem:$0x7FD] =	sst s31;
	s8 =	simm.s32 $0x80  }
0x3e: {  	s9 =	simm.s32 $0x100;
	s11 =	simm.s32 $0x200;
	s24 =	simm.s32 $0x8  }
0x3f: {  	v0 =	vimm.f32 $0.0e+00;
	s26 =	simm.s32 $0x2;
	[smem:$0x7F0] =	sst s12;
	s12 =	simm.s32 $0x280  }
.LBB2_1:
0x40: {  	[tilespmem:$0x8400] =	vst v0  }
0x41: {  	[tilespmem:$0x8410] =	vst v0  }
0x42: {  	[tilespmem:$0x8420] =	vst v0  }
0x43: {  	[tilespmem:$0x8430] =	vst v0  }
0x44: {  	[tilespmem:$0x8440] =	vst v0  }
0x45: {  	[tilespmem:$0x8450] =	vst v0  }
0x46: {  	[tilespmem:$0x8460] =	vst v0  }
0x47: {  	[tilespmem:$0x8470] =	vst v0  }
0x48: {  	[tilespmem:$0x8480] =	vst v0  }
0x49: {  	[tilespmem:$0x8490] =	vst v0  }
0x4a: {  	[tilespmem:$0x84A0] =	vst v0  }
0x4b: {  	[tilespmem:$0x84B0] =	vst v0  }
0x4c: {  	[tilespmem:$0x84C0] =	vst v0  }
0x4d: {  	[tilespmem:$0x84D0] =	vst v0  }
0x4e: {  	[tilespmem:$0x84E0] =	vst v0  }
0x4f: {  	[tilespmem:$0x84F0] =	vst v0  }
0x50: {  	[tilespmem:$0x8500] =	vst v0  }
0x51: {  	[tilespmem:$0x8510] =	vst v0  }
0x52: {  	[tilespmem:$0x8520] =	vst v0  }
0x53: {  	[tilespmem:$0x8530] =	vst v0  }
0x54: {  	[tilespmem:$0x8540] =	vst v0  }
0x55: {  	[tilespmem:$0x8550] =	vst v0  }
0x56: {  	[tilespmem:$0x8560] =	vst v0  }
0x57: {  	[tilespmem:$0x8570] =	vst v0  }
0x58: {  	[tilespmem:$0x8580] =	vst v0  }
0x59: {  	[tilespmem:$0x8590] =	vst v0  }
0x5a: {  	[tilespmem:$0x85A0] =	vst v0  }
0x5b: {  	[tilespmem:$0x85B0] =	vst v0  }
0x5c: {  	[tilespmem:$0x85C0] =	vst v0  }
0x5d: {  	[tilespmem:$0x85D0] =	vst v0  }
0x5e: {  	[tilespmem:$0x85E0] =	vst v0  }
0x5f: {  	[tilespmem:$0x85F0] =	vst v0  }
0x60: {  	[tilespmem:$0x8600] =	vst v0  }
0x61: {  	[tilespmem:$0x8610] =	vst v0  }
0x62: {  	[tilespmem:$0x8620] =	vst v0  }
0x63: {  	[tilespmem:$0x8630] =	vst v0  }
0x64: {  	[tilespmem:$0x8640] =	vst v0  }
0x65: {  	[tilespmem:$0x8650] =	vst v0  }
0x66: {  	[tilespmem:$0x8660] =	vst v0  }
0x67: {  	[tilespmem:$0x8670] =	vst v0  }
0x68: {  	[tilespmem:$0x8680] =	vst v0  }
0x69: {  	[tilespmem:$0x8690] =	vst v0  }
0x6a: {  	[tilespmem:$0x86A0] =	vst v0  }
0x6b: {  	[tilespmem:$0x86B0] =	vst v0  }
0x6c: {  	[tilespmem:$0x86C0] =	vst v0  }
0x6d: {  	[tilespmem:$0x86D0] =	vst v0  }
0x6e: {  	[tilespmem:$0x86E0] =	vst v0  }
0x6f: {  	[tilespmem:$0x86F0] =	vst v0  }
0x70: {  	[tilespmem:$0x8700] =	vst v0  }
0x71: {  	[tilespmem:$0x8710] =	vst v0  }
0x72: {  	[tilespmem:$0x8720] =	vst v0  }
0x73: {  	[tilespmem:$0x8730] =	vst v0  }
0x74: {  	[tilespmem:$0x8740] =	vst v0  }
0x75: {  	[tilespmem:$0x8750] =	vst v0  }
0x76: {  	[tilespmem:$0x8760] =	vst v0  }
0x77: {  	[tilespmem:$0x8770] =	vst v0  }
0x78: {  	[tilespmem:$0x8780] =	vst v0  }
0x79: {  	[tilespmem:$0x8790] =	vst v0  }
0x7a: {  	[tilespmem:$0x87A0] =	vst v0  }
0x7b: {  	[tilespmem:$0x87B0] =	vst v0  }
0x7c: {  	[tilespmem:$0x87C0] =	vst v0  }
0x7d: {  	[tilespmem:$0x87D0] =	vst v0  }
0x7e: {  	[tilespmem:$0x87E0] =	vst v0  }
0x7f: {  	[tilespmem:$0x87F0] =	vst v0  }
0x80: {  	[tilespmem:$0x8800] =	vst v0  }
0x81: {  	[tilespmem:$0x8810] =	vst v0  }
0x82: {  	[tilespmem:$0x8820] =	vst v0  }
0x83: {  	[tilespmem:$0x8830] =	vst v0  }
0x84: {  	[tilespmem:$0x8840] =	vst v0  }
0x85: {  	[tilespmem:$0x8850] =	vst v0  }
0x86: {  	[tilespmem:$0x8860] =	vst v0  }
0x87: {  	[tilespmem:$0x8870] =	vst v0  }
0x88: {  	[tilespmem:$0x8880] =	vst v0  }
0x89: {  	[tilespmem:$0x8890] =	vst v0  }
0x8a: {  	[tilespmem:$0x88A0] =	vst v0  }
0x8b: {  	[tilespmem:$0x88B0] =	vst v0  }
0x8c: {  	[tilespmem:$0x88C0] =	vst v0  }
0x8d: {  	[tilespmem:$0x88D0] =	vst v0  }
0x8e: {  	[tilespmem:$0x88E0] =	vst v0  }
0x8f: {  	[tilespmem:$0x88F0] =	vst v0  }
0x90: {  	[tilespmem:$0x8900] =	vst v0  }
0x91: {  	[tilespmem:$0x8910] =	vst v0  }
0x92: {  	[tilespmem:$0x8920] =	vst v0  }
0x93: {  	[tilespmem:$0x8930] =	vst v0  }
0x94: {  	[tilespmem:$0x8940] =	vst v0  }
0x95: {  	[tilespmem:$0x8950] =	vst v0  }
0x96: {  	[tilespmem:$0x8960] =	vst v0  }
0x97: {  	[tilespmem:$0x8970] =	vst v0  }
0x98: {  	[tilespmem:$0x8980] =	vst v0  }
0x99: {  	[tilespmem:$0x8990] =	vst v0  }
0x9a: {  	[tilespmem:$0x89A0] =	vst v0  }
0x9b: {  	[tilespmem:$0x89B0] =	vst v0  }
0x9c: {  	[tilespmem:$0x89C0] =	vst v0  }
0x9d: {  	[tilespmem:$0x89D0] =	vst v0  }
0x9e: {  	[tilespmem:$0x89E0] =	vst v0  }
0x9f: {  	[tilespmem:$0x89F0] =	vst v0  }
0xa0: {  	[tilespmem:$0x8A00] =	vst v0  }
0xa1: {  	[tilespmem:$0x8A10] =	vst v0  }
0xa2: {  	[tilespmem:$0x8A20] =	vst v0  }
0xa3: {  	[tilespmem:$0x8A30] =	vst v0  }
0xa4: {  	[tilespmem:$0x8A40] =	vst v0  }
0xa5: {  	[tilespmem:$0x8A50] =	vst v0  }
0xa6: {  	[tilespmem:$0x8A60] =	vst v0  }
0xa7: {  	[tilespmem:$0x8A70] =	vst v0  }
0xa8: {  	[tilespmem:$0x8A80] =	vst v0  }
0xa9: {  	[tilespmem:$0x8A90] =	vst v0  }
0xaa: {  	[tilespmem:$0x8AA0] =	vst v0  }
0xab: {  	[tilespmem:$0x8AB0] =	vst v0  }
0xac: {  	[tilespmem:$0x8AC0] =	vst v0  }
0xad: {  	[tilespmem:$0x8AD0] =	vst v0  }
0xae: {  	[tilespmem:$0x8AE0] =	vst v0  }
0xaf: {  	[tilespmem:$0x8AF0] =	vst v0  }
0xb0: {  	[tilespmem:$0x8B00] =	vst v0  }
0xb1: {  	[tilespmem:$0x8B10] =	vst v0  }
0xb2: {  	[tilespmem:$0x8B20] =	vst v0  }
0xb3: {  	[tilespmem:$0x8B30] =	vst v0  }
0xb4: {  	[tilespmem:$0x8B40] =	vst v0  }
0xb5: {  	[tilespmem:$0x8B50] =	vst v0  }
0xb6: {  	[tilespmem:$0x8B60] =	vst v0  }
0xb7: {  	[tilespmem:$0x8B70] =	vst v0  }
0xb8: {  	[tilespmem:$0x8B80] =	vst v0  }
0xb9: {  	[tilespmem:$0x8B90] =	vst v0  }
0xba: {  	[tilespmem:$0x8BA0] =	vst v0  }
0xbb: {  	[tilespmem:$0x8BB0] =	vst v0  }
0xbc: {  	[tilespmem:$0x8BC0] =	vst v0  }
0xbd: {  	[tilespmem:$0x8BD0] =	vst v0  }
0xbe: {  	[tilespmem:$0x8BE0] =	vst v0  }
0xbf: {  	[tilespmem:$0x8BF0] =	vst v0;
	s1 =	rddreg [dreg:$0x9]  }
0xc0: {  	[spmem:s5] =	stream.linear.scatter [tilespmem:s7], [sflag:$0x7], $0x800, $0x38;
	[tilespmem:$0x1C800] =	vst v63  }
0xc1: {  	s31 =	rddreg [dreg:$0xa]  }
0xc2: {  	[spmem:s1] =	stream.linear.scatter [tilespmem:s7], [sflag:$0x7], $0x800, $0x38;
	[tilespmem:$0x1C800] =	vst v63  }
0xc3: {  	s2 =	rddreg [dreg:$0xb]  }
0xc4: {  	[spmem:s31] =	stream.linear.scatter [tilespmem:s7], [sflag:$0x7], $0x800, $0x38;
	[tilespmem:$0x1C800] =	vst v63  }
0xc5: {  	s31 =	rddreg [dreg:$0xc]  }
0xc6: {  	[spmem:s2] =	stream.linear.scatter [tilespmem:s7], [sflag:$0x7], $0x800, $0x38;
	[tilespmem:$0x1C800] =	vst v63  }
0xc7: {  	s2 =	rddreg [dreg:$0xd]  }
0xc8: {  	[spmem:s31] =	stream.linear.scatter [tilespmem:s7], [sflag:$0x7], $0x800, $0x38;
	[tilespmem:$0x1C800] =	vst v63  }
0xc9: {  	s31 =	rddreg [dreg:$0xe]  }
0xca: {  	[spmem:s2] =	stream.linear.scatter [tilespmem:s7], [sflag:$0x7], $0x800, $0x38;
	[tilespmem:$0x1C800] =	vst v63  }
0xcb: {  	s2 =	rddreg [dreg:$0x17]  }
0xcc: {  	[spmem:s31] =	stream.linear.scatter [tilespmem:s7], [sflag:$0x7], $0x800, $0x38;
	[tilespmem:$0x1C800] =	vst v63  }
0xcd: {  	s31 =	rddreg [dreg:$0x1a]  }
0xce: {  	[spmem:s2] =	stream.linear.scatter [tilespmem:s7], [sflag:$0x7], $0x800, $0x38;
	[tilespmem:$0x1C800] =	vst v63  }
0xcf: {  	s2 =	rddreg [dreg:$0x1b]  }
0xd0: {  	[spmem:s31] =	stream.linear.scatter [tilespmem:s7], [sflag:$0x7], $0x800, $0x38;
	[tilespmem:$0x1C800] =	vst v63  }
0xd1: {  	s31 =	rddreg [dreg:$0x1c]  }
0xd2: {  	[spmem:s2] =	stream.linear.scatter [tilespmem:s7], [sflag:$0x7], $0x800, $0x38;
	[tilespmem:$0x1C800] =	vst v63  }
0xd3: {  	s2 =	rddreg [dreg:$0x1d]  }
0xd4: {  	[spmem:s31] =	stream.linear.scatter [tilespmem:s7], [sflag:$0x7], $0x800, $0x38;
	[tilespmem:$0x1C800] =	vst v63  }
0xd5: {  	s31 =	rddreg [dreg:$0x1e]  }
0xd6: {  	[spmem:s2] =	stream.linear.scatter [tilespmem:s7], [sflag:$0x7], $0x800, $0x38;
	[tilespmem:$0x1C800] =	vst v63  }
0xd7: {  	s2 =	rddreg [dreg:$0x1f]  }
0xd8: {  	[spmem:s31] =	stream.linear.scatter [tilespmem:s7], [sflag:$0x7], $0x800, $0x38;
	[tilespmem:$0x1C800] =	vst v63  }
0xd9: {  	s31 =	sld [smem:$0x7E5]  }
0xda: {  	[spmem:s2] =	stream.linear.scatter [tilespmem:s7], [sflag:$0x7], $0x800, $0x38;
	[tilespmem:$0x1C800] =	vst v63  }
0xdb: {  	s2 =	sld [smem:$0x7E6]  }
0xdc: {  	[spmem:s31] =	stream.linear.scatter [tilespmem:s7], [sflag:$0x7], $0x800, $0x38;
	[tilespmem:$0x1C800] =	vst v63  }
0xdd: {  	s31 =	sld [smem:$0x7E7]  }
0xde: {  	[spmem:s2] =	stream.linear.scatter [tilespmem:s7], [sflag:$0x7], $0x800, $0x38;
	[tilespmem:$0x1C800] =	vst v63  }
0xdf: {  	s2 =	sld [smem:$0x7E8]  }
0xe0: {  	[spmem:s31] =	stream.linear.scatter [tilespmem:s7], [sflag:$0x7], $0x800, $0x38;
	[tilespmem:$0x1C800] =	vst v63  }
0xe1: {  	s31 =	sld [smem:$0x7E9]  }
0xe2: {  	[spmem:s2] =	stream.linear.scatter [tilespmem:s7], [sflag:$0x7], $0x800, $0x38;
	[tilespmem:$0x1C800] =	vst v63  }
0xe3: {  	s2 =	sld [smem:$0x7EA]  }
0xe4: {  	[spmem:s31] =	stream.linear.scatter [tilespmem:s7], [sflag:$0x7], $0x800, $0x38;
	[tilespmem:$0x1C800] =	vst v63  }
0xe5: {  	s31 =	sld [smem:$0x7EB]  }
0xe6: {  	[spmem:s2] =	stream.linear.scatter [tilespmem:s7], [sflag:$0x7], $0x800, $0x38;
	[tilespmem:$0x1C800] =	vst v63  }
0xe7: {  	s2 =	sld [smem:$0x7EC]  }
0xe8: {  	[spmem:s31] =	stream.linear.scatter [tilespmem:s7], [sflag:$0x7], $0x800, $0x38;
	[tilespmem:$0x1C800] =	vst v63  }
0xe9: {  	s31 =	sld [smem:$0x7ED]  }
0xea: {  	[spmem:s2] =	stream.linear.scatter [tilespmem:s7], [sflag:$0x7], $0x800, $0x38;
	[tilespmem:$0x1C800] =	vst v63  }
0xeb: {  	s2 =	sld [smem:$0x7EE]  }
0xec: {  	[spmem:s31] =	stream.linear.scatter [tilespmem:s7], [sflag:$0x7], $0x800, $0x38;
	[tilespmem:$0x1C800] =	vst v63  }
0xed: {  	s31 =	sld [smem:$0x7EF]  }
0xee: {  	[spmem:s2] =	stream.linear.scatter [tilespmem:s7], [sflag:$0x7], $0x800, $0x38;
	[tilespmem:$0x1C800] =	vst v63  }
0xef: {  	s2 =	sld [smem:$0x7F0]  }
0xf0: {  	[spmem:s31] =	stream.linear.scatter [tilespmem:s7], [sflag:$0x7], $0x800, $0x38;
	[tilespmem:$0x1C800] =	vst v63  }
0xf1: {  	s31 =	sld [smem:$0x7F1]  }
0xf2: {  	[spmem:s2] =	stream.linear.scatter [tilespmem:s7], [sflag:$0x7], $0x800, $0x38;
	[tilespmem:$0x1C800] =	vst v63  }
0xf3: {  	s2 =	sld [smem:$0x7F2]  }
0xf4: {  	[spmem:s31] =	stream.linear.scatter [tilespmem:s7], [sflag:$0x7], $0x800, $0x38;
	[tilespmem:$0x1C800] =	vst v63  }
0xf5: {  	s31 =	sld [smem:$0x7F3]  }
0xf6: {  	[spmem:s2] =	stream.linear.scatter [tilespmem:s7], [sflag:$0x7], $0x800, $0x38;
	[tilespmem:$0x1C800] =	vst v63  }
0xf7: {  	s2 =	sld [smem:$0x7F4]  }
0xf8: {  	[spmem:s31] =	stream.linear.scatter [tilespmem:s7], [sflag:$0x7], $0x800, $0x38;
	[tilespmem:$0x1C800] =	vst v63  }
0xf9: {  	s31 =	sld [smem:$0x7F5]  }
0xfa: {  	[spmem:s2] =	stream.linear.scatter [tilespmem:s7], [sflag:$0x7], $0x800, $0x38;
	[tilespmem:$0x1C800] =	vst v63  }
0xfb: {  	s2 =	sld [smem:$0x7F6]  }
0xfc: {  	[spmem:s31] =	stream.linear.scatter [tilespmem:s7], [sflag:$0x7], $0x800, $0x38;
	[tilespmem:$0x1C800] =	vst v63  }
0xfd: {  	s31 =	sld [smem:$0x7F7]  }
0xfe: {  	[spmem:s2] =	stream.linear.scatter [tilespmem:s7], [sflag:$0x7], $0x800, $0x38;
	[tilespmem:$0x1C800] =	vst v63  }
0xff: {  	s2 =	sld [smem:$0x7F8]  }
0x100: {  	[spmem:s31] =	stream.linear.scatter [tilespmem:s7], [sflag:$0x7], $0x800, $0x38;
	[tilespmem:$0x1C800] =	vst v63  }
0x101: {  	s31 =	sld [smem:$0x7F9]  }
0x102: {  	[spmem:s2] =	stream.linear.scatter [tilespmem:s7], [sflag:$0x7], $0x800, $0x38;
	[tilespmem:$0x1C800] =	vst v63  }
0x103: {  	s2 =	sld [smem:$0x7FA]  }
0x104: {  	[spmem:s31] =	stream.linear.scatter [tilespmem:s7], [sflag:$0x7], $0x800, $0x38;
	[tilespmem:$0x1C800] =	vst v63  }
0x105: {  	s31 =	sld [smem:$0x7FB]  }
0x106: {  	[spmem:s2] =	stream.linear.scatter [tilespmem:s7], [sflag:$0x7], $0x800, $0x38;
	[tilespmem:$0x1C800] =	vst v63  }
0x107: {  	s2 =	sld [smem:$0x7FC]  }
0x108: {  	[spmem:s31] =	stream.linear.scatter [tilespmem:s7], [sflag:$0x7], $0x800, $0x38;
	[tilespmem:$0x1C800] =	vst v63  }
0x109: {  	s31 =	sld [smem:$0x7FD]  }
0x10a: {  	[spmem:s2] =	stream.linear.scatter [tilespmem:s7], [sflag:$0x7], $0x800, $0x38;
	[tilespmem:$0x1C800] =	vst v63  }
0x10b: {  	_ = 	snop  }
0x10c: {  	[spmem:s31] =	stream.linear.scatter [tilespmem:s7], [sflag:$0x7], $0x800, $0x38;
	[tilespmem:$0x1C800] =	vst v63  }
0x10d: {  	_ = 	snop  }
0x10e: {  	[spmem:s6] =	stream.linear.scatter [tilespmem:s7], [sflag:$0x7], $0x400, $0x38;
	[tilespmem:$0x1C800] =	vst v63  }
0x10f: {  	s2 =	rddreg [dreg:$0xf]  }
0x110: {  	[tilespmem:s4], [sflag:$0x3] =	stream.linear.gather [hbm4b:s2+s4], $0x80, $0x38;
	[tilespmem:$0x1C800] =	vst v63  }
0x111: {  	s31 =	rddreg [dreg:$0x10]  }
0x112: {  	[tilespmem:s8], [sflag:$0x3] =	stream.linear.gather [hbm4b:s31+s4], $0x80, $0x38;
	[tilespmem:$0x1C800] =	vst v63  }
0x113: {  	s2 =	rddreg [dreg:$0x11]  }
0x114: {  	[tilespmem:s9], [sflag:$0x4] =	stream.linear.gather [hbm4b:s2+s4], $0x80, $0x38;
	[tilespmem:$0x1C800] =	vst v63  }
0x115: {  	s31 =	rddreg [dreg:$0x12]  }
0x116: {  	[tilespmem:s10], [sflag:$0x4] =	stream.linear.gather [hbm4b:s31+s4], $0x80, $0x38;
	[tilespmem:$0x1C800] =	vst v63  }
0x117: {  	s2 =	rddreg [dreg:$0x13]  }
0x118: {  	[tilespmem:s11], [sflag:$0x5] =	stream.linear.gather [hbm4b:s2+s4], $0x80, $0x38;
	[tilespmem:$0x1C800] =	vst v63  }
0x119: {  	s31 =	rddreg [dreg:$0x14]  }
0x11a: {  	[tilespmem:s12], [sflag:$0x5] =	stream.linear.gather [hbm4b:s31+s4], $0x80, $0x38;
	[tilespmem:$0x1C800] =	vst v63  }
0x11b: {  	s2 =	rddreg [dreg:$0x15]  }
0x11c: {  	[tilespmem:s13], [sflag:$0x6] =	stream.linear.gather [hbm4b:s2+s4], $0x80, $0x38;
	[tilespmem:$0x1C800] =	vst v63  }
0x11d: {  	s31 =	rddreg [dreg:$0x16]  }
0x11e: {  	[tilespmem:s14], [sflag:$0x6] =	stream.linear.gather [hbm4b:s31+s4], $0x80, $0x38;
	[tilespmem:$0x1C800] =	vst v63  }
0x11f: {  	_ =	swait.ge [sflag:s15], $0x80  }
0x120: {  	[sflag:s15] =	ssyncset.done $0x0  }
0x121: {  	[sflag:s15] =	ssyncadd.s32 $0xFFFFFF80  }
0x122: {  	_ =	swait.ge [sflag:s15], $0x80  }
0x123: {  	[sflag:s15] =	ssyncset.done $0x0  }
0x124: {  	[sflag:s15] =	ssyncadd.s32 $0xFFFFFF80  }
0x125: {  	[tilespmem:s16], [sflag:$0x1] =	stream.indirect.gather [hbm4b:s0+s8], $0x80, s4, s8, $0xb8;
	[tilespmem:$0x1C800] =	vst v63  }
0x126: {  	_ =	swait.ge [sflag:s17], $0x80  }
0x127: {  	[sflag:s17] =	ssyncset.done $0x0  }
0x128: {  	[sflag:s17] =	ssyncadd.s32 $0xFFFFFF80  }
0x129: {  	_ =	swait.ge [sflag:s17], $0x80  }
0x12a: {  	[sflag:s17] =	ssyncset.done $0x0  }
0x12b: {  	[sflag:s17] =	ssyncadd.s32 $0xFFFFFF80  }
0x12c: {  	[tilespmem:s18], [sflag:$0x2] =	stream.indirect.gather [hbm4b:s0+s8], $0x80, s9, s8, $0xb8;
	[tilespmem:$0x1C800] =	vst v63  }
0x12d: {  	_ =	swait.ge [sflag:s19], $0x800  }
0x12e: {  	[sflag:s19] =	ssyncset.done $0x0  }
0x12f: {  	[sflag:s19] =	ssyncadd.s32 $0xFFFFF800  }
0x130: {  	_ =	swait.ge [sflag:s19], $0x800  }
0x131: {  	[sflag:s19] =	ssyncset.done $0x0  }
0x132: {  	[sflag:s19] =	ssyncadd.s32 $0xFFFFF800  }
0x133: {  	_ =	swait.ge [sflag:s19], $0x800  }
0x134: {  	[sflag:s19] =	ssyncset.done $0x0  }
0x135: {  	[sflag:s19] =	ssyncadd.s32 $0xFFFFF800  }
0x136: {  	_ =	swait.ge [sflag:s19], $0x800  }
0x137: {  	[sflag:s19] =	ssyncset.done $0x0  }
0x138: {  	[sflag:s19] =	ssyncadd.s32 $0xFFFFF800  }
0x139: {  	_ =	swait.ge [sflag:s19], $0x800  }
0x13a: {  	[sflag:s19] =	ssyncset.done $0x0  }
0x13b: {  	[sflag:s19] =	ssyncadd.s32 $0xFFFFF800  }
0x13c: {  	_ =	swait.ge [sflag:s19], $0x800  }
0x13d: {  	[sflag:s19] =	ssyncset.done $0x0  }
0x13e: {  	[sflag:s19] =	ssyncadd.s32 $0xFFFFF800  }
0x13f: {  	_ =	swait.ge [sflag:s19], $0x800  }
0x140: {  	[sflag:s19] =	ssyncset.done $0x0  }
0x141: {  	[sflag:s19] =	ssyncadd.s32 $0xFFFFF800  }
0x142: {  	_ =	swait.ge [sflag:s19], $0x800  }
0x143: {  	[sflag:s19] =	ssyncset.done $0x0  }
0x144: {  	[sflag:s19] =	ssyncadd.s32 $0xFFFFF800  }
0x145: {  	_ =	swait.ge [sflag:s19], $0x800  }
0x146: {  	[sflag:s19] =	ssyncset.done $0x0  }
0x147: {  	[sflag:s19] =	ssyncadd.s32 $0xFFFFF800  }
0x148: {  	_ =	swait.ge [sflag:s19], $0x800  }
0x149: {  	[sflag:s19] =	ssyncset.done $0x0  }
0x14a: {  	[sflag:s19] =	ssyncadd.s32 $0xFFFFF800  }
0x14b: {  	_ =	swait.ge [sflag:s19], $0x800  }
0x14c: {  	[sflag:s19] =	ssyncset.done $0x0  }
0x14d: {  	[sflag:s19] =	ssyncadd.s32 $0xFFFFF800  }
0x14e: {  	_ =	swait.ge [sflag:s19], $0x800  }
0x14f: {  	[sflag:s19] =	ssyncset.done $0x0  }
0x150: {  	[sflag:s19] =	ssyncadd.s32 $0xFFFFF800  }
0x151: {  	_ =	swait.ge [sflag:s19], $0x800  }
0x152: {  	[sflag:s19] =	ssyncset.done $0x0  }
0x153: {  	[sflag:s19] =	ssyncadd.s32 $0xFFFFF800  }
0x154: {  	_ =	swait.ge [sflag:s19], $0x800  }
0x155: {  	[sflag:s19] =	ssyncset.done $0x0  }
0x156: {  	[sflag:s19] =	ssyncadd.s32 $0xFFFFF800  }
0x157: {  	_ =	swait.ge [sflag:s19], $0x800  }
0x158: {  	[sflag:s19] =	ssyncset.done $0x0  }
0x159: {  	[sflag:s19] =	ssyncadd.s32 $0xFFFFF800  }
0x15a: {  	_ =	swait.ge [sflag:s19], $0x800  }
0x15b: {  	[sflag:s19] =	ssyncset.done $0x0  }
0x15c: {  	[sflag:s19] =	ssyncadd.s32 $0xFFFFF800  }
0x15d: {  	_ =	swait.ge [sflag:s19], $0x800  }
0x15e: {  	[sflag:s19] =	ssyncset.done $0x0  }
0x15f: {  	[sflag:s19] =	ssyncadd.s32 $0xFFFFF800  }
0x160: {  	_ =	swait.ge [sflag:s19], $0x800  }
0x161: {  	[sflag:s19] =	ssyncset.done $0x0  }
0x162: {  	[sflag:s19] =	ssyncadd.s32 $0xFFFFF800  }
0x163: {  	_ =	swait.ge [sflag:s19], $0x800  }
0x164: {  	[sflag:s19] =	ssyncset.done $0x0  }
0x165: {  	[sflag:s19] =	ssyncadd.s32 $0xFFFFF800  }
0x166: {  	_ =	swait.ge [sflag:s19], $0x800  }
0x167: {  	[sflag:s19] =	ssyncset.done $0x0  }
0x168: {  	[sflag:s19] =	ssyncadd.s32 $0xFFFFF800  }
0x169: {  	_ =	swait.ge [sflag:s19], $0x800  }
0x16a: {  	[sflag:s19] =	ssyncset.done $0x0  }
0x16b: {  	[sflag:s19] =	ssyncadd.s32 $0xFFFFF800  }
0x16c: {  	_ =	swait.ge [sflag:s19], $0x800  }
0x16d: {  	[sflag:s19] =	ssyncset.done $0x0  }
0x16e: {  	[sflag:s19] =	ssyncadd.s32 $0xFFFFF800  }
0x16f: {  	_ =	swait.ge [sflag:s19], $0x800  }
0x170: {  	[sflag:s19] =	ssyncset.done $0x0  }
0x171: {  	[sflag:s19] =	ssyncadd.s32 $0xFFFFF800  }
0x172: {  	_ =	swait.ge [sflag:s19], $0x800  }
0x173: {  	[sflag:s19] =	ssyncset.done $0x0  }
0x174: {  	[sflag:s19] =	ssyncadd.s32 $0xFFFFF800  }
0x175: {  	_ =	swait.ge [sflag:s19], $0x800  }
0x176: {  	[sflag:s19] =	ssyncset.done $0x0  }
0x177: {  	[sflag:s19] =	ssyncadd.s32 $0xFFFFF800  }
0x178: {  	_ =	swait.ge [sflag:s19], $0x800  }
0x179: {  	[sflag:s19] =	ssyncset.done $0x0  }
0x17a: {  	[sflag:s19] =	ssyncadd.s32 $0xFFFFF800  }
0x17b: {  	_ =	swait.ge [sflag:s19], $0x800  }
0x17c: {  	[sflag:s19] =	ssyncset.done $0x0  }
0x17d: {  	[sflag:s19] =	ssyncadd.s32 $0xFFFFF800  }
0x17e: {  	_ =	swait.ge [sflag:s19], $0x800  }
0x17f: {  	[sflag:s19] =	ssyncset.done $0x0  }
0x180: {  	[sflag:s19] =	ssyncadd.s32 $0xFFFFF800  }
0x181: {  	_ =	swait.ge [sflag:s19], $0x800  }
0x182: {  	[sflag:s19] =	ssyncset.done $0x0  }
0x183: {  	[sflag:s19] =	ssyncadd.s32 $0xFFFFF800  }
0x184: {  	_ =	swait.ge [sflag:s19], $0x800  }
0x185: {  	[sflag:s19] =	ssyncset.done $0x0  }
0x186: {  	[sflag:s19] =	ssyncadd.s32 $0xFFFFF800  }
0x187: {  	_ =	swait.ge [sflag:s19], $0x800  }
0x188: {  	[sflag:s19] =	ssyncset.done $0x0  }
0x189: {  	[sflag:s19] =	ssyncadd.s32 $0xFFFFF800  }
0x18a: {  	_ =	swait.ge [sflag:s19], $0x800  }
0x18b: {  	[sflag:s19] =	ssyncset.done $0x0  }
0x18c: {  	[sflag:s19] =	ssyncadd.s32 $0xFFFFF800  }
0x18d: {  	_ =	swait.ge [sflag:s19], $0x800  }
0x18e: {  	[sflag:s19] =	ssyncset.done $0x0  }
0x18f: {  	[sflag:s19] =	ssyncadd.s32 $0xFFFFF800  }
0x190: {  	_ =	swait.ge [sflag:s19], $0x800  }
0x191: {  	[sflag:s19] =	ssyncset.done $0x0  }
0x192: {  	[sflag:s19] =	ssyncadd.s32 $0xFFFFF800  }
0x193: {  	_ =	swait.ge [sflag:s19], $0x800  }
0x194: {  	[sflag:s19] =	ssyncset.done $0x0  }
0x195: {  	[sflag:s19] =	ssyncadd.s32 $0xFFFFF800  }
0x196: {  	_ =	swait.ge [sflag:s19], $0x800  }
0x197: {  	[sflag:s19] =	ssyncset.done $0x0  }
0x198: {  	[sflag:s19] =	ssyncadd.s32 $0xFFFFF800  }
0x199: {  	_ =	swait.ge [sflag:s19], $0x800  }
0x19a: {  	[sflag:s19] =	ssyncset.done $0x0  }
0x19b: {  	[sflag:s19] =	ssyncadd.s32 $0xFFFFF800  }
0x19c: {  	_ =	swait.ge [sflag:s19], $0x800  }
0x19d: {  	[sflag:s19] =	ssyncset.done $0x0  }
0x19e: {  	[sflag:s19] =	ssyncadd.s32 $0xFFFFF800  }
0x19f: {  	_ =	swait.ge [sflag:s19], $0x800  }
0x1a0: {  	[sflag:s19] =	ssyncset.done $0x0  }
0x1a1: {  	[sflag:s19] =	ssyncadd.s32 $0xFFFFF800  }
0x1a2: {  	_ =	swait.ge [sflag:s19], $0x400  }
0x1a3: {  	[sflag:s19] =	ssyncset.done $0x0  }
0x1a4: {  	[sflag:s19] =	ssyncadd.s32 $0xFFFFFC00  }
0x1a5: {  	[bflag:$0x0] =	sbarrier.arrive $0xFFFF  }
0x1a6: {  	_ =	swait.ge [sflag:s23], $0x4000  }
0x1a7: {  	[sflag:s23] =	ssyncset.done $0x0  }
0x1a8: {  	[sflag:s23] =	ssyncadd.s32 $0xFFFFC000  }
0x1a9: {  	[spmem:s3] =	stream.indirect.scatter.add.f32 [tilespmem:s16], [sflag:$0x8], $0x80, s8, s8, $0xb8;
	[tilespmem:$0x1C800] =	vst v63  }
0x1aa: {  	_ =	swait.ge [sflag:s24], $0x4000  }
0x1ab: {  	[sflag:s24] =	ssyncset.done $0x0  }
0x1ac: {  	s30 =	sadd.s32 $0x0, s22;
	[sflag:s24] =	ssyncadd.s32 $0xFFFFC000  }
0x1ad: {  	[tilespmem:s4], [sflag:$0x3] =	stream.linear.gather [hbm4b:s30+s4], $0x80, $0x38;
	[tilespmem:$0x1C800] =	vst v63  }
0x1ae: {  	s30 =	sadd.s32 $0x0, s21  }
0x1af: {  	[tilespmem:s8], [sflag:$0x3] =	stream.linear.gather [hbm4b:s30+s4], $0x80, $0x38;
	[tilespmem:$0x1C800] =	vst v63  }
0x1b0: {  	_ =	swait.ge [sflag:s25], $0x80  }
0x1b1: {  	[sflag:s25] =	ssyncset.done $0x0  }
0x1b2: {  	[sflag:s25] =	ssyncadd.s32 $0xFFFFFF80  }
0x1b3: {  	_ =	swait.ge [sflag:s25], $0x80  }
0x1b4: {  	[sflag:s25] =	ssyncset.done $0x0  }
0x1b5: {  	[sflag:s25] =	ssyncadd.s32 $0xFFFFFF80  }
0x1b6: {  	[tilespmem:s16], [sflag:$0x1] =	stream.indirect.gather [hbm4b:s0+s8], $0x80, s11, s8, $0xb8;
	[tilespmem:$0x1C800] =	vst v63  }
0x1b7: {  	_ =	swait.ge [sflag:s26], $0x4000  }
0x1b8: {  	[sflag:s26] =	ssyncset.done $0x0  }
0x1b9: {  	[sflag:s26] =	ssyncadd.s32 $0xFFFFC000  }
0x1ba: {  	[spmem:s3] =	stream.indirect.scatter.add.f32 [tilespmem:s18], [sflag:$0x8], $0x80, s10, s8, $0xb8;
	[tilespmem:$0x1C800] =	vst v63  }
0x1bb: {  	_ =	swait.ge [sflag:s24], $0x4000  }
0x1bc: {  	[sflag:s24] =	ssyncset.done $0x0  }
0x1bd: {  	s31 =	sadd.s32 $0x0, s20;
	s30 =	rddreg [dreg:$0x8];
	[sflag:s24] =	ssyncadd.s32 $0xFFFFC000  }
0x1be: {  	[tilespmem:s9], [sflag:$0x4] =	stream.linear.gather [hbm4b:s31+s4], $0x80, $0x38;
	[tilespmem:$0x1C800] =	vst v63  }
0x1bf: {  	s30 =	sadd.s32 $0x0, s30  }
0x1c0: {  	[tilespmem:s10], [sflag:$0x4] =	stream.linear.gather [hbm4b:s30+s4], $0x80, $0x38;
	[tilespmem:$0x1C800] =	vst v63  }
0x1c1: {  	_ =	swait.ge [sflag:s28], $0x80  }
0x1c2: {  	[sflag:s28] =	ssyncset.done $0x0  }
0x1c3: {  	[sflag:s28] =	ssyncadd.s32 $0xFFFFFF80  }
0x1c4: {  	_ =	swait.ge [sflag:s28], $0x80  }
0x1c5: {  	[sflag:s28] =	ssyncset.done $0x0  }
0x1c6: {  	[sflag:s28] =	ssyncadd.s32 $0xFFFFFF80  }
0x1c7: {  	[tilespmem:s18], [sflag:$0x2] =	stream.indirect.gather [hbm4b:s0+s8], $0x80, s13, s8, $0xb8;
	[tilespmem:$0x1C800] =	vst v63  }
0x1c8: {  	_ =	swait.ge [sflag:s23], $0x4000  }
0x1c9: {  	[sflag:s23] =	ssyncset.done $0x0  }
0x1ca: {  	[sflag:s23] =	ssyncadd.s32 $0xFFFFC000  }
0x1cb: {  	[spmem:s3] =	stream.indirect.scatter.add.f32 [tilespmem:s16], [sflag:$0x8], $0x80, s12, s8, $0xb8;
	[tilespmem:$0x1C800] =	vst v63  }
0x1cc: {  	_ =	swait.ge [sflag:s24], $0x4000  }
0x1cd: {  	s30 =	rddreg [dreg:$0x7];
	[sflag:s24] =	ssyncset.done $0x0  }
0x1ce: {  	s1 =	rddreg [dreg:$0x6];
	[sflag:s24] =	ssyncadd.s32 $0xFFFFC000;
	s30 =	sadd.s32 $0x0, s30  }
0x1cf: {  	[tilespmem:s11], [sflag:$0x5] =	stream.linear.gather [hbm4b:s30+s4], $0x80, $0x38;
	[tilespmem:$0x1C800] =	vst v63  }
0x1d0: {  	s30 =	sadd.s32 $0x0, s1  }
0x1d1: {  	[tilespmem:s12], [sflag:$0x5] =	stream.linear.gather [hbm4b:s30+s4], $0x80, $0x38;
	[tilespmem:$0x1C800] =	vst v63  }
0x1d2: {  	_ =	swait.ge [sflag:s15], $0x80  }
0x1d3: {  	[sflag:s15] =	ssyncset.done $0x0  }
0x1d4: {  	[sflag:s15] =	ssyncadd.s32 $0xFFFFFF80  }
0x1d5: {  	_ =	swait.ge [sflag:s15], $0x80  }
0x1d6: {  	[sflag:s15] =	ssyncset.done $0x0  }
0x1d7: {  	[sflag:s15] =	ssyncadd.s32 $0xFFFFFF80  }
0x1d8: {  	[tilespmem:s16], [sflag:$0x1] =	stream.indirect.gather [hbm4b:s0+s8], $0x80, s4, s8, $0xb8;
	[tilespmem:$0x1C800] =	vst v63  }
0x1d9: {  	_ =	swait.ge [sflag:s26], $0x4000  }
0x1da: {  	[sflag:s26] =	ssyncset.done $0x0  }
0x1db: {  	[sflag:s26] =	ssyncadd.s32 $0xFFFFC000  }
0x1dc: {  	[spmem:s3] =	stream.indirect.scatter.add.f32 [tilespmem:s18], [sflag:$0x8], $0x80, s14, s8, $0xb8;
	[tilespmem:$0x1C800] =	vst v63  }
0x1dd: {  	_ =	swait.ge [sflag:s24], $0x4000  }
0x1de: {  	s30 =	rddreg [dreg:$0x5];
	[sflag:s24] =	ssyncset.done $0x0  }
0x1df: {  	s2 =	rddreg [dreg:$0x4];
	[sflag:s24] =	ssyncadd.s32 $0xFFFFC000;
	s30 =	sadd.s32 $0x0, s30  }
0x1e0: {  	[tilespmem:s13], [sflag:$0x6] =	stream.linear.gather [hbm4b:s30+s4], $0x80, $0x38;
	[tilespmem:$0x1C800] =	vst v63  }
0x1e1: {  	s30 =	sadd.s32 $0x0, s2  }
0x1e2: {  	[tilespmem:s14], [sflag:$0x6] =	stream.linear.gather [hbm4b:s30+s4], $0x80, $0x38;
	[tilespmem:$0x1C800] =	vst v63  }
0x1e3: {  	_ =	swait.ge [sflag:s17], $0x80  }
0x1e4: {  	[sflag:s17] =	ssyncset.done $0x0  }
0x1e5: {  	[sflag:s17] =	ssyncadd.s32 $0xFFFFFF80  }
0x1e6: {  	_ =	swait.ge [sflag:s17], $0x80  }
0x1e7: {  	[sflag:s17] =	ssyncset.done $0x0  }
0x1e8: {  	s30 =	simm.s32 $0x40;
	[sflag:s17] =	ssyncadd.s32 $0xFFFFFF80  }
.LBB2_2:
0x1e9: {  	[tilespmem:s18], [sflag:$0x2] =	stream.indirect.gather [hbm4b:s0+s8], $0x80, s9, s8, $0xb8;
	[tilespmem:$0x1C800] =	vst v63  }
0x1ea: {  	_ =	swait.ge [sflag:s23], $0x4000  }
0x1eb: {  	[sflag:s23] =	ssyncset.done $0x0  }
0x1ec: {  	[sflag:s23] =	ssyncadd.s32 $0xFFFFC000  }
0x1ed: {  	[spmem:s3] =	stream.indirect.scatter.add.f32 [tilespmem:s16], [sflag:$0x8], $0x80, s8, s8, $0xb8;
	[tilespmem:$0x1C800] =	vst v63  }
0x1ee: {  	_ =	swait.ge [sflag:s24], $0x4000  }
0x1ef: {  	s31 =	smov.u32 s30;
	[sflag:s24] =	ssyncset.done $0x0  }
0x1f0: {  	s1 =	sadd.s32 s31, s22;
	[sflag:s24] =	ssyncadd.s32 $0xFFFFC000  }
0x1f1: {  	[tilespmem:s4], [sflag:$0x3] =	stream.linear.gather [hbm4b:s1+s4], $0x80, $0x38;
	[tilespmem:$0x1C800] =	vst v63  }
0x1f2: {  	s2 =	sadd.s32 s31, s21  }
0x1f3: {  	[tilespmem:s8], [sflag:$0x3] =	stream.linear.gather [hbm4b:s2+s4], $0x80, $0x38;
	[tilespmem:$0x1C800] =	vst v63  }
0x1f4: {  	_ =	swait.ge [sflag:s25], $0x80  }
0x1f5: {  	[sflag:s25] =	ssyncset.done $0x0  }
0x1f6: {  	[sflag:s25] =	ssyncadd.s32 $0xFFFFFF80  }
0x1f7: {  	_ =	swait.ge [sflag:s25], $0x80  }
0x1f8: {  	[sflag:s25] =	ssyncset.done $0x0  }
0x1f9: {  	[sflag:s25] =	ssyncadd.s32 $0xFFFFFF80  }
0x1fa: {  	[tilespmem:s16], [sflag:$0x1] =	stream.indirect.gather [hbm4b:s0+s8], $0x80, s11, s8, $0xb8;
	[tilespmem:$0x1C800] =	vst v63  }
0x1fb: {  	_ =	swait.ge [sflag:s26], $0x4000  }
0x1fc: {  	[sflag:s26] =	ssyncset.done $0x0  }
0x1fd: {  	[sflag:s26] =	ssyncadd.s32 $0xFFFFC000  }
0x1fe: {  	[spmem:s3] =	stream.indirect.scatter.add.f32 [tilespmem:s18], [sflag:$0x8], $0x80, s10, s8, $0xb8;
	[tilespmem:$0x1C800] =	vst v63  }
0x1ff: {  	_ =	swait.ge [sflag:s24], $0x4000  }
0x200: {  	[sflag:s24] =	ssyncset.done $0x0  }
0x201: {  	s2 =	sadd.s32 s31, s20;
	s1 =	rddreg [dreg:$0x8];
	[sflag:s24] =	ssyncadd.s32 $0xFFFFC000  }
0x202: {  	[tilespmem:s9], [sflag:$0x4] =	stream.linear.gather [hbm4b:s2+s4], $0x80, $0x38;
	[tilespmem:$0x1C800] =	vst v63  }
0x203: {  	s1 =	sadd.s32 s31, s1  }
0x204: {  	[tilespmem:s10], [sflag:$0x4] =	stream.linear.gather [hbm4b:s1+s4], $0x80, $0x38;
	[tilespmem:$0x1C800] =	vst v63  }
0x205: {  	_ =	swait.ge [sflag:s28], $0x80  }
0x206: {  	[sflag:s28] =	ssyncset.done $0x0  }
0x207: {  	[sflag:s28] =	ssyncadd.s32 $0xFFFFFF80  }
0x208: {  	_ =	swait.ge [sflag:s28], $0x80  }
0x209: {  	[sflag:s28] =	ssyncset.done $0x0  }
0x20a: {  	[sflag:s28] =	ssyncadd.s32 $0xFFFFFF80  }
0x20b: {  	[tilespmem:s18], [sflag:$0x2] =	stream.indirect.gather [hbm4b:s0+s8], $0x80, s13, s8, $0xb8;
	[tilespmem:$0x1C800] =	vst v63  }
0x20c: {  	_ =	swait.ge [sflag:s23], $0x4000  }
0x20d: {  	[sflag:s23] =	ssyncset.done $0x0  }
0x20e: {  	[sflag:s23] =	ssyncadd.s32 $0xFFFFC000  }
0x20f: {  	[spmem:s3] =	stream.indirect.scatter.add.f32 [tilespmem:s16], [sflag:$0x8], $0x80, s12, s8, $0xb8;
	[tilespmem:$0x1C800] =	vst v63  }
0x210: {  	_ =	swait.ge [sflag:s24], $0x4000  }
0x211: {  	s1 =	rddreg [dreg:$0x7];
	[sflag:s24] =	ssyncset.done $0x0  }
0x212: {  	s2 =	rddreg [dreg:$0x6];
	[sflag:s24] =	ssyncadd.s32 $0xFFFFC000;
	s1 =	sadd.s32 s31, s1  }
0x213: {  	[tilespmem:s11], [sflag:$0x5] =	stream.linear.gather [hbm4b:s1+s4], $0x80, $0x38;
	[tilespmem:$0x1C800] =	vst v63  }
0x214: {  	s2 =	sadd.s32 s31, s2  }
0x215: {  	[tilespmem:s12], [sflag:$0x5] =	stream.linear.gather [hbm4b:s2+s4], $0x80, $0x38;
	[tilespmem:$0x1C800] =	vst v63  }
0x216: {  	_ =	swait.ge [sflag:s15], $0x80  }
0x217: {  	[sflag:s15] =	ssyncset.done $0x0  }
0x218: {  	[sflag:s15] =	ssyncadd.s32 $0xFFFFFF80  }
0x219: {  	_ =	swait.ge [sflag:s15], $0x80  }
0x21a: {  	[sflag:s15] =	ssyncset.done $0x0  }
0x21b: {  	[sflag:s15] =	ssyncadd.s32 $0xFFFFFF80  }
0x21c: {  	[tilespmem:s16], [sflag:$0x1] =	stream.indirect.gather [hbm4b:s0+s8], $0x80, s4, s8, $0xb8;
	[tilespmem:$0x1C800] =	vst v63  }
0x21d: {  	_ =	swait.ge [sflag:s26], $0x4000  }
0x21e: {  	[sflag:s26] =	ssyncset.done $0x0  }
0x21f: {  	[sflag:s26] =	ssyncadd.s32 $0xFFFFC000  }
0x220: {  	[spmem:s3] =	stream.indirect.scatter.add.f32 [tilespmem:s18], [sflag:$0x8], $0x80, s14, s8, $0xb8;
	[tilespmem:$0x1C800] =	vst v63  }
0x221: {  	_ =	swait.ge [sflag:s24], $0x4000  }
0x222: {  	s1 =	rddreg [dreg:$0x5];
	[sflag:s24] =	ssyncset.done $0x0  }
0x223: {  	s2 =	rddreg [dreg:$0x4];
	[sflag:s24] =	ssyncadd.s32 $0xFFFFC000;
	s1 =	sadd.s32 s31, s1  }
0x224: {  	[tilespmem:s13], [sflag:$0x6] =	stream.linear.gather [hbm4b:s1+s4], $0x80, $0x38;
	[tilespmem:$0x1C800] =	vst v63  }
0x225: {  	s31 =	sadd.s32 s31, s2  }
0x226: {  	[tilespmem:s14], [sflag:$0x6] =	stream.linear.gather [hbm4b:s31+s4], $0x80, $0x38;
	[tilespmem:$0x1C800] =	vst v63  }
0x227: {  	p0 =	sne.s32 s30, $0x480;
	_ =	swait.ge [sflag:s17], $0x80  }
.Ltmp0:
0x228: {  	[sflag:s17] =	ssyncset.done $0x0;
	(pc) =	sbr.rel @p0 .LBB2_2-.Ltmp0, $4  }
0x229: {  	[sflag:s17] =	ssyncadd.s32 $0xFFFFFF80  }
0x22a: {  	_ =	swait.ge [sflag:s17], $0x80  }
0x22b: {  	[sflag:s17] =	ssyncset.done $0x0  }
0x22c: {  	s30 =	sadd.s32 $0x40, s30;
	[sflag:s17] =	ssyncadd.s32 $0xFFFFFF80  }
0x22d: {  	[tilespmem:s18], [sflag:$0x2] =	stream.indirect.gather [hbm4b:s0+s8], $0x80, s9, s8, $0xb8;
	[tilespmem:$0x1C800] =	vst v63  }
0x22e: {  	_ =	swait.ge [sflag:s23], $0x4000  }
0x22f: {  	[sflag:s23] =	ssyncset.done $0x0  }
0x230: {  	[sflag:s23] =	ssyncadd.s32 $0xFFFFC000  }
0x231: {  	[spmem:s3] =	stream.indirect.scatter.add.f32 [tilespmem:s16], [sflag:$0x8], $0x80, s8, s8, $0xb8;
	[tilespmem:$0x1C800] =	vst v63  }
0x232: {  	_ =	swait.ge [sflag:s24], $0x4000  }
0x233: {  	[sflag:s24] =	ssyncset.done $0x0  }
0x234: {  	[sflag:s24] =	ssyncadd.s32 $0xFFFFC000  }
0x235: {  	_ =	swait.ge [sflag:s25], $0x80  }
0x236: {  	[sflag:s25] =	ssyncset.done $0x0  }
0x237: {  	[sflag:s25] =	ssyncadd.s32 $0xFFFFFF80  }
0x238: {  	_ =	swait.ge [sflag:s25], $0x80  }
0x239: {  	[sflag:s25] =	ssyncset.done $0x0  }
0x23a: {  	[sflag:s25] =	ssyncadd.s32 $0xFFFFFF80  }
0x23b: {  	[tilespmem:s16], [sflag:$0x1] =	stream.indirect.gather [hbm4b:s0+s8], $0x80, s11, s8, $0xb8;
	[tilespmem:$0x1C800] =	vst v63  }
0x23c: {  	_ =	swait.ge [sflag:s26], $0x4000  }
0x23d: {  	[sflag:s26] =	ssyncset.done $0x0  }
0x23e: {  	[sflag:s26] =	ssyncadd.s32 $0xFFFFC000  }
0x23f: {  	[spmem:s3] =	stream.indirect.scatter.add.f32 [tilespmem:s18], [sflag:$0x8], $0x80, s10, s8, $0xb8;
	[tilespmem:$0x1C800] =	vst v63  }
0x240: {  	_ =	swait.ge [sflag:s24], $0x4000  }
0x241: {  	[sflag:s24] =	ssyncset.done $0x0  }
0x242: {  	[sflag:s24] =	ssyncadd.s32 $0xFFFFC000  }
0x243: {  	_ =	swait.ge [sflag:s28], $0x80  }
0x244: {  	[sflag:s28] =	ssyncset.done $0x0  }
0x245: {  	[sflag:s28] =	ssyncadd.s32 $0xFFFFFF80  }
0x246: {  	_ =	swait.ge [sflag:s28], $0x80  }
0x247: {  	[sflag:s28] =	ssyncset.done $0x0  }
0x248: {  	[sflag:s28] =	ssyncadd.s32 $0xFFFFFF80  }
0x249: {  	[tilespmem:s18], [sflag:$0x2] =	stream.indirect.gather [hbm4b:s0+s8], $0x80, s13, s8, $0xb8;
	[tilespmem:$0x1C800] =	vst v63  }
0x24a: {  	_ =	swait.ge [sflag:s23], $0x4000  }
0x24b: {  	[sflag:s23] =	ssyncset.done $0x0  }
0x24c: {  	[sflag:s23] =	ssyncadd.s32 $0xFFFFC000  }
0x24d: {  	[spmem:s3] =	stream.indirect.scatter.add.f32 [tilespmem:s16], [sflag:$0x8], $0x80, s12, s8, $0xb8;
	[tilespmem:$0x1C800] =	vst v63  }
0x24e: {  	_ =	swait.ge [sflag:s24], $0x4000  }
0x24f: {  	[sflag:s24] =	ssyncset.done $0x0  }
0x250: {  	[sflag:s24] =	ssyncadd.s32 $0xFFFFC000  }
0x251: {  	_ =	swait.ge [sflag:s26], $0x4000  }
0x252: {  	[sflag:s26] =	ssyncset.done $0x0  }
0x253: {  	[sflag:s26] =	ssyncadd.s32 $0xFFFFC000  }
0x254: {  	[spmem:s3] =	stream.indirect.scatter.add.f32 [tilespmem:s18], [sflag:$0x8], $0x80, s14, s8, $0xb8;
	[tilespmem:$0x1C800] =	vst v63  }
0x255: {  	_ =	swait.ge [sflag:s24], $0x4000  }
0x256: {  	[sflag:s24] =	ssyncset.done $0x0  }
0x257: {  	s1 =	stileid.u32;
	[sflag:s24] =	ssyncadd.s32 $0xFFFFC000  }
0x258: {  	s1 =	sshll.u32 s1, $0x6;
	[bflag:$0x0] =	sbarrier.arrive $0xFFFF  }
0x259: {  	s2 =	sshrl.u32 s5, $0x3;
	s1 =	sor.u32 $0x1C08, s1;
	s30 =	rddreg [dreg:$0x18]  }
0x25a: {  	[hbm:s30], [sflag:s1] =	dma.local [spmem:s2], $0x2780  }
0x25b: {  	_ =	swait.ge [sflag:s24], $0x2780  }
0x25c: {  	s29 =	sadd.s32 $0x1, s29;
	s31 =	rddreg [dreg:$0x19]  }
0x25d: {  	p0 =	sne.s32 s29, s31  }
.Ltmp1:
0x25e: {  	_ = 	snop;
	(pc) =	sbr.rel @p0 .LBB2_1-.Ltmp1, $3  }
0x25f: {  	_ =	sdelay $0x1  }
0x260: {  	[sflag:s24] =	ssyncset.done $0x0  }
0x261: {  	[sflag:s24] =	ssyncadd.s32 $0xFFFFD880  }
0x262: {  	_ =	sfence.sel $0x180000  }
0x263: {  	[bflag:$0x0] =	sbarrier.arrive $0xFFFF  }
0x264: {  	_ =	strace $0x9000004A  }
0x265: {  	s0 =	stileid.u32;
	[bflag:$0x2] =	sbarrier.arrive $0xFFFF  }
0x266: {  	p0 =	sne.s32 s0, $0x0;
	s0 =	rddreg [dreg:$0x3]  }
0x267: {  	s0 =	sadd.s32 @!p0 $0x100000, s0  }
0x268: {  	[sflag:s0] =	ssyncadd.tile.s32 @!p0 $0x1;
	_ =	shalt  }
.Lfunc_end2:
_tile_overlayer_lowered:
.L_overlay_start_2:
0x269: {  	(tag) =	ssettag $0x2  }
0x26a: {  	s0 =	rddreg [dreg:$0x0];
	s2 =	stileid.u32  }
0x26b: {  	s1 =	rddreg [dreg:$0x1];
	p0 =	sne.s32 s2, $0x0  }
0x26c: {  	s3 =	rddreg [dreg:$0x2];
	[bflag:$0x3] =	sbarrier.arrive $0xFFFF;
	s2 =	simm.s32 @!p0 $0x1C08  }
0x26d: {  	[timem:s3], [sflag:s2] =	dma.local @!p0 [hbm:s0], s1  }
0x26e: {  	s0 =	simm.s32 @!p0 $0x8  }
0x26f: {  	_ =	swait.ge @!p0 [sflag:s0], s1  }
0x270: {  	s1 =	ssub.s32 @!p0 $0x0, s1;
	[sflag:s0] =	ssyncset.done @!p0 $0x0  }
0x271: {  	[sflag:s0] =	ssyncadd.s32 @!p0 s1  }
0x272: {  	[bflag:$0x3] =	sbarrier.arrive $0xFFFF  }
0x273: {  	_ =	shalt  }

// kernel: kernel.7.cloned.1.call-start
scs
__scs_entry_jumppad:
0x0: {  	(pc) =	sbr.rel $0x88, $3  }
0x1: {  	(tag) =	ssettag $0x0;
	lr =	simm.s32 $0x1  }
0x2: {  	[smem:$0x3F94] =	sst lr;
	_ =	strace $0xD0000000  }
0x3: {  	_ = 	snop  }
0x4: {  	_ = 	snop  }
0x5: {  	_ = 	snop  }
0x6: {  	_ = 	snop  }
0x7: {  	_ = 	snop  }
__scs_overlays_trampoline_lowered:
0x8: {  	[smem:$0x3FA3] =	sst s0  }
0x9: {  	[smem:$0x3FA4] =	sst s1  }
0xa: {  	[smem:$0x3FA5] =	sst s2  }
0xb: {  	[smem:$0x3FA6] =	sst s3  }
0xc: {  	[smem:$0x3FA7] =	sst s4  }
0xd: {  	[smem:$0x3FA8] =	sst s5  }
0xe: {  	[smem:$0x3FA9] =	sst s6  }
0xf: {  	[smem:$0x3FAA] =	sst s7  }
0x10: {  	[smem:$0x3FAB] =	sst s8  }
0x11: {  	[smem:$0x3FAC] =	sst s9;
	s0 =	simm.s32 @!p0 $0x0  }
0x12: {  	s1 =	sld [smem:$0x3F92];
	s0 =	simm.s32 @p0 $0x1  }
0x13: {  	[smem:$0x3FAD] =	sst s0;
	s0 =	simm.s32 @!p1 $0x0  }
0x14: {  	s2 =	sld [smem:$0x3F91];
	s0 =	simm.s32 @p1 $0x1  }
0x15: {  	[smem:$0x3FAE] =	sst s0;
	s0 =	simm.s32 @!p2 $0x0  }
0x16: {  	s3 =	sld [smem:$0x3FDB];
	s0 =	simm.s32 @p2 $0x1  }
0x17: {  	s4 =	simm.s32 $0x1BF5;
	[smem:$0x3FB0] =	sst s0  }
0x18: {  	s0 =	sld [smem:$0x3F93];
	_ =	swait.ge [sflag:s4], $0x0  }
0x19: {  	s7 =	sld [smem:$0x3F94]  }
0x1a: {  	s8 =	sadd.s32 $0xFFFFE003, lr  }
0x1b: {  	s9 =	sadd.s32 $0xFFFFFEF7, lr;
	s5 =	simm.s32 $0xFFFFFFFF;
	p2 =	slt.u32 s8, $0xFFFFF086  }
0x1c: {  	p1 =	slt.u32 s9, $0xF7A;
	s5 =	simm.s32 @!p2 $0x0  }
0x1d: {  	s5 =	simm.s32 @p1 $0x1;
	p0 =	seq.s32 s7, s2  }
0x1e: {  	s7 =	smul.u32 @!p0 $0xF7A, s2;
	p2 =	seq.s32 @!p0 s5, $0x0  }
0x1f: {  	s9 =	smul.u32 $0xF7A, s1;
	s8 =	simm.s32 @!p0 $0x1BF5;
	p2 =	por !p2, p0  }
0x20: {  	[sflag:s8] =	ssyncset.s32 @!p0 $0xFFFFF086;
	s6 =	sadd.s32 @!p0 s3, s7;
	s7 =	simm.s32 @!p0 $0x108  }
0x21: {  	s3 =	sadd.s32 s3, s9;
	s6 =	sadd.s32 @!p0 $0x88, s6;
	s7 =	simm.s32 @p2 $0x1082  }
0x22: {  	[simem:s7], [sflag:s8] =	dma.local @!p0 [hbm:s6], $0xF7A  }
0x23: {  	s9 =	sor.u32 $0xD0000000, s2;
	s6 =	simm.s32 $0x108;
	_ =	swait.ge @!p0 [sflag:s8], $0x0  }
0x24: {  	s3 =	sadd.s32 $0x88, s3;
	s6 =	simm.s32 @!p1 $0x1082;
	[sflag:s4] =	ssyncset.s32 $0xFFFFF086  }
0x25: {  	[simem:s6], [sflag:s4] =	dma.local [hbm:s3], $0xF7A  }
0x26: {  	[smem:$0x3F94] =	sst s1;
	(tag) =	ssettag s2;
	_ =	strace s9  }
0x27: {  	s1 =	sld [smem:$0x3FA4]  }
0x28: {  	s2 =	sld [smem:$0x3FA5]  }
0x29: {  	s4 =	sld [smem:$0x3FA7]  }
0x2a: {  	p0 =	seq.s32 s5, $0x0;
	s5 =	sld [smem:$0x3FA8]  }
0x2b: {  	s6 =	sld [smem:$0x3FA9]  }
0x2c: {  	s7 =	sld [smem:$0x3FAA]  }
0x2d: {  	s3 =	simm.s32 $0x108;
	s8 =	sld [smem:$0x3FAB]  }
0x2e: {  	s3 =	simm.s32 @!p0 $0x1082;
	s9 =	sld [smem:$0x3FAC]  }
0x2f: {  	lr =	sadd.s32 s0, s3;
	s0 =	sld [smem:$0x3FA3]  }
0x30: {  	s3 =	sld [smem:$0x3FA6]  }
0x31: {  	[smem:$0x3FAF] =	sst s10  }
0x32: {  	s10 =	sld [smem:$0x3FAD];
	_ =	sdelay $0x3  }
0x33: {  	p0 =	seq.s32 s10, $0x1;
	s10 =	sld [smem:$0x3FAF];
	_ =	sdelay $0x3  }
0x34: {  	[smem:$0x3FAF] =	sst s10  }
0x35: {  	s10 =	sld [smem:$0x3FAE];
	_ =	sdelay $0x3  }
0x36: {  	p1 =	seq.s32 s10, $0x1;
	s10 =	sld [smem:$0x3FAF];
	_ =	sdelay $0x3  }
0x37: {  	[smem:$0x3FAF] =	sst s10  }
0x38: {  	s10 =	sld [smem:$0x3FB0]  }
0x39: {  	_ = 	snop;
	(pc) =	sbr.ind lr, $3  }
0x3a: {  	_ = 	snop  }
0x3b: {  	_ = 	snop  }
0x3c: {  	p2 =	seq.s32 s10, $0x1;
	s10 =	sld [smem:$0x3FAF]  }
0x3d: {  	_ =	shalt  }
0x3e: {  	_ =	shalt  }
0x3f: {  	_ =	shalt  }
0x40: {  	_ =	shalt  }
0x41: {  	_ =	shalt  }
0x42: {  	_ =	shalt  }
0x43: {  	_ =	shalt  }
0x44: {  	_ =	shalt  }
0x45: {  	_ =	shalt  }
0x46: {  	_ =	shalt  }
0x47: {  	_ =	shalt  }
0x48: {  	_ =	shalt  }
0x49: {  	_ =	shalt  }
0x4a: {  	_ =	shalt  }
0x4b: {  	_ =	shalt  }
0x4c: {  	_ =	shalt  }
0x4d: {  	_ =	shalt  }
0x4e: {  	_ =	shalt  }
0x4f: {  	_ =	shalt  }
0x50: {  	_ =	shalt  }
0x51: {  	_ =	shalt  }
0x52: {  	_ =	shalt  }
0x53: {  	_ =	shalt  }
0x54: {  	_ =	shalt  }
0x55: {  	_ =	shalt  }
0x56: {  	_ =	shalt  }
0x57: {  	_ =	shalt  }
0x58: {  	_ =	shalt  }
0x59: {  	_ =	shalt  }
0x5a: {  	_ =	shalt  }
0x5b: {  	_ =	shalt  }
0x5c: {  	_ =	shalt  }
0x5d: {  	_ =	shalt  }
0x5e: {  	_ =	shalt  }
0x5f: {  	_ =	shalt  }
0x60: {  	_ =	shalt  }
0x61: {  	_ =	shalt  }
0x62: {  	_ =	shalt  }
0x63: {  	_ =	shalt  }
0x64: {  	_ =	shalt  }
0x65: {  	_ =	shalt  }
0x66: {  	_ =	shalt  }
0x67: {  	_ =	shalt  }
0x68: {  	_ =	shalt  }
0x69: {  	_ =	shalt  }
0x6a: {  	_ =	shalt  }
0x6b: {  	_ =	shalt  }
0x6c: {  	_ =	shalt  }
0x6d: {  	_ =	shalt  }
0x6e: {  	_ =	shalt  }
0x6f: {  	_ =	shalt  }
0x70: {  	_ =	shalt  }
0x71: {  	_ =	shalt  }
0x72: {  	_ =	shalt  }
0x73: {  	_ =	shalt  }
0x74: {  	_ =	shalt  }
0x75: {  	_ =	shalt  }
0x76: {  	_ =	shalt  }
0x77: {  	_ =	shalt  }
0x78: {  	_ =	shalt  }
0x79: {  	_ =	shalt  }
0x7a: {  	_ =	shalt  }
0x7b: {  	_ =	shalt  }
0x7c: {  	_ =	shalt  }
0x7d: {  	_ =	shalt  }
0x7e: {  	_ =	shalt  }
0x7f: {  	_ =	shalt  }
0x80: {  	_ =	shalt  }
0x81: {  	_ =	shalt  }
0x82: {  	_ =	shalt  }
0x83: {  	_ =	shalt  }
0x84: {  	_ =	shalt  }
0x85: {  	_ =	shalt  }
0x86: {  	_ =	shalt  }
0x87: {  	_ =	shalt  }
.Lfunc_end0:
.L_simem_size_0:
called_computation_lowered:
.L_overlay_start_0:
0x88: {  	s2 =	sld [smem:$0x3FD9]  }
0x89: {  	s3 =	sld [smem:$0x3FFE];
	_ =	sdelay $0x1  }
0x8a: {  	s1 =	srdreg.scid  }
0x8b: {  	s0 =	sand.u32 $0x1, s1  }
0x8c: {  	s17 =	sshll.u32 s0, $0xA;
	s2 =	sadd.s32 s3, s2  }
0x8d: {  	s2 =	sadd.s32 s2, s17  }
0x8e: {  	[smem:$0x3FBB] =	sst s2  }
0x8f: {  	_ = 	snop  }
0x90: {  	s2 =	sld [smem:$0x3FD0];
	(tm) =	ssettm $0x1  }
0x91: {  	s18 =	sld [smem:$0x3FFB];
	_ =	sdelay $0x3  }
0x92: {  	_ =	strace s18  }
0x93: {  	s3 =	sld [smem:$0x3FFC];
	_ =	sdelay $0x3  }
0x94: {  	_ =	strace s3  }
0x95: {  	s3 =	sld [smem:$0x3FFD];
	_ =	sdelay $0x3  }
0x96: {  	_ =	strace s3  }
0x97: {  	_ =	strace $0x8FFFFFFF  }
0x98: {  	s19 =	sld [smem:$0x3FDB];
	_ =	sdelay $0x1  }
0x99: {  	s4 =	simm.s32 $_scs_section_size  }
0x9a: {  	s5 =	simm.s32 $_size__tile_overlayer_lowered;
	s6 =	simm.s32 $_tile_overlayer_lowered  }
0x9b: {  	s22 =	simm.s32 $0x1BFF;
	s21 =	sshll.u32 s6, $0x1;
	s3 =	sadd.s32 s4, s19  }
0x9c: {  	s7 =	simm.s32 $0x0;
	s20 =	sshll.u32 s5, $0x1;
	s5 =	sadd.s32 s21, s3  }
0x9d: {  	[timem:s7], [sflag:s22] =	dma.local [hbm:s5], s20  }
0x9e: {  	_ =	swait.ge [sflag:s22], s20  }
0x9f: {  	s4 =	ssub.s32 $0x0, s20;
	[sflag:s22] =	ssyncset.done $0x0  }
0xa0: {  	[sflag:s22] =	ssyncadd.s32 s4;
	_ =	sdelay $0x1  }
0xa1: {  	s23 =	simm.s32 $0x1B8B  }
0xa2: {  	_ =	swait.ge [sflag:s23], $0x1  }
0xa3: {  	[sflag:s23] =	ssyncset.done $0x0  }
0xa4: {  	s25 =	simm.s32 $0x1B8E;
	s24 =	sld [smem:$0x3FFE];
	[sflag:s23] =	ssyncadd.s32 $0xFFFFFFFF  }
0xa5: {  	s26 =	simm.s32 $execute0_lowered;
	[smem:$0x3FD2] =	sst s25  }
0xa6: {  	s5 =	sshll.u32 s26, $0x1;
	_ =	strace $0x80000046;
	[dreg:$0x1] =	wrdreg $0xFFFFFFFF  }
0xa7: {  	s28 =	simm.s32 $_size_execute0_lowered;
	s3 =	sadd.s32 s3, s5;
	[dreg:$0x0] =	wrdreg $0x0  }
0xa8: {  	s5 =	sshll.u32 s28, $0x1;
	[dreg:$0x2] =	wrdreg s3  }
0xa9: {  	[dreg:$0x3] =	wrdreg s5  }
0xaa: {  	[dreg:$0x4] =	wrdreg $0xC0  }
0xab: {  	_ =	task [dreg:s7], $0x5FFFF  }
0xac: {  	[dreg:$0x1] =	wrdreg $0xFFFFFFFF  }
0xad: {  	[dreg:$0x0] =	wrdreg $0x60  }
0xae: {  	[dreg:$0x2] =	wrdreg s2  }
0xaf: {  	[dreg:$0x3] =	wrdreg s24  }
0xb0: {  	[dreg:$0x4] =	wrdreg $0x8C000  }
0xb1: {  	[dreg:$0x5] =	wrdreg $0x9  }
0xb2: {  	_ =	task.clear_ibuf [dreg:s7], $0x6FFFF;
	_ =	strace $0x90000046  }
0xb3: {  	s29 =	simm.s32 $0x9;
	_ =	strace $0x80000048  }
0xb4: {  	_ =	swait.ge [sflag:s29], $0x1  }
0xb5: {  	[sflag:s29] =	ssyncadd.s32 $0xFFFFFFFF  }
0xb6: {  	_ =	strace $0x90000048  }
0xb7: {  	_ =	sfence  }
0xb8: {  	s30 =	sld [smem:$0x0];
	_ =	sdelay $0x2  }
0xb9: {  	s31 =	sshll.u32 s1, $0xD;
	s1 =	sshrl.u32 s1, $0x2  }
0xba: {  	s3 =	sand.u32 $0x4000, s31;
	s1 =	sadd.s32 s1, s30  }
0xbb: {  	s0 =	sor.u32 s3, s0;
	s1 =	sshll.u32 s1, $0x11  }
0xbc: {  	s0 =	sor.u32 s1, s0  }
0xbd: {  	s0 =	sadd.s32 $0x8F2B, s0  }
0xbe: {  	[sflag:s0] =	ssyncadd.remote.s32 $0x1  }
0xbf: {  	_ =	sfence.sel $0xFFFF  }
0xc0: {  	[dreg:$0x0] =	wrdreg $0xFFFFFFFF;
	(pc) =	sbr.abs _section_cstart, $3  }
0xc1: {  	[dreg:$0x1] =	wrdreg $0xFFFFFFFF  }
0xc2: {  	_ =	task.clear_ibuf [dreg:s7], $0x2FFFF;
	_ =	strace $0x9FFFFFFF  }
0xc3: {  	(tm) =	ssettm $0x7FFFFFFF  }
tec
execute0_lowered:
.L_overlay_start_1:
0x0: {  	(tag) =	ssettag $0x1  }
0x1: {  	s0 =	rddreg [dreg:$0x0]  }
0x2: {  	s1 =	srdreg.scid;
	s12 =	stileid.u32  }
0x3: {  	s2 =	rddreg [dreg:$0x1];
	s7 =	smul.u32 $0x13C00, s12  }
0x4: {  	s3 =	rddreg [dreg:$0x2];
	s24 =	smul.u32 $0x4F000, s12  }
0x5: {  	s1 =	sand.u32 $0x1, s1;
	s9 =	sshll.u32 s12, $0x7;
	s31 =	smul.u32 $0x2800, s12  }
0x6: {  	s10 =	sadd.s32 $0x4400, s2;
	s4 =	sshll.u32 s1, $0x4;
	s5 =	smul.u32 $0x13C000, s1  }
0x7: {  	s9 =	sand.u32 $0x380, s9;
	s25 =	ssub.s32 $0x2, s1;
	s1 =	smul.u32 $0x28000, s1  }
0x8: {  	s6 =	sor.u32 s12, s4;
	s4 =	simm.s32 $0x0;
	s5 =	sadd.s32 s7, s5  }
0x9: {  	s26 =	sshrl.u32 s24, $0x2;
	s8 =	sshrl.u32 s6, $0x3;
	s5 =	sshrl.u32 s5, $0x3  }
0xa: {  	[smem:$0x7FF] =	sst s4;
	s11 =	sadd.s32 s5, s2;
	s5 =	sadd.s32 s26, s3  }
0xb: {  	s6 =	smul.u32 $0x2800, s6;
	s1 =	sadd.s32 s31, s1;
	s30 =	sadd.s32 $0x800, s5  }
0xc: {  	_ =	strace $0x80000047;
	s13 =	sadd.s32 $0x1000, s5;
	[dreg:$0xa] =	wrdreg s30  }
0xd: {  	s8 =	smul.u32 $0x13C00, s8;
	s14 =	sadd.s32 $0x1800, s5;
	[dreg:$0xb] =	wrdreg s13  }
0xe: {  	s19 =	sor.u32 $0x380, s1;
	s15 =	sadd.s32 $0x2000, s5;
	[dreg:$0xc] =	wrdreg s14  }
0xf: {  	s6 =	sshrl.u32 s6, $0x3;
	s16 =	sadd.s32 $0x2800, s5;
	[dreg:$0xd] =	wrdreg s15  }
0x10: {  	s23 =	sor.u32 s9, s8;
	s17 =	sadd.s32 $0x3000, s5;
	[dreg:$0xe] =	wrdreg s16  }
0x11: {  	s9 =	sadd.s32 $0xE400, s2;
	s18 =	sadd.s32 s10, s6;
	[dreg:$0xf] =	wrdreg s17  }
0x12: {  	s21 =	sor.u32 $0x10, s6;
	[dreg:$0x10] =	wrdreg s18;
	s20 =	sadd.s32 s9, s6  }
0x13: {  	s8 =	sshrl.u32 s19, $0x3;
	s13 =	sadd.s32 s10, s21;
	[dreg:$0x11] =	wrdreg s20  }
0x14: {  	s22 =	sadd.s32 s8, s9;
	[dreg:$0x12] =	wrdreg s13  }
0x15: {  	s8 =	sadd.s32 s8, s10;
	[dreg:$0x4] =	wrdreg s22  }
0x16: {  	s12 =	sadd.s32 s9, s21;
	[dreg:$0x5] =	wrdreg s8  }
0x17: {  	s7 =	sshrl.u32 s23, $0x3;
	s17 =	sadd.s32 $0x3800, s5;
	[dreg:$0x13] =	wrdreg s12  }
0x18: {  	s14 =	sor.u32 $0x300, s1;
	s18 =	sadd.s32 $0x18400, s11;
	[dreg:$0x18] =	wrdreg s17  }
0x19: {  	s30 =	sor.u32 $0x20, s6;
	s11 =	sadd.s32 $0xA800, s5;
	[dreg:$0x19] =	wrdreg s18  }
0x1a: {  	s6 =	sor.u32 $0x30, s6;
	s12 =	sadd.s32 s10, s30;
	[smem:$0x7ED] =	sst s11  }
0x1b: {  	s23 =	sshrl.u32 s14, $0x3;
	s14 =	sadd.s32 s9, s30;
	[dreg:$0x14] =	wrdreg s12  }
0x1c: {  	s16 =	sadd.s32 s10, s6;
	[dreg:$0x15] =	wrdreg s14  }
0x1d: {  	s6 =	sadd.s32 s9, s6;
	[dreg:$0x16] =	wrdreg s16  }
0x1e: {  	s30 =	sadd.s32 $0x6800, s5;
	[dreg:$0x17] =	wrdreg s6  }
0x1f: {  	s8 =	sadd.s32 $0x9000, s5;
	[smem:$0x7E5] =	sst s30  }
0x20: {  	s13 =	sadd.s32 $0xB800, s5;
	[smem:$0x7EA] =	sst s8  }
0x21: {  	s17 =	sadd.s32 $0xD800, s5;
	[smem:$0x7EF] =	sst s13  }
0x22: {  	s18 =	sadd.s32 $0xE000, s5;
	[smem:$0x7F3] =	sst s17  }
0x23: {  	s29 =	sshrl.u32 s25, $0x1;
	s24 =	sadd.s32 s23, s9;
	[smem:$0x7F4] =	sst s18  }
0x24: {  	s2 =	sadd.s32 s7, s2;
	s26 =	sadd.s32 s23, s10;
	[dreg:$0x6] =	wrdreg s24  }
0x25: {  	s7 =	ssub.s32 s25, s29;
	s19 =	sadd.s32 $0x67400, s2;
	[dreg:$0x7] =	wrdreg s26  }
0x26: {  	s22 =	smax.u32 s7, $0x1;
	[dreg:$0x1a] =	wrdreg s19  }
0x27: {  	s25 =	sor.u32 $0x280, s1;
	s23 =	sadd.s32 $0x4000, s5;
	[dreg:$0x1b] =	wrdreg s22  }
0x28: {  	s29 =	sshrl.u32 s25, $0x3;
	s25 =	sadd.s32 $0x5000, s5;
	[dreg:$0x1c] =	wrdreg s23  }
0x29: {  	s28 =	simm.s32 $0x0;
	s2 =	sadd.s32 $0x7800, s5;
	[dreg:$0x1e] =	wrdreg s25  }
0x2a: {  	s1 =	sor.u32 $0x200, s1;
	s6 =	sadd.s32 $0x8000, s5;
	[smem:$0x7E7] =	sst s2  }
0x2b: {  	s11 =	simm.s32 $0x280;
	s7 =	sadd.s32 $0x8800, s5;
	[smem:$0x7E8] =	sst s6  }
0x2c: {  	s1 =	sshrl.u32 s1, $0x3;
	s12 =	sadd.s32 $0xB000, s5;
	[smem:$0x7E9] =	sst s7  }
0x2d: {  	s14 =	sadd.s32 $0xC000, s5;
	s16 =	sadd.s32 $0xD000, s5;
	[smem:$0x7EE] =	sst s12  }
0x2e: {  	s30 =	sadd.s32 $0x12000, s5;
	s8 =	simm.s32 $0x100;
	[smem:$0x7F0] =	sst s14  }
0x2f: {  	s13 =	simm.s32 $0x380;
	s17 =	simm.s32 $0x4400;
	[smem:$0x7F2] =	sst s16  }
0x30: {  	s18 =	simm.s32 $0x7;
	s31 =	sadd.s32 s29, s9;
	[smem:$0x7FC] =	sst s30  }
0x31: {  	s15 =	sadd.s32 s29, s10;
	s20 =	sadd.s32 s1, s9;
	[dreg:$0x8] =	wrdreg s31  }
0x32: {  	s21 =	sadd.s32 s1, s10;
	s24 =	sadd.s32 $0x4800, s5;
	[dreg:$0x9] =	wrdreg s15  }
0x33: {  	s26 =	sadd.s32 $0x5800, s5;
	s29 =	sadd.s32 $0x6000, s5;
	[dreg:$0x1d] =	wrdreg s24  }
0x34: {  	s9 =	sadd.s32 $0x9800, s5;
	s10 =	sadd.s32 $0xA000, s5;
	[dreg:$0x1f] =	wrdreg s26  }
0x35: {  	s19 =	sadd.s32 $0xE800, s5;
	s22 =	sadd.s32 $0xF000, s5;
	[smem:$0x7E4] =	sst s29  }
0x36: {  	s23 =	sadd.s32 $0xF800, s5;
	s25 =	sadd.s32 $0x10800, s5;
	[smem:$0x7EB] =	sst s9  }
0x37: {  	s1 =	sadd.s32 $0x13000, s5;
	s2 =	sadd.s32 $0x13800, s5;
	[smem:$0x7EC] =	sst s10  }
0x38: {  	s6 =	simm.s32 $0x8400;
	s7 =	simm.s32 $0x80;
	[smem:$0x7F5] =	sst s19  }
0x39: {  	s12 =	simm.s32 $0x300;
	s14 =	simm.s32 $0x3;
	[smem:$0x7F6] =	sst s22  }
0x3a: {  	s16 =	simm.s32 $0x4;
	s31 =	sadd.s32 $0x7000, s5;
	[smem:$0x7F7] =	sst s23  }
0x3b: {  	s15 =	sadd.s32 $0xC800, s5;
	s24 =	sadd.s32 $0x10000, s5;
	[smem:$0x7F9] =	sst s25  }
0x3c: {  	s26 =	sadd.s32 $0x11000, s5;
	s29 =	sadd.s32 $0x11800, s5;
	[smem:$0x7E6] =	sst s31  }
0x3d: {  	s9 =	simm.s32 $0x180;
	s10 =	simm.s32 $0x200;
	[smem:$0x7F1] =	sst s15  }
0x3e: {  	s19 =	simm.s32 $0x1;
	s22 =	simm.s32 $0x8;
	[smem:$0x7F8] =	sst s24  }
0x3f: {  	s23 =	simm.s32 $0x1C800;
	s25 =	simm.s32 $0x2;
	[smem:$0x7FA] =	sst s26  }
0x40: {  	[smem:$0x7FB] =	sst s29;
	s31 =	sadd.s32 $0x12800, s5;
	s15 =	simm.s32 $0x400  }
0x41: {  	v0 =	vimm.f32 $0.0e+00;
	v1 =	vimm.f32 $1.000000000e+00;
	s24 =	simm.s32 $0x5;
	s26 =	simm.s32 $0x6;
	[smem:$0x7FD] =	sst s31  }
.LBB2_1:
0x42: {  	[tilespmem:$0x8400] =	vst v0  }
0x43: {  	[tilespmem:$0x8410] =	vst v0  }
0x44: {  	[tilespmem:$0x8420] =	vst v0  }
0x45: {  	[tilespmem:$0x8430] =	vst v0  }
0x46: {  	[tilespmem:$0x8440] =	vst v0  }
0x47: {  	[tilespmem:$0x8450] =	vst v0  }
0x48: {  	[tilespmem:$0x8460] =	vst v0  }
0x49: {  	[tilespmem:$0x8470] =	vst v0  }
0x4a: {  	[tilespmem:$0x8480] =	vst v0  }
0x4b: {  	[tilespmem:$0x8490] =	vst v0  }
0x4c: {  	[tilespmem:$0x84A0] =	vst v0  }
0x4d: {  	[tilespmem:$0x84B0] =	vst v0  }
0x4e: {  	[tilespmem:$0x84C0] =	vst v0  }
0x4f: {  	[tilespmem:$0x84D0] =	vst v0  }
0x50: {  	[tilespmem:$0x84E0] =	vst v0  }
0x51: {  	[tilespmem:$0x84F0] =	vst v0  }
0x52: {  	[tilespmem:$0x8500] =	vst v0  }
0x53: {  	[tilespmem:$0x8510] =	vst v0  }
0x54: {  	[tilespmem:$0x8520] =	vst v0  }
0x55: {  	[tilespmem:$0x8530] =	vst v0  }
0x56: {  	[tilespmem:$0x8540] =	vst v0  }
0x57: {  	[tilespmem:$0x8550] =	vst v0  }
0x58: {  	[tilespmem:$0x8560] =	vst v0  }
0x59: {  	[tilespmem:$0x8570] =	vst v0  }
0x5a: {  	[tilespmem:$0x8580] =	vst v0  }
0x5b: {  	[tilespmem:$0x8590] =	vst v0  }
0x5c: {  	[tilespmem:$0x85A0] =	vst v0  }
0x5d: {  	[tilespmem:$0x85B0] =	vst v0  }
0x5e: {  	[tilespmem:$0x85C0] =	vst v0  }
0x5f: {  	[tilespmem:$0x85D0] =	vst v0  }
0x60: {  	[tilespmem:$0x85E0] =	vst v0  }
0x61: {  	[tilespmem:$0x85F0] =	vst v0  }
0x62: {  	[tilespmem:$0x8600] =	vst v0  }
0x63: {  	[tilespmem:$0x8610] =	vst v0  }
0x64: {  	[tilespmem:$0x8620] =	vst v0  }
0x65: {  	[tilespmem:$0x8630] =	vst v0  }
0x66: {  	[tilespmem:$0x8640] =	vst v0  }
0x67: {  	[tilespmem:$0x8650] =	vst v0  }
0x68: {  	[tilespmem:$0x8660] =	vst v0  }
0x69: {  	[tilespmem:$0x8670] =	vst v0  }
0x6a: {  	[tilespmem:$0x8680] =	vst v0  }
0x6b: {  	[tilespmem:$0x8690] =	vst v0  }
0x6c: {  	[tilespmem:$0x86A0] =	vst v0  }
0x6d: {  	[tilespmem:$0x86B0] =	vst v0  }
0x6e: {  	[tilespmem:$0x86C0] =	vst v0  }
0x6f: {  	[tilespmem:$0x86D0] =	vst v0  }
0x70: {  	[tilespmem:$0x86E0] =	vst v0  }
0x71: {  	[tilespmem:$0x86F0] =	vst v0  }
0x72: {  	[tilespmem:$0x8700] =	vst v0  }
0x73: {  	[tilespmem:$0x8710] =	vst v0  }
0x74: {  	[tilespmem:$0x8720] =	vst v0  }
0x75: {  	[tilespmem:$0x8730] =	vst v0  }
0x76: {  	[tilespmem:$0x8740] =	vst v0  }
0x77: {  	[tilespmem:$0x8750] =	vst v0  }
0x78: {  	[tilespmem:$0x8760] =	vst v0  }
0x79: {  	[tilespmem:$0x8770] =	vst v0  }
0x7a: {  	[tilespmem:$0x8780] =	vst v0  }
0x7b: {  	[tilespmem:$0x8790] =	vst v0  }
0x7c: {  	[tilespmem:$0x87A0] =	vst v0  }
0x7d: {  	[tilespmem:$0x87B0] =	vst v0  }
0x7e: {  	[tilespmem:$0x87C0] =	vst v0  }
0x7f: {  	[tilespmem:$0x87D0] =	vst v0  }
0x80: {  	[tilespmem:$0x87E0] =	vst v0  }
0x81: {  	[tilespmem:$0x87F0] =	vst v0  }
0x82: {  	[tilespmem:$0x8800] =	vst v0  }
0x83: {  	[tilespmem:$0x8810] =	vst v0  }
0x84: {  	[tilespmem:$0x8820] =	vst v0  }
0x85: {  	[tilespmem:$0x8830] =	vst v0  }
0x86: {  	[tilespmem:$0x8840] =	vst v0  }
0x87: {  	[tilespmem:$0x8850] =	vst v0  }
0x88: {  	[tilespmem:$0x8860] =	vst v0  }
0x89: {  	[tilespmem:$0x8870] =	vst v0  }
0x8a: {  	[tilespmem:$0x8880] =	vst v0  }
0x8b: {  	[tilespmem:$0x8890] =	vst v0  }
0x8c: {  	[tilespmem:$0x88A0] =	vst v0  }
0x8d: {  	[tilespmem:$0x88B0] =	vst v0  }
0x8e: {  	[tilespmem:$0x88C0] =	vst v0  }
0x8f: {  	[tilespmem:$0x88D0] =	vst v0  }
0x90: {  	[tilespmem:$0x88E0] =	vst v0  }
0x91: {  	[tilespmem:$0x88F0] =	vst v0  }
0x92: {  	[tilespmem:$0x8900] =	vst v0  }
0x93: {  	[tilespmem:$0x8910] =	vst v0  }
0x94: {  	[tilespmem:$0x8920] =	vst v0  }
0x95: {  	[tilespmem:$0x8930] =	vst v0  }
0x96: {  	[tilespmem:$0x8940] =	vst v0  }
0x97: {  	[tilespmem:$0x8950] =	vst v0  }
0x98: {  	[tilespmem:$0x8960] =	vst v0  }
0x99: {  	[tilespmem:$0x8970] =	vst v0  }
0x9a: {  	[tilespmem:$0x8980] =	vst v0  }
0x9b: {  	[tilespmem:$0x8990] =	vst v0  }
0x9c: {  	[tilespmem:$0x89A0] =	vst v0  }
0x9d: {  	[tilespmem:$0x89B0] =	vst v0  }
0x9e: {  	[tilespmem:$0x89C0] =	vst v0  }
0x9f: {  	[tilespmem:$0x89D0] =	vst v0  }
0xa0: {  	[tilespmem:$0x89E0] =	vst v0  }
0xa1: {  	[tilespmem:$0x89F0] =	vst v0  }
0xa2: {  	[tilespmem:$0x8A00] =	vst v0  }
0xa3: {  	[tilespmem:$0x8A10] =	vst v0  }
0xa4: {  	[tilespmem:$0x8A20] =	vst v0  }
0xa5: {  	[tilespmem:$0x8A30] =	vst v0  }
0xa6: {  	[tilespmem:$0x8A40] =	vst v0  }
0xa7: {  	[tilespmem:$0x8A50] =	vst v0  }
0xa8: {  	[tilespmem:$0x8A60] =	vst v0  }
0xa9: {  	[tilespmem:$0x8A70] =	vst v0  }
0xaa: {  	[tilespmem:$0x8A80] =	vst v0  }
0xab: {  	[tilespmem:$0x8A90] =	vst v0  }
0xac: {  	[tilespmem:$0x8AA0] =	vst v0  }
0xad: {  	[tilespmem:$0x8AB0] =	vst v0  }
0xae: {  	[tilespmem:$0x8AC0] =	vst v0  }
0xaf: {  	[tilespmem:$0x8AD0] =	vst v0  }
0xb0: {  	[tilespmem:$0x8AE0] =	vst v0  }
0xb1: {  	[tilespmem:$0x8AF0] =	vst v0  }
0xb2: {  	[tilespmem:$0x8B00] =	vst v0  }
0xb3: {  	[tilespmem:$0x8B10] =	vst v0  }
0xb4: {  	[tilespmem:$0x8B20] =	vst v0  }
0xb5: {  	[tilespmem:$0x8B30] =	vst v0  }
0xb6: {  	[tilespmem:$0x8B40] =	vst v0  }
0xb7: {  	[tilespmem:$0x8B50] =	vst v0  }
0xb8: {  	[tilespmem:$0x8B60] =	vst v0  }
0xb9: {  	[tilespmem:$0x8B70] =	vst v0  }
0xba: {  	[tilespmem:$0x8B80] =	vst v0  }
0xbb: {  	[tilespmem:$0x8B90] =	vst v0  }
0xbc: {  	[tilespmem:$0x8BA0] =	vst v0  }
0xbd: {  	[tilespmem:$0x8BB0] =	vst v0  }
0xbe: {  	[tilespmem:$0x8BC0] =	vst v0  }
0xbf: {  	[tilespmem:$0x8BD0] =	vst v0  }
0xc0: {  	[tilespmem:$0x8BE0] =	vst v0  }
0xc1: {  	[tilespmem:$0x8BF0] =	vst v0  }
0xc2: {  	[spmem:s5] =	stream.linear.scatter [tilespmem:s6], [sflag:$0x7], $0x800, $0x38;
	[tilespmem:$0x1EF80] =	vst v63  }
0xc3: {  	s29 =	rddreg [dreg:$0xa]  }
0xc4: {  	[spmem:s29] =	stream.linear.scatter [tilespmem:s6], [sflag:$0x7], $0x800, $0x38;
	[tilespmem:$0x1EF80] =	vst v63  }
0xc5: {  	s29 =	rddreg [dreg:$0xb]  }
0xc6: {  	[spmem:s29] =	stream.linear.scatter [tilespmem:s6], [sflag:$0x7], $0x800, $0x38;
	[tilespmem:$0x1EF80] =	vst v63  }
0xc7: {  	s29 =	rddreg [dreg:$0xc]  }
0xc8: {  	[spmem:s29] =	stream.linear.scatter [tilespmem:s6], [sflag:$0x7], $0x800, $0x38;
	[tilespmem:$0x1EF80] =	vst v63  }
0xc9: {  	s29 =	rddreg [dreg:$0xd]  }
0xca: {  	[spmem:s29] =	stream.linear.scatter [tilespmem:s6], [sflag:$0x7], $0x800, $0x38;
	[tilespmem:$0x1EF80] =	vst v63  }
0xcb: {  	s29 =	rddreg [dreg:$0xe]  }
0xcc: {  	[spmem:s29] =	stream.linear.scatter [tilespmem:s6], [sflag:$0x7], $0x800, $0x38;
	[tilespmem:$0x1EF80] =	vst v63  }
0xcd: {  	s29 =	rddreg [dreg:$0xf]  }
0xce: {  	[spmem:s29] =	stream.linear.scatter [tilespmem:s6], [sflag:$0x7], $0x800, $0x38;
	[tilespmem:$0x1EF80] =	vst v63  }
0xcf: {  	s29 =	rddreg [dreg:$0x18]  }
0xd0: {  	[spmem:s29] =	stream.linear.scatter [tilespmem:s6], [sflag:$0x7], $0x800, $0x38;
	[tilespmem:$0x1EF80] =	vst v63  }
0xd1: {  	s29 =	rddreg [dreg:$0x1c]  }
0xd2: {  	[spmem:s29] =	stream.linear.scatter [tilespmem:s6], [sflag:$0x7], $0x800, $0x38;
	[tilespmem:$0x1EF80] =	vst v63  }
0xd3: {  	s29 =	rddreg [dreg:$0x1d]  }
0xd4: {  	[spmem:s29] =	stream.linear.scatter [tilespmem:s6], [sflag:$0x7], $0x800, $0x38;
	[tilespmem:$0x1EF80] =	vst v63  }
0xd5: {  	s29 =	rddreg [dreg:$0x1e]  }
0xd6: {  	[spmem:s29] =	stream.linear.scatter [tilespmem:s6], [sflag:$0x7], $0x800, $0x38;
	[tilespmem:$0x1EF80] =	vst v63  }
0xd7: {  	s29 =	rddreg [dreg:$0x1f]  }
0xd8: {  	[spmem:s29] =	stream.linear.scatter [tilespmem:s6], [sflag:$0x7], $0x800, $0x38;
	[tilespmem:$0x1EF80] =	vst v63  }
0xd9: {  	s29 =	sld [smem:$0x7E4];
	_ =	sdelay $0x2  }
0xda: {  	[spmem:s29] =	stream.linear.scatter [tilespmem:s6], [sflag:$0x7], $0x800, $0x38;
	[tilespmem:$0x1EF80] =	vst v63  }
0xdb: {  	s29 =	sld [smem:$0x7E5];
	_ =	sdelay $0x2  }
0xdc: {  	[spmem:s29] =	stream.linear.scatter [tilespmem:s6], [sflag:$0x7], $0x800, $0x38;
	[tilespmem:$0x1EF80] =	vst v63  }
0xdd: {  	s29 =	sld [smem:$0x7E6];
	_ =	sdelay $0x2  }
0xde: {  	[spmem:s29] =	stream.linear.scatter [tilespmem:s6], [sflag:$0x7], $0x800, $0x38;
	[tilespmem:$0x1EF80] =	vst v63  }
0xdf: {  	s29 =	sld [smem:$0x7E7];
	_ =	sdelay $0x2  }
0xe0: {  	[spmem:s29] =	stream.linear.scatter [tilespmem:s6], [sflag:$0x7], $0x800, $0x38;
	[tilespmem:$0x1EF80] =	vst v63  }
0xe1: {  	s29 =	sld [smem:$0x7E8];
	_ =	sdelay $0x2  }
0xe2: {  	[spmem:s29] =	stream.linear.scatter [tilespmem:s6], [sflag:$0x7], $0x800, $0x38;
	[tilespmem:$0x1EF80] =	vst v63  }
0xe3: {  	s29 =	sld [smem:$0x7E9];
	_ =	sdelay $0x2  }
0xe4: {  	[spmem:s29] =	stream.linear.scatter [tilespmem:s6], [sflag:$0x7], $0x800, $0x38;
	[tilespmem:$0x1EF80] =	vst v63  }
0xe5: {  	s29 =	sld [smem:$0x7EA];
	_ =	sdelay $0x2  }
0xe6: {  	[spmem:s29] =	stream.linear.scatter [tilespmem:s6], [sflag:$0x7], $0x800, $0x38;
	[tilespmem:$0x1EF80] =	vst v63  }
0xe7: {  	s29 =	sld [smem:$0x7EB];
	_ =	sdelay $0x2  }
0xe8: {  	[spmem:s29] =	stream.linear.scatter [tilespmem:s6], [sflag:$0x7], $0x800, $0x38;
	[tilespmem:$0x1EF80] =	vst v63  }
0xe9: {  	s29 =	sld [smem:$0x7EC];
	_ =	sdelay $0x2  }
0xea: {  	[spmem:s29] =	stream.linear.scatter [tilespmem:s6], [sflag:$0x7], $0x800, $0x38;
	[tilespmem:$0x1EF80] =	vst v63  }
0xeb: {  	s29 =	sld [smem:$0x7ED];
	_ =	sdelay $0x2  }
0xec: {  	[spmem:s29] =	stream.linear.scatter [tilespmem:s6], [sflag:$0x7], $0x800, $0x38;
	[tilespmem:$0x1EF80] =	vst v63  }
0xed: {  	s29 =	sld [smem:$0x7EE];
	_ =	sdelay $0x2  }
0xee: {  	[spmem:s29] =	stream.linear.scatter [tilespmem:s6], [sflag:$0x7], $0x800, $0x38;
	[tilespmem:$0x1EF80] =	vst v63  }
0xef: {  	s29 =	sld [smem:$0x7EF];
	_ =	sdelay $0x2  }
0xf0: {  	[spmem:s29] =	stream.linear.scatter [tilespmem:s6], [sflag:$0x7], $0x800, $0x38;
	[tilespmem:$0x1EF80] =	vst v63  }
0xf1: {  	s29 =	sld [smem:$0x7F0];
	_ =	sdelay $0x2  }
0xf2: {  	[spmem:s29] =	stream.linear.scatter [tilespmem:s6], [sflag:$0x7], $0x800, $0x38;
	[tilespmem:$0x1EF80] =	vst v63  }
0xf3: {  	s29 =	sld [smem:$0x7F1];
	_ =	sdelay $0x2  }
0xf4: {  	[spmem:s29] =	stream.linear.scatter [tilespmem:s6], [sflag:$0x7], $0x800, $0x38;
	[tilespmem:$0x1EF80] =	vst v63  }
0xf5: {  	s29 =	sld [smem:$0x7F2];
	_ =	sdelay $0x2  }
0xf6: {  	[spmem:s29] =	stream.linear.scatter [tilespmem:s6], [sflag:$0x7], $0x800, $0x38;
	[tilespmem:$0x1EF80] =	vst v63  }
0xf7: {  	s29 =	sld [smem:$0x7F3];
	_ =	sdelay $0x2  }
0xf8: {  	[spmem:s29] =	stream.linear.scatter [tilespmem:s6], [sflag:$0x7], $0x800, $0x38;
	[tilespmem:$0x1EF80] =	vst v63  }
0xf9: {  	s29 =	sld [smem:$0x7F4];
	_ =	sdelay $0x2  }
0xfa: {  	[spmem:s29] =	stream.linear.scatter [tilespmem:s6], [sflag:$0x7], $0x800, $0x38;
	[tilespmem:$0x1EF80] =	vst v63  }
0xfb: {  	s29 =	sld [smem:$0x7F5];
	_ =	sdelay $0x2  }
0xfc: {  	[spmem:s29] =	stream.linear.scatter [tilespmem:s6], [sflag:$0x7], $0x800, $0x38;
	[tilespmem:$0x1EF80] =	vst v63  }
0xfd: {  	s29 =	sld [smem:$0x7F6];
	_ =	sdelay $0x2  }
0xfe: {  	[spmem:s29] =	stream.linear.scatter [tilespmem:s6], [sflag:$0x7], $0x800, $0x38;
	[tilespmem:$0x1EF80] =	vst v63  }
0xff: {  	s29 =	sld [smem:$0x7F7];
	_ =	sdelay $0x2  }
0x100: {  	[spmem:s29] =	stream.linear.scatter [tilespmem:s6], [sflag:$0x7], $0x800, $0x38;
	[tilespmem:$0x1EF80] =	vst v63  }
0x101: {  	s29 =	sld [smem:$0x7F8];
	_ =	sdelay $0x2  }
0x102: {  	[spmem:s29] =	stream.linear.scatter [tilespmem:s6], [sflag:$0x7], $0x800, $0x38;
	[tilespmem:$0x1EF80] =	vst v63  }
0x103: {  	s29 =	sld [smem:$0x7F9];
	_ =	sdelay $0x2  }
0x104: {  	[spmem:s29] =	stream.linear.scatter [tilespmem:s6], [sflag:$0x7], $0x800, $0x38;
	[tilespmem:$0x1EF80] =	vst v63  }
0x105: {  	s29 =	sld [smem:$0x7FA];
	_ =	sdelay $0x2  }
0x106: {  	[spmem:s29] =	stream.linear.scatter [tilespmem:s6], [sflag:$0x7], $0x800, $0x38;
	[tilespmem:$0x1EF80] =	vst v63  }
0x107: {  	s29 =	sld [smem:$0x7FB];
	_ =	sdelay $0x2  }
0x108: {  	[spmem:s29] =	stream.linear.scatter [tilespmem:s6], [sflag:$0x7], $0x800, $0x38;
	[tilespmem:$0x1EF80] =	vst v63  }
0x109: {  	s29 =	sld [smem:$0x7FC];
	_ =	sdelay $0x2  }
0x10a: {  	[spmem:s29] =	stream.linear.scatter [tilespmem:s6], [sflag:$0x7], $0x800, $0x38;
	[tilespmem:$0x1EF80] =	vst v63  }
0x10b: {  	s29 =	sld [smem:$0x7FD];
	_ =	sdelay $0x2  }
0x10c: {  	[spmem:s29] =	stream.linear.scatter [tilespmem:s6], [sflag:$0x7], $0x800, $0x38;
	[tilespmem:$0x1EF80] =	vst v63  }
0x10d: {  	_ = 	snop  }
0x10e: {  	[spmem:s1] =	stream.linear.scatter [tilespmem:s6], [sflag:$0x7], $0x800, $0x38;
	[tilespmem:$0x1EF80] =	vst v63  }
0x10f: {  	_ = 	snop  }
0x110: {  	[spmem:s2] =	stream.linear.scatter [tilespmem:s6], [sflag:$0x7], $0x400, $0x38;
	[tilespmem:$0x1EF80] =	vst v63  }
0x111: {  	s29 =	rddreg [dreg:$0x10]  }
0x112: {  	[tilespmem:s4], [sflag:$0x3] =	stream.linear.gather [hbm4b:s29+s4], $0x80, $0x38;
	[tilespmem:$0x1EF80] =	vst v63  }
0x113: {  	s29 =	rddreg [dreg:$0x11]  }
0x114: {  	[tilespmem:s7], [sflag:$0x3] =	stream.linear.gather [hbm4b:s29+s4], $0x80, $0x38;
	[tilespmem:$0x1EF80] =	vst v63  }
0x115: {  	s29 =	rddreg [dreg:$0x12]  }
0x116: {  	[tilespmem:s8], [sflag:$0x4] =	stream.linear.gather [hbm4b:s29+s4], $0x80, $0x38;
	[tilespmem:$0x1EF80] =	vst v63  }
0x117: {  	s29 =	rddreg [dreg:$0x13]  }
0x118: {  	[tilespmem:s9], [sflag:$0x4] =	stream.linear.gather [hbm4b:s29+s4], $0x80, $0x38;
	[tilespmem:$0x1EF80] =	vst v63  }
0x119: {  	s29 =	rddreg [dreg:$0x14]  }
0x11a: {  	[tilespmem:s10], [sflag:$0x5] =	stream.linear.gather [hbm4b:s29+s4], $0x80, $0x38;
	[tilespmem:$0x1EF80] =	vst v63  }
0x11b: {  	s29 =	rddreg [dreg:$0x15]  }
0x11c: {  	[tilespmem:s11], [sflag:$0x5] =	stream.linear.gather [hbm4b:s29+s4], $0x80, $0x38;
	[tilespmem:$0x1EF80] =	vst v63  }
0x11d: {  	s29 =	rddreg [dreg:$0x16]  }
0x11e: {  	[tilespmem:s12], [sflag:$0x6] =	stream.linear.gather [hbm4b:s29+s4], $0x80, $0x38;
	[tilespmem:$0x1EF80] =	vst v63  }
0x11f: {  	s29 =	rddreg [dreg:$0x17]  }
0x120: {  	[tilespmem:s13], [sflag:$0x6] =	stream.linear.gather [hbm4b:s29+s4], $0x80, $0x38;
	[tilespmem:$0x1EF80] =	vst v63  }
0x121: {  	_ =	swait.ge [sflag:s14], $0x80  }
0x122: {  	[sflag:s14] =	ssyncset.done $0x0  }
0x123: {  	[sflag:s14] =	ssyncadd.s32 $0xFFFFFF80  }
0x124: {  	_ =	swait.ge [sflag:s14], $0x80  }
0x125: {  	[sflag:s14] =	ssyncset.done $0x0  }
0x126: {  	[sflag:s14] =	ssyncadd.s32 $0xFFFFFF80  }
0x127: {  	[tilespmem:s15], [sflag:$0x1] =	stream.indirect.gather [hbm4b:s0+s7], $0x80, s4, s7, $0xb8;
	[tilespmem:$0x1EF80] =	vst v63  }
0x128: {  	_ =	swait.ge [sflag:s16], $0x80  }
0x129: {  	[sflag:s16] =	ssyncset.done $0x0  }
0x12a: {  	[sflag:s16] =	ssyncadd.s32 $0xFFFFFF80  }
0x12b: {  	_ =	swait.ge [sflag:s16], $0x80  }
0x12c: {  	[sflag:s16] =	ssyncset.done $0x0  }
0x12d: {  	s30 =	simm.s32 $0x0;
	s29 =	simm.s32 $0x40;
	[sflag:s16] =	ssyncadd.s32 $0xFFFFFF80  }
0x12e: {  	[tilespmem:s17], [sflag:$0x2] =	stream.indirect.gather [hbm4b:s0+s7], $0x80, s8, s7, $0xb8;
	[tilespmem:$0x1EF80] =	vst v63  }
.LBB2_2:
0x12f: {  	p0 =	sne.s32 s29, $0x9DC0;
	[tilespmem:s30+$0x1C800] =	vst v0;
	s30 =	smov.u32 s29;
	s29 =	sadd.s32 $0x40, s29  }
.Ltmp0:
0x130: {  	(pc) =	sbr.rel @p0 .LBB2_2-.Ltmp0, $2  }
0x131: {  	_ =	sdelay $0x2  }
0x132: {  	s30 =	sshra.s32 s30, $0x2  }
0x133: {  	[tilespmem:s30+$0x1C800] =	vst v0  }
0x134: {  	_ =	swait.ge [sflag:s18], $0x800  }
0x135: {  	[sflag:s18] =	ssyncset.done $0x0  }
0x136: {  	[sflag:s18] =	ssyncadd.s32 $0xFFFFF800  }
0x137: {  	_ =	swait.ge [sflag:s18], $0x800  }
0x138: {  	[sflag:s18] =	ssyncset.done $0x0  }
0x139: {  	[sflag:s18] =	ssyncadd.s32 $0xFFFFF800  }
0x13a: {  	_ =	swait.ge [sflag:s18], $0x800  }
0x13b: {  	[sflag:s18] =	ssyncset.done $0x0  }
0x13c: {  	[sflag:s18] =	ssyncadd.s32 $0xFFFFF800  }
0x13d: {  	_ =	swait.ge [sflag:s18], $0x800  }
0x13e: {  	[sflag:s18] =	ssyncset.done $0x0  }
0x13f: {  	[sflag:s18] =	ssyncadd.s32 $0xFFFFF800  }
0x140: {  	_ =	swait.ge [sflag:s18], $0x800  }
0x141: {  	[sflag:s18] =	ssyncset.done $0x0  }
0x142: {  	[sflag:s18] =	ssyncadd.s32 $0xFFFFF800  }
0x143: {  	_ =	swait.ge [sflag:s18], $0x800  }
0x144: {  	[sflag:s18] =	ssyncset.done $0x0  }
0x145: {  	[sflag:s18] =	ssyncadd.s32 $0xFFFFF800  }
0x146: {  	_ =	swait.ge [sflag:s18], $0x800  }
0x147: {  	[sflag:s18] =	ssyncset.done $0x0  }
0x148: {  	[sflag:s18] =	ssyncadd.s32 $0xFFFFF800  }
0x149: {  	_ =	swait.ge [sflag:s18], $0x800  }
0x14a: {  	[sflag:s18] =	ssyncset.done $0x0  }
0x14b: {  	[sflag:s18] =	ssyncadd.s32 $0xFFFFF800  }
0x14c: {  	_ =	swait.ge [sflag:s18], $0x800  }
0x14d: {  	[sflag:s18] =	ssyncset.done $0x0  }
0x14e: {  	[sflag:s18] =	ssyncadd.s32 $0xFFFFF800  }
0x14f: {  	_ =	swait.ge [sflag:s18], $0x800  }
0x150: {  	[sflag:s18] =	ssyncset.done $0x0  }
0x151: {  	[sflag:s18] =	ssyncadd.s32 $0xFFFFF800  }
0x152: {  	_ =	swait.ge [sflag:s18], $0x800  }
0x153: {  	[sflag:s18] =	ssyncset.done $0x0  }
0x154: {  	[sflag:s18] =	ssyncadd.s32 $0xFFFFF800  }
0x155: {  	_ =	swait.ge [sflag:s18], $0x800  }
0x156: {  	[sflag:s18] =	ssyncset.done $0x0  }
0x157: {  	[sflag:s18] =	ssyncadd.s32 $0xFFFFF800  }
0x158: {  	_ =	swait.ge [sflag:s18], $0x800  }
0x159: {  	[sflag:s18] =	ssyncset.done $0x0  }
0x15a: {  	[sflag:s18] =	ssyncadd.s32 $0xFFFFF800  }
0x15b: {  	_ =	swait.ge [sflag:s18], $0x800  }
0x15c: {  	[sflag:s18] =	ssyncset.done $0x0  }
0x15d: {  	[sflag:s18] =	ssyncadd.s32 $0xFFFFF800  }
0x15e: {  	_ =	swait.ge [sflag:s18], $0x800  }
0x15f: {  	[sflag:s18] =	ssyncset.done $0x0  }
0x160: {  	[sflag:s18] =	ssyncadd.s32 $0xFFFFF800  }
0x161: {  	_ =	swait.ge [sflag:s18], $0x800  }
0x162: {  	[sflag:s18] =	ssyncset.done $0x0  }
0x163: {  	[sflag:s18] =	ssyncadd.s32 $0xFFFFF800  }
0x164: {  	_ =	swait.ge [sflag:s18], $0x800  }
0x165: {  	[sflag:s18] =	ssyncset.done $0x0  }
0x166: {  	[sflag:s18] =	ssyncadd.s32 $0xFFFFF800  }
0x167: {  	_ =	swait.ge [sflag:s18], $0x800  }
0x168: {  	[sflag:s18] =	ssyncset.done $0x0  }
0x169: {  	[sflag:s18] =	ssyncadd.s32 $0xFFFFF800  }
0x16a: {  	_ =	swait.ge [sflag:s18], $0x800  }
0x16b: {  	[sflag:s18] =	ssyncset.done $0x0  }
0x16c: {  	[sflag:s18] =	ssyncadd.s32 $0xFFFFF800  }
0x16d: {  	_ =	swait.ge [sflag:s18], $0x800  }
0x16e: {  	[sflag:s18] =	ssyncset.done $0x0  }
0x16f: {  	[sflag:s18] =	ssyncadd.s32 $0xFFFFF800  }
0x170: {  	_ =	swait.ge [sflag:s18], $0x800  }
0x171: {  	[sflag:s18] =	ssyncset.done $0x0  }
0x172: {  	[sflag:s18] =	ssyncadd.s32 $0xFFFFF800  }
0x173: {  	_ =	swait.ge [sflag:s18], $0x800  }
0x174: {  	[sflag:s18] =	ssyncset.done $0x0  }
0x175: {  	[sflag:s18] =	ssyncadd.s32 $0xFFFFF800  }
0x176: {  	_ =	swait.ge [sflag:s18], $0x800  }
0x177: {  	[sflag:s18] =	ssyncset.done $0x0  }
0x178: {  	[sflag:s18] =	ssyncadd.s32 $0xFFFFF800  }
0x179: {  	_ =	swait.ge [sflag:s18], $0x800  }
0x17a: {  	[sflag:s18] =	ssyncset.done $0x0  }
0x17b: {  	[sflag:s18] =	ssyncadd.s32 $0xFFFFF800  }
0x17c: {  	_ =	swait.ge [sflag:s18], $0x800  }
0x17d: {  	[sflag:s18] =	ssyncset.done $0x0  }
0x17e: {  	[sflag:s18] =	ssyncadd.s32 $0xFFFFF800  }
0x17f: {  	_ =	swait.ge [sflag:s18], $0x800  }
0x180: {  	[sflag:s18] =	ssyncset.done $0x0  }
0x181: {  	[sflag:s18] =	ssyncadd.s32 $0xFFFFF800  }
0x182: {  	_ =	swait.ge [sflag:s18], $0x800  }
0x183: {  	[sflag:s18] =	ssyncset.done $0x0  }
0x184: {  	[sflag:s18] =	ssyncadd.s32 $0xFFFFF800  }
0x185: {  	_ =	swait.ge [sflag:s18], $0x800  }
0x186: {  	[sflag:s18] =	ssyncset.done $0x0  }
0x187: {  	[sflag:s18] =	ssyncadd.s32 $0xFFFFF800  }
0x188: {  	_ =	swait.ge [sflag:s18], $0x800  }
0x189: {  	[sflag:s18] =	ssyncset.done $0x0  }
0x18a: {  	[sflag:s18] =	ssyncadd.s32 $0xFFFFF800  }
0x18b: {  	_ =	swait.ge [sflag:s18], $0x800  }
0x18c: {  	[sflag:s18] =	ssyncset.done $0x0  }
0x18d: {  	[sflag:s18] =	ssyncadd.s32 $0xFFFFF800  }
0x18e: {  	_ =	swait.ge [sflag:s18], $0x800  }
0x18f: {  	[sflag:s18] =	ssyncset.done $0x0  }
0x190: {  	[sflag:s18] =	ssyncadd.s32 $0xFFFFF800  }
0x191: {  	_ =	swait.ge [sflag:s18], $0x800  }
0x192: {  	[sflag:s18] =	ssyncset.done $0x0  }
0x193: {  	[sflag:s18] =	ssyncadd.s32 $0xFFFFF800  }
0x194: {  	_ =	swait.ge [sflag:s18], $0x800  }
0x195: {  	[sflag:s18] =	ssyncset.done $0x0  }
0x196: {  	[sflag:s18] =	ssyncadd.s32 $0xFFFFF800  }
0x197: {  	_ =	swait.ge [sflag:s18], $0x800  }
0x198: {  	[sflag:s18] =	ssyncset.done $0x0  }
0x199: {  	[sflag:s18] =	ssyncadd.s32 $0xFFFFF800  }
0x19a: {  	_ =	swait.ge [sflag:s18], $0x800  }
0x19b: {  	[sflag:s18] =	ssyncset.done $0x0  }
0x19c: {  	[sflag:s18] =	ssyncadd.s32 $0xFFFFF800  }
0x19d: {  	_ =	swait.ge [sflag:s18], $0x800  }
0x19e: {  	[sflag:s18] =	ssyncset.done $0x0  }
0x19f: {  	[sflag:s18] =	ssyncadd.s32 $0xFFFFF800  }
0x1a0: {  	_ =	swait.ge [sflag:s18], $0x800  }
0x1a1: {  	[sflag:s18] =	ssyncset.done $0x0  }
0x1a2: {  	[sflag:s18] =	ssyncadd.s32 $0xFFFFF800  }
0x1a3: {  	_ =	swait.ge [sflag:s18], $0x800  }
0x1a4: {  	[sflag:s18] =	ssyncset.done $0x0  }
0x1a5: {  	[sflag:s18] =	ssyncadd.s32 $0xFFFFF800  }
0x1a6: {  	_ =	swait.ge [sflag:s18], $0x800  }
0x1a7: {  	[sflag:s18] =	ssyncset.done $0x0  }
0x1a8: {  	[sflag:s18] =	ssyncadd.s32 $0xFFFFF800  }
0x1a9: {  	_ =	swait.ge [sflag:s18], $0x400  }
0x1aa: {  	[sflag:s18] =	ssyncset.done $0x0  }
0x1ab: {  	[sflag:s18] =	ssyncadd.s32 $0xFFFFFC00  }
0x1ac: {  	s29 =	simm.s32 $0x0;
	[bflag:$0x0] =	sbarrier.arrive $0xFFFF  }
.LBB2_4:
0x1ad: {  	_ =	swait.ge [sflag:s19], $0x4000  }
0x1ae: {  	[sflag:s19] =	ssyncset.done $0x0  }
0x1af: {  	[sflag:s19] =	ssyncadd.s32 $0xFFFFC000  }
0x1b0: {  	[spmem:s3] =	stream.indirect.scatter.add.f32 [tilespmem:s15], [sflag:$0x8], $0x80, s7, s7, $0xb8;
	[tilespmem:$0x1EF80] =	vst v63  }
0x1b1: {  	_ =	swait.ge [sflag:s22], $0x4000  }
0x1b2: {  	[sflag:s22] =	ssyncset.done $0x0  }
0x1b3: {  	[sflag:s22] =	ssyncadd.s32 $0xFFFFC000  }
0x1b4: {  	v2 =	vld [tilespmem:$0x80];
	_ =	sdelay $0x7  }
0x1b5: {  	[tilespmem:v2+s23+$0x0] =	vst.idx.add.f32.msk $0xffff, v1  }
0x1b6: {  	v2 =	vld [tilespmem:$0x90];
	_ =	sdelay $0x7  }
0x1b7: {  	[tilespmem:v2+s23+$0x0] =	vst.idx.add.f32.msk $0xffff, v1  }
0x1b8: {  	v2 =	vld [tilespmem:$0xA0];
	_ =	sdelay $0x7  }
0x1b9: {  	[tilespmem:v2+s23+$0x0] =	vst.idx.add.f32.msk $0xffff, v1  }
0x1ba: {  	v2 =	vld [tilespmem:$0xB0];
	_ =	sdelay $0x7  }
0x1bb: {  	[tilespmem:v2+s23+$0x0] =	vst.idx.add.f32.msk $0xffff, v1  }
0x1bc: {  	v2 =	vld [tilespmem:$0xC0];
	_ =	sdelay $0x7  }
0x1bd: {  	[tilespmem:v2+s23+$0x0] =	vst.idx.add.f32.msk $0xffff, v1  }
0x1be: {  	v2 =	vld [tilespmem:$0xD0];
	_ =	sdelay $0x7  }
0x1bf: {  	[tilespmem:v2+s23+$0x0] =	vst.idx.add.f32.msk $0xffff, v1  }
0x1c0: {  	v2 =	vld [tilespmem:$0xE0];
	_ =	sdelay $0x7  }
0x1c1: {  	[tilespmem:v2+s23+$0x0] =	vst.idx.add.f32.msk $0xffff, v1  }
0x1c2: {  	v2 =	vld [tilespmem:$0xF0];
	_ =	sdelay $0x7  }
0x1c3: {  	s30 =	sadd.s32 s29, s21;
	[tilespmem:v2+s23+$0x0] =	vst.idx.add.f32.msk $0xffff, v1  }
0x1c4: {  	[tilespmem:s4], [sflag:$0x3] =	stream.linear.gather [hbm4b:s30+s4], $0x80, $0x38;
	[tilespmem:$0x1EF80] =	vst v63  }
0x1c5: {  	s31 =	sadd.s32 s29, s20  }
0x1c6: {  	[tilespmem:s7], [sflag:$0x3] =	stream.linear.gather [hbm4b:s31+s4], $0x80, $0x38;
	[tilespmem:$0x1EF80] =	vst v63  }
0x1c7: {  	_ =	swait.ge [sflag:s24], $0x80  }
0x1c8: {  	[sflag:s24] =	ssyncset.done $0x0  }
0x1c9: {  	[sflag:s24] =	ssyncadd.s32 $0xFFFFFF80  }
0x1ca: {  	_ =	swait.ge [sflag:s24], $0x80  }
0x1cb: {  	[sflag:s24] =	ssyncset.done $0x0  }
0x1cc: {  	[sflag:s24] =	ssyncadd.s32 $0xFFFFFF80  }
0x1cd: {  	[tilespmem:s15], [sflag:$0x1] =	stream.indirect.gather [hbm4b:s0+s7], $0x80, s10, s7, $0xb8;
	[tilespmem:$0x1EF80] =	vst v63  }
0x1ce: {  	_ =	swait.ge [sflag:s25], $0x4000  }
0x1cf: {  	[sflag:s25] =	ssyncset.done $0x0  }
0x1d0: {  	[sflag:s25] =	ssyncadd.s32 $0xFFFFC000  }
0x1d1: {  	[spmem:s3] =	stream.indirect.scatter.add.f32 [tilespmem:s17], [sflag:$0x8], $0x80, s9, s7, $0xb8;
	[tilespmem:$0x1EF80] =	vst v63  }
0x1d2: {  	_ =	swait.ge [sflag:s22], $0x4000  }
0x1d3: {  	[sflag:s22] =	ssyncset.done $0x0  }
0x1d4: {  	[sflag:s22] =	ssyncadd.s32 $0xFFFFC000  }
0x1d5: {  	v2 =	vld [tilespmem:$0x180];
	_ =	sdelay $0x7  }
0x1d6: {  	[tilespmem:v2+s23+$0x0] =	vst.idx.add.f32.msk $0xffff, v1  }
0x1d7: {  	v2 =	vld [tilespmem:$0x190];
	_ =	sdelay $0x7  }
0x1d8: {  	[tilespmem:v2+s23+$0x0] =	vst.idx.add.f32.msk $0xffff, v1  }
0x1d9: {  	v2 =	vld [tilespmem:$0x1A0];
	_ =	sdelay $0x7  }
0x1da: {  	[tilespmem:v2+s23+$0x0] =	vst.idx.add.f32.msk $0xffff, v1  }
0x1db: {  	v2 =	vld [tilespmem:$0x1B0];
	_ =	sdelay $0x7  }
0x1dc: {  	[tilespmem:v2+s23+$0x0] =	vst.idx.add.f32.msk $0xffff, v1  }
0x1dd: {  	v2 =	vld [tilespmem:$0x1C0];
	_ =	sdelay $0x7  }
0x1de: {  	[tilespmem:v2+s23+$0x0] =	vst.idx.add.f32.msk $0xffff, v1  }
0x1df: {  	v2 =	vld [tilespmem:$0x1D0];
	_ =	sdelay $0x7  }
0x1e0: {  	[tilespmem:v2+s23+$0x0] =	vst.idx.add.f32.msk $0xffff, v1  }
0x1e1: {  	v2 =	vld [tilespmem:$0x1E0];
	_ =	sdelay $0x7  }
0x1e2: {  	[tilespmem:v2+s23+$0x0] =	vst.idx.add.f32.msk $0xffff, v1  }
0x1e3: {  	v2 =	vld [tilespmem:$0x1F0];
	_ =	sdelay $0x6  }
0x1e4: {  	s30 =	rddreg [dreg:$0x9]  }
0x1e5: {  	s31 =	rddreg [dreg:$0x8];
	s30 =	sadd.s32 s29, s30;
	[tilespmem:v2+s23+$0x0] =	vst.idx.add.f32.msk $0xffff, v1  }
0x1e6: {  	[tilespmem:s8], [sflag:$0x4] =	stream.linear.gather [hbm4b:s30+s4], $0x80, $0x38;
	[tilespmem:$0x1EF80] =	vst v63  }
0x1e7: {  	s31 =	sadd.s32 s29, s31  }
0x1e8: {  	[tilespmem:s9], [sflag:$0x4] =	stream.linear.gather [hbm4b:s31+s4], $0x80, $0x38;
	[tilespmem:$0x1EF80] =	vst v63  }
0x1e9: {  	_ =	swait.ge [sflag:s26], $0x80  }
0x1ea: {  	[sflag:s26] =	ssyncset.done $0x0  }
0x1eb: {  	[sflag:s26] =	ssyncadd.s32 $0xFFFFFF80  }
0x1ec: {  	_ =	swait.ge [sflag:s26], $0x80  }
0x1ed: {  	[sflag:s26] =	ssyncset.done $0x0  }
0x1ee: {  	[sflag:s26] =	ssyncadd.s32 $0xFFFFFF80  }
0x1ef: {  	[tilespmem:s17], [sflag:$0x2] =	stream.indirect.gather [hbm4b:s0+s7], $0x80, s12, s7, $0xb8;
	[tilespmem:$0x1EF80] =	vst v63  }
0x1f0: {  	_ =	swait.ge [sflag:s19], $0x4000  }
0x1f1: {  	[sflag:s19] =	ssyncset.done $0x0  }
0x1f2: {  	[sflag:s19] =	ssyncadd.s32 $0xFFFFC000  }
0x1f3: {  	[spmem:s3] =	stream.indirect.scatter.add.f32 [tilespmem:s15], [sflag:$0x8], $0x80, s11, s7, $0xb8;
	[tilespmem:$0x1EF80] =	vst v63  }
0x1f4: {  	_ =	swait.ge [sflag:s22], $0x4000  }
0x1f5: {  	[sflag:s22] =	ssyncset.done $0x0  }
0x1f6: {  	[sflag:s22] =	ssyncadd.s32 $0xFFFFC000  }
0x1f7: {  	v2 =	vld [tilespmem:$0x280];
	_ =	sdelay $0x7  }
0x1f8: {  	[tilespmem:v2+s23+$0x0] =	vst.idx.add.f32.msk $0xffff, v1  }
0x1f9: {  	v2 =	vld [tilespmem:$0x290];
	_ =	sdelay $0x7  }
0x1fa: {  	[tilespmem:v2+s23+$0x0] =	vst.idx.add.f32.msk $0xffff, v1  }
0x1fb: {  	v2 =	vld [tilespmem:$0x2A0];
	_ =	sdelay $0x7  }
0x1fc: {  	[tilespmem:v2+s23+$0x0] =	vst.idx.add.f32.msk $0xffff, v1  }
0x1fd: {  	v2 =	vld [tilespmem:$0x2B0];
	_ =	sdelay $0x7  }
0x1fe: {  	[tilespmem:v2+s23+$0x0] =	vst.idx.add.f32.msk $0xffff, v1  }
0x1ff: {  	v2 =	vld [tilespmem:$0x2C0];
	_ =	sdelay $0x7  }
0x200: {  	[tilespmem:v2+s23+$0x0] =	vst.idx.add.f32.msk $0xffff, v1  }
0x201: {  	v2 =	vld [tilespmem:$0x2D0];
	_ =	sdelay $0x7  }
0x202: {  	[tilespmem:v2+s23+$0x0] =	vst.idx.add.f32.msk $0xffff, v1  }
0x203: {  	v2 =	vld [tilespmem:$0x2E0];
	_ =	sdelay $0x7  }
0x204: {  	[tilespmem:v2+s23+$0x0] =	vst.idx.add.f32.msk $0xffff, v1  }
0x205: {  	v2 =	vld [tilespmem:$0x2F0];
	_ =	sdelay $0x6  }
0x206: {  	s30 =	rddreg [dreg:$0x7]  }
0x207: {  	s31 =	rddreg [dreg:$0x6];
	s30 =	sadd.s32 s29, s30;
	[tilespmem:v2+s23+$0x0] =	vst.idx.add.f32.msk $0xffff, v1  }
0x208: {  	[tilespmem:s10], [sflag:$0x5] =	stream.linear.gather [hbm4b:s30+s4], $0x80, $0x38;
	[tilespmem:$0x1EF80] =	vst v63  }
0x209: {  	s31 =	sadd.s32 s29, s31  }
0x20a: {  	[tilespmem:s11], [sflag:$0x5] =	stream.linear.gather [hbm4b:s31+s4], $0x80, $0x38;
	[tilespmem:$0x1EF80] =	vst v63  }
0x20b: {  	_ =	swait.ge [sflag:s14], $0x80  }
0x20c: {  	[sflag:s14] =	ssyncset.done $0x0  }
0x20d: {  	[sflag:s14] =	ssyncadd.s32 $0xFFFFFF80  }
0x20e: {  	_ =	swait.ge [sflag:s14], $0x80  }
0x20f: {  	[sflag:s14] =	ssyncset.done $0x0  }
0x210: {  	[sflag:s14] =	ssyncadd.s32 $0xFFFFFF80  }
0x211: {  	[tilespmem:s15], [sflag:$0x1] =	stream.indirect.gather [hbm4b:s0+s7], $0x80, s4, s7, $0xb8;
	[tilespmem:$0x1EF80] =	vst v63  }
0x212: {  	_ =	swait.ge [sflag:s25], $0x4000  }
0x213: {  	[sflag:s25] =	ssyncset.done $0x0  }
0x214: {  	[sflag:s25] =	ssyncadd.s32 $0xFFFFC000  }
0x215: {  	[spmem:s3] =	stream.indirect.scatter.add.f32 [tilespmem:s17], [sflag:$0x8], $0x80, s13, s7, $0xb8;
	[tilespmem:$0x1EF80] =	vst v63  }
0x216: {  	_ =	swait.ge [sflag:s22], $0x4000  }
0x217: {  	[sflag:s22] =	ssyncset.done $0x0  }
0x218: {  	[sflag:s22] =	ssyncadd.s32 $0xFFFFC000  }
0x219: {  	v2 =	vld [tilespmem:$0x380];
	_ =	sdelay $0x7  }
0x21a: {  	[tilespmem:v2+s23+$0x0] =	vst.idx.add.f32.msk $0xffff, v1  }
0x21b: {  	v2 =	vld [tilespmem:$0x390];
	_ =	sdelay $0x7  }
0x21c: {  	[tilespmem:v2+s23+$0x0] =	vst.idx.add.f32.msk $0xffff, v1  }
0x21d: {  	v2 =	vld [tilespmem:$0x3A0];
	_ =	sdelay $0x7  }
0x21e: {  	[tilespmem:v2+s23+$0x0] =	vst.idx.add.f32.msk $0xffff, v1  }
0x21f: {  	v2 =	vld [tilespmem:$0x3B0];
	_ =	sdelay $0x7  }
0x220: {  	[tilespmem:v2+s23+$0x0] =	vst.idx.add.f32.msk $0xffff, v1  }
0x221: {  	v2 =	vld [tilespmem:$0x3C0];
	_ =	sdelay $0x7  }
0x222: {  	[tilespmem:v2+s23+$0x0] =	vst.idx.add.f32.msk $0xffff, v1  }
0x223: {  	v2 =	vld [tilespmem:$0x3D0];
	_ =	sdelay $0x7  }
0x224: {  	[tilespmem:v2+s23+$0x0] =	vst.idx.add.f32.msk $0xffff, v1  }
0x225: {  	v2 =	vld [tilespmem:$0x3E0];
	_ =	sdelay $0x7  }
0x226: {  	[tilespmem:v2+s23+$0x0] =	vst.idx.add.f32.msk $0xffff, v1  }
0x227: {  	v2 =	vld [tilespmem:$0x3F0];
	_ =	sdelay $0x6  }
0x228: {  	s30 =	rddreg [dreg:$0x5]  }
0x229: {  	s31 =	rddreg [dreg:$0x4];
	s30 =	sadd.s32 s29, s30;
	[tilespmem:v2+s23+$0x0] =	vst.idx.add.f32.msk $0xffff, v1  }
0x22a: {  	[tilespmem:s12], [sflag:$0x6] =	stream.linear.gather [hbm4b:s30+s4], $0x80, $0x38;
	[tilespmem:$0x1EF80] =	vst v63  }
0x22b: {  	s31 =	sadd.s32 s29, s31  }
0x22c: {  	[tilespmem:s13], [sflag:$0x6] =	stream.linear.gather [hbm4b:s31+s4], $0x80, $0x38;
	[tilespmem:$0x1EF80] =	vst v63  }
0x22d: {  	_ =	swait.ge [sflag:s16], $0x80  }
0x22e: {  	p0 =	sne.s32 s29, $0x480;
	[sflag:s16] =	ssyncset.done $0x0  }
.Ltmp1:
0x22f: {  	[sflag:s16] =	ssyncadd.s32 $0xFFFFFF80;
	(pc) =	sbr.rel @p0 .LBB2_4-.Ltmp1, $4  }
0x230: {  	_ =	swait.ge [sflag:s16], $0x80  }
0x231: {  	[sflag:s16] =	ssyncset.done $0x0  }
0x232: {  	s29 =	sadd.s32 $0x40, s29;
	[sflag:s16] =	ssyncadd.s32 $0xFFFFFF80  }
0x233: {  	[tilespmem:s17], [sflag:$0x2] =	stream.indirect.gather [hbm4b:s0+s7], $0x80, s8, s7, $0xb8;
	[tilespmem:$0x1EF80] =	vst v63  }
0x234: {  	_ =	swait.ge [sflag:s19], $0x4000  }
0x235: {  	[sflag:s19] =	ssyncset.done $0x0  }
0x236: {  	[sflag:s19] =	ssyncadd.s32 $0xFFFFC000  }
0x237: {  	[spmem:s3] =	stream.indirect.scatter.add.f32 [tilespmem:s15], [sflag:$0x8], $0x80, s7, s7, $0xb8;
	[tilespmem:$0x1EF80] =	vst v63  }
0x238: {  	_ =	swait.ge [sflag:s22], $0x4000  }
0x239: {  	[sflag:s22] =	ssyncset.done $0x0  }
0x23a: {  	[sflag:s22] =	ssyncadd.s32 $0xFFFFC000  }
0x23b: {  	v2 =	vld [tilespmem:$0x80];
	_ =	sdelay $0x7  }
0x23c: {  	[tilespmem:v2+s23+$0x0] =	vst.idx.add.f32.msk $0xffff, v1  }
0x23d: {  	v2 =	vld [tilespmem:$0x90];
	_ =	sdelay $0x7  }
0x23e: {  	[tilespmem:v2+s23+$0x0] =	vst.idx.add.f32.msk $0xffff, v1  }
0x23f: {  	v2 =	vld [tilespmem:$0xA0];
	_ =	sdelay $0x7  }
0x240: {  	[tilespmem:v2+s23+$0x0] =	vst.idx.add.f32.msk $0xffff, v1  }
0x241: {  	v2 =	vld [tilespmem:$0xB0];
	_ =	sdelay $0x7  }
0x242: {  	[tilespmem:v2+s23+$0x0] =	vst.idx.add.f32.msk $0xffff, v1  }
0x243: {  	v2 =	vld [tilespmem:$0xC0];
	_ =	sdelay $0x7  }
0x244: {  	[tilespmem:v2+s23+$0x0] =	vst.idx.add.f32.msk $0xffff, v1  }
0x245: {  	v2 =	vld [tilespmem:$0xD0];
	_ =	sdelay $0x7  }
0x246: {  	[tilespmem:v2+s23+$0x0] =	vst.idx.add.f32.msk $0xffff, v1  }
0x247: {  	v2 =	vld [tilespmem:$0xE0];
	_ =	sdelay $0x7  }
0x248: {  	[tilespmem:v2+s23+$0x0] =	vst.idx.add.f32.msk $0xffff, v1  }
0x249: {  	v2 =	vld [tilespmem:$0xF0];
	_ =	sdelay $0x7  }
0x24a: {  	[tilespmem:v2+s23+$0x0] =	vst.idx.add.f32.msk $0xffff, v1  }
0x24b: {  	_ =	swait.ge [sflag:s24], $0x80  }
0x24c: {  	[sflag:s24] =	ssyncset.done $0x0  }
0x24d: {  	[sflag:s24] =	ssyncadd.s32 $0xFFFFFF80  }
0x24e: {  	_ =	swait.ge [sflag:s24], $0x80  }
0x24f: {  	[sflag:s24] =	ssyncset.done $0x0  }
0x250: {  	[sflag:s24] =	ssyncadd.s32 $0xFFFFFF80  }
0x251: {  	[tilespmem:s15], [sflag:$0x1] =	stream.indirect.gather [hbm4b:s0+s7], $0x80, s10, s7, $0xb8;
	[tilespmem:$0x1EF80] =	vst v63  }
0x252: {  	_ =	swait.ge [sflag:s25], $0x4000  }
0x253: {  	[sflag:s25] =	ssyncset.done $0x0  }
0x254: {  	[sflag:s25] =	ssyncadd.s32 $0xFFFFC000  }
0x255: {  	[spmem:s3] =	stream.indirect.scatter.add.f32 [tilespmem:s17], [sflag:$0x8], $0x80, s9, s7, $0xb8;
	[tilespmem:$0x1EF80] =	vst v63  }
0x256: {  	_ =	swait.ge [sflag:s22], $0x4000  }
0x257: {  	[sflag:s22] =	ssyncset.done $0x0  }
0x258: {  	[sflag:s22] =	ssyncadd.s32 $0xFFFFC000  }
0x259: {  	v2 =	vld [tilespmem:$0x180];
	_ =	sdelay $0x7  }
0x25a: {  	[tilespmem:v2+s23+$0x0] =	vst.idx.add.f32.msk $0xffff, v1  }
0x25b: {  	v2 =	vld [tilespmem:$0x190];
	_ =	sdelay $0x7  }
0x25c: {  	[tilespmem:v2+s23+$0x0] =	vst.idx.add.f32.msk $0xffff, v1  }
0x25d: {  	v2 =	vld [tilespmem:$0x1A0];
	_ =	sdelay $0x7  }
0x25e: {  	[tilespmem:v2+s23+$0x0] =	vst.idx.add.f32.msk $0xffff, v1  }
0x25f: {  	v2 =	vld [tilespmem:$0x1B0];
	_ =	sdelay $0x7  }
0x260: {  	[tilespmem:v2+s23+$0x0] =	vst.idx.add.f32.msk $0xffff, v1  }
0x261: {  	v2 =	vld [tilespmem:$0x1C0];
	_ =	sdelay $0x7  }
0x262: {  	[tilespmem:v2+s23+$0x0] =	vst.idx.add.f32.msk $0xffff, v1  }
0x263: {  	v2 =	vld [tilespmem:$0x1D0];
	_ =	sdelay $0x7  }
0x264: {  	[tilespmem:v2+s23+$0x0] =	vst.idx.add.f32.msk $0xffff, v1  }
0x265: {  	v2 =	vld [tilespmem:$0x1E0];
	_ =	sdelay $0x7  }
0x266: {  	[tilespmem:v2+s23+$0x0] =	vst.idx.add.f32.msk $0xffff, v1  }
0x267: {  	v2 =	vld [tilespmem:$0x1F0];
	_ =	sdelay $0x7  }
0x268: {  	[tilespmem:v2+s23+$0x0] =	vst.idx.add.f32.msk $0xffff, v1  }
0x269: {  	_ =	swait.ge [sflag:s26], $0x80  }
0x26a: {  	[sflag:s26] =	ssyncset.done $0x0  }
0x26b: {  	[sflag:s26] =	ssyncadd.s32 $0xFFFFFF80  }
0x26c: {  	_ =	swait.ge [sflag:s26], $0x80  }
0x26d: {  	[sflag:s26] =	ssyncset.done $0x0  }
0x26e: {  	[sflag:s26] =	ssyncadd.s32 $0xFFFFFF80  }
0x26f: {  	[tilespmem:s17], [sflag:$0x2] =	stream.indirect.gather [hbm4b:s0+s7], $0x80, s12, s7, $0xb8;
	[tilespmem:$0x1EF80] =	vst v63  }
0x270: {  	_ =	swait.ge [sflag:s19], $0x4000  }
0x271: {  	[sflag:s19] =	ssyncset.done $0x0  }
0x272: {  	[sflag:s19] =	ssyncadd.s32 $0xFFFFC000  }
0x273: {  	[spmem:s3] =	stream.indirect.scatter.add.f32 [tilespmem:s15], [sflag:$0x8], $0x80, s11, s7, $0xb8;
	[tilespmem:$0x1EF80] =	vst v63  }
0x274: {  	_ =	swait.ge [sflag:s22], $0x4000  }
0x275: {  	[sflag:s22] =	ssyncset.done $0x0  }
0x276: {  	[sflag:s22] =	ssyncadd.s32 $0xFFFFC000  }
0x277: {  	v2 =	vld [tilespmem:$0x280];
	_ =	sdelay $0x7  }
0x278: {  	[tilespmem:v2+s23+$0x0] =	vst.idx.add.f32.msk $0xffff, v1  }
0x279: {  	v2 =	vld [tilespmem:$0x290];
	_ =	sdelay $0x7  }
0x27a: {  	[tilespmem:v2+s23+$0x0] =	vst.idx.add.f32.msk $0xffff, v1  }
0x27b: {  	v2 =	vld [tilespmem:$0x2A0];
	_ =	sdelay $0x7  }
0x27c: {  	[tilespmem:v2+s23+$0x0] =	vst.idx.add.f32.msk $0xffff, v1  }
0x27d: {  	v2 =	vld [tilespmem:$0x2B0];
	_ =	sdelay $0x7  }
0x27e: {  	[tilespmem:v2+s23+$0x0] =	vst.idx.add.f32.msk $0xffff, v1  }
0x27f: {  	v2 =	vld [tilespmem:$0x2C0];
	_ =	sdelay $0x7  }
0x280: {  	[tilespmem:v2+s23+$0x0] =	vst.idx.add.f32.msk $0xffff, v1  }
0x281: {  	v2 =	vld [tilespmem:$0x2D0];
	_ =	sdelay $0x7  }
0x282: {  	[tilespmem:v2+s23+$0x0] =	vst.idx.add.f32.msk $0xffff, v1  }
0x283: {  	v2 =	vld [tilespmem:$0x2E0];
	_ =	sdelay $0x7  }
0x284: {  	[tilespmem:v2+s23+$0x0] =	vst.idx.add.f32.msk $0xffff, v1  }
0x285: {  	v2 =	vld [tilespmem:$0x2F0];
	_ =	sdelay $0x7  }
0x286: {  	[tilespmem:v2+s23+$0x0] =	vst.idx.add.f32.msk $0xffff, v1  }
0x287: {  	_ =	swait.ge [sflag:s25], $0x4000  }
0x288: {  	[sflag:s25] =	ssyncset.done $0x0  }
0x289: {  	[sflag:s25] =	ssyncadd.s32 $0xFFFFC000  }
0x28a: {  	[spmem:s3] =	stream.indirect.scatter.add.f32 [tilespmem:s17], [sflag:$0x8], $0x80, s13, s7, $0xb8;
	[tilespmem:$0x1EF80] =	vst v63  }
0x28b: {  	_ =	swait.ge [sflag:s22], $0x4000  }
0x28c: {  	[sflag:s22] =	ssyncset.done $0x0  }
0x28d: {  	[sflag:s22] =	ssyncadd.s32 $0xFFFFC000  }
0x28e: {  	v2 =	vld [tilespmem:$0x380];
	_ =	sdelay $0x7  }
0x28f: {  	[tilespmem:v2+s23+$0x0] =	vst.idx.add.f32.msk $0xffff, v1  }
0x290: {  	v2 =	vld [tilespmem:$0x390];
	_ =	sdelay $0x7  }
0x291: {  	[tilespmem:v2+s23+$0x0] =	vst.idx.add.f32.msk $0xffff, v1  }
0x292: {  	v2 =	vld [tilespmem:$0x3A0];
	_ =	sdelay $0x7  }
0x293: {  	[tilespmem:v2+s23+$0x0] =	vst.idx.add.f32.msk $0xffff, v1  }
0x294: {  	v2 =	vld [tilespmem:$0x3B0];
	_ =	sdelay $0x7  }
0x295: {  	[tilespmem:v2+s23+$0x0] =	vst.idx.add.f32.msk $0xffff, v1  }
0x296: {  	v2 =	vld [tilespmem:$0x3C0];
	_ =	sdelay $0x7  }
0x297: {  	[tilespmem:v2+s23+$0x0] =	vst.idx.add.f32.msk $0xffff, v1  }
0x298: {  	v2 =	vld [tilespmem:$0x3D0];
	_ =	sdelay $0x7  }
0x299: {  	[tilespmem:v2+s23+$0x0] =	vst.idx.add.f32.msk $0xffff, v1  }
0x29a: {  	v2 =	vld [tilespmem:$0x3E0];
	_ =	sdelay $0x7  }
0x29b: {  	[tilespmem:v2+s23+$0x0] =	vst.idx.add.f32.msk $0xffff, v1  }
0x29c: {  	v2 =	vld [tilespmem:$0x3F0];
	_ =	sdelay $0x7  }
0x29d: {  	s29 =	stileid.u32;
	[tilespmem:v2+s23+$0x0] =	vst.idx.add.f32.msk $0xffff, v1  }
0x29e: {  	s29 =	sshll.u32 s29, $0x6;
	[bflag:$0x0] =	sbarrier.arrive $0xFFFF  }
0x29f: {  	s30 =	sshrl.u32 s5, $0x3;
	s29 =	sor.u32 $0x1C08, s29;
	s31 =	rddreg [dreg:$0x19]  }
0x2a0: {  	[hbm:s31], [sflag:s29] =	dma.local [spmem:s30], $0x2780  }
0x2a1: {  	_ =	swait.ge [sflag:s22], $0x2780  }
0x2a2: {  	[sflag:s22] =	ssyncset.done $0x0  }
0x2a3: {  	s30 =	rddreg [dreg:$0x1a];
	[sflag:s22] =	ssyncadd.s32 $0xFFFFD880  }
0x2a4: {  	[hbm4b:s30+s7] =	stream.strided.scatter [tilespmem:s23], [sflag:$0x8], $0x2780, s15, s7, $0x38;
	[tilespmem:$0x1EF80] =	vst v63  }
0x2a5: {  	_ =	swait.ge [sflag:s22], $0x2780  }
0x2a6: {  	s28 =	sadd.s32 $0x1, s28;
	s31 =	rddreg [dreg:$0x1b]  }
0x2a7: {  	p0 =	sne.s32 s28, s31  }
.Ltmp2:
0x2a8: {  	_ = 	snop;
	(pc) =	sbr.rel @p0 .LBB2_1-.Ltmp2, $3  }
0x2a9: {  	_ =	sdelay $0x1  }
0x2aa: {  	[sflag:s22] =	ssyncset.done $0x0  }
0x2ab: {  	[sflag:s22] =	ssyncadd.s32 $0xFFFFD880  }
0x2ac: {  	_ =	sfence.sel $0x180000  }
0x2ad: {  	[bflag:$0x0] =	sbarrier.arrive $0xFFFF  }
0x2ae: {  	_ =	strace $0x90000047  }
0x2af: {  	s0 =	stileid.u32;
	[bflag:$0x2] =	sbarrier.arrive $0xFFFF  }
0x2b0: {  	p0 =	sne.s32 s0, $0x0;
	s0 =	rddreg [dreg:$0x3]  }
0x2b1: {  	s0 =	sadd.s32 @!p0 $0x100000, s0  }
0x2b2: {  	[sflag:s0] =	ssyncadd.tile.s32 @!p0 $0x1;
	_ =	shalt  }
.Lfunc_end2:
_tile_overlayer_lowered:
.L_overlay_start_2:
0x2b3: {  	(tag) =	ssettag $0x2  }
0x2b4: {  	s0 =	rddreg [dreg:$0x0];
	s2 =	stileid.u32  }
0x2b5: {  	s1 =	rddreg [dreg:$0x1];
	p0 =	sne.s32 s2, $0x0  }
0x2b6: {  	s3 =	rddreg [dreg:$0x2];
	[bflag:$0x3] =	sbarrier.arrive $0xFFFF;
	s2 =	simm.s32 @!p0 $0x1C08  }
0x2b7: {  	[timem:s3], [sflag:s2] =	dma.local @!p0 [hbm:s0], s1  }
0x2b8: {  	s0 =	simm.s32 @!p0 $0x8  }
0x2b9: {  	_ =	swait.ge @!p0 [sflag:s0], s1  }
0x2ba: {  	s1 =	ssub.s32 @!p0 $0x0, s1;
	[sflag:s0] =	ssyncset.done @!p0 $0x0  }
0x2bb: {  	[sflag:s0] =	ssyncadd.s32 @!p0 s1  }
0x2bc: {  	[bflag:$0x3] =	sbarrier.arrive $0xFFFF  }
0x2bd: {  	_ =	shalt  }

</sc_bundles>
